<compile_context>
chip_gen: v7x
topology: tpu7x:2x2x1
jax: 0.10.2.dev20260603
libtpu: 0.0.44.dev20260713+nightly
codegen_flags: <defaults>
</compile_context>

<pallas_src>
import jax
import jax.numpy as jnp
import numpy as np
from jax import lax
from jax.experimental import pallas as pl
from jax.experimental.pallas import tpu as pltpu
from jax.experimental.pallas import tpu_sc as plsc

D = 64
SCALE = 8.0
NC = 2
NS = 16
NW = NC * NS
SEQ = 50
BATCH = 16384
B_TOTAL = BATCH * SEQ
PER_W = B_TOTAL // NW
CHUNK = 256
NCHUNK = PER_W // CHUNK
LANES = 16
WBLK = BATCH // 128
SLABS = CHUNK // 128

VOCAB = 1000000
VT_FULL = VOCAB // 128
V_TAIL0 = VT_FULL * 128


def _widen_transpose(tall, wb, iota):
    iota128 = iota * 128
    @plsc.parallel_loop(0, 8 * LANES, unroll=4)
    def u_body(u):
        t = u // LANES
        k = u % LANES
        cvk = (iota + k) % 16
        vvv = iota + t * LANES
        wvv = iota128 + cvk + t * 2048
        for c0 in range(0, D, LANES):
            v = plsc.load_gather(tall, [cvk + c0, vvv])
            plsc.store_scatter(wb, [wvv + c0], v * SCALE)


def _widen_body(lut_t_hbm, wide_hbm, tall0, tall1, wb0, wb1, l0, l1, s0, s1):
    wid = lax.axis_index("s") * NC + lax.axis_index("c")
    iota = lax.iota(jnp.int32, LANES)
    tall = (tall0, tall1)
    wb = (wb0, wb1)
    lsem = (l0, l1)
    ssem = (s0, s1)

    nb0 = VT_FULL // NW
    nw_extra = VT_FULL - nb0 * NW

    def vt_of(n):
        return wid + NW * n

    def start_load(n, b):
        pltpu.make_async_copy(
            lut_t_hbm.at[pl.ds(0, D), pl.ds(vt_of(n) * 128, 128)],
            tall[b], lsem[b]).start()

    def wait_load(b):
        pltpu.make_async_copy(
            lut_t_hbm.at[pl.ds(0, D), pl.ds(0, 128)], tall[b],
            lsem[b]).wait()

    def start_store(n, b):
        pltpu.make_async_copy(
            wb[b], wide_hbm.at[pl.ds(vt_of(n) * 16384, 16384)],
            ssem[b]).start()

    def wait_store(b):
        pltpu.make_async_copy(
            wb[b], wide_hbm.at[pl.ds(0, 16384)], ssem[b]).wait()

    start_load(0, 0)

    def pair(j, _):
        for b in range(2):
            n = 2 * j + b
            wait_load(b)
            if b == 0:
                start_load(n + 1, 1)
            else:
                @pl.when((n + 1 < nb0) | (wid < nw_extra))
                def _():
                    start_load(n + 1, 0)

            @pl.when(n >= 2)
            def _():
                wait_store(b)
            _widen_transpose(tall[b], wb[b], iota)
            start_store(n, b)
        return 0
    lax.fori_loop(0, nb0 // 2, pair, 0)

    @pl.when(wid < nw_extra)
    def _():
        wait_load(0)
        wait_store(0)
        _widen_transpose(tall[0], wb[0], iota)
        start_store(nb0, 0)

    wait_store(1)
    wait_store(0)



def _widen(lut_t):
    mesh = plsc.VectorSubcoreMesh(core_axis_name="c", subcore_axis_name="s")
    return pl.kernel(
        _widen_body,
        out_type=jax.ShapeDtypeStruct((VOCAB * 128,), jnp.float32),
        mesh=mesh,
        compiler_params=pltpu.CompilerParams(
            use_tc_tiling_on_sc=True, needs_layout_passes=False),
        scratch_types=[
            pltpu.VMEM((D, 128), jnp.float32),
            pltpu.VMEM((D, 128), jnp.float32),
            pltpu.VMEM((128 * 128,), jnp.float32),
            pltpu.VMEM((128 * 128,), jnp.float32),
            pltpu.SemaphoreType.DMA,
            pltpu.SemaphoreType.DMA,
            pltpu.SemaphoreType.DMA,
            pltpu.SemaphoreType.DMA,
        ],
    )(lut_t)


def _transpose_scale(rows_b, out_t, iota):
    @plsc.parallel_loop(0, (CHUNK // LANES) * LANES, unroll=4)
    def u_body(u):
        t = u // LANES
        k = u % LANES
        s = t // 8
        rv = iota + t * LANES
        d2v = iota + (t % 8) * LANES
        cvk = (iota + k) % 16
        d0k = (cvk // 8) * SLABS
        d1v = cvk % 8
        for c0 in range(0, D, LANES):
            cv = cvk + c0
            v = plsc.load_gather(rows_b, [rv, cv])
            d0 = d0k + ((c0 // 8) * SLABS + s)
            plsc.store_scatter(out_t, [d0, d1v, d2v], v)


def _body(x_hbm, lut_hbm, out_hbm, idx_all, rows0, rows1, ot0, ot1,
          g0, g1, o0, o1):
    wid = lax.axis_index("s") * NC + lax.axis_index("c")
    base = wid * PER_W

    iota = lax.iota(jnp.int32, LANES)

    pltpu.sync_copy(x_hbm.at[pl.ds(base, PER_W)], idx_all)

    rows = (rows0, rows1)
    out_t = (ot0, ot1)
    sems = (g0, g1)
    osem = (o0, o1)

    def start_gather(ci, b):
        pltpu.make_async_copy(
            lut_hbm.at[idx_all.at[pl.ds(ci * CHUNK, CHUNK)]],
            rows[b], sems[b]).start()

    def wait_gather(b):
        pltpu.make_async_copy(
            lut_hbm.at[idx_all.at[pl.ds(0, CHUNK)]],
            rows[b], sems[b]).wait()

    def start_stores(ci, b):
        b0 = base + ci * CHUNK
        j = b0 // BATCH
        w0 = (b0 % BATCH) // 128
        for cb in range(D // 8):
            pltpu.make_async_copy(
                out_t[b].at[pl.ds(cb * SLABS, SLABS)],
                out_hbm.at[j, cb, pl.ds(w0, SLABS)], osem[b]).start()

    def wait_stores(b):
        for cb in range(D // 8):
            pltpu.make_async_copy(
                out_t[b].at[pl.ds(cb * SLABS, SLABS)],
                out_hbm.at[0, cb, pl.ds(0, SLABS)], osem[b]).wait()

    def process(ci, b, guard_stores):
        wait_gather(b)
        if guard_stores:
            @pl.when(ci >= 2)
            def _():
                wait_stores(b)
        _transpose_scale(rows[b], out_t[b], iota)
        start_stores(ci, b)

    start_gather(0, 0)
    start_gather(1, 1)

    def pair_body(jj, _):
        for b in range(2):
            ci = 2 * jj + b
            process(ci, b, True)
            start_gather(ci + 2, b)
        return 0
    lax.fori_loop(0, NCHUNK // 2 - 1, pair_body, 0)

    for b, ci in ((0, NCHUNK - 2), (1, NCHUNK - 1)):
        process(ci, b, True)
    wait_stores(0)
    wait_stores(1)


def _embed(x2_flat, lut2):
    mesh = plsc.VectorSubcoreMesh(core_axis_name="c", subcore_axis_name="s")
    return pl.kernel(
        _body,
        out_type=jax.ShapeDtypeStruct((SEQ, D // 8, WBLK, 8, 128),
                                      jnp.float32),
        mesh=mesh,
        compiler_params=pltpu.CompilerParams(
            use_tc_tiling_on_sc=False, needs_layout_passes=False),
        scratch_types=[
            pltpu.VMEM((PER_W,), jnp.int32),
            pltpu.VMEM((CHUNK, D), jnp.float32),
            pltpu.VMEM((CHUNK, D), jnp.float32),
            pltpu.VMEM(((D // 8) * SLABS, 8, 128), jnp.float32),
            pltpu.VMEM(((D // 8) * SLABS, 8, 128), jnp.float32),
            pltpu.SemaphoreType.DMA,
            pltpu.SemaphoreType.DMA,
            pltpu.SemaphoreType.DMA,
            pltpu.SemaphoreType.DMA,
        ],
    )(x2_flat, lut2)


def kernel(x, lut):
    wide = _widen(lut.T)
    tail = jnp.pad(lut[V_TAIL0:] * SCALE, ((0, 0), (0, 128 - D)))
    wide = lax.dynamic_update_slice(wide, tail.reshape(-1), (V_TAIL0 * 128,))
    lut2 = wide.reshape(2 * VOCAB, D)
    x2 = (x.T.reshape(-1) * 2).astype(jnp.int32)
    out5 = _embed(x2, lut2)
    return out5.transpose(2, 4, 0, 1, 3).reshape(BATCH, SEQ, D)

# --- scband reference (transcript-rebuilt; emitter-appended) ---
"""Pipeline reference for scband-embeddings-1005022347311 (READ-ONLY COPY).

The authoritative reference and input builder live on the scoring server;
editing this copy changes nothing except your own understanding.
"""

import math
import jax, jax.numpy as jnp
import numpy as np

VOCAB = 1000000
D_MODEL = 64


def setup_inputs(seed: int = 0) -> dict:
    key = jax.random.key(seed)
    k_idx, k_tab = jax.random.split(key)
    x = jax.random.randint(k_idx, (16384, 50), 0, VOCAB, dtype=jnp.int64 if jax.config.jax_enable_x64 else jnp.int32)
    lut = jax.random.normal(k_tab, (VOCAB, D_MODEL), dtype=jnp.float32)
    return {"x": x, "lut": lut}


def reference(x, lut):
    # Embedding lookup followed by sqrt(d_model) scaling, faithful to
    # Embeddings.forward: self.lut(x) * math.sqrt(self.d_model)
    emb = jnp.take(lut, x, axis=0)
    return emb * math.sqrt(D_MODEL)

if __name__ == "__main__":
    import jax
    _d = setup_inputs()
    print(jax.jit(kernel)(*tuple(_d.values())))

</pallas_src>

<mosaic_0001>
#map = affine_map<(d0, d1) -> (0)>
#map1 = affine_map<(d0, d1) -> (0, 0)>
#map2 = affine_map<(d0, d1) -> (0, 0, 0, 0, 0)>
module attributes {stable_mosaic.version = 14 : i64} {
  func.func @_body(%arg0: i32, %arg1: i32, %arg2: memref<819200xi32, #tpu.memory_space<hbm>>, %arg3: memref<2000000x64xf32, #tpu.memory_space<hbm>>, %arg4: memref<50x8x128x8x128xf32, #tpu.memory_space<hbm>>, %arg5: memref<25600xi32, #tpu.memory_space<vmem>>, %arg6: memref<256x64xf32, #tpu.memory_space<vmem>>, %arg7: memref<256x64xf32, #tpu.memory_space<vmem>>, %arg8: memref<16x8x128xf32, #tpu.memory_space<vmem>>, %arg9: memref<16x8x128xf32, #tpu.memory_space<vmem>>, %arg10: memref<!tpu.dma_semaphore, #tpu.memory_space<semaphore_mem>>, %arg11: memref<!tpu.dma_semaphore, #tpu.memory_space<semaphore_mem>>, %arg12: memref<!tpu.dma_semaphore, #tpu.memory_space<semaphore_mem>>, %arg13: memref<!tpu.dma_semaphore, #tpu.memory_space<semaphore_mem>>) attributes {dimension_semantics = [#tpu.dimension_semantics<core_parallel>, #tpu.dimension_semantics<subcore_parallel>], iteration_bounds = array<i64: 2, 16>, scalar_prefetch = 0 : i64, scratch_operands = 9 : i64, tpu.core_type = #tpu.core_type<sc_vector_subcore>, window_params = [{transform_indices = #map}, {transform_indices = #map1}, {transform_indices = #map2}]} {
    %mul3A = arith.constant 2 : i32
    %mul3A_0 = arith.muli %arg1, %mul3A : i32
    %add3A = arith.addi %mul3A_0, %arg0 : i32
    %mul3A_1 = arith.constant 25600 : i32
    %mul3A_2 = arith.muli %add3A, %mul3A_1 : i32
    %iota3A = tpu.iota {dimensions = array<i32: 0>} : vector<16xi32>
    "tpu.region"() ({
      %run_scoped3A = tpu.sem_alloc : memref<!tpu.dma_semaphore, #tpu.memory_space<semaphore_mem>>
      %dma_start3A_1066 = tpu.memref_slice %arg2[%mul3A_2] : memref<819200xi32, #tpu.memory_space<hbm>> -> memref<25600xi32, #tpu.memory_space<hbm>>
      %dma_start3A_1067 = tpu.memref_slice %arg2[%mul3A_2] : memref<819200xi32, #tpu.memory_space<hbm>> -> memref<25600xi32, #tpu.memory_space<hbm>>
      tpu.enqueue_dma source(%dma_start3A_1067 : memref<25600xi32, #tpu.memory_space<hbm>>) target(%arg5 : memref<25600xi32, #tpu.memory_space<vmem>>) target_semaphore(%run_scoped3A : memref<!tpu.dma_semaphore, #tpu.memory_space<semaphore_mem>>)
      %dma_wait3A_1068 = tpu.memref_slice %arg2[%mul3A_2] : memref<819200xi32, #tpu.memory_space<hbm>> -> memref<25600xi32, #tpu.memory_space<hbm>>
      %dma_wait3A_1069 = tpu.memref_slice %arg2[%mul3A_2] : memref<819200xi32, #tpu.memory_space<hbm>> -> memref<25600xi32, #tpu.memory_space<hbm>>
      tpu.wait_dma2 semaphore(%run_scoped3A : memref<!tpu.dma_semaphore, #tpu.memory_space<semaphore_mem>>) src(%dma_wait3A_1069 : memref<25600xi32, #tpu.memory_space<hbm>>) dst(%arg5 : memref<25600xi32, #tpu.memory_space<vmem>>)
      tpu.yield
    }) : () -> ()
    %dma_start3A = arith.constant 0 : i32
    %dma_start3A_3 = tpu.memref_slice %arg5[%dma_start3A] : memref<25600xi32, #tpu.memory_space<vmem>> -> memref<256xi32, #tpu.memory_space<vmem>>
    %dma_start3A_4 = arith.constant 0 : i32
    %dma_start3A_5 = arith.constant 0 : i32
    %dma_start3A_6 = tpu.memref_slice %arg3[%dma_start3A_4, %dma_start3A_5] : memref<2000000x64xf32, #tpu.memory_space<hbm>> -> memref<2000000x64xf32, #tpu.memory_space<hbm>>
    tpu.enqueue_indirect_dma source(%dma_start3A_6 : memref<2000000x64xf32, #tpu.memory_space<hbm>>) target(%arg6 : memref<256x64xf32, #tpu.memory_space<vmem>>) offsets(%dma_start3A_3 : memref<256xi32, #tpu.memory_space<vmem>>) semaphore(%arg10 : memref<!tpu.dma_semaphore, #tpu.memory_space<semaphore_mem>>)
    %dma_start3A_7 = arith.constant 256 : i32
    %dma_start3A_8 = tpu.memref_slice %arg5[%dma_start3A_7] : memref<25600xi32, #tpu.memory_space<vmem>> -> memref<256xi32, #tpu.memory_space<vmem>>
    %dma_start3A_9 = arith.constant 0 : i32
    %dma_start3A_10 = arith.constant 0 : i32
    %dma_start3A_11 = tpu.memref_slice %arg3[%dma_start3A_9, %dma_start3A_10] : memref<2000000x64xf32, #tpu.memory_space<hbm>> -> memref<2000000x64xf32, #tpu.memory_space<hbm>>
    tpu.enqueue_indirect_dma source(%dma_start3A_11 : memref<2000000x64xf32, #tpu.memory_space<hbm>>) target(%arg7 : memref<256x64xf32, #tpu.memory_space<vmem>>) offsets(%dma_start3A_8 : memref<256xi32, #tpu.memory_space<vmem>>) semaphore(%arg11 : memref<!tpu.dma_semaphore, #tpu.memory_space<semaphore_mem>>)
    %scan3A = arith.constant 0 : i32
    %scan3A_12 = arith.constant 0 : i32
    %scan3A_13 = arith.constant 49 : i32
    %scan3A_14 = arith.addi %scan3A_12, %scan3A_13 : i32
    %scan3A_15 = arith.constant 1 : i32
    %scan3A_16 = scf.for %scan3A_1066 = %scan3A_12 to %scan3A_14 step %scan3A_15 iter_args(%scan3A_1067 = %scan3A) -> (i32)  : i32 {
      %mul3A_1068 = arith.constant 2 : i32
      %mul3A_1069 = arith.muli %mul3A_1068, %scan3A_1066 : i32
      %add3A_1070 = arith.constant 0 : i32
      %add3A_1071 = arith.addi %mul3A_1069, %add3A_1070 : i32
      %dma_wait3A_1072 = arith.constant 0 : i32
      %dma_wait3A_1073 = tpu.memref_slice %arg5[%dma_wait3A_1072] : memref<25600xi32, #tpu.memory_space<vmem>> -> memref<256xi32, #tpu.memory_space<vmem>>
      %dma_wait3A_1074 = arith.constant 0 : i32
      %dma_wait3A_1075 = arith.constant 0 : i32
      %dma_wait3A_1076 = tpu.memref_slice %arg3[%dma_wait3A_1074, %dma_wait3A_1075] : memref<2000000x64xf32, #tpu.memory_space<hbm>> -> memref<2000000x64xf32, #tpu.memory_space<hbm>>
      tpu.wait_indirect_dma semaphore(%arg10 : memref<!tpu.dma_semaphore, #tpu.memory_space<semaphore_mem>>) src(%dma_wait3A_1076 : memref<2000000x64xf32, #tpu.memory_space<hbm>>) dst(%arg6 : memref<256x64xf32, #tpu.memory_space<vmem>>)
      %ge3A = arith.constant 2 : i32
      %ge3A_1077 = arith.cmpi sge, %add3A_1071, %ge3A : i32
      %convert_element_type3A = arith.extui %ge3A_1077 : i1 to i32
      %cond3A = arith.constant 0 : i32
      %cond3A_1078 = arith.cmpi ne, %convert_element_type3A, %cond3A : i32
      scf.if %cond3A_1078 {
        %dma_wait3A_1522 = arith.constant 0 : i32
        %dma_wait3A_1523 = arith.constant 0 : i32
        %dma_wait3A_1524 = arith.constant 0 : i32
        %dma_wait3A_1525 = arith.constant 0 : i32
        %dma_wait3A_1526 = arith.constant 0 : i32
        %dma_wait3A_1527 = tpu.memref_slice %arg8[%dma_wait3A_1524, %dma_wait3A_1525, %dma_wait3A_1526] : memref<16x8x128xf32, #tpu.memory_space<vmem>> -> memref<2x8x128xf32, #tpu.memory_space<vmem>>
        %dma_wait3A_1528 = arith.constant 0 : i32
        %dma_wait3A_1529 = arith.constant 0 : i32
        %dma_wait3A_1530 = arith.constant 0 : i32
        %dma_wait3A_1531 = tpu.memref_slice %arg4[%dma_wait3A_1522, %dma_wait3A_1523, %dma_wait3A_1528, %dma_wait3A_1529, %dma_wait3A_1530] : memref<50x8x128x8x128xf32, #tpu.memory_space<hbm>> -> memref<1x1x2x8x128xf32, #tpu.memory_space<hbm>>
        %dma_wait3A_1532 = tpu.memref_squeeze %dma_wait3A_1531 : memref<1x1x2x8x128xf32, #tpu.memory_space<hbm>> -> memref<2x8x128xf32, #tpu.memory_space<hbm>>
        %dma_wait3A_1533 = arith.constant 0 : i32
        %dma_wait3A_1534 = arith.constant 0 : i32
        %dma_wait3A_1535 = arith.constant 0 : i32
        %dma_wait3A_1536 = tpu.memref_slice %arg4[%dma_wait3A_1522, %dma_wait3A_1523, %dma_wait3A_1533, %dma_wait3A_1534, %dma_wait3A_1535] : memref<50x8x128x8x128xf32, #tpu.memory_space<hbm>> -> memref<1x1x2x8x128xf32, #tpu.memory_space<hbm>>
        %dma_wait3A_1537 = tpu.memref_squeeze %dma_wait3A_1536 : memref<1x1x2x8x128xf32, #tpu.memory_space<hbm>> -> memref<2x8x128xf32, #tpu.memory_space<hbm>>
        %dma_wait3A_1538 = arith.constant 0 : i32
        %dma_wait3A_1539 = arith.constant 0 : i32
        %dma_wait3A_1540 = arith.constant 0 : i32
        %dma_wait3A_1541 = tpu.memref_slice %arg8[%dma_wait3A_1538, %dma_wait3A_1539, %dma_wait3A_1540] : memref<16x8x128xf32, #tpu.memory_space<vmem>> -> memref<2x8x128xf32, #tpu.memory_space<vmem>>
        tpu.wait_dma2 semaphore(%arg12 : memref<!tpu.dma_semaphore, #tpu.memory_space<semaphore_mem>>) src(%dma_wait3A_1541 : memref<2x8x128xf32, #tpu.memory_space<vmem>>) dst(%dma_wait3A_1537 : memref<2x8x128xf32, #tpu.memory_space<hbm>>)
        %dma_wait3A_1542 = arith.constant 0 : i32
        %dma_wait3A_1543 = arith.constant 1 : i32
        %dma_wait3A_1544 = arith.constant 2 : i32
        %dma_wait3A_1545 = arith.constant 0 : i32
        %dma_wait3A_1546 = arith.constant 0 : i32
        %dma_wait3A_1547 = tpu.memref_slice %arg8[%dma_wait3A_1544, %dma_wait3A_1545, %dma_wait3A_1546] : memref<16x8x128xf32, #tpu.memory_space<vmem>> -> memref<2x8x128xf32, #tpu.memory_space<vmem>>
        %dma_wait3A_1548 = arith.constant 0 : i32
        %dma_wait3A_1549 = arith.constant 0 : i32
        %dma_wait3A_1550 = arith.constant 0 : i32
        %dma_wait3A_1551 = tpu.memref_slice %arg4[%dma_wait3A_1542, %dma_wait3A_1543, %dma_wait3A_1548, %dma_wait3A_1549, %dma_wait3A_1550] : memref<50x8x128x8x128xf32, #tpu.memory_space<hbm>> -> memref<1x1x2x8x128xf32, #tpu.memory_space<hbm>>
        %dma_wait3A_1552 = tpu.memref_squeeze %dma_wait3A_1551 : memref<1x1x2x8x128xf32, #tpu.memory_space<hbm>> -> memref<2x8x128xf32, #tpu.memory_space<hbm>>
        %dma_wait3A_1553 = arith.constant 0 : i32
        %dma_wait3A_1554 = arith.constant 0 : i32
        %dma_wait3A_1555 = arith.constant 0 : i32
        %dma_wait3A_1556 = tpu.memref_slice %arg4[%dma_wait3A_1542, %dma_wait3A_1543, %dma_wait3A_1553, %dma_wait3A_1554, %dma_wait3A_1555] : memref<50x8x128x8x128xf32, #tpu.memory_space<hbm>> -> memref<1x1x2x8x128xf32, #tpu.memory_space<hbm>>
        %dma_wait3A_1557 = tpu.memref_squeeze %dma_wait3A_1556 : memref<1x1x2x8x128xf32, #tpu.memory_space<hbm>> -> memref<2x8x128xf32, #tpu.memory_space<hbm>>
        %dma_wait3A_1558 = arith.constant 2 : i32
        %dma_wait3A_1559 = arith.constant 0 : i32
        %dma_wait3A_1560 = arith.constant 0 : i32
        %dma_wait3A_1561 = tpu.memref_slice %arg8[%dma_wait3A_1558, %dma_wait3A_1559, %dma_wait3A_1560] : memref<16x8x128xf32, #tpu.memory_space<vmem>> -> memref<2x8x128xf32, #tpu.memory_space<vmem>>
        tpu.wait_dma2 semaphore(%arg12 : memref<!tpu.dma_semaphore, #tpu.memory_space<semaphore_mem>>) src(%dma_wait3A_1561 : memref<2x8x128xf32, #tpu.memory_space<vmem>>) dst(%dma_wait3A_1557 : memref<2x8x128xf32, #tpu.memory_space<hbm>>)
        %dma_wait3A_1562 = arith.constant 0 : i32
        %dma_wait3A_1563 = arith.constant 2 : i32
        %dma_wait3A_1564 = arith.constant 4 : i32
        %dma_wait3A_1565 = arith.constant 0 : i32
        %dma_wait3A_1566 = arith.constant 0 : i32
        %dma_wait3A_1567 = tpu.memref_slice %arg8[%dma_wait3A_1564, %dma_wait3A_1565, %dma_wait3A_1566] : memref<16x8x128xf32, #tpu.memory_space<vmem>> -> memref<2x8x128xf32, #tpu.memory_space<vmem>>
        %dma_wait3A_1568 = arith.constant 0 : i32
        %dma_wait3A_1569 = arith.constant 0 : i32
        %dma_wait3A_1570 = arith.constant 0 : i32
        %dma_wait3A_1571 = tpu.memref_slice %arg4[%dma_wait3A_1562, %dma_wait3A_1563, %dma_wait3A_1568, %dma_wait3A_1569, %dma_wait3A_1570] : memref<50x8x128x8x128xf32, #tpu.memory_space<hbm>> -> memref<1x1x2x8x128xf32, #tpu.memory_space<hbm>>
        %dma_wait3A_1572 = tpu.memref_squeeze %dma_wait3A_1571 : memref<1x1x2x8x128xf32, #tpu.memory_space<hbm>> -> memref<2x8x128xf32, #tpu.memory_space<hbm>>
        %dma_wait3A_1573 = arith.constant 0 : i32
        %dma_wait3A_1574 = arith.constant 0 : i32
        %dma_wait3A_1575 = arith.constant 0 : i32
        %dma_wait3A_1576 = tpu.memref_slice %arg4[%dma_wait3A_1562, %dma_wait3A_1563, %dma_wait3A_1573, %dma_wait3A_1574, %dma_wait3A_1575] : memref<50x8x128x8x128xf32, #tpu.memory_space<hbm>> -> memref<1x1x2x8x128xf32, #tpu.memory_space<hbm>>
        %dma_wait3A_1577 = tpu.memref_squeeze %dma_wait3A_1576 : memref<1x1x2x8x128xf32, #tpu.memory_space<hbm>> -> memref<2x8x128xf32, #tpu.memory_space<hbm>>
        %dma_wait3A_1578 = arith.constant 4 : i32
        %dma_wait3A_1579 = arith.constant 0 : i32
        %dma_wait3A_1580 = arith.constant 0 : i32
        %dma_wait3A_1581 = tpu.memref_slice %arg8[%dma_wait3A_1578, %dma_wait3A_1579, %dma_wait3A_1580] : memref<16x8x128xf32, #tpu.memory_space<vmem>> -> memref<2x8x128xf32, #tpu.memory_space<vmem>>
        tpu.wait_dma2 semaphore(%arg12 : memref<!tpu.dma_semaphore, #tpu.memory_space<semaphore_mem>>) src(%dma_wait3A_1581 : memref<2x8x128xf32, #tpu.memory_space<vmem>>) dst(%dma_wait3A_1577 : memref<2x8x128xf32, #tpu.memory_space<hbm>>)
        %dma_wait3A_1582 = arith.constant 0 : i32
        %dma_wait3A_1583 = arith.constant 3 : i32
        %dma_wait3A_1584 = arith.constant 6 : i32
        %dma_wait3A_1585 = arith.constant 0 : i32
        %dma_wait3A_1586 = arith.constant 0 : i32
        %dma_wait3A_1587 = tpu.memref_slice %arg8[%dma_wait3A_1584, %dma_wait3A_1585, %dma_wait3A_1586] : memref<16x8x128xf32, #tpu.memory_space<vmem>> -> memref<2x8x128xf32, #tpu.memory_space<vmem>>
        %dma_wait3A_1588 = arith.constant 0 : i32
        %dma_wait3A_1589 = arith.constant 0 : i32
        %dma_wait3A_1590 = arith.constant 0 : i32
        %dma_wait3A_1591 = tpu.memref_slice %arg4[%dma_wait3A_1582, %dma_wait3A_1583, %dma_wait3A_1588, %dma_wait3A_1589, %dma_wait3A_1590] : memref<50x8x128x8x128xf32, #tpu.memory_space<hbm>> -> memref<1x1x2x8x128xf32, #tpu.memory_space<hbm>>
        %dma_wait3A_1592 = tpu.memref_squeeze %dma_wait3A_1591 : memref<1x1x2x8x128xf32, #tpu.memory_space<hbm>> -> memref<2x8x128xf32, #tpu.memory_space<hbm>>
        %dma_wait3A_1593 = arith.constant 0 : i32
        %dma_wait3A_1594 = arith.constant 0 : i32
        %dma_wait3A_1595 = arith.constant 0 : i32
        %dma_wait3A_1596 = tpu.memref_slice %arg4[%dma_wait3A_1582, %dma_wait3A_1583, %dma_wait3A_1593, %dma_wait3A_1594, %dma_wait3A_1595] : memref<50x8x128x8x128xf32, #tpu.memory_space<hbm>> -> memref<1x1x2x8x128xf32, #tpu.memory_space<hbm>>
        %dma_wait3A_1597 = tpu.memref_squeeze %dma_wait3A_1596 : memref<1x1x2x8x128xf32, #tpu.memory_space<hbm>> -> memref<2x8x128xf32, #tpu.memory_space<hbm>>
        %dma_wait3A_1598 = arith.constant 6 : i32
        %dma_wait3A_1599 = arith.constant 0 : i32
        %dma_wait3A_1600 = arith.constant 0 : i32
        %dma_wait3A_1601 = tpu.memref_slice %arg8[%dma_wait3A_1598, %dma_wait3A_1599, %dma_wait3A_1600] : memref<16x8x128xf32, #tpu.memory_space<vmem>> -> memref<2x8x128xf32, #tpu.memory_space<vmem>>
        tpu.wait_dma2 semaphore(%arg12 : memref<!tpu.dma_semaphore, #tpu.memory_space<semaphore_mem>>) src(%dma_wait3A_1601 : memref<2x8x128xf32, #tpu.memory_space<vmem>>) dst(%dma_wait3A_1597 : memref<2x8x128xf32, #tpu.memory_space<hbm>>)
        %dma_wait3A_1602 = arith.constant 0 : i32
        %dma_wait3A_1603 = arith.constant 4 : i32
        %dma_wait3A_1604 = arith.constant 8 : i32
        %dma_wait3A_1605 = arith.constant 0 : i32
        %dma_wait3A_1606 = arith.constant 0 : i32
        %dma_wait3A_1607 = tpu.memref_slice %arg8[%dma_wait3A_1604, %dma_wait3A_1605, %dma_wait3A_1606] : memref<16x8x128xf32, #tpu.memory_space<vmem>> -> memref<2x8x128xf32, #tpu.memory_space<vmem>>
        %dma_wait3A_1608 = arith.constant 0 : i32
        %dma_wait3A_1609 = arith.constant 0 : i32
        %dma_wait3A_1610 = arith.constant 0 : i32
        %dma_wait3A_1611 = tpu.memref_slice %arg4[%dma_wait3A_1602, %dma_wait3A_1603, %dma_wait3A_1608, %dma_wait3A_1609, %dma_wait3A_1610] : memref<50x8x128x8x128xf32, #tpu.memory_space<hbm>> -> memref<1x1x2x8x128xf32, #tpu.memory_space<hbm>>
        %dma_wait3A_1612 = tpu.memref_squeeze %dma_wait3A_1611 : memref<1x1x2x8x128xf32, #tpu.memory_space<hbm>> -> memref<2x8x128xf32, #tpu.memory_space<hbm>>
        %dma_wait3A_1613 = arith.constant 0 : i32
        %dma_wait3A_1614 = arith.constant 0 : i32
        %dma_wait3A_1615 = arith.constant 0 : i32
        %dma_wait3A_1616 = tpu.memref_slice %arg4[%dma_wait3A_1602, %dma_wait3A_1603, %dma_wait3A_1613, %dma_wait3A_1614, %dma_wait3A_1615] : memref<50x8x128x8x128xf32, #tpu.memory_space<hbm>> -> memref<1x1x2x8x128xf32, #tpu.memory_space<hbm>>
        %dma_wait3A_1617 = tpu.memref_squeeze %dma_wait3A_1616 : memref<1x1x2x8x128xf32, #tpu.memory_space<hbm>> -> memref<2x8x128xf32, #tpu.memory_space<hbm>>
        %dma_wait3A_1618 = arith.constant 8 : i32
        %dma_wait3A_1619 = arith.constant 0 : i32
        %dma_wait3A_1620 = arith.constant 0 : i32
        %dma_wait3A_1621 = tpu.memref_slice %arg8[%dma_wait3A_1618, %dma_wait3A_1619, %dma_wait3A_1620] : memref<16x8x128xf32, #tpu.memory_space<vmem>> -> memref<2x8x128xf32, #tpu.memory_space<vmem>>
        tpu.wait_dma2 semaphore(%arg12 : memref<!tpu.dma_semaphore, #tpu.memory_space<semaphore_mem>>) src(%dma_wait3A_1621 : memref<2x8x128xf32, #tpu.memory_space<vmem>>) dst(%dma_wait3A_1617 : memref<2x8x128xf32, #tpu.memory_space<hbm>>)
        %dma_wait3A_1622 = arith.constant 0 : i32
        %dma_wait3A_1623 = arith.constant 5 : i32
        %dma_wait3A_1624 = arith.constant 10 : i32
        %dma_wait3A_1625 = arith.constant 0 : i32
        %dma_wait3A_1626 = arith.constant 0 : i32
        %dma_wait3A_1627 = tpu.memref_slice %arg8[%dma_wait3A_1624, %dma_wait3A_1625, %dma_wait3A_1626] : memref<16x8x128xf32, #tpu.memory_space<vmem>> -> memref<2x8x128xf32, #tpu.memory_space<vmem>>
        %dma_wait3A_1628 = arith.constant 0 : i32
        %dma_wait3A_1629 = arith.constant 0 : i32
        %dma_wait3A_1630 = arith.constant 0 : i32
        %dma_wait3A_1631 = tpu.memref_slice %arg4[%dma_wait3A_1622, %dma_wait3A_1623, %dma_wait3A_1628, %dma_wait3A_1629, %dma_wait3A_1630] : memref<50x8x128x8x128xf32, #tpu.memory_space<hbm>> -> memref<1x1x2x8x128xf32, #tpu.memory_space<hbm>>
        %dma_wait3A_1632 = tpu.memref_squeeze %dma_wait3A_1631 : memref<1x1x2x8x128xf32, #tpu.memory_space<hbm>> -> memref<2x8x128xf32, #tpu.memory_space<hbm>>
        %dma_wait3A_1633 = arith.constant 0 : i32
        %dma_wait3A_1634 = arith.constant 0 : i32
        %dma_wait3A_1635 = arith.constant 0 : i32
        %dma_wait3A_1636 = tpu.memref_slice %arg4[%dma_wait3A_1622, %dma_wait3A_1623, %dma_wait3A_1633, %dma_wait3A_1634, %dma_wait3A_1635] : memref<50x8x128x8x128xf32, #tpu.memory_space<hbm>> -> memref<1x1x2x8x128xf32, #tpu.memory_space<hbm>>
        %dma_wait3A_1637 = tpu.memref_squeeze %dma_wait3A_1636 : memref<1x1x2x8x128xf32, #tpu.memory_space<hbm>> -> memref<2x8x128xf32, #tpu.memory_space<hbm>>
        %dma_wait3A_1638 = arith.constant 10 : i32
        %dma_wait3A_1639 = arith.constant 0 : i32
        %dma_wait3A_1640 = arith.constant 0 : i32
        %dma_wait3A_1641 = tpu.memref_slice %arg8[%dma_wait3A_1638, %dma_wait3A_1639, %dma_wait3A_1640] : memref<16x8x128xf32, #tpu.memory_space<vmem>> -> memref<2x8x128xf32, #tpu.memory_space<vmem>>
        tpu.wait_dma2 semaphore(%arg12 : memref<!tpu.dma_semaphore, #tpu.memory_space<semaphore_mem>>) src(%dma_wait3A_1641 : memref<2x8x128xf32, #tpu.memory_space<vmem>>) dst(%dma_wait3A_1637 : memref<2x8x128xf32, #tpu.memory_space<hbm>>)
        %dma_wait3A_1642 = arith.constant 0 : i32
        %dma_wait3A_1643 = arith.constant 6 : i32
        %dma_wait3A_1644 = arith.constant 12 : i32
        %dma_wait3A_1645 = arith.constant 0 : i32
        %dma_wait3A_1646 = arith.constant 0 : i32
        %dma_wait3A_1647 = tpu.memref_slice %arg8[%dma_wait3A_1644, %dma_wait3A_1645, %dma_wait3A_1646] : memref<16x8x128xf32, #tpu.memory_space<vmem>> -> memref<2x8x128xf32, #tpu.memory_space<vmem>>
        %dma_wait3A_1648 = arith.constant 0 : i32
        %dma_wait3A_1649 = arith.constant 0 : i32
        %dma_wait3A_1650 = arith.constant 0 : i32
        %dma_wait3A_1651 = tpu.memref_slice %arg4[%dma_wait3A_1642, %dma_wait3A_1643, %dma_wait3A_1648, %dma_wait3A_1649, %dma_wait3A_1650] : memref<50x8x128x8x128xf32, #tpu.memory_space<hbm>> -> memref<1x1x2x8x128xf32, #tpu.memory_space<hbm>>
        %dma_wait3A_1652 = tpu.memref_squeeze %dma_wait3A_1651 : memref<1x1x2x8x128xf32, #tpu.memory_space<hbm>> -> memref<2x8x128xf32, #tpu.memory_space<hbm>>
        %dma_wait3A_1653 = arith.constant 0 : i32
        %dma_wait3A_1654 = arith.constant 0 : i32
        %dma_wait3A_1655 = arith.constant 0 : i32
        %dma_wait3A_1656 = tpu.memref_slice %arg4[%dma_wait3A_1642, %dma_wait3A_1643, %dma_wait3A_1653, %dma_wait3A_1654, %dma_wait3A_1655] : memref<50x8x128x8x128xf32, #tpu.memory_space<hbm>> -> memref<1x1x2x8x128xf32, #tpu.memory_space<hbm>>
        %dma_wait3A_1657 = tpu.memref_squeeze %dma_wait3A_1656 : memref<1x1x2x8x128xf32, #tpu.memory_space<hbm>> -> memref<2x8x128xf32, #tpu.memory_space<hbm>>
        %dma_wait3A_1658 = arith.constant 12 : i32
        %dma_wait3A_1659 = arith.constant 0 : i32
        %dma_wait3A_1660 = arith.constant 0 : i32
        %dma_wait3A_1661 = tpu.memref_slice %arg8[%dma_wait3A_1658, %dma_wait3A_1659, %dma_wait3A_1660] : memref<16x8x128xf32, #tpu.memory_space<vmem>> -> memref<2x8x128xf32, #tpu.memory_space<vmem>>
        tpu.wait_dma2 semaphore(%arg12 : memref<!tpu.dma_semaphore, #tpu.memory_space<semaphore_mem>>) src(%dma_wait3A_1661 : memref<2x8x128xf32, #tpu.memory_space<vmem>>) dst(%dma_wait3A_1657 : memref<2x8x128xf32, #tpu.memory_space<hbm>>)
        %dma_wait3A_1662 = arith.constant 0 : i32
        %dma_wait3A_1663 = arith.constant 7 : i32
        %dma_wait3A_1664 = arith.constant 14 : i32
        %dma_wait3A_1665 = arith.constant 0 : i32
        %dma_wait3A_1666 = arith.constant 0 : i32
        %dma_wait3A_1667 = tpu.memref_slice %arg8[%dma_wait3A_1664, %dma_wait3A_1665, %dma_wait3A_1666] : memref<16x8x128xf32, #tpu.memory_space<vmem>> -> memref<2x8x128xf32, #tpu.memory_space<vmem>>
        %dma_wait3A_1668 = arith.constant 0 : i32
        %dma_wait3A_1669 = arith.constant 0 : i32
        %dma_wait3A_1670 = arith.constant 0 : i32
        %dma_wait3A_1671 = tpu.memref_slice %arg4[%dma_wait3A_1662, %dma_wait3A_1663, %dma_wait3A_1668, %dma_wait3A_1669, %dma_wait3A_1670] : memref<50x8x128x8x128xf32, #tpu.memory_space<hbm>> -> memref<1x1x2x8x128xf32, #tpu.memory_space<hbm>>
        %dma_wait3A_1672 = tpu.memref_squeeze %dma_wait3A_1671 : memref<1x1x2x8x128xf32, #tpu.memory_space<hbm>> -> memref<2x8x128xf32, #tpu.memory_space<hbm>>
        %dma_wait3A_1673 = arith.constant 0 : i32
        %dma_wait3A_1674 = arith.constant 0 : i32
        %dma_wait3A_1675 = arith.constant 0 : i32
        %dma_wait3A_1676 = tpu.memref_slice %arg4[%dma_wait3A_1662, %dma_wait3A_1663, %dma_wait3A_1673, %dma_wait3A_1674, %dma_wait3A_1675] : memref<50x8x128x8x128xf32, #tpu.memory_space<hbm>> -> memref<1x1x2x8x128xf32, #tpu.memory_space<hbm>>
        %dma_wait3A_1677 = tpu.memref_squeeze %dma_wait3A_1676 : memref<1x1x2x8x128xf32, #tpu.memory_space<hbm>> -> memref<2x8x128xf32, #tpu.memory_space<hbm>>
        %dma_wait3A_1678 = arith.constant 14 : i32
        %dma_wait3A_1679 = arith.constant 0 : i32
        %dma_wait3A_1680 = arith.constant 0 : i32
        %dma_wait3A_1681 = tpu.memref_slice %arg8[%dma_wait3A_1678, %dma_wait3A_1679, %dma_wait3A_1680] : memref<16x8x128xf32, #tpu.memory_space<vmem>> -> memref<2x8x128xf32, #tpu.memory_space<vmem>>
        tpu.wait_dma2 semaphore(%arg12 : memref<!tpu.dma_semaphore, #tpu.memory_space<semaphore_mem>>) src(%dma_wait3A_1681 : memref<2x8x128xf32, #tpu.memory_space<vmem>>) dst(%dma_wait3A_1677 : memref<2x8x128xf32, #tpu.memory_space<hbm>>)
      } else {
      }
      %parallel_loop3A_1079 = arith.constant 0 : i32
      %parallel_loop3A_1080 = arith.constant 256 : i32
      %parallel_loop3A_1081 = arith.constant 1 : i32
      scf.for %parallel_loop3A_1522 = %parallel_loop3A_1079 to %parallel_loop3A_1080 step %parallel_loop3A_1081  : i32 {
        %parallel_loop3A_1523 = arith.constant 16 : i32
        %parallel_loop3A_1524 = arith.divsi %parallel_loop3A_1522, %parallel_loop3A_1523 : i32
        %parallel_loop3A_1525 = arith.constant 0 : i32
        %parallel_loop3A_1526 = arith.cmpi sgt, %parallel_loop3A_1522, %parallel_loop3A_1525 : i32
        %parallel_loop3A_1527 = arith.extui %parallel_loop3A_1526 : i1 to i32
        %parallel_loop3A_1528 = arith.constant 0 : i32
        %parallel_loop3A_1529 = arith.cmpi slt, %parallel_loop3A_1522, %parallel_loop3A_1528 : i32
        %parallel_loop3A_1530 = arith.extui %parallel_loop3A_1529 : i1 to i32
        %parallel_loop3A_1531 = arith.subi %parallel_loop3A_1527, %parallel_loop3A_1530 : i32
        %parallel_loop3A_1532 = arith.constant 0 : i32
        %parallel_loop3A_1533 = arith.cmpi sgt, %parallel_loop3A_1523, %parallel_loop3A_1532 : i32
        %parallel_loop3A_1534 = arith.extui %parallel_loop3A_1533 : i1 to i32
        %parallel_loop3A_1535 = arith.constant 0 : i32
        %parallel_loop3A_1536 = arith.cmpi slt, %parallel_loop3A_1523, %parallel_loop3A_1535 : i32
        %parallel_loop3A_1537 = arith.extui %parallel_loop3A_1536 : i1 to i32
        %parallel_loop3A_1538 = arith.subi %parallel_loop3A_1534, %parallel_loop3A_1537 : i32
        %parallel_loop3A_1539 = arith.cmpi ne, %parallel_loop3A_1531, %parallel_loop3A_1538 : i32
        %parallel_loop3A_1540 = arith.remsi %parallel_loop3A_1522, %parallel_loop3A_1523 : i32
        %parallel_loop3A_1541 = arith.constant 0 : i32
        %parallel_loop3A_1542 = arith.cmpi ne, %parallel_loop3A_1540, %parallel_loop3A_1541 : i32
        %parallel_loop3A_1543 = arith.andi %parallel_loop3A_1539, %parallel_loop3A_1542 : i1
        %parallel_loop3A_1544 = arith.constant 1 : i32
        %parallel_loop3A_1545 = arith.subi %parallel_loop3A_1524, %parallel_loop3A_1544 : i32
        %parallel_loop3A_1546 = arith.select %parallel_loop3A_1543, %parallel_loop3A_1545, %parallel_loop3A_1524 : i32
        %parallel_loop3A_1547 = arith.constant 16 : i32
        %parallel_loop3A_1548 = arith.constant 0 : i32
        %parallel_loop3A_1549 = arith.cmpi eq, %parallel_loop3A_1547, %parallel_loop3A_1548 : i32
        %parallel_loop3A_1550 = arith.constant 1 : i32
        %parallel_loop3A_1551 = arith.select %parallel_loop3A_1549, %parallel_loop3A_1550, %parallel_loop3A_1547 : i32
        %parallel_loop3A_1552 = arith.remsi %parallel_loop3A_1522, %parallel_loop3A_1551 : i32
        %parallel_loop3A_1553 = arith.constant 0 : i32
        %parallel_loop3A_1554 = arith.cmpi ne, %parallel_loop3A_1552, %parallel_loop3A_1553 : i32
        %parallel_loop3A_1555 = arith.constant 0 : i32
        %parallel_loop3A_1556 = arith.cmpi slt, %parallel_loop3A_1552, %parallel_loop3A_1555 : i32
        %parallel_loop3A_1557 = arith.constant 0 : i32
        %parallel_loop3A_1558 = arith.cmpi slt, %parallel_loop3A_1551, %parallel_loop3A_1557 : i32
        %parallel_loop3A_1559 = arith.xori %parallel_loop3A_1556, %parallel_loop3A_1558 : i1
        %parallel_loop3A_1560 = arith.andi %parallel_loop3A_1559, %parallel_loop3A_1554 : i1
        %parallel_loop3A_1561 = arith.addi %parallel_loop3A_1552, %parallel_loop3A_1551 : i32
        %parallel_loop3A_1562 = arith.select %parallel_loop3A_1560, %parallel_loop3A_1561, %parallel_loop3A_1552 : i32
        %parallel_loop3A_1563 = arith.constant 8 : i32
        %parallel_loop3A_1564 = arith.divsi %parallel_loop3A_1546, %parallel_loop3A_1563 : i32
        %parallel_loop3A_1565 = arith.constant 0 : i32
        %parallel_loop3A_1566 = arith.cmpi sgt, %parallel_loop3A_1546, %parallel_loop3A_1565 : i32
        %parallel_loop3A_1567 = arith.extui %parallel_loop3A_1566 : i1 to i32
        %parallel_loop3A_1568 = arith.constant 0 : i32
        %parallel_loop3A_1569 = arith.cmpi slt, %parallel_loop3A_1546, %parallel_loop3A_1568 : i32
        %parallel_loop3A_1570 = arith.extui %parallel_loop3A_1569 : i1 to i32
        %parallel_loop3A_1571 = arith.subi %parallel_loop3A_1567, %parallel_loop3A_1570 : i32
        %parallel_loop3A_1572 = arith.constant 0 : i32
        %parallel_loop3A_1573 = arith.cmpi sgt, %parallel_loop3A_1563, %parallel_loop3A_1572 : i32
        %parallel_loop3A_1574 = arith.extui %parallel_loop3A_1573 : i1 to i32
        %parallel_loop3A_1575 = arith.constant 0 : i32
        %parallel_loop3A_1576 = arith.cmpi slt, %parallel_loop3A_1563, %parallel_loop3A_1575 : i32
        %parallel_loop3A_1577 = arith.extui %parallel_loop3A_1576 : i1 to i32
        %parallel_loop3A_1578 = arith.subi %parallel_loop3A_1574, %parallel_loop3A_1577 : i32
        %parallel_loop3A_1579 = arith.cmpi ne, %parallel_loop3A_1571, %parallel_loop3A_1578 : i32
        %parallel_loop3A_1580 = arith.remsi %parallel_loop3A_1546, %parallel_loop3A_1563 : i32
        %parallel_loop3A_1581 = arith.constant 0 : i32
        %parallel_loop3A_1582 = arith.cmpi ne, %parallel_loop3A_1580, %parallel_loop3A_1581 : i32
        %parallel_loop3A_1583 = arith.andi %parallel_loop3A_1579, %parallel_loop3A_1582 : i1
        %parallel_loop3A_1584 = arith.constant 1 : i32
        %parallel_loop3A_1585 = arith.subi %parallel_loop3A_1564, %parallel_loop3A_1584 : i32
        %parallel_loop3A_1586 = arith.select %parallel_loop3A_1583, %parallel_loop3A_1585, %parallel_loop3A_1564 : i32
        %parallel_loop3A_1587 = arith.constant 16 : i32
        %parallel_loop3A_1588 = arith.muli %parallel_loop3A_1546, %parallel_loop3A_1587 : i32
        %parallel_loop3A_1589 = vector.broadcast %parallel_loop3A_1588 : i32 to vector<16xi32>
        %parallel_loop3A_1590 = arith.addi %iota3A, %parallel_loop3A_1589 : vector<16xi32>
        %parallel_loop3A_1591 = arith.constant 8 : i32
        %parallel_loop3A_1592 = arith.constant 0 : i32
        %parallel_loop3A_1593 = arith.cmpi eq, %parallel_loop3A_1591, %parallel_loop3A_1592 : i32
        %parallel_loop3A_1594 = arith.constant 1 : i32
        %parallel_loop3A_1595 = arith.select %parallel_loop3A_1593, %parallel_loop3A_1594, %parallel_loop3A_1591 : i32
        %parallel_loop3A_1596 = arith.remsi %parallel_loop3A_1546, %parallel_loop3A_1595 : i32
        %parallel_loop3A_1597 = arith.constant 0 : i32
        %parallel_loop3A_1598 = arith.cmpi ne, %parallel_loop3A_1596, %parallel_loop3A_1597 : i32
        %parallel_loop3A_1599 = arith.constant 0 : i32
        %parallel_loop3A_1600 = arith.cmpi slt, %parallel_loop3A_1596, %parallel_loop3A_1599 : i32
        %parallel_loop3A_1601 = arith.constant 0 : i32
        %parallel_loop3A_1602 = arith.cmpi slt, %parallel_loop3A_1595, %parallel_loop3A_1601 : i32
        %parallel_loop3A_1603 = arith.xori %parallel_loop3A_1600, %parallel_loop3A_1602 : i1
        %parallel_loop3A_1604 = arith.andi %parallel_loop3A_1603, %parallel_loop3A_1598 : i1
        %parallel_loop3A_1605 = arith.addi %parallel_loop3A_1596, %parallel_loop3A_1595 : i32
        %parallel_loop3A_1606 = arith.select %parallel_loop3A_1604, %parallel_loop3A_1605, %parallel_loop3A_1596 : i32
        %parallel_loop3A_1607 = arith.constant 16 : i32
        %parallel_loop3A_1608 = arith.muli %parallel_loop3A_1606, %parallel_loop3A_1607 : i32
        %parallel_loop3A_1609 = vector.broadcast %parallel_loop3A_1608 : i32 to vector<16xi32>
        %parallel_loop3A_1610 = arith.addi %iota3A, %parallel_loop3A_1609 : vector<16xi32>
        %parallel_loop3A_1611 = vector.broadcast %parallel_loop3A_1562 : i32 to vector<16xi32>
        %parallel_loop3A_1612 = arith.addi %iota3A, %parallel_loop3A_1611 : vector<16xi32>
        %parallel_loop3A_1613 = arith.constant 16 : i32
        %parallel_loop3A_1614 = arith.constant 0 : i32
        %parallel_loop3A_1615 = arith.cmpi eq, %parallel_loop3A_1613, %parallel_loop3A_1614 : i32
        %parallel_loop3A_1616 = arith.constant 1 : i32
        %parallel_loop3A_1617 = arith.select %parallel_loop3A_1615, %parallel_loop3A_1616, %parallel_loop3A_1613 : i32
        %parallel_loop3A_1618 = vector.broadcast %parallel_loop3A_1617 : i32 to vector<16xi32>
        %parallel_loop3A_1619 = arith.remsi %parallel_loop3A_1612, %parallel_loop3A_1618 : vector<16xi32>
        %parallel_loop3A_1620 = arith.constant 0 : i32
        %parallel_loop3A_1621 = vector.broadcast %parallel_loop3A_1620 : i32 to vector<16xi32>
        %parallel_loop3A_1622 = arith.cmpi ne, %parallel_loop3A_1619, %parallel_loop3A_1621 : vector<16xi32>
        %parallel_loop3A_1623 = arith.constant 0 : i32
        %parallel_loop3A_1624 = vector.broadcast %parallel_loop3A_1623 : i32 to vector<16xi32>
        %parallel_loop3A_1625 = arith.cmpi slt, %parallel_loop3A_1619, %parallel_loop3A_1624 : vector<16xi32>
        %parallel_loop3A_1626 = arith.constant 0 : i32
        %parallel_loop3A_1627 = arith.cmpi slt, %parallel_loop3A_1617, %parallel_loop3A_1626 : i32
        %parallel_loop3A_1628 = vector.broadcast %parallel_loop3A_1627 : i1 to vector<16xi1>
        %parallel_loop3A_1629 = vector.broadcast %parallel_loop3A_1628 : vector<16xi1> to vector<16xi1>
        %parallel_loop3A_1630 = arith.xori %parallel_loop3A_1625, %parallel_loop3A_1629 : vector<16xi1>
        %parallel_loop3A_1631 = arith.andi %parallel_loop3A_1630, %parallel_loop3A_1622 : vector<16xi1>
        %parallel_loop3A_1632 = vector.broadcast %parallel_loop3A_1617 : i32 to vector<16xi32>
        %parallel_loop3A_1633 = arith.addi %parallel_loop3A_1619, %parallel_loop3A_1632 : vector<16xi32>
        %parallel_loop3A_1634 = arith.select %parallel_loop3A_1631, %parallel_loop3A_1633, %parallel_loop3A_1619 : vector<16xi1>, vector<16xi32>
        %parallel_loop3A_1635 = arith.constant 8 : i32
        %parallel_loop3A_1636 = vector.broadcast %parallel_loop3A_1635 : i32 to vector<16xi32>
        %parallel_loop3A_1637 = arith.divsi %parallel_loop3A_1634, %parallel_loop3A_1636 : vector<16xi32>
        %parallel_loop3A_1638 = arith.constant 0 : i32
        %parallel_loop3A_1639 = vector.broadcast %parallel_loop3A_1638 : i32 to vector<16xi32>
        %parallel_loop3A_1640 = arith.cmpi sgt, %parallel_loop3A_1634, %parallel_loop3A_1639 : vector<16xi32>
        %parallel_loop3A_1641 = arith.extui %parallel_loop3A_1640 : vector<16xi1> to vector<16xi32>
        %parallel_loop3A_1642 = arith.constant 0 : i32
        %parallel_loop3A_1643 = vector.broadcast %parallel_loop3A_1642 : i32 to vector<16xi32>
        %parallel_loop3A_1644 = arith.cmpi slt, %parallel_loop3A_1634, %parallel_loop3A_1643 : vector<16xi32>
        %parallel_loop3A_1645 = arith.extui %parallel_loop3A_1644 : vector<16xi1> to vector<16xi32>
        %parallel_loop3A_1646 = arith.subi %parallel_loop3A_1641, %parallel_loop3A_1645 : vector<16xi32>
        %parallel_loop3A_1647 = arith.constant 0 : i32
        %parallel_loop3A_1648 = arith.cmpi sgt, %parallel_loop3A_1635, %parallel_loop3A_1647 : i32
        %parallel_loop3A_1649 = arith.extui %parallel_loop3A_1648 : i1 to i32
        %parallel_loop3A_1650 = arith.constant 0 : i32
        %parallel_loop3A_1651 = arith.cmpi slt, %parallel_loop3A_1635, %parallel_loop3A_1650 : i32
        %parallel_loop3A_1652 = arith.extui %parallel_loop3A_1651 : i1 to i32
        %parallel_loop3A_1653 = arith.subi %parallel_loop3A_1649, %parallel_loop3A_1652 : i32
        %parallel_loop3A_1654 = vector.broadcast %parallel_loop3A_1653 : i32 to vector<16xi32>
        %parallel_loop3A_1655 = arith.cmpi ne, %parallel_loop3A_1646, %parallel_loop3A_1654 : vector<16xi32>
        %parallel_loop3A_1656 = vector.broadcast %parallel_loop3A_1635 : i32 to vector<16xi32>
        %parallel_loop3A_1657 = arith.remsi %parallel_loop3A_1634, %parallel_loop3A_1656 : vector<16xi32>
        %parallel_loop3A_1658 = arith.constant 0 : i32
        %parallel_loop3A_1659 = vector.broadcast %parallel_loop3A_1658 : i32 to vector<16xi32>
        %parallel_loop3A_1660 = arith.cmpi ne, %parallel_loop3A_1657, %parallel_loop3A_1659 : vector<16xi32>
        %parallel_loop3A_1661 = arith.andi %parallel_loop3A_1655, %parallel_loop3A_1660 : vector<16xi1>
        %parallel_loop3A_1662 = arith.constant 1 : i32
        %parallel_loop3A_1663 = vector.broadcast %parallel_loop3A_1662 : i32 to vector<16xi32>
        %parallel_loop3A_1664 = arith.subi %parallel_loop3A_1637, %parallel_loop3A_1663 : vector<16xi32>
        %parallel_loop3A_1665 = arith.select %parallel_loop3A_1661, %parallel_loop3A_1664, %parallel_loop3A_1637 : vector<16xi1>, vector<16xi32>
        %parallel_loop3A_1666 = arith.constant 2 : i32
        %parallel_loop3A_1667 = vector.broadcast %parallel_loop3A_1666 : i32 to vector<16xi32>
        %parallel_loop3A_1668 = arith.muli %parallel_loop3A_1665, %parallel_loop3A_1667 : vector<16xi32>
        %parallel_loop3A_1669 = arith.constant 8 : i32
        %parallel_loop3A_1670 = arith.constant 0 : i32
        %parallel_loop3A_1671 = arith.cmpi eq, %parallel_loop3A_1669, %parallel_loop3A_1670 : i32
        %parallel_loop3A_1672 = arith.constant 1 : i32
        %parallel_loop3A_1673 = arith.select %parallel_loop3A_1671, %parallel_loop3A_1672, %parallel_loop3A_1669 : i32
        %parallel_loop3A_1674 = vector.broadcast %parallel_loop3A_1673 : i32 to vector<16xi32>
        %parallel_loop3A_1675 = arith.remsi %parallel_loop3A_1634, %parallel_loop3A_1674 : vector<16xi32>
        %parallel_loop3A_1676 = arith.constant 0 : i32
        %parallel_loop3A_1677 = vector.broadcast %parallel_loop3A_1676 : i32 to vector<16xi32>
        %parallel_loop3A_1678 = arith.cmpi ne, %parallel_loop3A_1675, %parallel_loop3A_1677 : vector<16xi32>
        %parallel_loop3A_1679 = arith.constant 0 : i32
        %parallel_loop3A_1680 = vector.broadcast %parallel_loop3A_1679 : i32 to vector<16xi32>
        %parallel_loop3A_1681 = arith.cmpi slt, %parallel_loop3A_1675, %parallel_loop3A_1680 : vector<16xi32>
        %parallel_loop3A_1682 = arith.constant 0 : i32
        %parallel_loop3A_1683 = arith.cmpi slt, %parallel_loop3A_1673, %parallel_loop3A_1682 : i32
        %parallel_loop3A_1684 = vector.broadcast %parallel_loop3A_1683 : i1 to vector<16xi1>
        %parallel_loop3A_1685 = vector.broadcast %parallel_loop3A_1684 : vector<16xi1> to vector<16xi1>
        %parallel_loop3A_1686 = arith.xori %parallel_loop3A_1681, %parallel_loop3A_1685 : vector<16xi1>
        %parallel_loop3A_1687 = arith.andi %parallel_loop3A_1686, %parallel_loop3A_1678 : vector<16xi1>
        %parallel_loop3A_1688 = vector.broadcast %parallel_loop3A_1673 : i32 to vector<16xi32>
        %parallel_loop3A_1689 = arith.addi %parallel_loop3A_1675, %parallel_loop3A_1688 : vector<16xi32>
        %parallel_loop3A_1690 = arith.select %parallel_loop3A_1687, %parallel_loop3A_1689, %parallel_loop3A_1675 : vector<16xi1>, vector<16xi32>
        %parallel_loop3A_1691 = arith.constant 0 : i32
        %parallel_loop3A_1692 = vector.broadcast %parallel_loop3A_1691 : i32 to vector<16xi32>
        %parallel_loop3A_1693 = arith.addi %parallel_loop3A_1634, %parallel_loop3A_1692 : vector<16xi32>
        %parallel_loop3A_1694 = tpu.vector_load_idx %arg6[%parallel_loop3A_1590, %parallel_loop3A_1693] : memref<256x64xf32, #tpu.memory_space<vmem>>[vector<16xi32>, vector<16xi32>], vector<16xf32>,
        %parallel_loop3A_1695 = arith.constant 0 : i32
        %parallel_loop3A_1696 = arith.addi %parallel_loop3A_1695, %parallel_loop3A_1586 : i32
        %parallel_loop3A_1697 = vector.broadcast %parallel_loop3A_1696 : i32 to vector<16xi32>
        %parallel_loop3A_1698 = arith.addi %parallel_loop3A_1668, %parallel_loop3A_1697 : vector<16xi32>
        tpu.vector_store_idx %arg8[%parallel_loop3A_1698, %parallel_loop3A_1690, %parallel_loop3A_1610], %parallel_loop3A_1694 : memref<16x8x128xf32, #tpu.memory_space<vmem>>[vector<16xi32>, vector<16xi32>, vector<16xi32>], vector<16xf32>,
        %parallel_loop3A_1699 = arith.constant 16 : i32
        %parallel_loop3A_1700 = vector.broadcast %parallel_loop3A_1699 : i32 to vector<16xi32>
        %parallel_loop3A_1701 = arith.addi %parallel_loop3A_1634, %parallel_loop3A_1700 : vector<16xi32>
        %parallel_loop3A_1702 = tpu.vector_load_idx %arg6[%parallel_loop3A_1590, %parallel_loop3A_1701] : memref<256x64xf32, #tpu.memory_space<vmem>>[vector<16xi32>, vector<16xi32>], vector<16xf32>,
        %parallel_loop3A_1703 = arith.constant 4 : i32
        %parallel_loop3A_1704 = arith.addi %parallel_loop3A_1703, %parallel_loop3A_1586 : i32
        %parallel_loop3A_1705 = vector.broadcast %parallel_loop3A_1704 : i32 to vector<16xi32>
        %parallel_loop3A_1706 = arith.addi %parallel_loop3A_1668, %parallel_loop3A_1705 : vector<16xi32>
        tpu.vector_store_idx %arg8[%parallel_loop3A_1706, %parallel_loop3A_1690, %parallel_loop3A_1610], %parallel_loop3A_1702 : memref<16x8x128xf32, #tpu.memory_space<vmem>>[vector<16xi32>, vector<16xi32>, vector<16xi32>], vector<16xf32>,
        %parallel_loop3A_1707 = arith.constant 32 : i32
        %parallel_loop3A_1708 = vector.broadcast %parallel_loop3A_1707 : i32 to vector<16xi32>
        %parallel_loop3A_1709 = arith.addi %parallel_loop3A_1634, %parallel_loop3A_1708 : vector<16xi32>
        %parallel_loop3A_1710 = tpu.vector_load_idx %arg6[%parallel_loop3A_1590, %parallel_loop3A_1709] : memref<256x64xf32, #tpu.memory_space<vmem>>[vector<16xi32>, vector<16xi32>], vector<16xf32>,
        %parallel_loop3A_1711 = arith.constant 8 : i32
        %parallel_loop3A_1712 = arith.addi %parallel_loop3A_1711, %parallel_loop3A_1586 : i32
        %parallel_loop3A_1713 = vector.broadcast %parallel_loop3A_1712 : i32 to vector<16xi32>
        %parallel_loop3A_1714 = arith.addi %parallel_loop3A_1668, %parallel_loop3A_1713 : vector<16xi32>
        tpu.vector_store_idx %arg8[%parallel_loop3A_1714, %parallel_loop3A_1690, %parallel_loop3A_1610], %parallel_loop3A_1710 : memref<16x8x128xf32, #tpu.memory_space<vmem>>[vector<16xi32>, vector<16xi32>, vector<16xi32>], vector<16xf32>,
        %parallel_loop3A_1715 = arith.constant 48 : i32
        %parallel_loop3A_1716 = vector.broadcast %parallel_loop3A_1715 : i32 to vector<16xi32>
        %parallel_loop3A_1717 = arith.addi %parallel_loop3A_1634, %parallel_loop3A_1716 : vector<16xi32>
        %parallel_loop3A_1718 = tpu.vector_load_idx %arg6[%parallel_loop3A_1590, %parallel_loop3A_1717] : memref<256x64xf32, #tpu.memory_space<vmem>>[vector<16xi32>, vector<16xi32>], vector<16xf32>,
        %parallel_loop3A_1719 = arith.constant 12 : i32
        %parallel_loop3A_1720 = arith.addi %parallel_loop3A_1719, %parallel_loop3A_1586 : i32
        %parallel_loop3A_1721 = vector.broadcast %parallel_loop3A_1720 : i32 to vector<16xi32>
        %parallel_loop3A_1722 = arith.addi %parallel_loop3A_1668, %parallel_loop3A_1721 : vector<16xi32>
        tpu.vector_store_idx %arg8[%parallel_loop3A_1722, %parallel_loop3A_1690, %parallel_loop3A_1610], %parallel_loop3A_1718 : memref<16x8x128xf32, #tpu.memory_space<vmem>>[vector<16xi32>, vector<16xi32>, vector<16xi32>], vector<16xf32>,
      } {sc.loop_unroll_factor = 4 : i64, sc.parallel_access}
      %mul3A_1082 = arith.constant 256 : i32
      %mul3A_1083 = arith.muli %add3A_1071, %mul3A_1082 : i32
      %add3A_1084 = arith.addi %mul3A_2, %mul3A_1083 : i32
      %jit3A_1085 = arith.constant 16384 : i32
      %div3A_1086 = arith.divsi %add3A_1084, %jit3A_1085 : i32
      %sign3A_1087 = arith.constant 0 : i32
      %sign3A_1088 = arith.cmpi sgt, %add3A_1084, %sign3A_1087 : i32
      %sign3A_1089 = arith.extui %sign3A_1088 : i1 to i32
      %sign3A_1090 = arith.constant 0 : i32
      %sign3A_1091 = arith.cmpi slt, %add3A_1084, %sign3A_1090 : i32
      %sign3A_1092 = arith.extui %sign3A_1091 : i1 to i32
      %sign3A_1093 = arith.subi %sign3A_1089, %sign3A_1092 : i32
      %sign3A_1094 = arith.constant 0 : i32
      %sign3A_1095 = arith.cmpi sgt, %jit3A_1085, %sign3A_1094 : i32
      %sign3A_1096 = arith.extui %sign3A_1095 : i1 to i32
      %sign3A_1097 = arith.constant 0 : i32
      %sign3A_1098 = arith.cmpi slt, %jit3A_1085, %sign3A_1097 : i32
      %sign3A_1099 = arith.extui %sign3A_1098 : i1 to i32
      %sign3A_1100 = arith.subi %sign3A_1096, %sign3A_1099 : i32
      %ne3A_1101 = arith.cmpi ne, %sign3A_1093, %sign3A_1100 : i32
      %rem3A_1102 = arith.remsi %add3A_1084, %jit3A_1085 : i32
      %ne3A_1103 = arith.constant 0 : i32
      %ne3A_1104 = arith.cmpi ne, %rem3A_1102, %ne3A_1103 : i32
      %and3A_1105 = arith.andi %ne3A_1101, %ne3A_1104 : i1
      %sub3A_1106 = arith.constant 1 : i32
      %sub3A_1107 = arith.subi %div3A_1086, %sub3A_1106 : i32
      %select_n3A_1108 = arith.select %and3A_1105, %sub3A_1107, %div3A_1086 : i32
      %jit3A_1109 = arith.constant 16384 : i32
      %eq3A_1110 = arith.constant 0 : i32
      %eq3A_1111 = arith.cmpi eq, %jit3A_1109, %eq3A_1110 : i32
      %jit3A_1112 = arith.constant 1 : i32
      %select_n3A_1113 = arith.select %eq3A_1111, %jit3A_1112, %jit3A_1109 : i32
      %rem3A_1114 = arith.remsi %add3A_1084, %select_n3A_1113 : i32
      %ne3A_1115 = arith.constant 0 : i32
      %ne3A_1116 = arith.cmpi ne, %rem3A_1114, %ne3A_1115 : i32
      %lt3A_1117 = arith.constant 0 : i32
      %lt3A_1118 = arith.cmpi slt, %rem3A_1114, %lt3A_1117 : i32
      %lt3A_1119 = arith.constant 0 : i32
      %lt3A_1120 = arith.cmpi slt, %select_n3A_1113, %lt3A_1119 : i32
      %ne3A_1121 = arith.xori %lt3A_1118, %lt3A_1120 : i1
      %and3A_1122 = arith.andi %ne3A_1121, %ne3A_1116 : i1
      %add3A_1123 = arith.addi %rem3A_1114, %select_n3A_1113 : i32
      %select_n3A_1124 = arith.select %and3A_1122, %add3A_1123, %rem3A_1114 : i32
      %jit3A_1125 = arith.constant 128 : i32
      %div3A_1126 = arith.divsi %select_n3A_1124, %jit3A_1125 : i32
      %sign3A_1127 = arith.constant 0 : i32
      %sign3A_1128 = arith.cmpi sgt, %select_n3A_1124, %sign3A_1127 : i32
      %sign3A_1129 = arith.extui %sign3A_1128 : i1 to i32
      %sign3A_1130 = arith.constant 0 : i32
      %sign3A_1131 = arith.cmpi slt, %select_n3A_1124, %sign3A_1130 : i32
      %sign3A_1132 = arith.extui %sign3A_1131 : i1 to i32
      %sign3A_1133 = arith.subi %sign3A_1129, %sign3A_1132 : i32
      %sign3A_1134 = arith.constant 0 : i32
      %sign3A_1135 = arith.cmpi sgt, %jit3A_1125, %sign3A_1134 : i32
      %sign3A_1136 = arith.extui %sign3A_1135 : i1 to i32
      %sign3A_1137 = arith.constant 0 : i32
      %sign3A_1138 = arith.cmpi slt, %jit3A_1125, %sign3A_1137 : i32
      %sign3A_1139 = arith.extui %sign3A_1138 : i1 to i32
      %sign3A_1140 = arith.subi %sign3A_1136, %sign3A_1139 : i32
      %ne3A_1141 = arith.cmpi ne, %sign3A_1133, %sign3A_1140 : i32
      %rem3A_1142 = arith.remsi %select_n3A_1124, %jit3A_1125 : i32
      %ne3A_1143 = arith.constant 0 : i32
      %ne3A_1144 = arith.cmpi ne, %rem3A_1142, %ne3A_1143 : i32
      %and3A_1145 = arith.andi %ne3A_1141, %ne3A_1144 : i1
      %sub3A_1146 = arith.constant 1 : i32
      %sub3A_1147 = arith.subi %div3A_1126, %sub3A_1146 : i32
      %select_n3A_1148 = arith.select %and3A_1145, %sub3A_1147, %div3A_1126 : i32
      %dma_start3A_1149 = arith.constant 0 : i32
      %dma_start3A_1150 = arith.constant 0 : i32
      %dma_start3A_1151 = arith.constant 0 : i32
      %dma_start3A_1152 = arith.constant 0 : i32
      %dma_start3A_1153 = tpu.memref_slice %arg8[%dma_start3A_1150, %dma_start3A_1151, %dma_start3A_1152] : memref<16x8x128xf32, #tpu.memory_space<vmem>> -> memref<2x8x128xf32, #tpu.memory_space<vmem>>
      %dma_start3A_1154 = arith.constant 0 : i32
      %dma_start3A_1155 = arith.constant 0 : i32
      %dma_start3A_1156 = tpu.memref_slice %arg4[%select_n3A_1108, %dma_start3A_1149, %select_n3A_1148, %dma_start3A_1154, %dma_start3A_1155] : memref<50x8x128x8x128xf32, #tpu.memory_space<hbm>> -> memref<1x1x2x8x128xf32, #tpu.memory_space<hbm>>
      %dma_start3A_1157 = tpu.memref_squeeze %dma_start3A_1156 : memref<1x1x2x8x128xf32, #tpu.memory_space<hbm>> -> memref<2x8x128xf32, #tpu.memory_space<hbm>>
      %dma_start3A_1158 = arith.constant 0 : i32
      %dma_start3A_1159 = arith.constant 0 : i32
      %dma_start3A_1160 = tpu.memref_slice %arg4[%select_n3A_1108, %dma_start3A_1149, %select_n3A_1148, %dma_start3A_1158, %dma_start3A_1159] : memref<50x8x128x8x128xf32, #tpu.memory_space<hbm>> -> memref<1x1x2x8x128xf32, #tpu.memory_space<hbm>>
      %dma_start3A_1161 = tpu.memref_squeeze %dma_start3A_1160 : memref<1x1x2x8x128xf32, #tpu.memory_space<hbm>> -> memref<2x8x128xf32, #tpu.memory_space<hbm>>
      %dma_start3A_1162 = arith.constant 0 : i32
      %dma_start3A_1163 = arith.constant 0 : i32
      %dma_start3A_1164 = arith.constant 0 : i32
      %dma_start3A_1165 = tpu.memref_slice %arg8[%dma_start3A_1162, %dma_start3A_1163, %dma_start3A_1164] : memref<16x8x128xf32, #tpu.memory_space<vmem>> -> memref<2x8x128xf32, #tpu.memory_space<vmem>>
      tpu.enqueue_dma source(%dma_start3A_1165 : memref<2x8x128xf32, #tpu.memory_space<vmem>>) target(%dma_start3A_1161 : memref<2x8x128xf32, #tpu.memory_space<hbm>>) target_semaphore(%arg12 : memref<!tpu.dma_semaphore, #tpu.memory_space<semaphore_mem>>)
      %dma_start3A_1166 = arith.constant 1 : i32
      %dma_start3A_1167 = arith.constant 2 : i32
      %dma_start3A_1168 = arith.constant 0 : i32
      %dma_start3A_1169 = arith.constant 0 : i32
      %dma_start3A_1170 = tpu.memref_slice %arg8[%dma_start3A_1167, %dma_start3A_1168, %dma_start3A_1169] : memref<16x8x128xf32, #tpu.memory_space<vmem>> -> memref<2x8x128xf32, #tpu.memory_space<vmem>>
      %dma_start3A_1171 = arith.constant 0 : i32
      %dma_start3A_1172 = arith.constant 0 : i32
      %dma_start3A_1173 = tpu.memref_slice %arg4[%select_n3A_1108, %dma_start3A_1166, %select_n3A_1148, %dma_start3A_1171, %dma_start3A_1172] : memref<50x8x128x8x128xf32, #tpu.memory_space<hbm>> -> memref<1x1x2x8x128xf32, #tpu.memory_space<hbm>>
      %dma_start3A_1174 = tpu.memref_squeeze %dma_start3A_1173 : memref<1x1x2x8x128xf32, #tpu.memory_space<hbm>> -> memref<2x8x128xf32, #tpu.memory_space<hbm>>
      %dma_start3A_1175 = arith.constant 0 : i32
      %dma_start3A_1176 = arith.constant 0 : i32
      %dma_start3A_1177 = tpu.memref_slice %arg4[%select_n3A_1108, %dma_start3A_1166, %select_n3A_1148, %dma_start3A_1175, %dma_start3A_1176] : memref<50x8x128x8x128xf32, #tpu.memory_space<hbm>> -> memref<1x1x2x8x128xf32, #tpu.memory_space<hbm>>
      %dma_start3A_1178 = tpu.memref_squeeze %dma_start3A_1177 : memref<1x1x2x8x128xf32, #tpu.memory_space<hbm>> -> memref<2x8x128xf32, #tpu.memory_space<hbm>>
      %dma_start3A_1179 = arith.constant 2 : i32
      %dma_start3A_1180 = arith.constant 0 : i32
      %dma_start3A_1181 = arith.constant 0 : i32
      %dma_start3A_1182 = tpu.memref_slice %arg8[%dma_start3A_1179, %dma_start3A_1180, %dma_start3A_1181] : memref<16x8x128xf32, #tpu.memory_space<vmem>> -> memref<2x8x128xf32, #tpu.memory_space<vmem>>
      tpu.enqueue_dma source(%dma_start3A_1182 : memref<2x8x128xf32, #tpu.memory_space<vmem>>) target(%dma_start3A_1178 : memref<2x8x128xf32, #tpu.memory_space<hbm>>) target_semaphore(%arg12 : memref<!tpu.dma_semaphore, #tpu.memory_space<semaphore_mem>>)
      %dma_start3A_1183 = arith.constant 2 : i32
      %dma_start3A_1184 = arith.constant 4 : i32
      %dma_start3A_1185 = arith.constant 0 : i32
      %dma_start3A_1186 = arith.constant 0 : i32
      %dma_start3A_1187 = tpu.memref_slice %arg8[%dma_start3A_1184, %dma_start3A_1185, %dma_start3A_1186] : memref<16x8x128xf32, #tpu.memory_space<vmem>> -> memref<2x8x128xf32, #tpu.memory_space<vmem>>
      %dma_start3A_1188 = arith.constant 0 : i32
      %dma_start3A_1189 = arith.constant 0 : i32
      %dma_start3A_1190 = tpu.memref_slice %arg4[%select_n3A_1108, %dma_start3A_1183, %select_n3A_1148, %dma_start3A_1188, %dma_start3A_1189] : memref<50x8x128x8x128xf32, #tpu.memory_space<hbm>> -> memref<1x1x2x8x128xf32, #tpu.memory_space<hbm>>
      %dma_start3A_1191 = tpu.memref_squeeze %dma_start3A_1190 : memref<1x1x2x8x128xf32, #tpu.memory_space<hbm>> -> memref<2x8x128xf32, #tpu.memory_space<hbm>>
      %dma_start3A_1192 = arith.constant 0 : i32
      %dma_start3A_1193 = arith.constant 0 : i32
      %dma_start3A_1194 = tpu.memref_slice %arg4[%select_n3A_1108, %dma_start3A_1183, %select_n3A_1148, %dma_start3A_1192, %dma_start3A_1193] : memref<50x8x128x8x128xf32, #tpu.memory_space<hbm>> -> memref<1x1x2x8x128xf32, #tpu.memory_space<hbm>>
      %dma_start3A_1195 = tpu.memref_squeeze %dma_start3A_1194 : memref<1x1x2x8x128xf32, #tpu.memory_space<hbm>> -> memref<2x8x128xf32, #tpu.memory_space<hbm>>
      %dma_start3A_1196 = arith.constant 4 : i32
      %dma_start3A_1197 = arith.constant 0 : i32
      %dma_start3A_1198 = arith.constant 0 : i32
      %dma_start3A_1199 = tpu.memref_slice %arg8[%dma_start3A_1196, %dma_start3A_1197, %dma_start3A_1198] : memref<16x8x128xf32, #tpu.memory_space<vmem>> -> memref<2x8x128xf32, #tpu.memory_space<vmem>>
      tpu.enqueue_dma source(%dma_start3A_1199 : memref<2x8x128xf32, #tpu.memory_space<vmem>>) target(%dma_start3A_1195 : memref<2x8x128xf32, #tpu.memory_space<hbm>>) target_semaphore(%arg12 : memref<!tpu.dma_semaphore, #tpu.memory_space<semaphore_mem>>)
      %dma_start3A_1200 = arith.constant 3 : i32
      %dma_start3A_1201 = arith.constant 6 : i32
      %dma_start3A_1202 = arith.constant 0 : i32
      %dma_start3A_1203 = arith.constant 0 : i32
      %dma_start3A_1204 = tpu.memref_slice %arg8[%dma_start3A_1201, %dma_start3A_1202, %dma_start3A_1203] : memref<16x8x128xf32, #tpu.memory_space<vmem>> -> memref<2x8x128xf32, #tpu.memory_space<vmem>>
      %dma_start3A_1205 = arith.constant 0 : i32
      %dma_start3A_1206 = arith.constant 0 : i32
      %dma_start3A_1207 = tpu.memref_slice %arg4[%select_n3A_1108, %dma_start3A_1200, %select_n3A_1148, %dma_start3A_1205, %dma_start3A_1206] : memref<50x8x128x8x128xf32, #tpu.memory_space<hbm>> -> memref<1x1x2x8x128xf32, #tpu.memory_space<hbm>>
      %dma_start3A_1208 = tpu.memref_squeeze %dma_start3A_1207 : memref<1x1x2x8x128xf32, #tpu.memory_space<hbm>> -> memref<2x8x128xf32, #tpu.memory_space<hbm>>
      %dma_start3A_1209 = arith.constant 0 : i32
      %dma_start3A_1210 = arith.constant 0 : i32
      %dma_start3A_1211 = tpu.memref_slice %arg4[%select_n3A_1108, %dma_start3A_1200, %select_n3A_1148, %dma_start3A_1209, %dma_start3A_1210] : memref<50x8x128x8x128xf32, #tpu.memory_space<hbm>> -> memref<1x1x2x8x128xf32, #tpu.memory_space<hbm>>
      %dma_start3A_1212 = tpu.memref_squeeze %dma_start3A_1211 : memref<1x1x2x8x128xf32, #tpu.memory_space<hbm>> -> memref<2x8x128xf32, #tpu.memory_space<hbm>>
      %dma_start3A_1213 = arith.constant 6 : i32
      %dma_start3A_1214 = arith.constant 0 : i32
      %dma_start3A_1215 = arith.constant 0 : i32
      %dma_start3A_1216 = tpu.memref_slice %arg8[%dma_start3A_1213, %dma_start3A_1214, %dma_start3A_1215] : memref<16x8x128xf32, #tpu.memory_space<vmem>> -> memref<2x8x128xf32, #tpu.memory_space<vmem>>
      tpu.enqueue_dma source(%dma_start3A_1216 : memref<2x8x128xf32, #tpu.memory_space<vmem>>) target(%dma_start3A_1212 : memref<2x8x128xf32, #tpu.memory_space<hbm>>) target_semaphore(%arg12 : memref<!tpu.dma_semaphore, #tpu.memory_space<semaphore_mem>>)
      %dma_start3A_1217 = arith.constant 4 : i32
      %dma_start3A_1218 = arith.constant 8 : i32
      %dma_start3A_1219 = arith.constant 0 : i32
      %dma_start3A_1220 = arith.constant 0 : i32
      %dma_start3A_1221 = tpu.memref_slice %arg8[%dma_start3A_1218, %dma_start3A_1219, %dma_start3A_1220] : memref<16x8x128xf32, #tpu.memory_space<vmem>> -> memref<2x8x128xf32, #tpu.memory_space<vmem>>
      %dma_start3A_1222 = arith.constant 0 : i32
      %dma_start3A_1223 = arith.constant 0 : i32
      %dma_start3A_1224 = tpu.memref_slice %arg4[%select_n3A_1108, %dma_start3A_1217, %select_n3A_1148, %dma_start3A_1222, %dma_start3A_1223] : memref<50x8x128x8x128xf32, #tpu.memory_space<hbm>> -> memref<1x1x2x8x128xf32, #tpu.memory_space<hbm>>
      %dma_start3A_1225 = tpu.memref_squeeze %dma_start3A_1224 : memref<1x1x2x8x128xf32, #tpu.memory_space<hbm>> -> memref<2x8x128xf32, #tpu.memory_space<hbm>>
      %dma_start3A_1226 = arith.constant 0 : i32
      %dma_start3A_1227 = arith.constant 0 : i32
      %dma_start3A_1228 = tpu.memref_slice %arg4[%select_n3A_1108, %dma_start3A_1217, %select_n3A_1148, %dma_start3A_1226, %dma_start3A_1227] : memref<50x8x128x8x128xf32, #tpu.memory_space<hbm>> -> memref<1x1x2x8x128xf32, #tpu.memory_space<hbm>>
      %dma_start3A_1229 = tpu.memref_squeeze %dma_start3A_1228 : memref<1x1x2x8x128xf32, #tpu.memory_space<hbm>> -> memref<2x8x128xf32, #tpu.memory_space<hbm>>
      %dma_start3A_1230 = arith.constant 8 : i32
      %dma_start3A_1231 = arith.constant 0 : i32
      %dma_start3A_1232 = arith.constant 0 : i32
      %dma_start3A_1233 = tpu.memref_slice %arg8[%dma_start3A_1230, %dma_start3A_1231, %dma_start3A_1232] : memref<16x8x128xf32, #tpu.memory_space<vmem>> -> memref<2x8x128xf32, #tpu.memory_space<vmem>>
      tpu.enqueue_dma source(%dma_start3A_1233 : memref<2x8x128xf32, #tpu.memory_space<vmem>>) target(%dma_start3A_1229 : memref<2x8x128xf32, #tpu.memory_space<hbm>>) target_semaphore(%arg12 : memref<!tpu.dma_semaphore, #tpu.memory_space<semaphore_mem>>)
      %dma_start3A_1234 = arith.constant 5 : i32
      %dma_start3A_1235 = arith.constant 10 : i32
      %dma_start3A_1236 = arith.constant 0 : i32
      %dma_start3A_1237 = arith.constant 0 : i32
      %dma_start3A_1238 = tpu.memref_slice %arg8[%dma_start3A_1235, %dma_start3A_1236, %dma_start3A_1237] : memref<16x8x128xf32, #tpu.memory_space<vmem>> -> memref<2x8x128xf32, #tpu.memory_space<vmem>>
      %dma_start3A_1239 = arith.constant 0 : i32
      %dma_start3A_1240 = arith.constant 0 : i32
      %dma_start3A_1241 = tpu.memref_slice %arg4[%select_n3A_1108, %dma_start3A_1234, %select_n3A_1148, %dma_start3A_1239, %dma_start3A_1240] : memref<50x8x128x8x128xf32, #tpu.memory_space<hbm>> -> memref<1x1x2x8x128xf32, #tpu.memory_space<hbm>>
      %dma_start3A_1242 = tpu.memref_squeeze %dma_start3A_1241 : memref<1x1x2x8x128xf32, #tpu.memory_space<hbm>> -> memref<2x8x128xf32, #tpu.memory_space<hbm>>
      %dma_start3A_1243 = arith.constant 0 : i32
      %dma_start3A_1244 = arith.constant 0 : i32
      %dma_start3A_1245 = tpu.memref_slice %arg4[%select_n3A_1108, %dma_start3A_1234, %select_n3A_1148, %dma_start3A_1243, %dma_start3A_1244] : memref<50x8x128x8x128xf32, #tpu.memory_space<hbm>> -> memref<1x1x2x8x128xf32, #tpu.memory_space<hbm>>
      %dma_start3A_1246 = tpu.memref_squeeze %dma_start3A_1245 : memref<1x1x2x8x128xf32, #tpu.memory_space<hbm>> -> memref<2x8x128xf32, #tpu.memory_space<hbm>>
      %dma_start3A_1247 = arith.constant 10 : i32
      %dma_start3A_1248 = arith.constant 0 : i32
      %dma_start3A_1249 = arith.constant 0 : i32
      %dma_start3A_1250 = tpu.memref_slice %arg8[%dma_start3A_1247, %dma_start3A_1248, %dma_start3A_1249] : memref<16x8x128xf32, #tpu.memory_space<vmem>> -> memref<2x8x128xf32, #tpu.memory_space<vmem>>
      tpu.enqueue_dma source(%dma_start3A_1250 : memref<2x8x128xf32, #tpu.memory_space<vmem>>) target(%dma_start3A_1246 : memref<2x8x128xf32, #tpu.memory_space<hbm>>) target_semaphore(%arg12 : memref<!tpu.dma_semaphore, #tpu.memory_space<semaphore_mem>>)
      %dma_start3A_1251 = arith.constant 6 : i32
      %dma_start3A_1252 = arith.constant 12 : i32
      %dma_start3A_1253 = arith.constant 0 : i32
      %dma_start3A_1254 = arith.constant 0 : i32
      %dma_start3A_1255 = tpu.memref_slice %arg8[%dma_start3A_1252, %dma_start3A_1253, %dma_start3A_1254] : memref<16x8x128xf32, #tpu.memory_space<vmem>> -> memref<2x8x128xf32, #tpu.memory_space<vmem>>
      %dma_start3A_1256 = arith.constant 0 : i32
      %dma_start3A_1257 = arith.constant 0 : i32
      %dma_start3A_1258 = tpu.memref_slice %arg4[%select_n3A_1108, %dma_start3A_1251, %select_n3A_1148, %dma_start3A_1256, %dma_start3A_1257] : memref<50x8x128x8x128xf32, #tpu.memory_space<hbm>> -> memref<1x1x2x8x128xf32, #tpu.memory_space<hbm>>
      %dma_start3A_1259 = tpu.memref_squeeze %dma_start3A_1258 : memref<1x1x2x8x128xf32, #tpu.memory_space<hbm>> -> memref<2x8x128xf32, #tpu.memory_space<hbm>>
      %dma_start3A_1260 = arith.constant 0 : i32
      %dma_start3A_1261 = arith.constant 0 : i32
      %dma_start3A_1262 = tpu.memref_slice %arg4[%select_n3A_1108, %dma_start3A_1251, %select_n3A_1148, %dma_start3A_1260, %dma_start3A_1261] : memref<50x8x128x8x128xf32, #tpu.memory_space<hbm>> -> memref<1x1x2x8x128xf32, #tpu.memory_space<hbm>>
      %dma_start3A_1263 = tpu.memref_squeeze %dma_start3A_1262 : memref<1x1x2x8x128xf32, #tpu.memory_space<hbm>> -> memref<2x8x128xf32, #tpu.memory_space<hbm>>
      %dma_start3A_1264 = arith.constant 12 : i32
      %dma_start3A_1265 = arith.constant 0 : i32
      %dma_start3A_1266 = arith.constant 0 : i32
      %dma_start3A_1267 = tpu.memref_slice %arg8[%dma_start3A_1264, %dma_start3A_1265, %dma_start3A_1266] : memref<16x8x128xf32, #tpu.memory_space<vmem>> -> memref<2x8x128xf32, #tpu.memory_space<vmem>>
      tpu.enqueue_dma source(%dma_start3A_1267 : memref<2x8x128xf32, #tpu.memory_space<vmem>>) target(%dma_start3A_1263 : memref<2x8x128xf32, #tpu.memory_space<hbm>>) target_semaphore(%arg12 : memref<!tpu.dma_semaphore, #tpu.memory_space<semaphore_mem>>)
      %dma_start3A_1268 = arith.constant 7 : i32
      %dma_start3A_1269 = arith.constant 14 : i32
      %dma_start3A_1270 = arith.constant 0 : i32
      %dma_start3A_1271 = arith.constant 0 : i32
      %dma_start3A_1272 = tpu.memref_slice %arg8[%dma_start3A_1269, %dma_start3A_1270, %dma_start3A_1271] : memref<16x8x128xf32, #tpu.memory_space<vmem>> -> memref<2x8x128xf32, #tpu.memory_space<vmem>>
      %dma_start3A_1273 = arith.constant 0 : i32
      %dma_start3A_1274 = arith.constant 0 : i32
      %dma_start3A_1275 = tpu.memref_slice %arg4[%select_n3A_1108, %dma_start3A_1268, %select_n3A_1148, %dma_start3A_1273, %dma_start3A_1274] : memref<50x8x128x8x128xf32, #tpu.memory_space<hbm>> -> memref<1x1x2x8x128xf32, #tpu.memory_space<hbm>>
      %dma_start3A_1276 = tpu.memref_squeeze %dma_start3A_1275 : memref<1x1x2x8x128xf32, #tpu.memory_space<hbm>> -> memref<2x8x128xf32, #tpu.memory_space<hbm>>
      %dma_start3A_1277 = arith.constant 0 : i32
      %dma_start3A_1278 = arith.constant 0 : i32
      %dma_start3A_1279 = tpu.memref_slice %arg4[%select_n3A_1108, %dma_start3A_1268, %select_n3A_1148, %dma_start3A_1277, %dma_start3A_1278] : memref<50x8x128x8x128xf32, #tpu.memory_space<hbm>> -> memref<1x1x2x8x128xf32, #tpu.memory_space<hbm>>
      %dma_start3A_1280 = tpu.memref_squeeze %dma_start3A_1279 : memref<1x1x2x8x128xf32, #tpu.memory_space<hbm>> -> memref<2x8x128xf32, #tpu.memory_space<hbm>>
      %dma_start3A_1281 = arith.constant 14 : i32
      %dma_start3A_1282 = arith.constant 0 : i32
      %dma_start3A_1283 = arith.constant 0 : i32
      %dma_start3A_1284 = tpu.memref_slice %arg8[%dma_start3A_1281, %dma_start3A_1282, %dma_start3A_1283] : memref<16x8x128xf32, #tpu.memory_space<vmem>> -> memref<2x8x128xf32, #tpu.memory_space<vmem>>
      tpu.enqueue_dma source(%dma_start3A_1284 : memref<2x8x128xf32, #tpu.memory_space<vmem>>) target(%dma_start3A_1280 : memref<2x8x128xf32, #tpu.memory_space<hbm>>) target_semaphore(%arg12 : memref<!tpu.dma_semaphore, #tpu.memory_space<semaphore_mem>>)
      %add3A_1285 = arith.constant 2 : i32
      %add3A_1286 = arith.addi %add3A_1071, %add3A_1285 : i32
      %mul3A_1287 = arith.constant 256 : i32
      %mul3A_1288 = arith.muli %add3A_1286, %mul3A_1287 : i32
      %dma_start3A_1289 = tpu.memref_slice %arg5[%mul3A_1288] : memref<25600xi32, #tpu.memory_space<vmem>> -> memref<256xi32, #tpu.memory_space<vmem>>
      %dma_start3A_1290 = arith.constant 0 : i32
      %dma_start3A_1291 = arith.constant 0 : i32
      %dma_start3A_1292 = tpu.memref_slice %arg3[%dma_start3A_1290, %dma_start3A_1291] : memref<2000000x64xf32, #tpu.memory_space<hbm>> -> memref<2000000x64xf32, #tpu.memory_space<hbm>>
      tpu.enqueue_indirect_dma source(%dma_start3A_1292 : memref<2000000x64xf32, #tpu.memory_space<hbm>>) target(%arg6 : memref<256x64xf32, #tpu.memory_space<vmem>>) offsets(%dma_start3A_1289 : memref<256xi32, #tpu.memory_space<vmem>>) semaphore(%arg10 : memref<!tpu.dma_semaphore, #tpu.memory_space<semaphore_mem>>)
      %mul3A_1293 = arith.constant 2 : i32
      %mul3A_1294 = arith.muli %mul3A_1293, %scan3A_1066 : i32
      %add3A_1295 = arith.constant 1 : i32
      %add3A_1296 = arith.addi %mul3A_1294, %add3A_1295 : i32
      %dma_wait3A_1297 = arith.constant 0 : i32
      %dma_wait3A_1298 = tpu.memref_slice %arg5[%dma_wait3A_1297] : memref<25600xi32, #tpu.memory_space<vmem>> -> memref<256xi32, #tpu.memory_space<vmem>>
      %dma_wait3A_1299 = arith.constant 0 : i32
      %dma_wait3A_1300 = arith.constant 0 : i32
      %dma_wait3A_1301 = tpu.memref_slice %arg3[%dma_wait3A_1299, %dma_wait3A_1300] : memref<2000000x64xf32, #tpu.memory_space<hbm>> -> memref<2000000x64xf32, #tpu.memory_space<hbm>>
      tpu.wait_indirect_dma semaphore(%arg11 : memref<!tpu.dma_semaphore, #tpu.memory_space<semaphore_mem>>) src(%dma_wait3A_1301 : memref<2000000x64xf32, #tpu.memory_space<hbm>>) dst(%arg7 : memref<256x64xf32, #tpu.memory_space<vmem>>)
      %ge3A_1302 = arith.constant 2 : i32
      %ge3A_1303 = arith.cmpi sge, %add3A_1296, %ge3A_1302 : i32
      %convert_element_type3A_1304 = arith.extui %ge3A_1303 : i1 to i32
      %cond3A_1305 = arith.constant 0 : i32
      %cond3A_1306 = arith.cmpi ne, %convert_element_type3A_1304, %cond3A_1305 : i32
      scf.if %cond3A_1306 {
        %dma_wait3A_1522 = arith.constant 0 : i32
        %dma_wait3A_1523 = arith.constant 0 : i32
        %dma_wait3A_1524 = arith.constant 0 : i32
        %dma_wait3A_1525 = arith.constant 0 : i32
        %dma_wait3A_1526 = arith.constant 0 : i32
        %dma_wait3A_1527 = tpu.memref_slice %arg9[%dma_wait3A_1524, %dma_wait3A_1525, %dma_wait3A_1526] : memref<16x8x128xf32, #tpu.memory_space<vmem>> -> memref<2x8x128xf32, #tpu.memory_space<vmem>>
        %dma_wait3A_1528 = arith.constant 0 : i32
        %dma_wait3A_1529 = arith.constant 0 : i32
        %dma_wait3A_1530 = arith.constant 0 : i32
        %dma_wait3A_1531 = tpu.memref_slice %arg4[%dma_wait3A_1522, %dma_wait3A_1523, %dma_wait3A_1528, %dma_wait3A_1529, %dma_wait3A_1530] : memref<50x8x128x8x128xf32, #tpu.memory_space<hbm>> -> memref<1x1x2x8x128xf32, #tpu.memory_space<hbm>>
        %dma_wait3A_1532 = tpu.memref_squeeze %dma_wait3A_1531 : memref<1x1x2x8x128xf32, #tpu.memory_space<hbm>> -> memref<2x8x128xf32, #tpu.memory_space<hbm>>
        %dma_wait3A_1533 = arith.constant 0 : i32
        %dma_wait3A_1534 = arith.constant 0 : i32
        %dma_wait3A_1535 = arith.constant 0 : i32
        %dma_wait3A_1536 = tpu.memref_slice %arg4[%dma_wait3A_1522, %dma_wait3A_1523, %dma_wait3A_1533, %dma_wait3A_1534, %dma_wait3A_1535] : memref<50x8x128x8x128xf32, #tpu.memory_space<hbm>> -> memref<1x1x2x8x128xf32, #tpu.memory_space<hbm>>
        %dma_wait3A_1537 = tpu.memref_squeeze %dma_wait3A_1536 : memref<1x1x2x8x128xf32, #tpu.memory_space<hbm>> -> memref<2x8x128xf32, #tpu.memory_space<hbm>>
        %dma_wait3A_1538 = arith.constant 0 : i32
        %dma_wait3A_1539 = arith.constant 0 : i32
        %dma_wait3A_1540 = arith.constant 0 : i32
        %dma_wait3A_1541 = tpu.memref_slice %arg9[%dma_wait3A_1538, %dma_wait3A_1539, %dma_wait3A_1540] : memref<16x8x128xf32, #tpu.memory_space<vmem>> -> memref<2x8x128xf32, #tpu.memory_space<vmem>>
        tpu.wait_dma2 semaphore(%arg13 : memref<!tpu.dma_semaphore, #tpu.memory_space<semaphore_mem>>) src(%dma_wait3A_1541 : memref<2x8x128xf32, #tpu.memory_space<vmem>>) dst(%dma_wait3A_1537 : memref<2x8x128xf32, #tpu.memory_space<hbm>>)
        %dma_wait3A_1542 = arith.constant 0 : i32
        %dma_wait3A_1543 = arith.constant 1 : i32
        %dma_wait3A_1544 = arith.constant 2 : i32
        %dma_wait3A_1545 = arith.constant 0 : i32
        %dma_wait3A_1546 = arith.constant 0 : i32
        %dma_wait3A_1547 = tpu.memref_slice %arg9[%dma_wait3A_1544, %dma_wait3A_1545, %dma_wait3A_1546] : memref<16x8x128xf32, #tpu.memory_space<vmem>> -> memref<2x8x128xf32, #tpu.memory_space<vmem>>
        %dma_wait3A_1548 = arith.constant 0 : i32
        %dma_wait3A_1549 = arith.constant 0 : i32
        %dma_wait3A_1550 = arith.constant 0 : i32
        %dma_wait3A_1551 = tpu.memref_slice %arg4[%dma_wait3A_1542, %dma_wait3A_1543, %dma_wait3A_1548, %dma_wait3A_1549, %dma_wait3A_1550] : memref<50x8x128x8x128xf32, #tpu.memory_space<hbm>> -> memref<1x1x2x8x128xf32, #tpu.memory_space<hbm>>
        %dma_wait3A_1552 = tpu.memref_squeeze %dma_wait3A_1551 : memref<1x1x2x8x128xf32, #tpu.memory_space<hbm>> -> memref<2x8x128xf32, #tpu.memory_space<hbm>>
        %dma_wait3A_1553 = arith.constant 0 : i32
        %dma_wait3A_1554 = arith.constant 0 : i32
        %dma_wait3A_1555 = arith.constant 0 : i32
        %dma_wait3A_1556 = tpu.memref_slice %arg4[%dma_wait3A_1542, %dma_wait3A_1543, %dma_wait3A_1553, %dma_wait3A_1554, %dma_wait3A_1555] : memref<50x8x128x8x128xf32, #tpu.memory_space<hbm>> -> memref<1x1x2x8x128xf32, #tpu.memory_space<hbm>>
        %dma_wait3A_1557 = tpu.memref_squeeze %dma_wait3A_1556 : memref<1x1x2x8x128xf32, #tpu.memory_space<hbm>> -> memref<2x8x128xf32, #tpu.memory_space<hbm>>
        %dma_wait3A_1558 = arith.constant 2 : i32
        %dma_wait3A_1559 = arith.constant 0 : i32
        %dma_wait3A_1560 = arith.constant 0 : i32
        %dma_wait3A_1561 = tpu.memref_slice %arg9[%dma_wait3A_1558, %dma_wait3A_1559, %dma_wait3A_1560] : memref<16x8x128xf32, #tpu.memory_space<vmem>> -> memref<2x8x128xf32, #tpu.memory_space<vmem>>
        tpu.wait_dma2 semaphore(%arg13 : memref<!tpu.dma_semaphore, #tpu.memory_space<semaphore_mem>>) src(%dma_wait3A_1561 : memref<2x8x128xf32, #tpu.memory_space<vmem>>) dst(%dma_wait3A_1557 : memref<2x8x128xf32, #tpu.memory_space<hbm>>)
        %dma_wait3A_1562 = arith.constant 0 : i32
        %dma_wait3A_1563 = arith.constant 2 : i32
        %dma_wait3A_1564 = arith.constant 4 : i32
        %dma_wait3A_1565 = arith.constant 0 : i32
        %dma_wait3A_1566 = arith.constant 0 : i32
        %dma_wait3A_1567 = tpu.memref_slice %arg9[%dma_wait3A_1564, %dma_wait3A_1565, %dma_wait3A_1566] : memref<16x8x128xf32, #tpu.memory_space<vmem>> -> memref<2x8x128xf32, #tpu.memory_space<vmem>>
        %dma_wait3A_1568 = arith.constant 0 : i32
        %dma_wait3A_1569 = arith.constant 0 : i32
        %dma_wait3A_1570 = arith.constant 0 : i32
        %dma_wait3A_1571 = tpu.memref_slice %arg4[%dma_wait3A_1562, %dma_wait3A_1563, %dma_wait3A_1568, %dma_wait3A_1569, %dma_wait3A_1570] : memref<50x8x128x8x128xf32, #tpu.memory_space<hbm>> -> memref<1x1x2x8x128xf32, #tpu.memory_space<hbm>>
        %dma_wait3A_1572 = tpu.memref_squeeze %dma_wait3A_1571 : memref<1x1x2x8x128xf32, #tpu.memory_space<hbm>> -> memref<2x8x128xf32, #tpu.memory_space<hbm>>
        %dma_wait3A_1573 = arith.constant 0 : i32
        %dma_wait3A_1574 = arith.constant 0 : i32
        %dma_wait3A_1575 = arith.constant 0 : i32
        %dma_wait3A_1576 = tpu.memref_slice %arg4[%dma_wait3A_1562, %dma_wait3A_1563, %dma_wait3A_1573, %dma_wait3A_1574, %dma_wait3A_1575] : memref<50x8x128x8x128xf32, #tpu.memory_space<hbm>> -> memref<1x1x2x8x128xf32, #tpu.memory_space<hbm>>
        %dma_wait3A_1577 = tpu.memref_squeeze %dma_wait3A_1576 : memref<1x1x2x8x128xf32, #tpu.memory_space<hbm>> -> memref<2x8x128xf32, #tpu.memory_space<hbm>>
        %dma_wait3A_1578 = arith.constant 4 : i32
        %dma_wait3A_1579 = arith.constant 0 : i32
        %dma_wait3A_1580 = arith.constant 0 : i32
        %dma_wait3A_1581 = tpu.memref_slice %arg9[%dma_wait3A_1578, %dma_wait3A_1579, %dma_wait3A_1580] : memref<16x8x128xf32, #tpu.memory_space<vmem>> -> memref<2x8x128xf32, #tpu.memory_space<vmem>>
        tpu.wait_dma2 semaphore(%arg13 : memref<!tpu.dma_semaphore, #tpu.memory_space<semaphore_mem>>) src(%dma_wait3A_1581 : memref<2x8x128xf32, #tpu.memory_space<vmem>>) dst(%dma_wait3A_1577 : memref<2x8x128xf32, #tpu.memory_space<hbm>>)
        %dma_wait3A_1582 = arith.constant 0 : i32
        %dma_wait3A_1583 = arith.constant 3 : i32
        %dma_wait3A_1584 = arith.constant 6 : i32
        %dma_wait3A_1585 = arith.constant 0 : i32
        %dma_wait3A_1586 = arith.constant 0 : i32
        %dma_wait3A_1587 = tpu.memref_slice %arg9[%dma_wait3A_1584, %dma_wait3A_1585, %dma_wait3A_1586] : memref<16x8x128xf32, #tpu.memory_space<vmem>> -> memref<2x8x128xf32, #tpu.memory_space<vmem>>
        %dma_wait3A_1588 = arith.constant 0 : i32
        %dma_wait3A_1589 = arith.constant 0 : i32
        %dma_wait3A_1590 = arith.constant 0 : i32
        %dma_wait3A_1591 = tpu.memref_slice %arg4[%dma_wait3A_1582, %dma_wait3A_1583, %dma_wait3A_1588, %dma_wait3A_1589, %dma_wait3A_1590] : memref<50x8x128x8x128xf32, #tpu.memory_space<hbm>> -> memref<1x1x2x8x128xf32, #tpu.memory_space<hbm>>
        %dma_wait3A_1592 = tpu.memref_squeeze %dma_wait3A_1591 : memref<1x1x2x8x128xf32, #tpu.memory_space<hbm>> -> memref<2x8x128xf32, #tpu.memory_space<hbm>>
        %dma_wait3A_1593 = arith.constant 0 : i32
        %dma_wait3A_1594 = arith.constant 0 : i32
        %dma_wait3A_1595 = arith.constant 0 : i32
        %dma_wait3A_1596 = tpu.memref_slice %arg4[%dma_wait3A_1582, %dma_wait3A_1583, %dma_wait3A_1593, %dma_wait3A_1594, %dma_wait3A_1595] : memref<50x8x128x8x128xf32, #tpu.memory_space<hbm>> -> memref<1x1x2x8x128xf32, #tpu.memory_space<hbm>>
        %dma_wait3A_1597 = tpu.memref_squeeze %dma_wait3A_1596 : memref<1x1x2x8x128xf32, #tpu.memory_space<hbm>> -> memref<2x8x128xf32, #tpu.memory_space<hbm>>
        %dma_wait3A_1598 = arith.constant 6 : i32
        %dma_wait3A_1599 = arith.constant 0 : i32
        %dma_wait3A_1600 = arith.constant 0 : i32
        %dma_wait3A_1601 = tpu.memref_slice %arg9[%dma_wait3A_1598, %dma_wait3A_1599, %dma_wait3A_1600] : memref<16x8x128xf32, #tpu.memory_space<vmem>> -> memref<2x8x128xf32, #tpu.memory_space<vmem>>
        tpu.wait_dma2 semaphore(%arg13 : memref<!tpu.dma_semaphore, #tpu.memory_space<semaphore_mem>>) src(%dma_wait3A_1601 : memref<2x8x128xf32, #tpu.memory_space<vmem>>) dst(%dma_wait3A_1597 : memref<2x8x128xf32, #tpu.memory_space<hbm>>)
        %dma_wait3A_1602 = arith.constant 0 : i32
        %dma_wait3A_1603 = arith.constant 4 : i32
        %dma_wait3A_1604 = arith.constant 8 : i32
        %dma_wait3A_1605 = arith.constant 0 : i32
        %dma_wait3A_1606 = arith.constant 0 : i32
        %dma_wait3A_1607 = tpu.memref_slice %arg9[%dma_wait3A_1604, %dma_wait3A_1605, %dma_wait3A_1606] : memref<16x8x128xf32, #tpu.memory_space<vmem>> -> memref<2x8x128xf32, #tpu.memory_space<vmem>>
        %dma_wait3A_1608 = arith.constant 0 : i32
        %dma_wait3A_1609 = arith.constant 0 : i32
        %dma_wait3A_1610 = arith.constant 0 : i32
        %dma_wait3A_1611 = tpu.memref_slice %arg4[%dma_wait3A_1602, %dma_wait3A_1603, %dma_wait3A_1608, %dma_wait3A_1609, %dma_wait3A_1610] : memref<50x8x128x8x128xf32, #tpu.memory_space<hbm>> -> memref<1x1x2x8x128xf32, #tpu.memory_space<hbm>>
        %dma_wait3A_1612 = tpu.memref_squeeze %dma_wait3A_1611 : memref<1x1x2x8x128xf32, #tpu.memory_space<hbm>> -> memref<2x8x128xf32, #tpu.memory_space<hbm>>
        %dma_wait3A_1613 = arith.constant 0 : i32
        %dma_wait3A_1614 = arith.constant 0 : i32
        %dma_wait3A_1615 = arith.constant 0 : i32
        %dma_wait3A_1616 = tpu.memref_slice %arg4[%dma_wait3A_1602, %dma_wait3A_1603, %dma_wait3A_1613, %dma_wait3A_1614, %dma_wait3A_1615] : memref<50x8x128x8x128xf32, #tpu.memory_space<hbm>> -> memref<1x1x2x8x128xf32, #tpu.memory_space<hbm>>
        %dma_wait3A_1617 = tpu.memref_squeeze %dma_wait3A_1616 : memref<1x1x2x8x128xf32, #tpu.memory_space<hbm>> -> memref<2x8x128xf32, #tpu.memory_space<hbm>>
        %dma_wait3A_1618 = arith.constant 8 : i32
        %dma_wait3A_1619 = arith.constant 0 : i32
        %dma_wait3A_1620 = arith.constant 0 : i32
        %dma_wait3A_1621 = tpu.memref_slice %arg9[%dma_wait3A_1618, %dma_wait3A_1619, %dma_wait3A_1620] : memref<16x8x128xf32, #tpu.memory_space<vmem>> -> memref<2x8x128xf32, #tpu.memory_space<vmem>>
        tpu.wait_dma2 semaphore(%arg13 : memref<!tpu.dma_semaphore, #tpu.memory_space<semaphore_mem>>) src(%dma_wait3A_1621 : memref<2x8x128xf32, #tpu.memory_space<vmem>>) dst(%dma_wait3A_1617 : memref<2x8x128xf32, #tpu.memory_space<hbm>>)
        %dma_wait3A_1622 = arith.constant 0 : i32
        %dma_wait3A_1623 = arith.constant 5 : i32
        %dma_wait3A_1624 = arith.constant 10 : i32
        %dma_wait3A_1625 = arith.constant 0 : i32
        %dma_wait3A_1626 = arith.constant 0 : i32
        %dma_wait3A_1627 = tpu.memref_slice %arg9[%dma_wait3A_1624, %dma_wait3A_1625, %dma_wait3A_1626] : memref<16x8x128xf32, #tpu.memory_space<vmem>> -> memref<2x8x128xf32, #tpu.memory_space<vmem>>
        %dma_wait3A_1628 = arith.constant 0 : i32
        %dma_wait3A_1629 = arith.constant 0 : i32
        %dma_wait3A_1630 = arith.constant 0 : i32
        %dma_wait3A_1631 = tpu.memref_slice %arg4[%dma_wait3A_1622, %dma_wait3A_1623, %dma_wait3A_1628, %dma_wait3A_1629, %dma_wait3A_1630] : memref<50x8x128x8x128xf32, #tpu.memory_space<hbm>> -> memref<1x1x2x8x128xf32, #tpu.memory_space<hbm>>
        %dma_wait3A_1632 = tpu.memref_squeeze %dma_wait3A_1631 : memref<1x1x2x8x128xf32, #tpu.memory_space<hbm>> -> memref<2x8x128xf32, #tpu.memory_space<hbm>>
        %dma_wait3A_1633 = arith.constant 0 : i32
        %dma_wait3A_1634 = arith.constant 0 : i32
        %dma_wait3A_1635 = arith.constant 0 : i32
        %dma_wait3A_1636 = tpu.memref_slice %arg4[%dma_wait3A_1622, %dma_wait3A_1623, %dma_wait3A_1633, %dma_wait3A_1634, %dma_wait3A_1635] : memref<50x8x128x8x128xf32, #tpu.memory_space<hbm>> -> memref<1x1x2x8x128xf32, #tpu.memory_space<hbm>>
        %dma_wait3A_1637 = tpu.memref_squeeze %dma_wait3A_1636 : memref<1x1x2x8x128xf32, #tpu.memory_space<hbm>> -> memref<2x8x128xf32, #tpu.memory_space<hbm>>
        %dma_wait3A_1638 = arith.constant 10 : i32
        %dma_wait3A_1639 = arith.constant 0 : i32
        %dma_wait3A_1640 = arith.constant 0 : i32
        %dma_wait3A_1641 = tpu.memref_slice %arg9[%dma_wait3A_1638, %dma_wait3A_1639, %dma_wait3A_1640] : memref<16x8x128xf32, #tpu.memory_space<vmem>> -> memref<2x8x128xf32, #tpu.memory_space<vmem>>
        tpu.wait_dma2 semaphore(%arg13 : memref<!tpu.dma_semaphore, #tpu.memory_space<semaphore_mem>>) src(%dma_wait3A_1641 : memref<2x8x128xf32, #tpu.memory_space<vmem>>) dst(%dma_wait3A_1637 : memref<2x8x128xf32, #tpu.memory_space<hbm>>)
        %dma_wait3A_1642 = arith.constant 0 : i32
        %dma_wait3A_1643 = arith.constant 6 : i32
        %dma_wait3A_1644 = arith.constant 12 : i32
        %dma_wait3A_1645 = arith.constant 0 : i32
        %dma_wait3A_1646 = arith.constant 0 : i32
        %dma_wait3A_1647 = tpu.memref_slice %arg9[%dma_wait3A_1644, %dma_wait3A_1645, %dma_wait3A_1646] : memref<16x8x128xf32, #tpu.memory_space<vmem>> -> memref<2x8x128xf32, #tpu.memory_space<vmem>>
        %dma_wait3A_1648 = arith.constant 0 : i32
        %dma_wait3A_1649 = arith.constant 0 : i32
        %dma_wait3A_1650 = arith.constant 0 : i32
        %dma_wait3A_1651 = tpu.memref_slice %arg4[%dma_wait3A_1642, %dma_wait3A_1643, %dma_wait3A_1648, %dma_wait3A_1649, %dma_wait3A_1650] : memref<50x8x128x8x128xf32, #tpu.memory_space<hbm>> -> memref<1x1x2x8x128xf32, #tpu.memory_space<hbm>>
        %dma_wait3A_1652 = tpu.memref_squeeze %dma_wait3A_1651 : memref<1x1x2x8x128xf32, #tpu.memory_space<hbm>> -> memref<2x8x128xf32, #tpu.memory_space<hbm>>
        %dma_wait3A_1653 = arith.constant 0 : i32
        %dma_wait3A_1654 = arith.constant 0 : i32
        %dma_wait3A_1655 = arith.constant 0 : i32
        %dma_wait3A_1656 = tpu.memref_slice %arg4[%dma_wait3A_1642, %dma_wait3A_1643, %dma_wait3A_1653, %dma_wait3A_1654, %dma_wait3A_1655] : memref<50x8x128x8x128xf32, #tpu.memory_space<hbm>> -> memref<1x1x2x8x128xf32, #tpu.memory_space<hbm>>
        %dma_wait3A_1657 = tpu.memref_squeeze %dma_wait3A_1656 : memref<1x1x2x8x128xf32, #tpu.memory_space<hbm>> -> memref<2x8x128xf32, #tpu.memory_space<hbm>>
        %dma_wait3A_1658 = arith.constant 12 : i32
        %dma_wait3A_1659 = arith.constant 0 : i32
        %dma_wait3A_1660 = arith.constant 0 : i32
        %dma_wait3A_1661 = tpu.memref_slice %arg9[%dma_wait3A_1658, %dma_wait3A_1659, %dma_wait3A_1660] : memref<16x8x128xf32, #tpu.memory_space<vmem>> -> memref<2x8x128xf32, #tpu.memory_space<vmem>>
        tpu.wait_dma2 semaphore(%arg13 : memref<!tpu.dma_semaphore, #tpu.memory_space<semaphore_mem>>) src(%dma_wait3A_1661 : memref<2x8x128xf32, #tpu.memory_space<vmem>>) dst(%dma_wait3A_1657 : memref<2x8x128xf32, #tpu.memory_space<hbm>>)
        %dma_wait3A_1662 = arith.constant 0 : i32
        %dma_wait3A_1663 = arith.constant 7 : i32
        %dma_wait3A_1664 = arith.constant 14 : i32
        %dma_wait3A_1665 = arith.constant 0 : i32
        %dma_wait3A_1666 = arith.constant 0 : i32
        %dma_wait3A_1667 = tpu.memref_slice %arg9[%dma_wait3A_1664, %dma_wait3A_1665, %dma_wait3A_1666] : memref<16x8x128xf32, #tpu.memory_space<vmem>> -> memref<2x8x128xf32, #tpu.memory_space<vmem>>
        %dma_wait3A_1668 = arith.constant 0 : i32
        %dma_wait3A_1669 = arith.constant 0 : i32
        %dma_wait3A_1670 = arith.constant 0 : i32
        %dma_wait3A_1671 = tpu.memref_slice %arg4[%dma_wait3A_1662, %dma_wait3A_1663, %dma_wait3A_1668, %dma_wait3A_1669, %dma_wait3A_1670] : memref<50x8x128x8x128xf32, #tpu.memory_space<hbm>> -> memref<1x1x2x8x128xf32, #tpu.memory_space<hbm>>
        %dma_wait3A_1672 = tpu.memref_squeeze %dma_wait3A_1671 : memref<1x1x2x8x128xf32, #tpu.memory_space<hbm>> -> memref<2x8x128xf32, #tpu.memory_space<hbm>>
        %dma_wait3A_1673 = arith.constant 0 : i32
        %dma_wait3A_1674 = arith.constant 0 : i32
        %dma_wait3A_1675 = arith.constant 0 : i32
        %dma_wait3A_1676 = tpu.memref_slice %arg4[%dma_wait3A_1662, %dma_wait3A_1663, %dma_wait3A_1673, %dma_wait3A_1674, %dma_wait3A_1675] : memref<50x8x128x8x128xf32, #tpu.memory_space<hbm>> -> memref<1x1x2x8x128xf32, #tpu.memory_space<hbm>>
        %dma_wait3A_1677 = tpu.memref_squeeze %dma_wait3A_1676 : memref<1x1x2x8x128xf32, #tpu.memory_space<hbm>> -> memref<2x8x128xf32, #tpu.memory_space<hbm>>
        %dma_wait3A_1678 = arith.constant 14 : i32
        %dma_wait3A_1679 = arith.constant 0 : i32
        %dma_wait3A_1680 = arith.constant 0 : i32
        %dma_wait3A_1681 = tpu.memref_slice %arg9[%dma_wait3A_1678, %dma_wait3A_1679, %dma_wait3A_1680] : memref<16x8x128xf32, #tpu.memory_space<vmem>> -> memref<2x8x128xf32, #tpu.memory_space<vmem>>
        tpu.wait_dma2 semaphore(%arg13 : memref<!tpu.dma_semaphore, #tpu.memory_space<semaphore_mem>>) src(%dma_wait3A_1681 : memref<2x8x128xf32, #tpu.memory_space<vmem>>) dst(%dma_wait3A_1677 : memref<2x8x128xf32, #tpu.memory_space<hbm>>)
      } else {
      }
      %parallel_loop3A_1307 = arith.constant 0 : i32
      %parallel_loop3A_1308 = arith.constant 256 : i32
      %parallel_loop3A_1309 = arith.constant 1 : i32
      scf.for %parallel_loop3A_1522 = %parallel_loop3A_1307 to %parallel_loop3A_1308 step %parallel_loop3A_1309  : i32 {
        %parallel_loop3A_1523 = arith.constant 16 : i32
        %parallel_loop3A_1524 = arith.divsi %parallel_loop3A_1522, %parallel_loop3A_1523 : i32
        %parallel_loop3A_1525 = arith.constant 0 : i32
        %parallel_loop3A_1526 = arith.cmpi sgt, %parallel_loop3A_1522, %parallel_loop3A_1525 : i32
        %parallel_loop3A_1527 = arith.extui %parallel_loop3A_1526 : i1 to i32
        %parallel_loop3A_1528 = arith.constant 0 : i32
        %parallel_loop3A_1529 = arith.cmpi slt, %parallel_loop3A_1522, %parallel_loop3A_1528 : i32
        %parallel_loop3A_1530 = arith.extui %parallel_loop3A_1529 : i1 to i32
        %parallel_loop3A_1531 = arith.subi %parallel_loop3A_1527, %parallel_loop3A_1530 : i32
        %parallel_loop3A_1532 = arith.constant 0 : i32
        %parallel_loop3A_1533 = arith.cmpi sgt, %parallel_loop3A_1523, %parallel_loop3A_1532 : i32
        %parallel_loop3A_1534 = arith.extui %parallel_loop3A_1533 : i1 to i32
        %parallel_loop3A_1535 = arith.constant 0 : i32
        %parallel_loop3A_1536 = arith.cmpi slt, %parallel_loop3A_1523, %parallel_loop3A_1535 : i32
        %parallel_loop3A_1537 = arith.extui %parallel_loop3A_1536 : i1 to i32
        %parallel_loop3A_1538 = arith.subi %parallel_loop3A_1534, %parallel_loop3A_1537 : i32
        %parallel_loop3A_1539 = arith.cmpi ne, %parallel_loop3A_1531, %parallel_loop3A_1538 : i32
        %parallel_loop3A_1540 = arith.remsi %parallel_loop3A_1522, %parallel_loop3A_1523 : i32
        %parallel_loop3A_1541 = arith.constant 0 : i32
        %parallel_loop3A_1542 = arith.cmpi ne, %parallel_loop3A_1540, %parallel_loop3A_1541 : i32
        %parallel_loop3A_1543 = arith.andi %parallel_loop3A_1539, %parallel_loop3A_1542 : i1
        %parallel_loop3A_1544 = arith.constant 1 : i32
        %parallel_loop3A_1545 = arith.subi %parallel_loop3A_1524, %parallel_loop3A_1544 : i32
        %parallel_loop3A_1546 = arith.select %parallel_loop3A_1543, %parallel_loop3A_1545, %parallel_loop3A_1524 : i32
        %parallel_loop3A_1547 = arith.constant 16 : i32
        %parallel_loop3A_1548 = arith.constant 0 : i32
        %parallel_loop3A_1549 = arith.cmpi eq, %parallel_loop3A_1547, %parallel_loop3A_1548 : i32
        %parallel_loop3A_1550 = arith.constant 1 : i32
        %parallel_loop3A_1551 = arith.select %parallel_loop3A_1549, %parallel_loop3A_1550, %parallel_loop3A_1547 : i32
        %parallel_loop3A_1552 = arith.remsi %parallel_loop3A_1522, %parallel_loop3A_1551 : i32
        %parallel_loop3A_1553 = arith.constant 0 : i32
        %parallel_loop3A_1554 = arith.cmpi ne, %parallel_loop3A_1552, %parallel_loop3A_1553 : i32
        %parallel_loop3A_1555 = arith.constant 0 : i32
        %parallel_loop3A_1556 = arith.cmpi slt, %parallel_loop3A_1552, %parallel_loop3A_1555 : i32
        %parallel_loop3A_1557 = arith.constant 0 : i32
        %parallel_loop3A_1558 = arith.cmpi slt, %parallel_loop3A_1551, %parallel_loop3A_1557 : i32
        %parallel_loop3A_1559 = arith.xori %parallel_loop3A_1556, %parallel_loop3A_1558 : i1
        %parallel_loop3A_1560 = arith.andi %parallel_loop3A_1559, %parallel_loop3A_1554 : i1
        %parallel_loop3A_1561 = arith.addi %parallel_loop3A_1552, %parallel_loop3A_1551 : i32
        %parallel_loop3A_1562 = arith.select %parallel_loop3A_1560, %parallel_loop3A_1561, %parallel_loop3A_1552 : i32
        %parallel_loop3A_1563 = arith.constant 8 : i32
        %parallel_loop3A_1564 = arith.divsi %parallel_loop3A_1546, %parallel_loop3A_1563 : i32
        %parallel_loop3A_1565 = arith.constant 0 : i32
        %parallel_loop3A_1566 = arith.cmpi sgt, %parallel_loop3A_1546, %parallel_loop3A_1565 : i32
        %parallel_loop3A_1567 = arith.extui %parallel_loop3A_1566 : i1 to i32
        %parallel_loop3A_1568 = arith.constant 0 : i32
        %parallel_loop3A_1569 = arith.cmpi slt, %parallel_loop3A_1546, %parallel_loop3A_1568 : i32
        %parallel_loop3A_1570 = arith.extui %parallel_loop3A_1569 : i1 to i32
        %parallel_loop3A_1571 = arith.subi %parallel_loop3A_1567, %parallel_loop3A_1570 : i32
        %parallel_loop3A_1572 = arith.constant 0 : i32
        %parallel_loop3A_1573 = arith.cmpi sgt, %parallel_loop3A_1563, %parallel_loop3A_1572 : i32
        %parallel_loop3A_1574 = arith.extui %parallel_loop3A_1573 : i1 to i32
        %parallel_loop3A_1575 = arith.constant 0 : i32
        %parallel_loop3A_1576 = arith.cmpi slt, %parallel_loop3A_1563, %parallel_loop3A_1575 : i32
        %parallel_loop3A_1577 = arith.extui %parallel_loop3A_1576 : i1 to i32
        %parallel_loop3A_1578 = arith.subi %parallel_loop3A_1574, %parallel_loop3A_1577 : i32
        %parallel_loop3A_1579 = arith.cmpi ne, %parallel_loop3A_1571, %parallel_loop3A_1578 : i32
        %parallel_loop3A_1580 = arith.remsi %parallel_loop3A_1546, %parallel_loop3A_1563 : i32
        %parallel_loop3A_1581 = arith.constant 0 : i32
        %parallel_loop3A_1582 = arith.cmpi ne, %parallel_loop3A_1580, %parallel_loop3A_1581 : i32
        %parallel_loop3A_1583 = arith.andi %parallel_loop3A_1579, %parallel_loop3A_1582 : i1
        %parallel_loop3A_1584 = arith.constant 1 : i32
        %parallel_loop3A_1585 = arith.subi %parallel_loop3A_1564, %parallel_loop3A_1584 : i32
        %parallel_loop3A_1586 = arith.select %parallel_loop3A_1583, %parallel_loop3A_1585, %parallel_loop3A_1564 : i32
        %parallel_loop3A_1587 = arith.constant 16 : i32
        %parallel_loop3A_1588 = arith.muli %parallel_loop3A_1546, %parallel_loop3A_1587 : i32
        %parallel_loop3A_1589 = vector.broadcast %parallel_loop3A_1588 : i32 to vector<16xi32>
        %parallel_loop3A_1590 = arith.addi %iota3A, %parallel_loop3A_1589 : vector<16xi32>
        %parallel_loop3A_1591 = arith.constant 8 : i32
        %parallel_loop3A_1592 = arith.constant 0 : i32
        %parallel_loop3A_1593 = arith.cmpi eq, %parallel_loop3A_1591, %parallel_loop3A_1592 : i32
        %parallel_loop3A_1594 = arith.constant 1 : i32
        %parallel_loop3A_1595 = arith.select %parallel_loop3A_1593, %parallel_loop3A_1594, %parallel_loop3A_1591 : i32
        %parallel_loop3A_1596 = arith.remsi %parallel_loop3A_1546, %parallel_loop3A_1595 : i32
        %parallel_loop3A_1597 = arith.constant 0 : i32
        %parallel_loop3A_1598 = arith.cmpi ne, %parallel_loop3A_1596, %parallel_loop3A_1597 : i32
        %parallel_loop3A_1599 = arith.constant 0 : i32
        %parallel_loop3A_1600 = arith.cmpi slt, %parallel_loop3A_1596, %parallel_loop3A_1599 : i32
        %parallel_loop3A_1601 = arith.constant 0 : i32
        %parallel_loop3A_1602 = arith.cmpi slt, %parallel_loop3A_1595, %parallel_loop3A_1601 : i32
        %parallel_loop3A_1603 = arith.xori %parallel_loop3A_1600, %parallel_loop3A_1602 : i1
        %parallel_loop3A_1604 = arith.andi %parallel_loop3A_1603, %parallel_loop3A_1598 : i1
        %parallel_loop3A_1605 = arith.addi %parallel_loop3A_1596, %parallel_loop3A_1595 : i32
        %parallel_loop3A_1606 = arith.select %parallel_loop3A_1604, %parallel_loop3A_1605, %parallel_loop3A_1596 : i32
        %parallel_loop3A_1607 = arith.constant 16 : i32
        %parallel_loop3A_1608 = arith.muli %parallel_loop3A_1606, %parallel_loop3A_1607 : i32
        %parallel_loop3A_1609 = vector.broadcast %parallel_loop3A_1608 : i32 to vector<16xi32>
        %parallel_loop3A_1610 = arith.addi %iota3A, %parallel_loop3A_1609 : vector<16xi32>
        %parallel_loop3A_1611 = vector.broadcast %parallel_loop3A_1562 : i32 to vector<16xi32>
        %parallel_loop3A_1612 = arith.addi %iota3A, %parallel_loop3A_1611 : vector<16xi32>
        %parallel_loop3A_1613 = arith.constant 16 : i32
        %parallel_loop3A_1614 = arith.constant 0 : i32
        %parallel_loop3A_1615 = arith.cmpi eq, %parallel_loop3A_1613, %parallel_loop3A_1614 : i32
        %parallel_loop3A_1616 = arith.constant 1 : i32
        %parallel_loop3A_1617 = arith.select %parallel_loop3A_1615, %parallel_loop3A_1616, %parallel_loop3A_1613 : i32
        %parallel_loop3A_1618 = vector.broadcast %parallel_loop3A_1617 : i32 to vector<16xi32>
        %parallel_loop3A_1619 = arith.remsi %parallel_loop3A_1612, %parallel_loop3A_1618 : vector<16xi32>
        %parallel_loop3A_1620 = arith.constant 0 : i32
        %parallel_loop3A_1621 = vector.broadcast %parallel_loop3A_1620 : i32 to vector<16xi32>
        %parallel_loop3A_1622 = arith.cmpi ne, %parallel_loop3A_1619, %parallel_loop3A_1621 : vector<16xi32>
        %parallel_loop3A_1623 = arith.constant 0 : i32
        %parallel_loop3A_1624 = vector.broadcast %parallel_loop3A_1623 : i32 to vector<16xi32>
        %parallel_loop3A_1625 = arith.cmpi slt, %parallel_loop3A_1619, %parallel_loop3A_1624 : vector<16xi32>
        %parallel_loop3A_1626 = arith.constant 0 : i32
        %parallel_loop3A_1627 = arith.cmpi slt, %parallel_loop3A_1617, %parallel_loop3A_1626 : i32
        %parallel_loop3A_1628 = vector.broadcast %parallel_loop3A_1627 : i1 to vector<16xi1>
        %parallel_loop3A_1629 = vector.broadcast %parallel_loop3A_1628 : vector<16xi1> to vector<16xi1>
        %parallel_loop3A_1630 = arith.xori %parallel_loop3A_1625, %parallel_loop3A_1629 : vector<16xi1>
        %parallel_loop3A_1631 = arith.andi %parallel_loop3A_1630, %parallel_loop3A_1622 : vector<16xi1>
        %parallel_loop3A_1632 = vector.broadcast %parallel_loop3A_1617 : i32 to vector<16xi32>
        %parallel_loop3A_1633 = arith.addi %parallel_loop3A_1619, %parallel_loop3A_1632 : vector<16xi32>
        %parallel_loop3A_1634 = arith.select %parallel_loop3A_1631, %parallel_loop3A_1633, %parallel_loop3A_1619 : vector<16xi1>, vector<16xi32>
        %parallel_loop3A_1635 = arith.constant 8 : i32
        %parallel_loop3A_1636 = vector.broadcast %parallel_loop3A_1635 : i32 to vector<16xi32>
        %parallel_loop3A_1637 = arith.divsi %parallel_loop3A_1634, %parallel_loop3A_1636 : vector<16xi32>
        %parallel_loop3A_1638 = arith.constant 0 : i32
        %parallel_loop3A_1639 = vector.broadcast %parallel_loop3A_1638 : i32 to vector<16xi32>
        %parallel_loop3A_1640 = arith.cmpi sgt, %parallel_loop3A_1634, %parallel_loop3A_1639 : vector<16xi32>
        %parallel_loop3A_1641 = arith.extui %parallel_loop3A_1640 : vector<16xi1> to vector<16xi32>
        %parallel_loop3A_1642 = arith.constant 0 : i32
        %parallel_loop3A_1643 = vector.broadcast %parallel_loop3A_1642 : i32 to vector<16xi32>
        %parallel_loop3A_1644 = arith.cmpi slt, %parallel_loop3A_1634, %parallel_loop3A_1643 : vector<16xi32>
        %parallel_loop3A_1645 = arith.extui %parallel_loop3A_1644 : vector<16xi1> to vector<16xi32>
        %parallel_loop3A_1646 = arith.subi %parallel_loop3A_1641, %parallel_loop3A_1645 : vector<16xi32>
        %parallel_loop3A_1647 = arith.constant 0 : i32
        %parallel_loop3A_1648 = arith.cmpi sgt, %parallel_loop3A_1635, %parallel_loop3A_1647 : i32
        %parallel_loop3A_1649 = arith.extui %parallel_loop3A_1648 : i1 to i32
        %parallel_loop3A_1650 = arith.constant 0 : i32
        %parallel_loop3A_1651 = arith.cmpi slt, %parallel_loop3A_1635, %parallel_loop3A_1650 : i32
        %parallel_loop3A_1652 = arith.extui %parallel_loop3A_1651 : i1 to i32
        %parallel_loop3A_1653 = arith.subi %parallel_loop3A_1649, %parallel_loop3A_1652 : i32
        %parallel_loop3A_1654 = vector.broadcast %parallel_loop3A_1653 : i32 to vector<16xi32>
        %parallel_loop3A_1655 = arith.cmpi ne, %parallel_loop3A_1646, %parallel_loop3A_1654 : vector<16xi32>
        %parallel_loop3A_1656 = vector.broadcast %parallel_loop3A_1635 : i32 to vector<16xi32>
        %parallel_loop3A_1657 = arith.remsi %parallel_loop3A_1634, %parallel_loop3A_1656 : vector<16xi32>
        %parallel_loop3A_1658 = arith.constant 0 : i32
        %parallel_loop3A_1659 = vector.broadcast %parallel_loop3A_1658 : i32 to vector<16xi32>
        %parallel_loop3A_1660 = arith.cmpi ne, %parallel_loop3A_1657, %parallel_loop3A_1659 : vector<16xi32>
        %parallel_loop3A_1661 = arith.andi %parallel_loop3A_1655, %parallel_loop3A_1660 : vector<16xi1>
        %parallel_loop3A_1662 = arith.constant 1 : i32
        %parallel_loop3A_1663 = vector.broadcast %parallel_loop3A_1662 : i32 to vector<16xi32>
        %parallel_loop3A_1664 = arith.subi %parallel_loop3A_1637, %parallel_loop3A_1663 : vector<16xi32>
        %parallel_loop3A_1665 = arith.select %parallel_loop3A_1661, %parallel_loop3A_1664, %parallel_loop3A_1637 : vector<16xi1>, vector<16xi32>
        %parallel_loop3A_1666 = arith.constant 2 : i32
        %parallel_loop3A_1667 = vector.broadcast %parallel_loop3A_1666 : i32 to vector<16xi32>
        %parallel_loop3A_1668 = arith.muli %parallel_loop3A_1665, %parallel_loop3A_1667 : vector<16xi32>
        %parallel_loop3A_1669 = arith.constant 8 : i32
        %parallel_loop3A_1670 = arith.constant 0 : i32
        %parallel_loop3A_1671 = arith.cmpi eq, %parallel_loop3A_1669, %parallel_loop3A_1670 : i32
        %parallel_loop3A_1672 = arith.constant 1 : i32
        %parallel_loop3A_1673 = arith.select %parallel_loop3A_1671, %parallel_loop3A_1672, %parallel_loop3A_1669 : i32
        %parallel_loop3A_1674 = vector.broadcast %parallel_loop3A_1673 : i32 to vector<16xi32>
        %parallel_loop3A_1675 = arith.remsi %parallel_loop3A_1634, %parallel_loop3A_1674 : vector<16xi32>
        %parallel_loop3A_1676 = arith.constant 0 : i32
        %parallel_loop3A_1677 = vector.broadcast %parallel_loop3A_1676 : i32 to vector<16xi32>
        %parallel_loop3A_1678 = arith.cmpi ne, %parallel_loop3A_1675, %parallel_loop3A_1677 : vector<16xi32>
        %parallel_loop3A_1679 = arith.constant 0 : i32
        %parallel_loop3A_1680 = vector.broadcast %parallel_loop3A_1679 : i32 to vector<16xi32>
        %parallel_loop3A_1681 = arith.cmpi slt, %parallel_loop3A_1675, %parallel_loop3A_1680 : vector<16xi32>
        %parallel_loop3A_1682 = arith.constant 0 : i32
        %parallel_loop3A_1683 = arith.cmpi slt, %parallel_loop3A_1673, %parallel_loop3A_1682 : i32
        %parallel_loop3A_1684 = vector.broadcast %parallel_loop3A_1683 : i1 to vector<16xi1>
        %parallel_loop3A_1685 = vector.broadcast %parallel_loop3A_1684 : vector<16xi1> to vector<16xi1>
        %parallel_loop3A_1686 = arith.xori %parallel_loop3A_1681, %parallel_loop3A_1685 : vector<16xi1>
        %parallel_loop3A_1687 = arith.andi %parallel_loop3A_1686, %parallel_loop3A_1678 : vector<16xi1>
        %parallel_loop3A_1688 = vector.broadcast %parallel_loop3A_1673 : i32 to vector<16xi32>
        %parallel_loop3A_1689 = arith.addi %parallel_loop3A_1675, %parallel_loop3A_1688 : vector<16xi32>
        %parallel_loop3A_1690 = arith.select %parallel_loop3A_1687, %parallel_loop3A_1689, %parallel_loop3A_1675 : vector<16xi1>, vector<16xi32>
        %parallel_loop3A_1691 = arith.constant 0 : i32
        %parallel_loop3A_1692 = vector.broadcast %parallel_loop3A_1691 : i32 to vector<16xi32>
        %parallel_loop3A_1693 = arith.addi %parallel_loop3A_1634, %parallel_loop3A_1692 : vector<16xi32>
        %parallel_loop3A_1694 = tpu.vector_load_idx %arg7[%parallel_loop3A_1590, %parallel_loop3A_1693] : memref<256x64xf32, #tpu.memory_space<vmem>>[vector<16xi32>, vector<16xi32>], vector<16xf32>,
        %parallel_loop3A_1695 = arith.constant 0 : i32
        %parallel_loop3A_1696 = arith.addi %parallel_loop3A_1695, %parallel_loop3A_1586 : i32
        %parallel_loop3A_1697 = vector.broadcast %parallel_loop3A_1696 : i32 to vector<16xi32>
        %parallel_loop3A_1698 = arith.addi %parallel_loop3A_1668, %parallel_loop3A_1697 : vector<16xi32>
        tpu.vector_store_idx %arg9[%parallel_loop3A_1698, %parallel_loop3A_1690, %parallel_loop3A_1610], %parallel_loop3A_1694 : memref<16x8x128xf32, #tpu.memory_space<vmem>>[vector<16xi32>, vector<16xi32>, vector<16xi32>], vector<16xf32>,
        %parallel_loop3A_1699 = arith.constant 16 : i32
        %parallel_loop3A_1700 = vector.broadcast %parallel_loop3A_1699 : i32 to vector<16xi32>
        %parallel_loop3A_1701 = arith.addi %parallel_loop3A_1634, %parallel_loop3A_1700 : vector<16xi32>
        %parallel_loop3A_1702 = tpu.vector_load_idx %arg7[%parallel_loop3A_1590, %parallel_loop3A_1701] : memref<256x64xf32, #tpu.memory_space<vmem>>[vector<16xi32>, vector<16xi32>], vector<16xf32>,
        %parallel_loop3A_1703 = arith.constant 4 : i32
        %parallel_loop3A_1704 = arith.addi %parallel_loop3A_1703, %parallel_loop3A_1586 : i32
        %parallel_loop3A_1705 = vector.broadcast %parallel_loop3A_1704 : i32 to vector<16xi32>
        %parallel_loop3A_1706 = arith.addi %parallel_loop3A_1668, %parallel_loop3A_1705 : vector<16xi32>
        tpu.vector_store_idx %arg9[%parallel_loop3A_1706, %parallel_loop3A_1690, %parallel_loop3A_1610], %parallel_loop3A_1702 : memref<16x8x128xf32, #tpu.memory_space<vmem>>[vector<16xi32>, vector<16xi32>, vector<16xi32>], vector<16xf32>,
        %parallel_loop3A_1707 = arith.constant 32 : i32
        %parallel_loop3A_1708 = vector.broadcast %parallel_loop3A_1707 : i32 to vector<16xi32>
        %parallel_loop3A_1709 = arith.addi %parallel_loop3A_1634, %parallel_loop3A_1708 : vector<16xi32>
        %parallel_loop3A_1710 = tpu.vector_load_idx %arg7[%parallel_loop3A_1590, %parallel_loop3A_1709] : memref<256x64xf32, #tpu.memory_space<vmem>>[vector<16xi32>, vector<16xi32>], vector<16xf32>,
        %parallel_loop3A_1711 = arith.constant 8 : i32
        %parallel_loop3A_1712 = arith.addi %parallel_loop3A_1711, %parallel_loop3A_1586 : i32
        %parallel_loop3A_1713 = vector.broadcast %parallel_loop3A_1712 : i32 to vector<16xi32>
        %parallel_loop3A_1714 = arith.addi %parallel_loop3A_1668, %parallel_loop3A_1713 : vector<16xi32>
        tpu.vector_store_idx %arg9[%parallel_loop3A_1714, %parallel_loop3A_1690, %parallel_loop3A_1610], %parallel_loop3A_1710 : memref<16x8x128xf32, #tpu.memory_space<vmem>>[vector<16xi32>, vector<16xi32>, vector<16xi32>], vector<16xf32>,
        %parallel_loop3A_1715 = arith.constant 48 : i32
        %parallel_loop3A_1716 = vector.broadcast %parallel_loop3A_1715 : i32 to vector<16xi32>
        %parallel_loop3A_1717 = arith.addi %parallel_loop3A_1634, %parallel_loop3A_1716 : vector<16xi32>
        %parallel_loop3A_1718 = tpu.vector_load_idx %arg7[%parallel_loop3A_1590, %parallel_loop3A_1717] : memref<256x64xf32, #tpu.memory_space<vmem>>[vector<16xi32>, vector<16xi32>], vector<16xf32>,
        %parallel_loop3A_1719 = arith.constant 12 : i32
        %parallel_loop3A_1720 = arith.addi %parallel_loop3A_1719, %parallel_loop3A_1586 : i32
        %parallel_loop3A_1721 = vector.broadcast %parallel_loop3A_1720 : i32 to vector<16xi32>
        %parallel_loop3A_1722 = arith.addi %parallel_loop3A_1668, %parallel_loop3A_1721 : vector<16xi32>
        tpu.vector_store_idx %arg9[%parallel_loop3A_1722, %parallel_loop3A_1690, %parallel_loop3A_1610], %parallel_loop3A_1718 : memref<16x8x128xf32, #tpu.memory_space<vmem>>[vector<16xi32>, vector<16xi32>, vector<16xi32>], vector<16xf32>,
      } {sc.loop_unroll_factor = 4 : i64, sc.parallel_access}
      %mul3A_1310 = arith.constant 256 : i32
      %mul3A_1311 = arith.muli %add3A_1296, %mul3A_1310 : i32
      %add3A_1312 = arith.addi %mul3A_2, %mul3A_1311 : i32
      %jit3A_1313 = arith.constant 16384 : i32
      %div3A_1314 = arith.divsi %add3A_1312, %jit3A_1313 : i32
      %sign3A_1315 = arith.constant 0 : i32
      %sign3A_1316 = arith.cmpi sgt, %add3A_1312, %sign3A_1315 : i32
      %sign3A_1317 = arith.extui %sign3A_1316 : i1 to i32
      %sign3A_1318 = arith.constant 0 : i32
      %sign3A_1319 = arith.cmpi slt, %add3A_1312, %sign3A_1318 : i32
      %sign3A_1320 = arith.extui %sign3A_1319 : i1 to i32
      %sign3A_1321 = arith.subi %sign3A_1317, %sign3A_1320 : i32
      %sign3A_1322 = arith.constant 0 : i32
      %sign3A_1323 = arith.cmpi sgt, %jit3A_1313, %sign3A_1322 : i32
      %sign3A_1324 = arith.extui %sign3A_1323 : i1 to i32
      %sign3A_1325 = arith.constant 0 : i32
      %sign3A_1326 = arith.cmpi slt, %jit3A_1313, %sign3A_1325 : i32
      %sign3A_1327 = arith.extui %sign3A_1326 : i1 to i32
      %sign3A_1328 = arith.subi %sign3A_1324, %sign3A_1327 : i32
      %ne3A_1329 = arith.cmpi ne, %sign3A_1321, %sign3A_1328 : i32
      %rem3A_1330 = arith.remsi %add3A_1312, %jit3A_1313 : i32
      %ne3A_1331 = arith.constant 0 : i32
      %ne3A_1332 = arith.cmpi ne, %rem3A_1330, %ne3A_1331 : i32
      %and3A_1333 = arith.andi %ne3A_1329, %ne3A_1332 : i1
      %sub3A_1334 = arith.constant 1 : i32
      %sub3A_1335 = arith.subi %div3A_1314, %sub3A_1334 : i32
      %select_n3A_1336 = arith.select %and3A_1333, %sub3A_1335, %div3A_1314 : i32
      %jit3A_1337 = arith.constant 16384 : i32
      %eq3A_1338 = arith.constant 0 : i32
      %eq3A_1339 = arith.cmpi eq, %jit3A_1337, %eq3A_1338 : i32
      %jit3A_1340 = arith.constant 1 : i32
      %select_n3A_1341 = arith.select %eq3A_1339, %jit3A_1340, %jit3A_1337 : i32
      %rem3A_1342 = arith.remsi %add3A_1312, %select_n3A_1341 : i32
      %ne3A_1343 = arith.constant 0 : i32
      %ne3A_1344 = arith.cmpi ne, %rem3A_1342, %ne3A_1343 : i32
      %lt3A_1345 = arith.constant 0 : i32
      %lt3A_1346 = arith.cmpi slt, %rem3A_1342, %lt3A_1345 : i32
      %lt3A_1347 = arith.constant 0 : i32
      %lt3A_1348 = arith.cmpi slt, %select_n3A_1341, %lt3A_1347 : i32
      %ne3A_1349 = arith.xori %lt3A_1346, %lt3A_1348 : i1
      %and3A_1350 = arith.andi %ne3A_1349, %ne3A_1344 : i1
      %add3A_1351 = arith.addi %rem3A_1342, %select_n3A_1341 : i32
      %select_n3A_1352 = arith.select %and3A_1350, %add3A_1351, %rem3A_1342 : i32
      %jit3A_1353 = arith.constant 128 : i32
      %div3A_1354 = arith.divsi %select_n3A_1352, %jit3A_1353 : i32
      %sign3A_1355 = arith.constant 0 : i32
      %sign3A_1356 = arith.cmpi sgt, %select_n3A_1352, %sign3A_1355 : i32
      %sign3A_1357 = arith.extui %sign3A_1356 : i1 to i32
      %sign3A_1358 = arith.constant 0 : i32
      %sign3A_1359 = arith.cmpi slt, %select_n3A_1352, %sign3A_1358 : i32
      %sign3A_1360 = arith.extui %sign3A_1359 : i1 to i32
      %sign3A_1361 = arith.subi %sign3A_1357, %sign3A_1360 : i32
      %sign3A_1362 = arith.constant 0 : i32
      %sign3A_1363 = arith.cmpi sgt, %jit3A_1353, %sign3A_1362 : i32
      %sign3A_1364 = arith.extui %sign3A_1363 : i1 to i32
      %sign3A_1365 = arith.constant 0 : i32
      %sign3A_1366 = arith.cmpi slt, %jit3A_1353, %sign3A_1365 : i32
      %sign3A_1367 = arith.extui %sign3A_1366 : i1 to i32
      %sign3A_1368 = arith.subi %sign3A_1364, %sign3A_1367 : i32
      %ne3A_1369 = arith.cmpi ne, %sign3A_1361, %sign3A_1368 : i32
      %rem3A_1370 = arith.remsi %select_n3A_1352, %jit3A_1353 : i32
      %ne3A_1371 = arith.constant 0 : i32
      %ne3A_1372 = arith.cmpi ne, %rem3A_1370, %ne3A_1371 : i32
      %and3A_1373 = arith.andi %ne3A_1369, %ne3A_1372 : i1
      %sub3A_1374 = arith.constant 1 : i32
      %sub3A_1375 = arith.subi %div3A_1354, %sub3A_1374 : i32
      %select_n3A_1376 = arith.select %and3A_1373, %sub3A_1375, %div3A_1354 : i32
      %dma_start3A_1377 = arith.constant 0 : i32
      %dma_start3A_1378 = arith.constant 0 : i32
      %dma_start3A_1379 = arith.constant 0 : i32
      %dma_start3A_1380 = arith.constant 0 : i32
      %dma_start3A_1381 = tpu.memref_slice %arg9[%dma_start3A_1378, %dma_start3A_1379, %dma_start3A_1380] : memref<16x8x128xf32, #tpu.memory_space<vmem>> -> memref<2x8x128xf32, #tpu.memory_space<vmem>>
      %dma_start3A_1382 = arith.constant 0 : i32
      %dma_start3A_1383 = arith.constant 0 : i32
      %dma_start3A_1384 = tpu.memref_slice %arg4[%select_n3A_1336, %dma_start3A_1377, %select_n3A_1376, %dma_start3A_1382, %dma_start3A_1383] : memref<50x8x128x8x128xf32, #tpu.memory_space<hbm>> -> memref<1x1x2x8x128xf32, #tpu.memory_space<hbm>>
      %dma_start3A_1385 = tpu.memref_squeeze %dma_start3A_1384 : memref<1x1x2x8x128xf32, #tpu.memory_space<hbm>> -> memref<2x8x128xf32, #tpu.memory_space<hbm>>
      %dma_start3A_1386 = arith.constant 0 : i32
      %dma_start3A_1387 = arith.constant 0 : i32
      %dma_start3A_1388 = tpu.memref_slice %arg4[%select_n3A_1336, %dma_start3A_1377, %select_n3A_1376, %dma_start3A_1386, %dma_start3A_1387] : memref<50x8x128x8x128xf32, #tpu.memory_space<hbm>> -> memref<1x1x2x8x128xf32, #tpu.memory_space<hbm>>
      %dma_start3A_1389 = tpu.memref_squeeze %dma_start3A_1388 : memref<1x1x2x8x128xf32, #tpu.memory_space<hbm>> -> memref<2x8x128xf32, #tpu.memory_space<hbm>>
      %dma_start3A_1390 = arith.constant 0 : i32
      %dma_start3A_1391 = arith.constant 0 : i32
      %dma_start3A_1392 = arith.constant 0 : i32
      %dma_start3A_1393 = tpu.memref_slice %arg9[%dma_start3A_1390, %dma_start3A_1391, %dma_start3A_1392] : memref<16x8x128xf32, #tpu.memory_space<vmem>> -> memref<2x8x128xf32, #tpu.memory_space<vmem>>
      tpu.enqueue_dma source(%dma_start3A_1393 : memref<2x8x128xf32, #tpu.memory_space<vmem>>) target(%dma_start3A_1389 : memref<2x8x128xf32, #tpu.memory_space<hbm>>) target_semaphore(%arg13 : memref<!tpu.dma_semaphore, #tpu.memory_space<semaphore_mem>>)
      %dma_start3A_1394 = arith.constant 1 : i32
      %dma_start3A_1395 = arith.constant 2 : i32
      %dma_start3A_1396 = arith.constant 0 : i32
      %dma_start3A_1397 = arith.constant 0 : i32
      %dma_start3A_1398 = tpu.memref_slice %arg9[%dma_start3A_1395, %dma_start3A_1396, %dma_start3A_1397] : memref<16x8x128xf32, #tpu.memory_space<vmem>> -> memref<2x8x128xf32, #tpu.memory_space<vmem>>
      %dma_start3A_1399 = arith.constant 0 : i32
      %dma_start3A_1400 = arith.constant 0 : i32
      %dma_start3A_1401 = tpu.memref_slice %arg4[%select_n3A_1336, %dma_start3A_1394, %select_n3A_1376, %dma_start3A_1399, %dma_start3A_1400] : memref<50x8x128x8x128xf32, #tpu.memory_space<hbm>> -> memref<1x1x2x8x128xf32, #tpu.memory_space<hbm>>
      %dma_start3A_1402 = tpu.memref_squeeze %dma_start3A_1401 : memref<1x1x2x8x128xf32, #tpu.memory_space<hbm>> -> memref<2x8x128xf32, #tpu.memory_space<hbm>>
      %dma_start3A_1403 = arith.constant 0 : i32
      %dma_start3A_1404 = arith.constant 0 : i32
      %dma_start3A_1405 = tpu.memref_slice %arg4[%select_n3A_1336, %dma_start3A_1394, %select_n3A_1376, %dma_start3A_1403, %dma_start3A_1404] : memref<50x8x128x8x128xf32, #tpu.memory_space<hbm>> -> memref<1x1x2x8x128xf32, #tpu.memory_space<hbm>>
      %dma_start3A_1406 = tpu.memref_squeeze %dma_start3A_1405 : memref<1x1x2x8x128xf32, #tpu.memory_space<hbm>> -> memref<2x8x128xf32, #tpu.memory_space<hbm>>
      %dma_start3A_1407 = arith.constant 2 : i32
      %dma_start3A_1408 = arith.constant 0 : i32
      %dma_start3A_1409 = arith.constant 0 : i32
      %dma_start3A_1410 = tpu.memref_slice %arg9[%dma_start3A_1407, %dma_start3A_1408, %dma_start3A_1409] : memref<16x8x128xf32, #tpu.memory_space<vmem>> -> memref<2x8x128xf32, #tpu.memory_space<vmem>>
      tpu.enqueue_dma source(%dma_start3A_1410 : memref<2x8x128xf32, #tpu.memory_space<vmem>>) target(%dma_start3A_1406 : memref<2x8x128xf32, #tpu.memory_space<hbm>>) target_semaphore(%arg13 : memref<!tpu.dma_semaphore, #tpu.memory_space<semaphore_mem>>)
      %dma_start3A_1411 = arith.constant 2 : i32
      %dma_start3A_1412 = arith.constant 4 : i32
      %dma_start3A_1413 = arith.constant 0 : i32
      %dma_start3A_1414 = arith.constant 0 : i32
      %dma_start3A_1415 = tpu.memref_slice %arg9[%dma_start3A_1412, %dma_start3A_1413, %dma_start3A_1414] : memref<16x8x128xf32, #tpu.memory_space<vmem>> -> memref<2x8x128xf32, #tpu.memory_space<vmem>>
      %dma_start3A_1416 = arith.constant 0 : i32
      %dma_start3A_1417 = arith.constant 0 : i32
      %dma_start3A_1418 = tpu.memref_slice %arg4[%select_n3A_1336, %dma_start3A_1411, %select_n3A_1376, %dma_start3A_1416, %dma_start3A_1417] : memref<50x8x128x8x128xf32, #tpu.memory_space<hbm>> -> memref<1x1x2x8x128xf32, #tpu.memory_space<hbm>>
      %dma_start3A_1419 = tpu.memref_squeeze %dma_start3A_1418 : memref<1x1x2x8x128xf32, #tpu.memory_space<hbm>> -> memref<2x8x128xf32, #tpu.memory_space<hbm>>
      %dma_start3A_1420 = arith.constant 0 : i32
      %dma_start3A_1421 = arith.constant 0 : i32
      %dma_start3A_1422 = tpu.memref_slice %arg4[%select_n3A_1336, %dma_start3A_1411, %select_n3A_1376, %dma_start3A_1420, %dma_start3A_1421] : memref<50x8x128x8x128xf32, #tpu.memory_space<hbm>> -> memref<1x1x2x8x128xf32, #tpu.memory_space<hbm>>
      %dma_start3A_1423 = tpu.memref_squeeze %dma_start3A_1422 : memref<1x1x2x8x128xf32, #tpu.memory_space<hbm>> -> memref<2x8x128xf32, #tpu.memory_space<hbm>>
      %dma_start3A_1424 = arith.constant 4 : i32
      %dma_start3A_1425 = arith.constant 0 : i32
      %dma_start3A_1426 = arith.constant 0 : i32
      %dma_start3A_1427 = tpu.memref_slice %arg9[%dma_start3A_1424, %dma_start3A_1425, %dma_start3A_1426] : memref<16x8x128xf32, #tpu.memory_space<vmem>> -> memref<2x8x128xf32, #tpu.memory_space<vmem>>
      tpu.enqueue_dma source(%dma_start3A_1427 : memref<2x8x128xf32, #tpu.memory_space<vmem>>) target(%dma_start3A_1423 : memref<2x8x128xf32, #tpu.memory_space<hbm>>) target_semaphore(%arg13 : memref<!tpu.dma_semaphore, #tpu.memory_space<semaphore_mem>>)
      %dma_start3A_1428 = arith.constant 3 : i32
      %dma_start3A_1429 = arith.constant 6 : i32
      %dma_start3A_1430 = arith.constant 0 : i32
      %dma_start3A_1431 = arith.constant 0 : i32
      %dma_start3A_1432 = tpu.memref_slice %arg9[%dma_start3A_1429, %dma_start3A_1430, %dma_start3A_1431] : memref<16x8x128xf32, #tpu.memory_space<vmem>> -> memref<2x8x128xf32, #tpu.memory_space<vmem>>
      %dma_start3A_1433 = arith.constant 0 : i32
      %dma_start3A_1434 = arith.constant 0 : i32
      %dma_start3A_1435 = tpu.memref_slice %arg4[%select_n3A_1336, %dma_start3A_1428, %select_n3A_1376, %dma_start3A_1433, %dma_start3A_1434] : memref<50x8x128x8x128xf32, #tpu.memory_space<hbm>> -> memref<1x1x2x8x128xf32, #tpu.memory_space<hbm>>
      %dma_start3A_1436 = tpu.memref_squeeze %dma_start3A_1435 : memref<1x1x2x8x128xf32, #tpu.memory_space<hbm>> -> memref<2x8x128xf32, #tpu.memory_space<hbm>>
      %dma_start3A_1437 = arith.constant 0 : i32
      %dma_start3A_1438 = arith.constant 0 : i32
      %dma_start3A_1439 = tpu.memref_slice %arg4[%select_n3A_1336, %dma_start3A_1428, %select_n3A_1376, %dma_start3A_1437, %dma_start3A_1438] : memref<50x8x128x8x128xf32, #tpu.memory_space<hbm>> -> memref<1x1x2x8x128xf32, #tpu.memory_space<hbm>>
      %dma_start3A_1440 = tpu.memref_squeeze %dma_start3A_1439 : memref<1x1x2x8x128xf32, #tpu.memory_space<hbm>> -> memref<2x8x128xf32, #tpu.memory_space<hbm>>
      %dma_start3A_1441 = arith.constant 6 : i32
      %dma_start3A_1442 = arith.constant 0 : i32
      %dma_start3A_1443 = arith.constant 0 : i32
      %dma_start3A_1444 = tpu.memref_slice %arg9[%dma_start3A_1441, %dma_start3A_1442, %dma_start3A_1443] : memref<16x8x128xf32, #tpu.memory_space<vmem>> -> memref<2x8x128xf32, #tpu.memory_space<vmem>>
      tpu.enqueue_dma source(%dma_start3A_1444 : memref<2x8x128xf32, #tpu.memory_space<vmem>>) target(%dma_start3A_1440 : memref<2x8x128xf32, #tpu.memory_space<hbm>>) target_semaphore(%arg13 : memref<!tpu.dma_semaphore, #tpu.memory_space<semaphore_mem>>)
      %dma_start3A_1445 = arith.constant 4 : i32
      %dma_start3A_1446 = arith.constant 8 : i32
      %dma_start3A_1447 = arith.constant 0 : i32
      %dma_start3A_1448 = arith.constant 0 : i32
      %dma_start3A_1449 = tpu.memref_slice %arg9[%dma_start3A_1446, %dma_start3A_1447, %dma_start3A_1448] : memref<16x8x128xf32, #tpu.memory_space<vmem>> -> memref<2x8x128xf32, #tpu.memory_space<vmem>>
      %dma_start3A_1450 = arith.constant 0 : i32
      %dma_start3A_1451 = arith.constant 0 : i32
      %dma_start3A_1452 = tpu.memref_slice %arg4[%select_n3A_1336, %dma_start3A_1445, %select_n3A_1376, %dma_start3A_1450, %dma_start3A_1451] : memref<50x8x128x8x128xf32, #tpu.memory_space<hbm>> -> memref<1x1x2x8x128xf32, #tpu.memory_space<hbm>>
      %dma_start3A_1453 = tpu.memref_squeeze %dma_start3A_1452 : memref<1x1x2x8x128xf32, #tpu.memory_space<hbm>> -> memref<2x8x128xf32, #tpu.memory_space<hbm>>
      %dma_start3A_1454 = arith.constant 0 : i32
      %dma_start3A_1455 = arith.constant 0 : i32
      %dma_start3A_1456 = tpu.memref_slice %arg4[%select_n3A_1336, %dma_start3A_1445, %select_n3A_1376, %dma_start3A_1454, %dma_start3A_1455] : memref<50x8x128x8x128xf32, #tpu.memory_space<hbm>> -> memref<1x1x2x8x128xf32, #tpu.memory_space<hbm>>
      %dma_start3A_1457 = tpu.memref_squeeze %dma_start3A_1456 : memref<1x1x2x8x128xf32, #tpu.memory_space<hbm>> -> memref<2x8x128xf32, #tpu.memory_space<hbm>>
      %dma_start3A_1458 = arith.constant 8 : i32
      %dma_start3A_1459 = arith.constant 0 : i32
      %dma_start3A_1460 = arith.constant 0 : i32
      %dma_start3A_1461 = tpu.memref_slice %arg9[%dma_start3A_1458, %dma_start3A_1459, %dma_start3A_1460] : memref<16x8x128xf32, #tpu.memory_space<vmem>> -> memref<2x8x128xf32, #tpu.memory_space<vmem>>
      tpu.enqueue_dma source(%dma_start3A_1461 : memref<2x8x128xf32, #tpu.memory_space<vmem>>) target(%dma_start3A_1457 : memref<2x8x128xf32, #tpu.memory_space<hbm>>) target_semaphore(%arg13 : memref<!tpu.dma_semaphore, #tpu.memory_space<semaphore_mem>>)
      %dma_start3A_1462 = arith.constant 5 : i32
      %dma_start3A_1463 = arith.constant 10 : i32
      %dma_start3A_1464 = arith.constant 0 : i32
      %dma_start3A_1465 = arith.constant 0 : i32
      %dma_start3A_1466 = tpu.memref_slice %arg9[%dma_start3A_1463, %dma_start3A_1464, %dma_start3A_1465] : memref<16x8x128xf32, #tpu.memory_space<vmem>> -> memref<2x8x128xf32, #tpu.memory_space<vmem>>
      %dma_start3A_1467 = arith.constant 0 : i32
      %dma_start3A_1468 = arith.constant 0 : i32
      %dma_start3A_1469 = tpu.memref_slice %arg4[%select_n3A_1336, %dma_start3A_1462, %select_n3A_1376, %dma_start3A_1467, %dma_start3A_1468] : memref<50x8x128x8x128xf32, #tpu.memory_space<hbm>> -> memref<1x1x2x8x128xf32, #tpu.memory_space<hbm>>
      %dma_start3A_1470 = tpu.memref_squeeze %dma_start3A_1469 : memref<1x1x2x8x128xf32, #tpu.memory_space<hbm>> -> memref<2x8x128xf32, #tpu.memory_space<hbm>>
      %dma_start3A_1471 = arith.constant 0 : i32
      %dma_start3A_1472 = arith.constant 0 : i32
      %dma_start3A_1473 = tpu.memref_slice %arg4[%select_n3A_1336, %dma_start3A_1462, %select_n3A_1376, %dma_start3A_1471, %dma_start3A_1472] : memref<50x8x128x8x128xf32, #tpu.memory_space<hbm>> -> memref<1x1x2x8x128xf32, #tpu.memory_space<hbm>>
      %dma_start3A_1474 = tpu.memref_squeeze %dma_start3A_1473 : memref<1x1x2x8x128xf32, #tpu.memory_space<hbm>> -> memref<2x8x128xf32, #tpu.memory_space<hbm>>
      %dma_start3A_1475 = arith.constant 10 : i32
      %dma_start3A_1476 = arith.constant 0 : i32
      %dma_start3A_1477 = arith.constant 0 : i32
      %dma_start3A_1478 = tpu.memref_slice %arg9[%dma_start3A_1475, %dma_start3A_1476, %dma_start3A_1477] : memref<16x8x128xf32, #tpu.memory_space<vmem>> -> memref<2x8x128xf32, #tpu.memory_space<vmem>>
      tpu.enqueue_dma source(%dma_start3A_1478 : memref<2x8x128xf32, #tpu.memory_space<vmem>>) target(%dma_start3A_1474 : memref<2x8x128xf32, #tpu.memory_space<hbm>>) target_semaphore(%arg13 : memref<!tpu.dma_semaphore, #tpu.memory_space<semaphore_mem>>)
      %dma_start3A_1479 = arith.constant 6 : i32
      %dma_start3A_1480 = arith.constant 12 : i32
      %dma_start3A_1481 = arith.constant 0 : i32
      %dma_start3A_1482 = arith.constant 0 : i32
      %dma_start3A_1483 = tpu.memref_slice %arg9[%dma_start3A_1480, %dma_start3A_1481, %dma_start3A_1482] : memref<16x8x128xf32, #tpu.memory_space<vmem>> -> memref<2x8x128xf32, #tpu.memory_space<vmem>>
      %dma_start3A_1484 = arith.constant 0 : i32
      %dma_start3A_1485 = arith.constant 0 : i32
      %dma_start3A_1486 = tpu.memref_slice %arg4[%select_n3A_1336, %dma_start3A_1479, %select_n3A_1376, %dma_start3A_1484, %dma_start3A_1485] : memref<50x8x128x8x128xf32, #tpu.memory_space<hbm>> -> memref<1x1x2x8x128xf32, #tpu.memory_space<hbm>>
      %dma_start3A_1487 = tpu.memref_squeeze %dma_start3A_1486 : memref<1x1x2x8x128xf32, #tpu.memory_space<hbm>> -> memref<2x8x128xf32, #tpu.memory_space<hbm>>
      %dma_start3A_1488 = arith.constant 0 : i32
      %dma_start3A_1489 = arith.constant 0 : i32
      %dma_start3A_1490 = tpu.memref_slice %arg4[%select_n3A_1336, %dma_start3A_1479, %select_n3A_1376, %dma_start3A_1488, %dma_start3A_1489] : memref<50x8x128x8x128xf32, #tpu.memory_space<hbm>> -> memref<1x1x2x8x128xf32, #tpu.memory_space<hbm>>
      %dma_start3A_1491 = tpu.memref_squeeze %dma_start3A_1490 : memref<1x1x2x8x128xf32, #tpu.memory_space<hbm>> -> memref<2x8x128xf32, #tpu.memory_space<hbm>>
      %dma_start3A_1492 = arith.constant 12 : i32
      %dma_start3A_1493 = arith.constant 0 : i32
      %dma_start3A_1494 = arith.constant 0 : i32
      %dma_start3A_1495 = tpu.memref_slice %arg9[%dma_start3A_1492, %dma_start3A_1493, %dma_start3A_1494] : memref<16x8x128xf32, #tpu.memory_space<vmem>> -> memref<2x8x128xf32, #tpu.memory_space<vmem>>
      tpu.enqueue_dma source(%dma_start3A_1495 : memref<2x8x128xf32, #tpu.memory_space<vmem>>) target(%dma_start3A_1491 : memref<2x8x128xf32, #tpu.memory_space<hbm>>) target_semaphore(%arg13 : memref<!tpu.dma_semaphore, #tpu.memory_space<semaphore_mem>>)
      %dma_start3A_1496 = arith.constant 7 : i32
      %dma_start3A_1497 = arith.constant 14 : i32
      %dma_start3A_1498 = arith.constant 0 : i32
      %dma_start3A_1499 = arith.constant 0 : i32
      %dma_start3A_1500 = tpu.memref_slice %arg9[%dma_start3A_1497, %dma_start3A_1498, %dma_start3A_1499] : memref<16x8x128xf32, #tpu.memory_space<vmem>> -> memref<2x8x128xf32, #tpu.memory_space<vmem>>
      %dma_start3A_1501 = arith.constant 0 : i32
      %dma_start3A_1502 = arith.constant 0 : i32
      %dma_start3A_1503 = tpu.memref_slice %arg4[%select_n3A_1336, %dma_start3A_1496, %select_n3A_1376, %dma_start3A_1501, %dma_start3A_1502] : memref<50x8x128x8x128xf32, #tpu.memory_space<hbm>> -> memref<1x1x2x8x128xf32, #tpu.memory_space<hbm>>
      %dma_start3A_1504 = tpu.memref_squeeze %dma_start3A_1503 : memref<1x1x2x8x128xf32, #tpu.memory_space<hbm>> -> memref<2x8x128xf32, #tpu.memory_space<hbm>>
      %dma_start3A_1505 = arith.constant 0 : i32
      %dma_start3A_1506 = arith.constant 0 : i32
      %dma_start3A_1507 = tpu.memref_slice %arg4[%select_n3A_1336, %dma_start3A_1496, %select_n3A_1376, %dma_start3A_1505, %dma_start3A_1506] : memref<50x8x128x8x128xf32, #tpu.memory_space<hbm>> -> memref<1x1x2x8x128xf32, #tpu.memory_space<hbm>>
      %dma_start3A_1508 = tpu.memref_squeeze %dma_start3A_1507 : memref<1x1x2x8x128xf32, #tpu.memory_space<hbm>> -> memref<2x8x128xf32, #tpu.memory_space<hbm>>
      %dma_start3A_1509 = arith.constant 14 : i32
      %dma_start3A_1510 = arith.constant 0 : i32
      %dma_start3A_1511 = arith.constant 0 : i32
      %dma_start3A_1512 = tpu.memref_slice %arg9[%dma_start3A_1509, %dma_start3A_1510, %dma_start3A_1511] : memref<16x8x128xf32, #tpu.memory_space<vmem>> -> memref<2x8x128xf32, #tpu.memory_space<vmem>>
      tpu.enqueue_dma source(%dma_start3A_1512 : memref<2x8x128xf32, #tpu.memory_space<vmem>>) target(%dma_start3A_1508 : memref<2x8x128xf32, #tpu.memory_space<hbm>>) target_semaphore(%arg13 : memref<!tpu.dma_semaphore, #tpu.memory_space<semaphore_mem>>)
      %add3A_1513 = arith.constant 2 : i32
      %add3A_1514 = arith.addi %add3A_1296, %add3A_1513 : i32
      %mul3A_1515 = arith.constant 256 : i32
      %mul3A_1516 = arith.muli %add3A_1514, %mul3A_1515 : i32
      %dma_start3A_1517 = tpu.memref_slice %arg5[%mul3A_1516] : memref<25600xi32, #tpu.memory_space<vmem>> -> memref<256xi32, #tpu.memory_space<vmem>>
      %dma_start3A_1518 = arith.constant 0 : i32
      %dma_start3A_1519 = arith.constant 0 : i32
      %dma_start3A_1520 = tpu.memref_slice %arg3[%dma_start3A_1518, %dma_start3A_1519] : memref<2000000x64xf32, #tpu.memory_space<hbm>> -> memref<2000000x64xf32, #tpu.memory_space<hbm>>
      tpu.enqueue_indirect_dma source(%dma_start3A_1520 : memref<2000000x64xf32, #tpu.memory_space<hbm>>) target(%arg7 : memref<256x64xf32, #tpu.memory_space<vmem>>) offsets(%dma_start3A_1517 : memref<256xi32, #tpu.memory_space<vmem>>) semaphore(%arg11 : memref<!tpu.dma_semaphore, #tpu.memory_space<semaphore_mem>>)
      %scan3A_1521 = arith.constant 0 : i32
      scf.yield %scan3A_1521 : i32
    }
    %scan3A_17 = arith.constant 49 : i32
    %dma_wait3A = arith.constant 0 : i32
    %dma_wait3A_18 = tpu.memref_slice %arg5[%dma_wait3A] : memref<25600xi32, #tpu.memory_space<vmem>> -> memref<256xi32, #tpu.memory_space<vmem>>
    %dma_wait3A_19 = arith.constant 0 : i32
    %dma_wait3A_20 = arith.constant 0 : i32
    %dma_wait3A_21 = tpu.memref_slice %arg3[%dma_wait3A_19, %dma_wait3A_20] : memref<2000000x64xf32, #tpu.memory_space<hbm>> -> memref<2000000x64xf32, #tpu.memory_space<hbm>>
    tpu.wait_indirect_dma semaphore(%arg10 : memref<!tpu.dma_semaphore, #tpu.memory_space<semaphore_mem>>) src(%dma_wait3A_21 : memref<2000000x64xf32, #tpu.memory_space<hbm>>) dst(%arg6 : memref<256x64xf32, #tpu.memory_space<vmem>>)
    %dma_wait3A_22 = arith.constant 0 : i32
    %dma_wait3A_23 = arith.constant 0 : i32
    %dma_wait3A_24 = arith.constant 0 : i32
    %dma_wait3A_25 = arith.constant 0 : i32
    %dma_wait3A_26 = arith.constant 0 : i32
    %dma_wait3A_27 = tpu.memref_slice %arg8[%dma_wait3A_24, %dma_wait3A_25, %dma_wait3A_26] : memref<16x8x128xf32, #tpu.memory_space<vmem>> -> memref<2x8x128xf32, #tpu.memory_space<vmem>>
    %dma_wait3A_28 = arith.constant 0 : i32
    %dma_wait3A_29 = arith.constant 0 : i32
    %dma_wait3A_30 = arith.constant 0 : i32
    %dma_wait3A_31 = tpu.memref_slice %arg4[%dma_wait3A_22, %dma_wait3A_23, %dma_wait3A_28, %dma_wait3A_29, %dma_wait3A_30] : memref<50x8x128x8x128xf32, #tpu.memory_space<hbm>> -> memref<1x1x2x8x128xf32, #tpu.memory_space<hbm>>
    %dma_wait3A_32 = tpu.memref_squeeze %dma_wait3A_31 : memref<1x1x2x8x128xf32, #tpu.memory_space<hbm>> -> memref<2x8x128xf32, #tpu.memory_space<hbm>>
    %dma_wait3A_33 = arith.constant 0 : i32
    %dma_wait3A_34 = arith.constant 0 : i32
    %dma_wait3A_35 = arith.constant 0 : i32
    %dma_wait3A_36 = tpu.memref_slice %arg4[%dma_wait3A_22, %dma_wait3A_23, %dma_wait3A_33, %dma_wait3A_34, %dma_wait3A_35] : memref<50x8x128x8x128xf32, #tpu.memory_space<hbm>> -> memref<1x1x2x8x128xf32, #tpu.memory_space<hbm>>
    %dma_wait3A_37 = tpu.memref_squeeze %dma_wait3A_36 : memref<1x1x2x8x128xf32, #tpu.memory_space<hbm>> -> memref<2x8x128xf32, #tpu.memory_space<hbm>>
    %dma_wait3A_38 = arith.constant 0 : i32
    %dma_wait3A_39 = arith.constant 0 : i32
    %dma_wait3A_40 = arith.constant 0 : i32
    %dma_wait3A_41 = tpu.memref_slice %arg8[%dma_wait3A_38, %dma_wait3A_39, %dma_wait3A_40] : memref<16x8x128xf32, #tpu.memory_space<vmem>> -> memref<2x8x128xf32, #tpu.memory_space<vmem>>
    tpu.wait_dma2 semaphore(%arg12 : memref<!tpu.dma_semaphore, #tpu.memory_space<semaphore_mem>>) src(%dma_wait3A_41 : memref<2x8x128xf32, #tpu.memory_space<vmem>>) dst(%dma_wait3A_37 : memref<2x8x128xf32, #tpu.memory_space<hbm>>)
    %dma_wait3A_42 = arith.constant 0 : i32
    %dma_wait3A_43 = arith.constant 1 : i32
    %dma_wait3A_44 = arith.constant 2 : i32
    %dma_wait3A_45 = arith.constant 0 : i32
    %dma_wait3A_46 = arith.constant 0 : i32
    %dma_wait3A_47 = tpu.memref_slice %arg8[%dma_wait3A_44, %dma_wait3A_45, %dma_wait3A_46] : memref<16x8x128xf32, #tpu.memory_space<vmem>> -> memref<2x8x128xf32, #tpu.memory_space<vmem>>
    %dma_wait3A_48 = arith.constant 0 : i32
    %dma_wait3A_49 = arith.constant 0 : i32
    %dma_wait3A_50 = arith.constant 0 : i32
    %dma_wait3A_51 = tpu.memref_slice %arg4[%dma_wait3A_42, %dma_wait3A_43, %dma_wait3A_48, %dma_wait3A_49, %dma_wait3A_50] : memref<50x8x128x8x128xf32, #tpu.memory_space<hbm>> -> memref<1x1x2x8x128xf32, #tpu.memory_space<hbm>>
    %dma_wait3A_52 = tpu.memref_squeeze %dma_wait3A_51 : memref<1x1x2x8x128xf32, #tpu.memory_space<hbm>> -> memref<2x8x128xf32, #tpu.memory_space<hbm>>
    %dma_wait3A_53 = arith.constant 0 : i32
    %dma_wait3A_54 = arith.constant 0 : i32
    %dma_wait3A_55 = arith.constant 0 : i32
    %dma_wait3A_56 = tpu.memref_slice %arg4[%dma_wait3A_42, %dma_wait3A_43, %dma_wait3A_53, %dma_wait3A_54, %dma_wait3A_55] : memref<50x8x128x8x128xf32, #tpu.memory_space<hbm>> -> memref<1x1x2x8x128xf32, #tpu.memory_space<hbm>>
    %dma_wait3A_57 = tpu.memref_squeeze %dma_wait3A_56 : memref<1x1x2x8x128xf32, #tpu.memory_space<hbm>> -> memref<2x8x128xf32, #tpu.memory_space<hbm>>
    %dma_wait3A_58 = arith.constant 2 : i32
    %dma_wait3A_59 = arith.constant 0 : i32
    %dma_wait3A_60 = arith.constant 0 : i32
    %dma_wait3A_61 = tpu.memref_slice %arg8[%dma_wait3A_58, %dma_wait3A_59, %dma_wait3A_60] : memref<16x8x128xf32, #tpu.memory_space<vmem>> -> memref<2x8x128xf32, #tpu.memory_space<vmem>>
    tpu.wait_dma2 semaphore(%arg12 : memref<!tpu.dma_semaphore, #tpu.memory_space<semaphore_mem>>) src(%dma_wait3A_61 : memref<2x8x128xf32, #tpu.memory_space<vmem>>) dst(%dma_wait3A_57 : memref<2x8x128xf32, #tpu.memory_space<hbm>>)
    %dma_wait3A_62 = arith.constant 0 : i32
    %dma_wait3A_63 = arith.constant 2 : i32
    %dma_wait3A_64 = arith.constant 4 : i32
    %dma_wait3A_65 = arith.constant 0 : i32
    %dma_wait3A_66 = arith.constant 0 : i32
    %dma_wait3A_67 = tpu.memref_slice %arg8[%dma_wait3A_64, %dma_wait3A_65, %dma_wait3A_66] : memref<16x8x128xf32, #tpu.memory_space<vmem>> -> memref<2x8x128xf32, #tpu.memory_space<vmem>>
    %dma_wait3A_68 = arith.constant 0 : i32
    %dma_wait3A_69 = arith.constant 0 : i32
    %dma_wait3A_70 = arith.constant 0 : i32
    %dma_wait3A_71 = tpu.memref_slice %arg4[%dma_wait3A_62, %dma_wait3A_63, %dma_wait3A_68, %dma_wait3A_69, %dma_wait3A_70] : memref<50x8x128x8x128xf32, #tpu.memory_space<hbm>> -> memref<1x1x2x8x128xf32, #tpu.memory_space<hbm>>
    %dma_wait3A_72 = tpu.memref_squeeze %dma_wait3A_71 : memref<1x1x2x8x128xf32, #tpu.memory_space<hbm>> -> memref<2x8x128xf32, #tpu.memory_space<hbm>>
    %dma_wait3A_73 = arith.constant 0 : i32
    %dma_wait3A_74 = arith.constant 0 : i32
    %dma_wait3A_75 = arith.constant 0 : i32
    %dma_wait3A_76 = tpu.memref_slice %arg4[%dma_wait3A_62, %dma_wait3A_63, %dma_wait3A_73, %dma_wait3A_74, %dma_wait3A_75] : memref<50x8x128x8x128xf32, #tpu.memory_space<hbm>> -> memref<1x1x2x8x128xf32, #tpu.memory_space<hbm>>
    %dma_wait3A_77 = tpu.memref_squeeze %dma_wait3A_76 : memref<1x1x2x8x128xf32, #tpu.memory_space<hbm>> -> memref<2x8x128xf32, #tpu.memory_space<hbm>>
    %dma_wait3A_78 = arith.constant 4 : i32
    %dma_wait3A_79 = arith.constant 0 : i32
    %dma_wait3A_80 = arith.constant 0 : i32
    %dma_wait3A_81 = tpu.memref_slice %arg8[%dma_wait3A_78, %dma_wait3A_79, %dma_wait3A_80] : memref<16x8x128xf32, #tpu.memory_space<vmem>> -> memref<2x8x128xf32, #tpu.memory_space<vmem>>
    tpu.wait_dma2 semaphore(%arg12 : memref<!tpu.dma_semaphore, #tpu.memory_space<semaphore_mem>>) src(%dma_wait3A_81 : memref<2x8x128xf32, #tpu.memory_space<vmem>>) dst(%dma_wait3A_77 : memref<2x8x128xf32, #tpu.memory_space<hbm>>)
    %dma_wait3A_82 = arith.constant 0 : i32
    %dma_wait3A_83 = arith.constant 3 : i32
    %dma_wait3A_84 = arith.constant 6 : i32
    %dma_wait3A_85 = arith.constant 0 : i32
    %dma_wait3A_86 = arith.constant 0 : i32
    %dma_wait3A_87 = tpu.memref_slice %arg8[%dma_wait3A_84, %dma_wait3A_85, %dma_wait3A_86] : memref<16x8x128xf32, #tpu.memory_space<vmem>> -> memref<2x8x128xf32, #tpu.memory_space<vmem>>
    %dma_wait3A_88 = arith.constant 0 : i32
    %dma_wait3A_89 = arith.constant 0 : i32
    %dma_wait3A_90 = arith.constant 0 : i32
    %dma_wait3A_91 = tpu.memref_slice %arg4[%dma_wait3A_82, %dma_wait3A_83, %dma_wait3A_88, %dma_wait3A_89, %dma_wait3A_90] : memref<50x8x128x8x128xf32, #tpu.memory_space<hbm>> -> memref<1x1x2x8x128xf32, #tpu.memory_space<hbm>>
    %dma_wait3A_92 = tpu.memref_squeeze %dma_wait3A_91 : memref<1x1x2x8x128xf32, #tpu.memory_space<hbm>> -> memref<2x8x128xf32, #tpu.memory_space<hbm>>
    %dma_wait3A_93 = arith.constant 0 : i32
    %dma_wait3A_94 = arith.constant 0 : i32
    %dma_wait3A_95 = arith.constant 0 : i32
    %dma_wait3A_96 = tpu.memref_slice %arg4[%dma_wait3A_82, %dma_wait3A_83, %dma_wait3A_93, %dma_wait3A_94, %dma_wait3A_95] : memref<50x8x128x8x128xf32, #tpu.memory_space<hbm>> -> memref<1x1x2x8x128xf32, #tpu.memory_space<hbm>>
    %dma_wait3A_97 = tpu.memref_squeeze %dma_wait3A_96 : memref<1x1x2x8x128xf32, #tpu.memory_space<hbm>> -> memref<2x8x128xf32, #tpu.memory_space<hbm>>
    %dma_wait3A_98 = arith.constant 6 : i32
    %dma_wait3A_99 = arith.constant 0 : i32
    %dma_wait3A_100 = arith.constant 0 : i32
    %dma_wait3A_101 = tpu.memref_slice %arg8[%dma_wait3A_98, %dma_wait3A_99, %dma_wait3A_100] : memref<16x8x128xf32, #tpu.memory_space<vmem>> -> memref<2x8x128xf32, #tpu.memory_space<vmem>>
    tpu.wait_dma2 semaphore(%arg12 : memref<!tpu.dma_semaphore, #tpu.memory_space<semaphore_mem>>) src(%dma_wait3A_101 : memref<2x8x128xf32, #tpu.memory_space<vmem>>) dst(%dma_wait3A_97 : memref<2x8x128xf32, #tpu.memory_space<hbm>>)
    %dma_wait3A_102 = arith.constant 0 : i32
    %dma_wait3A_103 = arith.constant 4 : i32
    %dma_wait3A_104 = arith.constant 8 : i32
    %dma_wait3A_105 = arith.constant 0 : i32
    %dma_wait3A_106 = arith.constant 0 : i32
    %dma_wait3A_107 = tpu.memref_slice %arg8[%dma_wait3A_104, %dma_wait3A_105, %dma_wait3A_106] : memref<16x8x128xf32, #tpu.memory_space<vmem>> -> memref<2x8x128xf32, #tpu.memory_space<vmem>>
    %dma_wait3A_108 = arith.constant 0 : i32
    %dma_wait3A_109 = arith.constant 0 : i32
    %dma_wait3A_110 = arith.constant 0 : i32
    %dma_wait3A_111 = tpu.memref_slice %arg4[%dma_wait3A_102, %dma_wait3A_103, %dma_wait3A_108, %dma_wait3A_109, %dma_wait3A_110] : memref<50x8x128x8x128xf32, #tpu.memory_space<hbm>> -> memref<1x1x2x8x128xf32, #tpu.memory_space<hbm>>
    %dma_wait3A_112 = tpu.memref_squeeze %dma_wait3A_111 : memref<1x1x2x8x128xf32, #tpu.memory_space<hbm>> -> memref<2x8x128xf32, #tpu.memory_space<hbm>>
    %dma_wait3A_113 = arith.constant 0 : i32
    %dma_wait3A_114 = arith.constant 0 : i32
    %dma_wait3A_115 = arith.constant 0 : i32
    %dma_wait3A_116 = tpu.memref_slice %arg4[%dma_wait3A_102, %dma_wait3A_103, %dma_wait3A_113, %dma_wait3A_114, %dma_wait3A_115] : memref<50x8x128x8x128xf32, #tpu.memory_space<hbm>> -> memref<1x1x2x8x128xf32, #tpu.memory_space<hbm>>
    %dma_wait3A_117 = tpu.memref_squeeze %dma_wait3A_116 : memref<1x1x2x8x128xf32, #tpu.memory_space<hbm>> -> memref<2x8x128xf32, #tpu.memory_space<hbm>>
    %dma_wait3A_118 = arith.constant 8 : i32
    %dma_wait3A_119 = arith.constant 0 : i32
    %dma_wait3A_120 = arith.constant 0 : i32
    %dma_wait3A_121 = tpu.memref_slice %arg8[%dma_wait3A_118, %dma_wait3A_119, %dma_wait3A_120] : memref<16x8x128xf32, #tpu.memory_space<vmem>> -> memref<2x8x128xf32, #tpu.memory_space<vmem>>
    tpu.wait_dma2 semaphore(%arg12 : memref<!tpu.dma_semaphore, #tpu.memory_space<semaphore_mem>>) src(%dma_wait3A_121 : memref<2x8x128xf32, #tpu.memory_space<vmem>>) dst(%dma_wait3A_117 : memref<2x8x128xf32, #tpu.memory_space<hbm>>)
    %dma_wait3A_122 = arith.constant 0 : i32
    %dma_wait3A_123 = arith.constant 5 : i32
    %dma_wait3A_124 = arith.constant 10 : i32
    %dma_wait3A_125 = arith.constant 0 : i32
    %dma_wait3A_126 = arith.constant 0 : i32
    %dma_wait3A_127 = tpu.memref_slice %arg8[%dma_wait3A_124, %dma_wait3A_125, %dma_wait3A_126] : memref<16x8x128xf32, #tpu.memory_space<vmem>> -> memref<2x8x128xf32, #tpu.memory_space<vmem>>
    %dma_wait3A_128 = arith.constant 0 : i32
    %dma_wait3A_129 = arith.constant 0 : i32
    %dma_wait3A_130 = arith.constant 0 : i32
    %dma_wait3A_131 = tpu.memref_slice %arg4[%dma_wait3A_122, %dma_wait3A_123, %dma_wait3A_128, %dma_wait3A_129, %dma_wait3A_130] : memref<50x8x128x8x128xf32, #tpu.memory_space<hbm>> -> memref<1x1x2x8x128xf32, #tpu.memory_space<hbm>>
    %dma_wait3A_132 = tpu.memref_squeeze %dma_wait3A_131 : memref<1x1x2x8x128xf32, #tpu.memory_space<hbm>> -> memref<2x8x128xf32, #tpu.memory_space<hbm>>
    %dma_wait3A_133 = arith.constant 0 : i32
    %dma_wait3A_134 = arith.constant 0 : i32
    %dma_wait3A_135 = arith.constant 0 : i32
    %dma_wait3A_136 = tpu.memref_slice %arg4[%dma_wait3A_122, %dma_wait3A_123, %dma_wait3A_133, %dma_wait3A_134, %dma_wait3A_135] : memref<50x8x128x8x128xf32, #tpu.memory_space<hbm>> -> memref<1x1x2x8x128xf32, #tpu.memory_space<hbm>>
    %dma_wait3A_137 = tpu.memref_squeeze %dma_wait3A_136 : memref<1x1x2x8x128xf32, #tpu.memory_space<hbm>> -> memref<2x8x128xf32, #tpu.memory_space<hbm>>
    %dma_wait3A_138 = arith.constant 10 : i32
    %dma_wait3A_139 = arith.constant 0 : i32
    %dma_wait3A_140 = arith.constant 0 : i32
    %dma_wait3A_141 = tpu.memref_slice %arg8[%dma_wait3A_138, %dma_wait3A_139, %dma_wait3A_140] : memref<16x8x128xf32, #tpu.memory_space<vmem>> -> memref<2x8x128xf32, #tpu.memory_space<vmem>>
    tpu.wait_dma2 semaphore(%arg12 : memref<!tpu.dma_semaphore, #tpu.memory_space<semaphore_mem>>) src(%dma_wait3A_141 : memref<2x8x128xf32, #tpu.memory_space<vmem>>) dst(%dma_wait3A_137 : memref<2x8x128xf32, #tpu.memory_space<hbm>>)
    %dma_wait3A_142 = arith.constant 0 : i32
    %dma_wait3A_143 = arith.constant 6 : i32
    %dma_wait3A_144 = arith.constant 12 : i32
    %dma_wait3A_145 = arith.constant 0 : i32
    %dma_wait3A_146 = arith.constant 0 : i32
    %dma_wait3A_147 = tpu.memref_slice %arg8[%dma_wait3A_144, %dma_wait3A_145, %dma_wait3A_146] : memref<16x8x128xf32, #tpu.memory_space<vmem>> -> memref<2x8x128xf32, #tpu.memory_space<vmem>>
    %dma_wait3A_148 = arith.constant 0 : i32
    %dma_wait3A_149 = arith.constant 0 : i32
    %dma_wait3A_150 = arith.constant 0 : i32
    %dma_wait3A_151 = tpu.memref_slice %arg4[%dma_wait3A_142, %dma_wait3A_143, %dma_wait3A_148, %dma_wait3A_149, %dma_wait3A_150] : memref<50x8x128x8x128xf32, #tpu.memory_space<hbm>> -> memref<1x1x2x8x128xf32, #tpu.memory_space<hbm>>
    %dma_wait3A_152 = tpu.memref_squeeze %dma_wait3A_151 : memref<1x1x2x8x128xf32, #tpu.memory_space<hbm>> -> memref<2x8x128xf32, #tpu.memory_space<hbm>>
    %dma_wait3A_153 = arith.constant 0 : i32
    %dma_wait3A_154 = arith.constant 0 : i32
    %dma_wait3A_155 = arith.constant 0 : i32
    %dma_wait3A_156 = tpu.memref_slice %arg4[%dma_wait3A_142, %dma_wait3A_143, %dma_wait3A_153, %dma_wait3A_154, %dma_wait3A_155] : memref<50x8x128x8x128xf32, #tpu.memory_space<hbm>> -> memref<1x1x2x8x128xf32, #tpu.memory_space<hbm>>
    %dma_wait3A_157 = tpu.memref_squeeze %dma_wait3A_156 : memref<1x1x2x8x128xf32, #tpu.memory_space<hbm>> -> memref<2x8x128xf32, #tpu.memory_space<hbm>>
    %dma_wait3A_158 = arith.constant 12 : i32
    %dma_wait3A_159 = arith.constant 0 : i32
    %dma_wait3A_160 = arith.constant 0 : i32
    %dma_wait3A_161 = tpu.memref_slice %arg8[%dma_wait3A_158, %dma_wait3A_159, %dma_wait3A_160] : memref<16x8x128xf32, #tpu.memory_space<vmem>> -> memref<2x8x128xf32, #tpu.memory_space<vmem>>
    tpu.wait_dma2 semaphore(%arg12 : memref<!tpu.dma_semaphore, #tpu.memory_space<semaphore_mem>>) src(%dma_wait3A_161 : memref<2x8x128xf32, #tpu.memory_space<vmem>>) dst(%dma_wait3A_157 : memref<2x8x128xf32, #tpu.memory_space<hbm>>)
    %dma_wait3A_162 = arith.constant 0 : i32
    %dma_wait3A_163 = arith.constant 7 : i32
    %dma_wait3A_164 = arith.constant 14 : i32
    %dma_wait3A_165 = arith.constant 0 : i32
    %dma_wait3A_166 = arith.constant 0 : i32
    %dma_wait3A_167 = tpu.memref_slice %arg8[%dma_wait3A_164, %dma_wait3A_165, %dma_wait3A_166] : memref<16x8x128xf32, #tpu.memory_space<vmem>> -> memref<2x8x128xf32, #tpu.memory_space<vmem>>
    %dma_wait3A_168 = arith.constant 0 : i32
    %dma_wait3A_169 = arith.constant 0 : i32
    %dma_wait3A_170 = arith.constant 0 : i32
    %dma_wait3A_171 = tpu.memref_slice %arg4[%dma_wait3A_162, %dma_wait3A_163, %dma_wait3A_168, %dma_wait3A_169, %dma_wait3A_170] : memref<50x8x128x8x128xf32, #tpu.memory_space<hbm>> -> memref<1x1x2x8x128xf32, #tpu.memory_space<hbm>>
    %dma_wait3A_172 = tpu.memref_squeeze %dma_wait3A_171 : memref<1x1x2x8x128xf32, #tpu.memory_space<hbm>> -> memref<2x8x128xf32, #tpu.memory_space<hbm>>
    %dma_wait3A_173 = arith.constant 0 : i32
    %dma_wait3A_174 = arith.constant 0 : i32
    %dma_wait3A_175 = arith.constant 0 : i32
    %dma_wait3A_176 = tpu.memref_slice %arg4[%dma_wait3A_162, %dma_wait3A_163, %dma_wait3A_173, %dma_wait3A_174, %dma_wait3A_175] : memref<50x8x128x8x128xf32, #tpu.memory_space<hbm>> -> memref<1x1x2x8x128xf32, #tpu.memory_space<hbm>>
    %dma_wait3A_177 = tpu.memref_squeeze %dma_wait3A_176 : memref<1x1x2x8x128xf32, #tpu.memory_space<hbm>> -> memref<2x8x128xf32, #tpu.memory_space<hbm>>
    %dma_wait3A_178 = arith.constant 14 : i32
    %dma_wait3A_179 = arith.constant 0 : i32
    %dma_wait3A_180 = arith.constant 0 : i32
    %dma_wait3A_181 = tpu.memref_slice %arg8[%dma_wait3A_178, %dma_wait3A_179, %dma_wait3A_180] : memref<16x8x128xf32, #tpu.memory_space<vmem>> -> memref<2x8x128xf32, #tpu.memory_space<vmem>>
    tpu.wait_dma2 semaphore(%arg12 : memref<!tpu.dma_semaphore, #tpu.memory_space<semaphore_mem>>) src(%dma_wait3A_181 : memref<2x8x128xf32, #tpu.memory_space<vmem>>) dst(%dma_wait3A_177 : memref<2x8x128xf32, #tpu.memory_space<hbm>>)
    %parallel_loop3A = arith.constant 0 : i32
    %parallel_loop3A_182 = arith.constant 256 : i32
    %parallel_loop3A_183 = arith.constant 1 : i32
    scf.for %parallel_loop3A_1066 = %parallel_loop3A to %parallel_loop3A_182 step %parallel_loop3A_183  : i32 {
      %parallel_loop3A_1067 = arith.constant 16 : i32
      %parallel_loop3A_1068 = arith.divsi %parallel_loop3A_1066, %parallel_loop3A_1067 : i32
      %parallel_loop3A_1069 = arith.constant 0 : i32
      %parallel_loop3A_1070 = arith.cmpi sgt, %parallel_loop3A_1066, %parallel_loop3A_1069 : i32
      %parallel_loop3A_1071 = arith.extui %parallel_loop3A_1070 : i1 to i32
      %parallel_loop3A_1072 = arith.constant 0 : i32
      %parallel_loop3A_1073 = arith.cmpi slt, %parallel_loop3A_1066, %parallel_loop3A_1072 : i32
      %parallel_loop3A_1074 = arith.extui %parallel_loop3A_1073 : i1 to i32
      %parallel_loop3A_1075 = arith.subi %parallel_loop3A_1071, %parallel_loop3A_1074 : i32
      %parallel_loop3A_1076 = arith.constant 0 : i32
      %parallel_loop3A_1077 = arith.cmpi sgt, %parallel_loop3A_1067, %parallel_loop3A_1076 : i32
      %parallel_loop3A_1078 = arith.extui %parallel_loop3A_1077 : i1 to i32
      %parallel_loop3A_1079 = arith.constant 0 : i32
      %parallel_loop3A_1080 = arith.cmpi slt, %parallel_loop3A_1067, %parallel_loop3A_1079 : i32
      %parallel_loop3A_1081 = arith.extui %parallel_loop3A_1080 : i1 to i32
      %parallel_loop3A_1082 = arith.subi %parallel_loop3A_1078, %parallel_loop3A_1081 : i32
      %parallel_loop3A_1083 = arith.cmpi ne, %parallel_loop3A_1075, %parallel_loop3A_1082 : i32
      %parallel_loop3A_1084 = arith.remsi %parallel_loop3A_1066, %parallel_loop3A_1067 : i32
      %parallel_loop3A_1085 = arith.constant 0 : i32
      %parallel_loop3A_1086 = arith.cmpi ne, %parallel_loop3A_1084, %parallel_loop3A_1085 : i32
      %parallel_loop3A_1087 = arith.andi %parallel_loop3A_1083, %parallel_loop3A_1086 : i1
      %parallel_loop3A_1088 = arith.constant 1 : i32
      %parallel_loop3A_1089 = arith.subi %parallel_loop3A_1068, %parallel_loop3A_1088 : i32
      %parallel_loop3A_1090 = arith.select %parallel_loop3A_1087, %parallel_loop3A_1089, %parallel_loop3A_1068 : i32
      %parallel_loop3A_1091 = arith.constant 16 : i32
      %parallel_loop3A_1092 = arith.constant 0 : i32
      %parallel_loop3A_1093 = arith.cmpi eq, %parallel_loop3A_1091, %parallel_loop3A_1092 : i32
      %parallel_loop3A_1094 = arith.constant 1 : i32
      %parallel_loop3A_1095 = arith.select %parallel_loop3A_1093, %parallel_loop3A_1094, %parallel_loop3A_1091 : i32
      %parallel_loop3A_1096 = arith.remsi %parallel_loop3A_1066, %parallel_loop3A_1095 : i32
      %parallel_loop3A_1097 = arith.constant 0 : i32
      %parallel_loop3A_1098 = arith.cmpi ne, %parallel_loop3A_1096, %parallel_loop3A_1097 : i32
      %parallel_loop3A_1099 = arith.constant 0 : i32
      %parallel_loop3A_1100 = arith.cmpi slt, %parallel_loop3A_1096, %parallel_loop3A_1099 : i32
      %parallel_loop3A_1101 = arith.constant 0 : i32
      %parallel_loop3A_1102 = arith.cmpi slt, %parallel_loop3A_1095, %parallel_loop3A_1101 : i32
      %parallel_loop3A_1103 = arith.xori %parallel_loop3A_1100, %parallel_loop3A_1102 : i1
      %parallel_loop3A_1104 = arith.andi %parallel_loop3A_1103, %parallel_loop3A_1098 : i1
      %parallel_loop3A_1105 = arith.addi %parallel_loop3A_1096, %parallel_loop3A_1095 : i32
      %parallel_loop3A_1106 = arith.select %parallel_loop3A_1104, %parallel_loop3A_1105, %parallel_loop3A_1096 : i32
      %parallel_loop3A_1107 = arith.constant 8 : i32
      %parallel_loop3A_1108 = arith.divsi %parallel_loop3A_1090, %parallel_loop3A_1107 : i32
      %parallel_loop3A_1109 = arith.constant 0 : i32
      %parallel_loop3A_1110 = arith.cmpi sgt, %parallel_loop3A_1090, %parallel_loop3A_1109 : i32
      %parallel_loop3A_1111 = arith.extui %parallel_loop3A_1110 : i1 to i32
      %parallel_loop3A_1112 = arith.constant 0 : i32
      %parallel_loop3A_1113 = arith.cmpi slt, %parallel_loop3A_1090, %parallel_loop3A_1112 : i32
      %parallel_loop3A_1114 = arith.extui %parallel_loop3A_1113 : i1 to i32
      %parallel_loop3A_1115 = arith.subi %parallel_loop3A_1111, %parallel_loop3A_1114 : i32
      %parallel_loop3A_1116 = arith.constant 0 : i32
      %parallel_loop3A_1117 = arith.cmpi sgt, %parallel_loop3A_1107, %parallel_loop3A_1116 : i32
      %parallel_loop3A_1118 = arith.extui %parallel_loop3A_1117 : i1 to i32
      %parallel_loop3A_1119 = arith.constant 0 : i32
      %parallel_loop3A_1120 = arith.cmpi slt, %parallel_loop3A_1107, %parallel_loop3A_1119 : i32
      %parallel_loop3A_1121 = arith.extui %parallel_loop3A_1120 : i1 to i32
      %parallel_loop3A_1122 = arith.subi %parallel_loop3A_1118, %parallel_loop3A_1121 : i32
      %parallel_loop3A_1123 = arith.cmpi ne, %parallel_loop3A_1115, %parallel_loop3A_1122 : i32
      %parallel_loop3A_1124 = arith.remsi %parallel_loop3A_1090, %parallel_loop3A_1107 : i32
      %parallel_loop3A_1125 = arith.constant 0 : i32
      %parallel_loop3A_1126 = arith.cmpi ne, %parallel_loop3A_1124, %parallel_loop3A_1125 : i32
      %parallel_loop3A_1127 = arith.andi %parallel_loop3A_1123, %parallel_loop3A_1126 : i1
      %parallel_loop3A_1128 = arith.constant 1 : i32
      %parallel_loop3A_1129 = arith.subi %parallel_loop3A_1108, %parallel_loop3A_1128 : i32
      %parallel_loop3A_1130 = arith.select %parallel_loop3A_1127, %parallel_loop3A_1129, %parallel_loop3A_1108 : i32
      %parallel_loop3A_1131 = arith.constant 16 : i32
      %parallel_loop3A_1132 = arith.muli %parallel_loop3A_1090, %parallel_loop3A_1131 : i32
      %parallel_loop3A_1133 = vector.broadcast %parallel_loop3A_1132 : i32 to vector<16xi32>
      %parallel_loop3A_1134 = arith.addi %iota3A, %parallel_loop3A_1133 : vector<16xi32>
      %parallel_loop3A_1135 = arith.constant 8 : i32
      %parallel_loop3A_1136 = arith.constant 0 : i32
      %parallel_loop3A_1137 = arith.cmpi eq, %parallel_loop3A_1135, %parallel_loop3A_1136 : i32
      %parallel_loop3A_1138 = arith.constant 1 : i32
      %parallel_loop3A_1139 = arith.select %parallel_loop3A_1137, %parallel_loop3A_1138, %parallel_loop3A_1135 : i32
      %parallel_loop3A_1140 = arith.remsi %parallel_loop3A_1090, %parallel_loop3A_1139 : i32
      %parallel_loop3A_1141 = arith.constant 0 : i32
      %parallel_loop3A_1142 = arith.cmpi ne, %parallel_loop3A_1140, %parallel_loop3A_1141 : i32
      %parallel_loop3A_1143 = arith.constant 0 : i32
      %parallel_loop3A_1144 = arith.cmpi slt, %parallel_loop3A_1140, %parallel_loop3A_1143 : i32
      %parallel_loop3A_1145 = arith.constant 0 : i32
      %parallel_loop3A_1146 = arith.cmpi slt, %parallel_loop3A_1139, %parallel_loop3A_1145 : i32
      %parallel_loop3A_1147 = arith.xori %parallel_loop3A_1144, %parallel_loop3A_1146 : i1
      %parallel_loop3A_1148 = arith.andi %parallel_loop3A_1147, %parallel_loop3A_1142 : i1
      %parallel_loop3A_1149 = arith.addi %parallel_loop3A_1140, %parallel_loop3A_1139 : i32
      %parallel_loop3A_1150 = arith.select %parallel_loop3A_1148, %parallel_loop3A_1149, %parallel_loop3A_1140 : i32
      %parallel_loop3A_1151 = arith.constant 16 : i32
      %parallel_loop3A_1152 = arith.muli %parallel_loop3A_1150, %parallel_loop3A_1151 : i32
      %parallel_loop3A_1153 = vector.broadcast %parallel_loop3A_1152 : i32 to vector<16xi32>
      %parallel_loop3A_1154 = arith.addi %iota3A, %parallel_loop3A_1153 : vector<16xi32>
      %parallel_loop3A_1155 = vector.broadcast %parallel_loop3A_1106 : i32 to vector<16xi32>
      %parallel_loop3A_1156 = arith.addi %iota3A, %parallel_loop3A_1155 : vector<16xi32>
      %parallel_loop3A_1157 = arith.constant 16 : i32
      %parallel_loop3A_1158 = arith.constant 0 : i32
      %parallel_loop3A_1159 = arith.cmpi eq, %parallel_loop3A_1157, %parallel_loop3A_1158 : i32
      %parallel_loop3A_1160 = arith.constant 1 : i32
      %parallel_loop3A_1161 = arith.select %parallel_loop3A_1159, %parallel_loop3A_1160, %parallel_loop3A_1157 : i32
      %parallel_loop3A_1162 = vector.broadcast %parallel_loop3A_1161 : i32 to vector<16xi32>
      %parallel_loop3A_1163 = arith.remsi %parallel_loop3A_1156, %parallel_loop3A_1162 : vector<16xi32>
      %parallel_loop3A_1164 = arith.constant 0 : i32
      %parallel_loop3A_1165 = vector.broadcast %parallel_loop3A_1164 : i32 to vector<16xi32>
      %parallel_loop3A_1166 = arith.cmpi ne, %parallel_loop3A_1163, %parallel_loop3A_1165 : vector<16xi32>
      %parallel_loop3A_1167 = arith.constant 0 : i32
      %parallel_loop3A_1168 = vector.broadcast %parallel_loop3A_1167 : i32 to vector<16xi32>
      %parallel_loop3A_1169 = arith.cmpi slt, %parallel_loop3A_1163, %parallel_loop3A_1168 : vector<16xi32>
      %parallel_loop3A_1170 = arith.constant 0 : i32
      %parallel_loop3A_1171 = arith.cmpi slt, %parallel_loop3A_1161, %parallel_loop3A_1170 : i32
      %parallel_loop3A_1172 = vector.broadcast %parallel_loop3A_1171 : i1 to vector<16xi1>
      %parallel_loop3A_1173 = vector.broadcast %parallel_loop3A_1172 : vector<16xi1> to vector<16xi1>
      %parallel_loop3A_1174 = arith.xori %parallel_loop3A_1169, %parallel_loop3A_1173 : vector<16xi1>
      %parallel_loop3A_1175 = arith.andi %parallel_loop3A_1174, %parallel_loop3A_1166 : vector<16xi1>
      %parallel_loop3A_1176 = vector.broadcast %parallel_loop3A_1161 : i32 to vector<16xi32>
      %parallel_loop3A_1177 = arith.addi %parallel_loop3A_1163, %parallel_loop3A_1176 : vector<16xi32>
      %parallel_loop3A_1178 = arith.select %parallel_loop3A_1175, %parallel_loop3A_1177, %parallel_loop3A_1163 : vector<16xi1>, vector<16xi32>
      %parallel_loop3A_1179 = arith.constant 8 : i32
      %parallel_loop3A_1180 = vector.broadcast %parallel_loop3A_1179 : i32 to vector<16xi32>
      %parallel_loop3A_1181 = arith.divsi %parallel_loop3A_1178, %parallel_loop3A_1180 : vector<16xi32>
      %parallel_loop3A_1182 = arith.constant 0 : i32
      %parallel_loop3A_1183 = vector.broadcast %parallel_loop3A_1182 : i32 to vector<16xi32>
      %parallel_loop3A_1184 = arith.cmpi sgt, %parallel_loop3A_1178, %parallel_loop3A_1183 : vector<16xi32>
      %parallel_loop3A_1185 = arith.extui %parallel_loop3A_1184 : vector<16xi1> to vector<16xi32>
      %parallel_loop3A_1186 = arith.constant 0 : i32
      %parallel_loop3A_1187 = vector.broadcast %parallel_loop3A_1186 : i32 to vector<16xi32>
      %parallel_loop3A_1188 = arith.cmpi slt, %parallel_loop3A_1178, %parallel_loop3A_1187 : vector<16xi32>
      %parallel_loop3A_1189 = arith.extui %parallel_loop3A_1188 : vector<16xi1> to vector<16xi32>
      %parallel_loop3A_1190 = arith.subi %parallel_loop3A_1185, %parallel_loop3A_1189 : vector<16xi32>
      %parallel_loop3A_1191 = arith.constant 0 : i32
      %parallel_loop3A_1192 = arith.cmpi sgt, %parallel_loop3A_1179, %parallel_loop3A_1191 : i32
      %parallel_loop3A_1193 = arith.extui %parallel_loop3A_1192 : i1 to i32
      %parallel_loop3A_1194 = arith.constant 0 : i32
      %parallel_loop3A_1195 = arith.cmpi slt, %parallel_loop3A_1179, %parallel_loop3A_1194 : i32
      %parallel_loop3A_1196 = arith.extui %parallel_loop3A_1195 : i1 to i32
      %parallel_loop3A_1197 = arith.subi %parallel_loop3A_1193, %parallel_loop3A_1196 : i32
      %parallel_loop3A_1198 = vector.broadcast %parallel_loop3A_1197 : i32 to vector<16xi32>
      %parallel_loop3A_1199 = arith.cmpi ne, %parallel_loop3A_1190, %parallel_loop3A_1198 : vector<16xi32>
      %parallel_loop3A_1200 = vector.broadcast %parallel_loop3A_1179 : i32 to vector<16xi32>
      %parallel_loop3A_1201 = arith.remsi %parallel_loop3A_1178, %parallel_loop3A_1200 : vector<16xi32>
      %parallel_loop3A_1202 = arith.constant 0 : i32
      %parallel_loop3A_1203 = vector.broadcast %parallel_loop3A_1202 : i32 to vector<16xi32>
      %parallel_loop3A_1204 = arith.cmpi ne, %parallel_loop3A_1201, %parallel_loop3A_1203 : vector<16xi32>
      %parallel_loop3A_1205 = arith.andi %parallel_loop3A_1199, %parallel_loop3A_1204 : vector<16xi1>
      %parallel_loop3A_1206 = arith.constant 1 : i32
      %parallel_loop3A_1207 = vector.broadcast %parallel_loop3A_1206 : i32 to vector<16xi32>
      %parallel_loop3A_1208 = arith.subi %parallel_loop3A_1181, %parallel_loop3A_1207 : vector<16xi32>
      %parallel_loop3A_1209 = arith.select %parallel_loop3A_1205, %parallel_loop3A_1208, %parallel_loop3A_1181 : vector<16xi1>, vector<16xi32>
      %parallel_loop3A_1210 = arith.constant 2 : i32
      %parallel_loop3A_1211 = vector.broadcast %parallel_loop3A_1210 : i32 to vector<16xi32>
      %parallel_loop3A_1212 = arith.muli %parallel_loop3A_1209, %parallel_loop3A_1211 : vector<16xi32>
      %parallel_loop3A_1213 = arith.constant 8 : i32
      %parallel_loop3A_1214 = arith.constant 0 : i32
      %parallel_loop3A_1215 = arith.cmpi eq, %parallel_loop3A_1213, %parallel_loop3A_1214 : i32
      %parallel_loop3A_1216 = arith.constant 1 : i32
      %parallel_loop3A_1217 = arith.select %parallel_loop3A_1215, %parallel_loop3A_1216, %parallel_loop3A_1213 : i32
      %parallel_loop3A_1218 = vector.broadcast %parallel_loop3A_1217 : i32 to vector<16xi32>
      %parallel_loop3A_1219 = arith.remsi %parallel_loop3A_1178, %parallel_loop3A_1218 : vector<16xi32>
      %parallel_loop3A_1220 = arith.constant 0 : i32
      %parallel_loop3A_1221 = vector.broadcast %parallel_loop3A_1220 : i32 to vector<16xi32>
      %parallel_loop3A_1222 = arith.cmpi ne, %parallel_loop3A_1219, %parallel_loop3A_1221 : vector<16xi32>
      %parallel_loop3A_1223 = arith.constant 0 : i32
      %parallel_loop3A_1224 = vector.broadcast %parallel_loop3A_1223 : i32 to vector<16xi32>
      %parallel_loop3A_1225 = arith.cmpi slt, %parallel_loop3A_1219, %parallel_loop3A_1224 : vector<16xi32>
      %parallel_loop3A_1226 = arith.constant 0 : i32
      %parallel_loop3A_1227 = arith.cmpi slt, %parallel_loop3A_1217, %parallel_loop3A_1226 : i32
      %parallel_loop3A_1228 = vector.broadcast %parallel_loop3A_1227 : i1 to vector<16xi1>
      %parallel_loop3A_1229 = vector.broadcast %parallel_loop3A_1228 : vector<16xi1> to vector<16xi1>
      %parallel_loop3A_1230 = arith.xori %parallel_loop3A_1225, %parallel_loop3A_1229 : vector<16xi1>
      %parallel_loop3A_1231 = arith.andi %parallel_loop3A_1230, %parallel_loop3A_1222 : vector<16xi1>
      %parallel_loop3A_1232 = vector.broadcast %parallel_loop3A_1217 : i32 to vector<16xi32>
      %parallel_loop3A_1233 = arith.addi %parallel_loop3A_1219, %parallel_loop3A_1232 : vector<16xi32>
      %parallel_loop3A_1234 = arith.select %parallel_loop3A_1231, %parallel_loop3A_1233, %parallel_loop3A_1219 : vector<16xi1>, vector<16xi32>
      %parallel_loop3A_1235 = arith.constant 0 : i32
      %parallel_loop3A_1236 = vector.broadcast %parallel_loop3A_1235 : i32 to vector<16xi32>
      %parallel_loop3A_1237 = arith.addi %parallel_loop3A_1178, %parallel_loop3A_1236 : vector<16xi32>
      %parallel_loop3A_1238 = tpu.vector_load_idx %arg6[%parallel_loop3A_1134, %parallel_loop3A_1237] : memref<256x64xf32, #tpu.memory_space<vmem>>[vector<16xi32>, vector<16xi32>], vector<16xf32>,
      %parallel_loop3A_1239 = arith.constant 0 : i32
      %parallel_loop3A_1240 = arith.addi %parallel_loop3A_1239, %parallel_loop3A_1130 : i32
      %parallel_loop3A_1241 = vector.broadcast %parallel_loop3A_1240 : i32 to vector<16xi32>
      %parallel_loop3A_1242 = arith.addi %parallel_loop3A_1212, %parallel_loop3A_1241 : vector<16xi32>
      tpu.vector_store_idx %arg8[%parallel_loop3A_1242, %parallel_loop3A_1234, %parallel_loop3A_1154], %parallel_loop3A_1238 : memref<16x8x128xf32, #tpu.memory_space<vmem>>[vector<16xi32>, vector<16xi32>, vector<16xi32>], vector<16xf32>,
      %parallel_loop3A_1243 = arith.constant 16 : i32
      %parallel_loop3A_1244 = vector.broadcast %parallel_loop3A_1243 : i32 to vector<16xi32>
      %parallel_loop3A_1245 = arith.addi %parallel_loop3A_1178, %parallel_loop3A_1244 : vector<16xi32>
      %parallel_loop3A_1246 = tpu.vector_load_idx %arg6[%parallel_loop3A_1134, %parallel_loop3A_1245] : memref<256x64xf32, #tpu.memory_space<vmem>>[vector<16xi32>, vector<16xi32>], vector<16xf32>,
      %parallel_loop3A_1247 = arith.constant 4 : i32
      %parallel_loop3A_1248 = arith.addi %parallel_loop3A_1247, %parallel_loop3A_1130 : i32
      %parallel_loop3A_1249 = vector.broadcast %parallel_loop3A_1248 : i32 to vector<16xi32>
      %parallel_loop3A_1250 = arith.addi %parallel_loop3A_1212, %parallel_loop3A_1249 : vector<16xi32>
      tpu.vector_store_idx %arg8[%parallel_loop3A_1250, %parallel_loop3A_1234, %parallel_loop3A_1154], %parallel_loop3A_1246 : memref<16x8x128xf32, #tpu.memory_space<vmem>>[vector<16xi32>, vector<16xi32>, vector<16xi32>], vector<16xf32>,
      %parallel_loop3A_1251 = arith.constant 32 : i32
      %parallel_loop3A_1252 = vector.broadcast %parallel_loop3A_1251 : i32 to vector<16xi32>
      %parallel_loop3A_1253 = arith.addi %parallel_loop3A_1178, %parallel_loop3A_1252 : vector<16xi32>
      %parallel_loop3A_1254 = tpu.vector_load_idx %arg6[%parallel_loop3A_1134, %parallel_loop3A_1253] : memref<256x64xf32, #tpu.memory_space<vmem>>[vector<16xi32>, vector<16xi32>], vector<16xf32>,
      %parallel_loop3A_1255 = arith.constant 8 : i32
      %parallel_loop3A_1256 = arith.addi %parallel_loop3A_1255, %parallel_loop3A_1130 : i32
      %parallel_loop3A_1257 = vector.broadcast %parallel_loop3A_1256 : i32 to vector<16xi32>
      %parallel_loop3A_1258 = arith.addi %parallel_loop3A_1212, %parallel_loop3A_1257 : vector<16xi32>
      tpu.vector_store_idx %arg8[%parallel_loop3A_1258, %parallel_loop3A_1234, %parallel_loop3A_1154], %parallel_loop3A_1254 : memref<16x8x128xf32, #tpu.memory_space<vmem>>[vector<16xi32>, vector<16xi32>, vector<16xi32>], vector<16xf32>,
      %parallel_loop3A_1259 = arith.constant 48 : i32
      %parallel_loop3A_1260 = vector.broadcast %parallel_loop3A_1259 : i32 to vector<16xi32>
      %parallel_loop3A_1261 = arith.addi %parallel_loop3A_1178, %parallel_loop3A_1260 : vector<16xi32>
      %parallel_loop3A_1262 = tpu.vector_load_idx %arg6[%parallel_loop3A_1134, %parallel_loop3A_1261] : memref<256x64xf32, #tpu.memory_space<vmem>>[vector<16xi32>, vector<16xi32>], vector<16xf32>,
      %parallel_loop3A_1263 = arith.constant 12 : i32
      %parallel_loop3A_1264 = arith.addi %parallel_loop3A_1263, %parallel_loop3A_1130 : i32
      %parallel_loop3A_1265 = vector.broadcast %parallel_loop3A_1264 : i32 to vector<16xi32>
      %parallel_loop3A_1266 = arith.addi %parallel_loop3A_1212, %parallel_loop3A_1265 : vector<16xi32>
      tpu.vector_store_idx %arg8[%parallel_loop3A_1266, %parallel_loop3A_1234, %parallel_loop3A_1154], %parallel_loop3A_1262 : memref<16x8x128xf32, #tpu.memory_space<vmem>>[vector<16xi32>, vector<16xi32>, vector<16xi32>], vector<16xf32>,
    } {sc.loop_unroll_factor = 4 : i64, sc.parallel_access}
    %add3A_184 = arith.constant 25088 : i32
    %add3A_185 = arith.addi %mul3A_2, %add3A_184 : i32
    %jit3A = arith.constant 16384 : i32
    %div3A = arith.divsi %add3A_185, %jit3A : i32
    %sign3A = arith.constant 0 : i32
    %sign3A_186 = arith.cmpi sgt, %add3A_185, %sign3A : i32
    %sign3A_187 = arith.extui %sign3A_186 : i1 to i32
    %sign3A_188 = arith.constant 0 : i32
    %sign3A_189 = arith.cmpi slt, %add3A_185, %sign3A_188 : i32
    %sign3A_190 = arith.extui %sign3A_189 : i1 to i32
    %sign3A_191 = arith.subi %sign3A_187, %sign3A_190 : i32
    %sign3A_192 = arith.constant 0 : i32
    %sign3A_193 = arith.cmpi sgt, %jit3A, %sign3A_192 : i32
    %sign3A_194 = arith.extui %sign3A_193 : i1 to i32
    %sign3A_195 = arith.constant 0 : i32
    %sign3A_196 = arith.cmpi slt, %jit3A, %sign3A_195 : i32
    %sign3A_197 = arith.extui %sign3A_196 : i1 to i32
    %sign3A_198 = arith.subi %sign3A_194, %sign3A_197 : i32
    %ne3A = arith.cmpi ne, %sign3A_191, %sign3A_198 : i32
    %rem3A = arith.remsi %add3A_185, %jit3A : i32
    %ne3A_199 = arith.constant 0 : i32
    %ne3A_200 = arith.cmpi ne, %rem3A, %ne3A_199 : i32
    %and3A = arith.andi %ne3A, %ne3A_200 : i1
    %sub3A = arith.constant 1 : i32
    %sub3A_201 = arith.subi %div3A, %sub3A : i32
    %select_n3A = arith.select %and3A, %sub3A_201, %div3A : i32
    %jit3A_202 = arith.constant 16384 : i32
    %eq3A = arith.constant 0 : i32
    %eq3A_203 = arith.cmpi eq, %jit3A_202, %eq3A : i32
    %jit3A_204 = arith.constant 1 : i32
    %select_n3A_205 = arith.select %eq3A_203, %jit3A_204, %jit3A_202 : i32
    %rem3A_206 = arith.remsi %add3A_185, %select_n3A_205 : i32
    %ne3A_207 = arith.constant 0 : i32
    %ne3A_208 = arith.cmpi ne, %rem3A_206, %ne3A_207 : i32
    %lt3A = arith.constant 0 : i32
    %lt3A_209 = arith.cmpi slt, %rem3A_206, %lt3A : i32
    %lt3A_210 = arith.constant 0 : i32
    %lt3A_211 = arith.cmpi slt, %select_n3A_205, %lt3A_210 : i32
    %ne3A_212 = arith.xori %lt3A_209, %lt3A_211 : i1
    %and3A_213 = arith.andi %ne3A_212, %ne3A_208 : i1
    %add3A_214 = arith.addi %rem3A_206, %select_n3A_205 : i32
    %select_n3A_215 = arith.select %and3A_213, %add3A_214, %rem3A_206 : i32
    %jit3A_216 = arith.constant 128 : i32
    %div3A_217 = arith.divsi %select_n3A_215, %jit3A_216 : i32
    %sign3A_218 = arith.constant 0 : i32
    %sign3A_219 = arith.cmpi sgt, %select_n3A_215, %sign3A_218 : i32
    %sign3A_220 = arith.extui %sign3A_219 : i1 to i32
    %sign3A_221 = arith.constant 0 : i32
    %sign3A_222 = arith.cmpi slt, %select_n3A_215, %sign3A_221 : i32
    %sign3A_223 = arith.extui %sign3A_222 : i1 to i32
    %sign3A_224 = arith.subi %sign3A_220, %sign3A_223 : i32
    %sign3A_225 = arith.constant 0 : i32
    %sign3A_226 = arith.cmpi sgt, %jit3A_216, %sign3A_225 : i32
    %sign3A_227 = arith.extui %sign3A_226 : i1 to i32
    %sign3A_228 = arith.constant 0 : i32
    %sign3A_229 = arith.cmpi slt, %jit3A_216, %sign3A_228 : i32
    %sign3A_230 = arith.extui %sign3A_229 : i1 to i32
    %sign3A_231 = arith.subi %sign3A_227, %sign3A_230 : i32
    %ne3A_232 = arith.cmpi ne, %sign3A_224, %sign3A_231 : i32
    %rem3A_233 = arith.remsi %select_n3A_215, %jit3A_216 : i32
    %ne3A_234 = arith.constant 0 : i32
    %ne3A_235 = arith.cmpi ne, %rem3A_233, %ne3A_234 : i32
    %and3A_236 = arith.andi %ne3A_232, %ne3A_235 : i1
    %sub3A_237 = arith.constant 1 : i32
    %sub3A_238 = arith.subi %div3A_217, %sub3A_237 : i32
    %select_n3A_239 = arith.select %and3A_236, %sub3A_238, %div3A_217 : i32
    %dma_start3A_240 = arith.constant 0 : i32
    %dma_start3A_241 = arith.constant 0 : i32
    %dma_start3A_242 = arith.constant 0 : i32
    %dma_start3A_243 = arith.constant 0 : i32
    %dma_start3A_244 = tpu.memref_slice %arg8[%dma_start3A_241, %dma_start3A_242, %dma_start3A_243] : memref<16x8x128xf32, #tpu.memory_space<vmem>> -> memref<2x8x128xf32, #tpu.memory_space<vmem>>
    %dma_start3A_245 = arith.constant 0 : i32
    %dma_start3A_246 = arith.constant 0 : i32
    %dma_start3A_247 = tpu.memref_slice %arg4[%select_n3A, %dma_start3A_240, %select_n3A_239, %dma_start3A_245, %dma_start3A_246] : memref<50x8x128x8x128xf32, #tpu.memory_space<hbm>> -> memref<1x1x2x8x128xf32, #tpu.memory_space<hbm>>
    %dma_start3A_248 = tpu.memref_squeeze %dma_start3A_247 : memref<1x1x2x8x128xf32, #tpu.memory_space<hbm>> -> memref<2x8x128xf32, #tpu.memory_space<hbm>>
    %dma_start3A_249 = arith.constant 0 : i32
    %dma_start3A_250 = arith.constant 0 : i32
    %dma_start3A_251 = tpu.memref_slice %arg4[%select_n3A, %dma_start3A_240, %select_n3A_239, %dma_start3A_249, %dma_start3A_250] : memref<50x8x128x8x128xf32, #tpu.memory_space<hbm>> -> memref<1x1x2x8x128xf32, #tpu.memory_space<hbm>>
    %dma_start3A_252 = tpu.memref_squeeze %dma_start3A_251 : memref<1x1x2x8x128xf32, #tpu.memory_space<hbm>> -> memref<2x8x128xf32, #tpu.memory_space<hbm>>
    %dma_start3A_253 = arith.constant 0 : i32
    %dma_start3A_254 = arith.constant 0 : i32
    %dma_start3A_255 = arith.constant 0 : i32
    %dma_start3A_256 = tpu.memref_slice %arg8[%dma_start3A_253, %dma_start3A_254, %dma_start3A_255] : memref<16x8x128xf32, #tpu.memory_space<vmem>> -> memref<2x8x128xf32, #tpu.memory_space<vmem>>
    tpu.enqueue_dma source(%dma_start3A_256 : memref<2x8x128xf32, #tpu.memory_space<vmem>>) target(%dma_start3A_252 : memref<2x8x128xf32, #tpu.memory_space<hbm>>) target_semaphore(%arg12 : memref<!tpu.dma_semaphore, #tpu.memory_space<semaphore_mem>>)
    %dma_start3A_257 = arith.constant 1 : i32
    %dma_start3A_258 = arith.constant 2 : i32
    %dma_start3A_259 = arith.constant 0 : i32
    %dma_start3A_260 = arith.constant 0 : i32
    %dma_start3A_261 = tpu.memref_slice %arg8[%dma_start3A_258, %dma_start3A_259, %dma_start3A_260] : memref<16x8x128xf32, #tpu.memory_space<vmem>> -> memref<2x8x128xf32, #tpu.memory_space<vmem>>
    %dma_start3A_262 = arith.constant 0 : i32
    %dma_start3A_263 = arith.constant 0 : i32
    %dma_start3A_264 = tpu.memref_slice %arg4[%select_n3A, %dma_start3A_257, %select_n3A_239, %dma_start3A_262, %dma_start3A_263] : memref<50x8x128x8x128xf32, #tpu.memory_space<hbm>> -> memref<1x1x2x8x128xf32, #tpu.memory_space<hbm>>
    %dma_start3A_265 = tpu.memref_squeeze %dma_start3A_264 : memref<1x1x2x8x128xf32, #tpu.memory_space<hbm>> -> memref<2x8x128xf32, #tpu.memory_space<hbm>>
    %dma_start3A_266 = arith.constant 0 : i32
    %dma_start3A_267 = arith.constant 0 : i32
    %dma_start3A_268 = tpu.memref_slice %arg4[%select_n3A, %dma_start3A_257, %select_n3A_239, %dma_start3A_266, %dma_start3A_267] : memref<50x8x128x8x128xf32, #tpu.memory_space<hbm>> -> memref<1x1x2x8x128xf32, #tpu.memory_space<hbm>>
    %dma_start3A_269 = tpu.memref_squeeze %dma_start3A_268 : memref<1x1x2x8x128xf32, #tpu.memory_space<hbm>> -> memref<2x8x128xf32, #tpu.memory_space<hbm>>
    %dma_start3A_270 = arith.constant 2 : i32
    %dma_start3A_271 = arith.constant 0 : i32
    %dma_start3A_272 = arith.constant 0 : i32
    %dma_start3A_273 = tpu.memref_slice %arg8[%dma_start3A_270, %dma_start3A_271, %dma_start3A_272] : memref<16x8x128xf32, #tpu.memory_space<vmem>> -> memref<2x8x128xf32, #tpu.memory_space<vmem>>
    tpu.enqueue_dma source(%dma_start3A_273 : memref<2x8x128xf32, #tpu.memory_space<vmem>>) target(%dma_start3A_269 : memref<2x8x128xf32, #tpu.memory_space<hbm>>) target_semaphore(%arg12 : memref<!tpu.dma_semaphore, #tpu.memory_space<semaphore_mem>>)
    %dma_start3A_274 = arith.constant 2 : i32
    %dma_start3A_275 = arith.constant 4 : i32
    %dma_start3A_276 = arith.constant 0 : i32
    %dma_start3A_277 = arith.constant 0 : i32
    %dma_start3A_278 = tpu.memref_slice %arg8[%dma_start3A_275, %dma_start3A_276, %dma_start3A_277] : memref<16x8x128xf32, #tpu.memory_space<vmem>> -> memref<2x8x128xf32, #tpu.memory_space<vmem>>
    %dma_start3A_279 = arith.constant 0 : i32
    %dma_start3A_280 = arith.constant 0 : i32
    %dma_start3A_281 = tpu.memref_slice %arg4[%select_n3A, %dma_start3A_274, %select_n3A_239, %dma_start3A_279, %dma_start3A_280] : memref<50x8x128x8x128xf32, #tpu.memory_space<hbm>> -> memref<1x1x2x8x128xf32, #tpu.memory_space<hbm>>
    %dma_start3A_282 = tpu.memref_squeeze %dma_start3A_281 : memref<1x1x2x8x128xf32, #tpu.memory_space<hbm>> -> memref<2x8x128xf32, #tpu.memory_space<hbm>>
    %dma_start3A_283 = arith.constant 0 : i32
    %dma_start3A_284 = arith.constant 0 : i32
    %dma_start3A_285 = tpu.memref_slice %arg4[%select_n3A, %dma_start3A_274, %select_n3A_239, %dma_start3A_283, %dma_start3A_284] : memref<50x8x128x8x128xf32, #tpu.memory_space<hbm>> -> memref<1x1x2x8x128xf32, #tpu.memory_space<hbm>>
    %dma_start3A_286 = tpu.memref_squeeze %dma_start3A_285 : memref<1x1x2x8x128xf32, #tpu.memory_space<hbm>> -> memref<2x8x128xf32, #tpu.memory_space<hbm>>
    %dma_start3A_287 = arith.constant 4 : i32
    %dma_start3A_288 = arith.constant 0 : i32
    %dma_start3A_289 = arith.constant 0 : i32
    %dma_start3A_290 = tpu.memref_slice %arg8[%dma_start3A_287, %dma_start3A_288, %dma_start3A_289] : memref<16x8x128xf32, #tpu.memory_space<vmem>> -> memref<2x8x128xf32, #tpu.memory_space<vmem>>
    tpu.enqueue_dma source(%dma_start3A_290 : memref<2x8x128xf32, #tpu.memory_space<vmem>>) target(%dma_start3A_286 : memref<2x8x128xf32, #tpu.memory_space<hbm>>) target_semaphore(%arg12 : memref<!tpu.dma_semaphore, #tpu.memory_space<semaphore_mem>>)
    %dma_start3A_291 = arith.constant 3 : i32
    %dma_start3A_292 = arith.constant 6 : i32
    %dma_start3A_293 = arith.constant 0 : i32
    %dma_start3A_294 = arith.constant 0 : i32
    %dma_start3A_295 = tpu.memref_slice %arg8[%dma_start3A_292, %dma_start3A_293, %dma_start3A_294] : memref<16x8x128xf32, #tpu.memory_space<vmem>> -> memref<2x8x128xf32, #tpu.memory_space<vmem>>
    %dma_start3A_296 = arith.constant 0 : i32
    %dma_start3A_297 = arith.constant 0 : i32
    %dma_start3A_298 = tpu.memref_slice %arg4[%select_n3A, %dma_start3A_291, %select_n3A_239, %dma_start3A_296, %dma_start3A_297] : memref<50x8x128x8x128xf32, #tpu.memory_space<hbm>> -> memref<1x1x2x8x128xf32, #tpu.memory_space<hbm>>
    %dma_start3A_299 = tpu.memref_squeeze %dma_start3A_298 : memref<1x1x2x8x128xf32, #tpu.memory_space<hbm>> -> memref<2x8x128xf32, #tpu.memory_space<hbm>>
    %dma_start3A_300 = arith.constant 0 : i32
    %dma_start3A_301 = arith.constant 0 : i32
    %dma_start3A_302 = tpu.memref_slice %arg4[%select_n3A, %dma_start3A_291, %select_n3A_239, %dma_start3A_300, %dma_start3A_301] : memref<50x8x128x8x128xf32, #tpu.memory_space<hbm>> -> memref<1x1x2x8x128xf32, #tpu.memory_space<hbm>>
    %dma_start3A_303 = tpu.memref_squeeze %dma_start3A_302 : memref<1x1x2x8x128xf32, #tpu.memory_space<hbm>> -> memref<2x8x128xf32, #tpu.memory_space<hbm>>
    %dma_start3A_304 = arith.constant 6 : i32
    %dma_start3A_305 = arith.constant 0 : i32
    %dma_start3A_306 = arith.constant 0 : i32
    %dma_start3A_307 = tpu.memref_slice %arg8[%dma_start3A_304, %dma_start3A_305, %dma_start3A_306] : memref<16x8x128xf32, #tpu.memory_space<vmem>> -> memref<2x8x128xf32, #tpu.memory_space<vmem>>
    tpu.enqueue_dma source(%dma_start3A_307 : memref<2x8x128xf32, #tpu.memory_space<vmem>>) target(%dma_start3A_303 : memref<2x8x128xf32, #tpu.memory_space<hbm>>) target_semaphore(%arg12 : memref<!tpu.dma_semaphore, #tpu.memory_space<semaphore_mem>>)
    %dma_start3A_308 = arith.constant 4 : i32
    %dma_start3A_309 = arith.constant 8 : i32
    %dma_start3A_310 = arith.constant 0 : i32
    %dma_start3A_311 = arith.constant 0 : i32
    %dma_start3A_312 = tpu.memref_slice %arg8[%dma_start3A_309, %dma_start3A_310, %dma_start3A_311] : memref<16x8x128xf32, #tpu.memory_space<vmem>> -> memref<2x8x128xf32, #tpu.memory_space<vmem>>
    %dma_start3A_313 = arith.constant 0 : i32
    %dma_start3A_314 = arith.constant 0 : i32
    %dma_start3A_315 = tpu.memref_slice %arg4[%select_n3A, %dma_start3A_308, %select_n3A_239, %dma_start3A_313, %dma_start3A_314] : memref<50x8x128x8x128xf32, #tpu.memory_space<hbm>> -> memref<1x1x2x8x128xf32, #tpu.memory_space<hbm>>
    %dma_start3A_316 = tpu.memref_squeeze %dma_start3A_315 : memref<1x1x2x8x128xf32, #tpu.memory_space<hbm>> -> memref<2x8x128xf32, #tpu.memory_space<hbm>>
    %dma_start3A_317 = arith.constant 0 : i32
    %dma_start3A_318 = arith.constant 0 : i32
    %dma_start3A_319 = tpu.memref_slice %arg4[%select_n3A, %dma_start3A_308, %select_n3A_239, %dma_start3A_317, %dma_start3A_318] : memref<50x8x128x8x128xf32, #tpu.memory_space<hbm>> -> memref<1x1x2x8x128xf32, #tpu.memory_space<hbm>>
    %dma_start3A_320 = tpu.memref_squeeze %dma_start3A_319 : memref<1x1x2x8x128xf32, #tpu.memory_space<hbm>> -> memref<2x8x128xf32, #tpu.memory_space<hbm>>
    %dma_start3A_321 = arith.constant 8 : i32
    %dma_start3A_322 = arith.constant 0 : i32
    %dma_start3A_323 = arith.constant 0 : i32
    %dma_start3A_324 = tpu.memref_slice %arg8[%dma_start3A_321, %dma_start3A_322, %dma_start3A_323] : memref<16x8x128xf32, #tpu.memory_space<vmem>> -> memref<2x8x128xf32, #tpu.memory_space<vmem>>
    tpu.enqueue_dma source(%dma_start3A_324 : memref<2x8x128xf32, #tpu.memory_space<vmem>>) target(%dma_start3A_320 : memref<2x8x128xf32, #tpu.memory_space<hbm>>) target_semaphore(%arg12 : memref<!tpu.dma_semaphore, #tpu.memory_space<semaphore_mem>>)
    %dma_start3A_325 = arith.constant 5 : i32
    %dma_start3A_326 = arith.constant 10 : i32
    %dma_start3A_327 = arith.constant 0 : i32
    %dma_start3A_328 = arith.constant 0 : i32
    %dma_start3A_329 = tpu.memref_slice %arg8[%dma_start3A_326, %dma_start3A_327, %dma_start3A_328] : memref<16x8x128xf32, #tpu.memory_space<vmem>> -> memref<2x8x128xf32, #tpu.memory_space<vmem>>
    %dma_start3A_330 = arith.constant 0 : i32
    %dma_start3A_331 = arith.constant 0 : i32
    %dma_start3A_332 = tpu.memref_slice %arg4[%select_n3A, %dma_start3A_325, %select_n3A_239, %dma_start3A_330, %dma_start3A_331] : memref<50x8x128x8x128xf32, #tpu.memory_space<hbm>> -> memref<1x1x2x8x128xf32, #tpu.memory_space<hbm>>
    %dma_start3A_333 = tpu.memref_squeeze %dma_start3A_332 : memref<1x1x2x8x128xf32, #tpu.memory_space<hbm>> -> memref<2x8x128xf32, #tpu.memory_space<hbm>>
    %dma_start3A_334 = arith.constant 0 : i32
    %dma_start3A_335 = arith.constant 0 : i32
    %dma_start3A_336 = tpu.memref_slice %arg4[%select_n3A, %dma_start3A_325, %select_n3A_239, %dma_start3A_334, %dma_start3A_335] : memref<50x8x128x8x128xf32, #tpu.memory_space<hbm>> -> memref<1x1x2x8x128xf32, #tpu.memory_space<hbm>>
    %dma_start3A_337 = tpu.memref_squeeze %dma_start3A_336 : memref<1x1x2x8x128xf32, #tpu.memory_space<hbm>> -> memref<2x8x128xf32, #tpu.memory_space<hbm>>
    %dma_start3A_338 = arith.constant 10 : i32
    %dma_start3A_339 = arith.constant 0 : i32
    %dma_start3A_340 = arith.constant 0 : i32
    %dma_start3A_341 = tpu.memref_slice %arg8[%dma_start3A_338, %dma_start3A_339, %dma_start3A_340] : memref<16x8x128xf32, #tpu.memory_space<vmem>> -> memref<2x8x128xf32, #tpu.memory_space<vmem>>
    tpu.enqueue_dma source(%dma_start3A_341 : memref<2x8x128xf32, #tpu.memory_space<vmem>>) target(%dma_start3A_337 : memref<2x8x128xf32, #tpu.memory_space<hbm>>) target_semaphore(%arg12 : memref<!tpu.dma_semaphore, #tpu.memory_space<semaphore_mem>>)
    %dma_start3A_342 = arith.constant 6 : i32
    %dma_start3A_343 = arith.constant 12 : i32
    %dma_start3A_344 = arith.constant 0 : i32
    %dma_start3A_345 = arith.constant 0 : i32
    %dma_start3A_346 = tpu.memref_slice %arg8[%dma_start3A_343, %dma_start3A_344, %dma_start3A_345] : memref<16x8x128xf32, #tpu.memory_space<vmem>> -> memref<2x8x128xf32, #tpu.memory_space<vmem>>
    %dma_start3A_347 = arith.constant 0 : i32
    %dma_start3A_348 = arith.constant 0 : i32
    %dma_start3A_349 = tpu.memref_slice %arg4[%select_n3A, %dma_start3A_342, %select_n3A_239, %dma_start3A_347, %dma_start3A_348] : memref<50x8x128x8x128xf32, #tpu.memory_space<hbm>> -> memref<1x1x2x8x128xf32, #tpu.memory_space<hbm>>
    %dma_start3A_350 = tpu.memref_squeeze %dma_start3A_349 : memref<1x1x2x8x128xf32, #tpu.memory_space<hbm>> -> memref<2x8x128xf32, #tpu.memory_space<hbm>>
    %dma_start3A_351 = arith.constant 0 : i32
    %dma_start3A_352 = arith.constant 0 : i32
    %dma_start3A_353 = tpu.memref_slice %arg4[%select_n3A, %dma_start3A_342, %select_n3A_239, %dma_start3A_351, %dma_start3A_352] : memref<50x8x128x8x128xf32, #tpu.memory_space<hbm>> -> memref<1x1x2x8x128xf32, #tpu.memory_space<hbm>>
    %dma_start3A_354 = tpu.memref_squeeze %dma_start3A_353 : memref<1x1x2x8x128xf32, #tpu.memory_space<hbm>> -> memref<2x8x128xf32, #tpu.memory_space<hbm>>
    %dma_start3A_355 = arith.constant 12 : i32
    %dma_start3A_356 = arith.constant 0 : i32
    %dma_start3A_357 = arith.constant 0 : i32
    %dma_start3A_358 = tpu.memref_slice %arg8[%dma_start3A_355, %dma_start3A_356, %dma_start3A_357] : memref<16x8x128xf32, #tpu.memory_space<vmem>> -> memref<2x8x128xf32, #tpu.memory_space<vmem>>
    tpu.enqueue_dma source(%dma_start3A_358 : memref<2x8x128xf32, #tpu.memory_space<vmem>>) target(%dma_start3A_354 : memref<2x8x128xf32, #tpu.memory_space<hbm>>) target_semaphore(%arg12 : memref<!tpu.dma_semaphore, #tpu.memory_space<semaphore_mem>>)
    %dma_start3A_359 = arith.constant 7 : i32
    %dma_start3A_360 = arith.constant 14 : i32
    %dma_start3A_361 = arith.constant 0 : i32
    %dma_start3A_362 = arith.constant 0 : i32
    %dma_start3A_363 = tpu.memref_slice %arg8[%dma_start3A_360, %dma_start3A_361, %dma_start3A_362] : memref<16x8x128xf32, #tpu.memory_space<vmem>> -> memref<2x8x128xf32, #tpu.memory_space<vmem>>
    %dma_start3A_364 = arith.constant 0 : i32
    %dma_start3A_365 = arith.constant 0 : i32
    %dma_start3A_366 = tpu.memref_slice %arg4[%select_n3A, %dma_start3A_359, %select_n3A_239, %dma_start3A_364, %dma_start3A_365] : memref<50x8x128x8x128xf32, #tpu.memory_space<hbm>> -> memref<1x1x2x8x128xf32, #tpu.memory_space<hbm>>
    %dma_start3A_367 = tpu.memref_squeeze %dma_start3A_366 : memref<1x1x2x8x128xf32, #tpu.memory_space<hbm>> -> memref<2x8x128xf32, #tpu.memory_space<hbm>>
    %dma_start3A_368 = arith.constant 0 : i32
    %dma_start3A_369 = arith.constant 0 : i32
    %dma_start3A_370 = tpu.memref_slice %arg4[%select_n3A, %dma_start3A_359, %select_n3A_239, %dma_start3A_368, %dma_start3A_369] : memref<50x8x128x8x128xf32, #tpu.memory_space<hbm>> -> memref<1x1x2x8x128xf32, #tpu.memory_space<hbm>>
    %dma_start3A_371 = tpu.memref_squeeze %dma_start3A_370 : memref<1x1x2x8x128xf32, #tpu.memory_space<hbm>> -> memref<2x8x128xf32, #tpu.memory_space<hbm>>
    %dma_start3A_372 = arith.constant 14 : i32
    %dma_start3A_373 = arith.constant 0 : i32
    %dma_start3A_374 = arith.constant 0 : i32
    %dma_start3A_375 = tpu.memref_slice %arg8[%dma_start3A_372, %dma_start3A_373, %dma_start3A_374] : memref<16x8x128xf32, #tpu.memory_space<vmem>> -> memref<2x8x128xf32, #tpu.memory_space<vmem>>
    tpu.enqueue_dma source(%dma_start3A_375 : memref<2x8x128xf32, #tpu.memory_space<vmem>>) target(%dma_start3A_371 : memref<2x8x128xf32, #tpu.memory_space<hbm>>) target_semaphore(%arg12 : memref<!tpu.dma_semaphore, #tpu.memory_space<semaphore_mem>>)
    %dma_wait3A_376 = arith.constant 0 : i32
    %dma_wait3A_377 = tpu.memref_slice %arg5[%dma_wait3A_376] : memref<25600xi32, #tpu.memory_space<vmem>> -> memref<256xi32, #tpu.memory_space<vmem>>
    %dma_wait3A_378 = arith.constant 0 : i32
    %dma_wait3A_379 = arith.constant 0 : i32
    %dma_wait3A_380 = tpu.memref_slice %arg3[%dma_wait3A_378, %dma_wait3A_379] : memref<2000000x64xf32, #tpu.memory_space<hbm>> -> memref<2000000x64xf32, #tpu.memory_space<hbm>>
    tpu.wait_indirect_dma semaphore(%arg11 : memref<!tpu.dma_semaphore, #tpu.memory_space<semaphore_mem>>) src(%dma_wait3A_380 : memref<2000000x64xf32, #tpu.memory_space<hbm>>) dst(%arg7 : memref<256x64xf32, #tpu.memory_space<vmem>>)
    %dma_wait3A_381 = arith.constant 0 : i32
    %dma_wait3A_382 = arith.constant 0 : i32
    %dma_wait3A_383 = arith.constant 0 : i32
    %dma_wait3A_384 = arith.constant 0 : i32
    %dma_wait3A_385 = arith.constant 0 : i32
    %dma_wait3A_386 = tpu.memref_slice %arg9[%dma_wait3A_383, %dma_wait3A_384, %dma_wait3A_385] : memref<16x8x128xf32, #tpu.memory_space<vmem>> -> memref<2x8x128xf32, #tpu.memory_space<vmem>>
    %dma_wait3A_387 = arith.constant 0 : i32
    %dma_wait3A_388 = arith.constant 0 : i32
    %dma_wait3A_389 = arith.constant 0 : i32
    %dma_wait3A_390 = tpu.memref_slice %arg4[%dma_wait3A_381, %dma_wait3A_382, %dma_wait3A_387, %dma_wait3A_388, %dma_wait3A_389] : memref<50x8x128x8x128xf32, #tpu.memory_space<hbm>> -> memref<1x1x2x8x128xf32, #tpu.memory_space<hbm>>
    %dma_wait3A_391 = tpu.memref_squeeze %dma_wait3A_390 : memref<1x1x2x8x128xf32, #tpu.memory_space<hbm>> -> memref<2x8x128xf32, #tpu.memory_space<hbm>>
    %dma_wait3A_392 = arith.constant 0 : i32
    %dma_wait3A_393 = arith.constant 0 : i32
    %dma_wait3A_394 = arith.constant 0 : i32
    %dma_wait3A_395 = tpu.memref_slice %arg4[%dma_wait3A_381, %dma_wait3A_382, %dma_wait3A_392, %dma_wait3A_393, %dma_wait3A_394] : memref<50x8x128x8x128xf32, #tpu.memory_space<hbm>> -> memref<1x1x2x8x128xf32, #tpu.memory_space<hbm>>
    %dma_wait3A_396 = tpu.memref_squeeze %dma_wait3A_395 : memref<1x1x2x8x128xf32, #tpu.memory_space<hbm>> -> memref<2x8x128xf32, #tpu.memory_space<hbm>>
    %dma_wait3A_397 = arith.constant 0 : i32
    %dma_wait3A_398 = arith.constant 0 : i32
    %dma_wait3A_399 = arith.constant 0 : i32
    %dma_wait3A_400 = tpu.memref_slice %arg9[%dma_wait3A_397, %dma_wait3A_398, %dma_wait3A_399] : memref<16x8x128xf32, #tpu.memory_space<vmem>> -> memref<2x8x128xf32, #tpu.memory_space<vmem>>
    tpu.wait_dma2 semaphore(%arg13 : memref<!tpu.dma_semaphore, #tpu.memory_space<semaphore_mem>>) src(%dma_wait3A_400 : memref<2x8x128xf32, #tpu.memory_space<vmem>>) dst(%dma_wait3A_396 : memref<2x8x128xf32, #tpu.memory_space<hbm>>)
    %dma_wait3A_401 = arith.constant 0 : i32
    %dma_wait3A_402 = arith.constant 1 : i32
    %dma_wait3A_403 = arith.constant 2 : i32
    %dma_wait3A_404 = arith.constant 0 : i32
    %dma_wait3A_405 = arith.constant 0 : i32
    %dma_wait3A_406 = tpu.memref_slice %arg9[%dma_wait3A_403, %dma_wait3A_404, %dma_wait3A_405] : memref<16x8x128xf32, #tpu.memory_space<vmem>> -> memref<2x8x128xf32, #tpu.memory_space<vmem>>
    %dma_wait3A_407 = arith.constant 0 : i32
    %dma_wait3A_408 = arith.constant 0 : i32
    %dma_wait3A_409 = arith.constant 0 : i32
    %dma_wait3A_410 = tpu.memref_slice %arg4[%dma_wait3A_401, %dma_wait3A_402, %dma_wait3A_407, %dma_wait3A_408, %dma_wait3A_409] : memref<50x8x128x8x128xf32, #tpu.memory_space<hbm>> -> memref<1x1x2x8x128xf32, #tpu.memory_space<hbm>>
    %dma_wait3A_411 = tpu.memref_squeeze %dma_wait3A_410 : memref<1x1x2x8x128xf32, #tpu.memory_space<hbm>> -> memref<2x8x128xf32, #tpu.memory_space<hbm>>
    %dma_wait3A_412 = arith.constant 0 : i32
    %dma_wait3A_413 = arith.constant 0 : i32
    %dma_wait3A_414 = arith.constant 0 : i32
    %dma_wait3A_415 = tpu.memref_slice %arg4[%dma_wait3A_401, %dma_wait3A_402, %dma_wait3A_412, %dma_wait3A_413, %dma_wait3A_414] : memref<50x8x128x8x128xf32, #tpu.memory_space<hbm>> -> memref<1x1x2x8x128xf32, #tpu.memory_space<hbm>>
    %dma_wait3A_416 = tpu.memref_squeeze %dma_wait3A_415 : memref<1x1x2x8x128xf32, #tpu.memory_space<hbm>> -> memref<2x8x128xf32, #tpu.memory_space<hbm>>
    %dma_wait3A_417 = arith.constant 2 : i32
    %dma_wait3A_418 = arith.constant 0 : i32
    %dma_wait3A_419 = arith.constant 0 : i32
    %dma_wait3A_420 = tpu.memref_slice %arg9[%dma_wait3A_417, %dma_wait3A_418, %dma_wait3A_419] : memref<16x8x128xf32, #tpu.memory_space<vmem>> -> memref<2x8x128xf32, #tpu.memory_space<vmem>>
    tpu.wait_dma2 semaphore(%arg13 : memref<!tpu.dma_semaphore, #tpu.memory_space<semaphore_mem>>) src(%dma_wait3A_420 : memref<2x8x128xf32, #tpu.memory_space<vmem>>) dst(%dma_wait3A_416 : memref<2x8x128xf32, #tpu.memory_space<hbm>>)
    %dma_wait3A_421 = arith.constant 0 : i32
    %dma_wait3A_422 = arith.constant 2 : i32
    %dma_wait3A_423 = arith.constant 4 : i32
    %dma_wait3A_424 = arith.constant 0 : i32
    %dma_wait3A_425 = arith.constant 0 : i32
    %dma_wait3A_426 = tpu.memref_slice %arg9[%dma_wait3A_423, %dma_wait3A_424, %dma_wait3A_425] : memref<16x8x128xf32, #tpu.memory_space<vmem>> -> memref<2x8x128xf32, #tpu.memory_space<vmem>>
    %dma_wait3A_427 = arith.constant 0 : i32
    %dma_wait3A_428 = arith.constant 0 : i32
    %dma_wait3A_429 = arith.constant 0 : i32
    %dma_wait3A_430 = tpu.memref_slice %arg4[%dma_wait3A_421, %dma_wait3A_422, %dma_wait3A_427, %dma_wait3A_428, %dma_wait3A_429] : memref<50x8x128x8x128xf32, #tpu.memory_space<hbm>> -> memref<1x1x2x8x128xf32, #tpu.memory_space<hbm>>
    %dma_wait3A_431 = tpu.memref_squeeze %dma_wait3A_430 : memref<1x1x2x8x128xf32, #tpu.memory_space<hbm>> -> memref<2x8x128xf32, #tpu.memory_space<hbm>>
    %dma_wait3A_432 = arith.constant 0 : i32
    %dma_wait3A_433 = arith.constant 0 : i32
    %dma_wait3A_434 = arith.constant 0 : i32
    %dma_wait3A_435 = tpu.memref_slice %arg4[%dma_wait3A_421, %dma_wait3A_422, %dma_wait3A_432, %dma_wait3A_433, %dma_wait3A_434] : memref<50x8x128x8x128xf32, #tpu.memory_space<hbm>> -> memref<1x1x2x8x128xf32, #tpu.memory_space<hbm>>
    %dma_wait3A_436 = tpu.memref_squeeze %dma_wait3A_435 : memref<1x1x2x8x128xf32, #tpu.memory_space<hbm>> -> memref<2x8x128xf32, #tpu.memory_space<hbm>>
    %dma_wait3A_437 = arith.constant 4 : i32
    %dma_wait3A_438 = arith.constant 0 : i32
    %dma_wait3A_439 = arith.constant 0 : i32
    %dma_wait3A_440 = tpu.memref_slice %arg9[%dma_wait3A_437, %dma_wait3A_438, %dma_wait3A_439] : memref<16x8x128xf32, #tpu.memory_space<vmem>> -> memref<2x8x128xf32, #tpu.memory_space<vmem>>
    tpu.wait_dma2 semaphore(%arg13 : memref<!tpu.dma_semaphore, #tpu.memory_space<semaphore_mem>>) src(%dma_wait3A_440 : memref<2x8x128xf32, #tpu.memory_space<vmem>>) dst(%dma_wait3A_436 : memref<2x8x128xf32, #tpu.memory_space<hbm>>)
    %dma_wait3A_441 = arith.constant 0 : i32
    %dma_wait3A_442 = arith.constant 3 : i32
    %dma_wait3A_443 = arith.constant 6 : i32
    %dma_wait3A_444 = arith.constant 0 : i32
    %dma_wait3A_445 = arith.constant 0 : i32
    %dma_wait3A_446 = tpu.memref_slice %arg9[%dma_wait3A_443, %dma_wait3A_444, %dma_wait3A_445] : memref<16x8x128xf32, #tpu.memory_space<vmem>> -> memref<2x8x128xf32, #tpu.memory_space<vmem>>
    %dma_wait3A_447 = arith.constant 0 : i32
    %dma_wait3A_448 = arith.constant 0 : i32
    %dma_wait3A_449 = arith.constant 0 : i32
    %dma_wait3A_450 = tpu.memref_slice %arg4[%dma_wait3A_441, %dma_wait3A_442, %dma_wait3A_447, %dma_wait3A_448, %dma_wait3A_449] : memref<50x8x128x8x128xf32, #tpu.memory_space<hbm>> -> memref<1x1x2x8x128xf32, #tpu.memory_space<hbm>>
    %dma_wait3A_451 = tpu.memref_squeeze %dma_wait3A_450 : memref<1x1x2x8x128xf32, #tpu.memory_space<hbm>> -> memref<2x8x128xf32, #tpu.memory_space<hbm>>
    %dma_wait3A_452 = arith.constant 0 : i32
    %dma_wait3A_453 = arith.constant 0 : i32
    %dma_wait3A_454 = arith.constant 0 : i32
    %dma_wait3A_455 = tpu.memref_slice %arg4[%dma_wait3A_441, %dma_wait3A_442, %dma_wait3A_452, %dma_wait3A_453, %dma_wait3A_454] : memref<50x8x128x8x128xf32, #tpu.memory_space<hbm>> -> memref<1x1x2x8x128xf32, #tpu.memory_space<hbm>>
    %dma_wait3A_456 = tpu.memref_squeeze %dma_wait3A_455 : memref<1x1x2x8x128xf32, #tpu.memory_space<hbm>> -> memref<2x8x128xf32, #tpu.memory_space<hbm>>
    %dma_wait3A_457 = arith.constant 6 : i32
    %dma_wait3A_458 = arith.constant 0 : i32
    %dma_wait3A_459 = arith.constant 0 : i32
    %dma_wait3A_460 = tpu.memref_slice %arg9[%dma_wait3A_457, %dma_wait3A_458, %dma_wait3A_459] : memref<16x8x128xf32, #tpu.memory_space<vmem>> -> memref<2x8x128xf32, #tpu.memory_space<vmem>>
    tpu.wait_dma2 semaphore(%arg13 : memref<!tpu.dma_semaphore, #tpu.memory_space<semaphore_mem>>) src(%dma_wait3A_460 : memref<2x8x128xf32, #tpu.memory_space<vmem>>) dst(%dma_wait3A_456 : memref<2x8x128xf32, #tpu.memory_space<hbm>>)
    %dma_wait3A_461 = arith.constant 0 : i32
    %dma_wait3A_462 = arith.constant 4 : i32
    %dma_wait3A_463 = arith.constant 8 : i32
    %dma_wait3A_464 = arith.constant 0 : i32
    %dma_wait3A_465 = arith.constant 0 : i32
    %dma_wait3A_466 = tpu.memref_slice %arg9[%dma_wait3A_463, %dma_wait3A_464, %dma_wait3A_465] : memref<16x8x128xf32, #tpu.memory_space<vmem>> -> memref<2x8x128xf32, #tpu.memory_space<vmem>>
    %dma_wait3A_467 = arith.constant 0 : i32
    %dma_wait3A_468 = arith.constant 0 : i32
    %dma_wait3A_469 = arith.constant 0 : i32
    %dma_wait3A_470 = tpu.memref_slice %arg4[%dma_wait3A_461, %dma_wait3A_462, %dma_wait3A_467, %dma_wait3A_468, %dma_wait3A_469] : memref<50x8x128x8x128xf32, #tpu.memory_space<hbm>> -> memref<1x1x2x8x128xf32, #tpu.memory_space<hbm>>
    %dma_wait3A_471 = tpu.memref_squeeze %dma_wait3A_470 : memref<1x1x2x8x128xf32, #tpu.memory_space<hbm>> -> memref<2x8x128xf32, #tpu.memory_space<hbm>>
    %dma_wait3A_472 = arith.constant 0 : i32
    %dma_wait3A_473 = arith.constant 0 : i32
    %dma_wait3A_474 = arith.constant 0 : i32
    %dma_wait3A_475 = tpu.memref_slice %arg4[%dma_wait3A_461, %dma_wait3A_462, %dma_wait3A_472, %dma_wait3A_473, %dma_wait3A_474] : memref<50x8x128x8x128xf32, #tpu.memory_space<hbm>> -> memref<1x1x2x8x128xf32, #tpu.memory_space<hbm>>
    %dma_wait3A_476 = tpu.memref_squeeze %dma_wait3A_475 : memref<1x1x2x8x128xf32, #tpu.memory_space<hbm>> -> memref<2x8x128xf32, #tpu.memory_space<hbm>>
    %dma_wait3A_477 = arith.constant 8 : i32
    %dma_wait3A_478 = arith.constant 0 : i32
    %dma_wait3A_479 = arith.constant 0 : i32
    %dma_wait3A_480 = tpu.memref_slice %arg9[%dma_wait3A_477, %dma_wait3A_478, %dma_wait3A_479] : memref<16x8x128xf32, #tpu.memory_space<vmem>> -> memref<2x8x128xf32, #tpu.memory_space<vmem>>
    tpu.wait_dma2 semaphore(%arg13 : memref<!tpu.dma_semaphore, #tpu.memory_space<semaphore_mem>>) src(%dma_wait3A_480 : memref<2x8x128xf32, #tpu.memory_space<vmem>>) dst(%dma_wait3A_476 : memref<2x8x128xf32, #tpu.memory_space<hbm>>)
    %dma_wait3A_481 = arith.constant 0 : i32
    %dma_wait3A_482 = arith.constant 5 : i32
    %dma_wait3A_483 = arith.constant 10 : i32
    %dma_wait3A_484 = arith.constant 0 : i32
    %dma_wait3A_485 = arith.constant 0 : i32
    %dma_wait3A_486 = tpu.memref_slice %arg9[%dma_wait3A_483, %dma_wait3A_484, %dma_wait3A_485] : memref<16x8x128xf32, #tpu.memory_space<vmem>> -> memref<2x8x128xf32, #tpu.memory_space<vmem>>
    %dma_wait3A_487 = arith.constant 0 : i32
    %dma_wait3A_488 = arith.constant 0 : i32
    %dma_wait3A_489 = arith.constant 0 : i32
    %dma_wait3A_490 = tpu.memref_slice %arg4[%dma_wait3A_481, %dma_wait3A_482, %dma_wait3A_487, %dma_wait3A_488, %dma_wait3A_489] : memref<50x8x128x8x128xf32, #tpu.memory_space<hbm>> -> memref<1x1x2x8x128xf32, #tpu.memory_space<hbm>>
    %dma_wait3A_491 = tpu.memref_squeeze %dma_wait3A_490 : memref<1x1x2x8x128xf32, #tpu.memory_space<hbm>> -> memref<2x8x128xf32, #tpu.memory_space<hbm>>
    %dma_wait3A_492 = arith.constant 0 : i32
    %dma_wait3A_493 = arith.constant 0 : i32
    %dma_wait3A_494 = arith.constant 0 : i32
    %dma_wait3A_495 = tpu.memref_slice %arg4[%dma_wait3A_481, %dma_wait3A_482, %dma_wait3A_492, %dma_wait3A_493, %dma_wait3A_494] : memref<50x8x128x8x128xf32, #tpu.memory_space<hbm>> -> memref<1x1x2x8x128xf32, #tpu.memory_space<hbm>>
    %dma_wait3A_496 = tpu.memref_squeeze %dma_wait3A_495 : memref<1x1x2x8x128xf32, #tpu.memory_space<hbm>> -> memref<2x8x128xf32, #tpu.memory_space<hbm>>
    %dma_wait3A_497 = arith.constant 10 : i32
    %dma_wait3A_498 = arith.constant 0 : i32
    %dma_wait3A_499 = arith.constant 0 : i32
    %dma_wait3A_500 = tpu.memref_slice %arg9[%dma_wait3A_497, %dma_wait3A_498, %dma_wait3A_499] : memref<16x8x128xf32, #tpu.memory_space<vmem>> -> memref<2x8x128xf32, #tpu.memory_space<vmem>>
    tpu.wait_dma2 semaphore(%arg13 : memref<!tpu.dma_semaphore, #tpu.memory_space<semaphore_mem>>) src(%dma_wait3A_500 : memref<2x8x128xf32, #tpu.memory_space<vmem>>) dst(%dma_wait3A_496 : memref<2x8x128xf32, #tpu.memory_space<hbm>>)
    %dma_wait3A_501 = arith.constant 0 : i32
    %dma_wait3A_502 = arith.constant 6 : i32
    %dma_wait3A_503 = arith.constant 12 : i32
    %dma_wait3A_504 = arith.constant 0 : i32
    %dma_wait3A_505 = arith.constant 0 : i32
    %dma_wait3A_506 = tpu.memref_slice %arg9[%dma_wait3A_503, %dma_wait3A_504, %dma_wait3A_505] : memref<16x8x128xf32, #tpu.memory_space<vmem>> -> memref<2x8x128xf32, #tpu.memory_space<vmem>>
    %dma_wait3A_507 = arith.constant 0 : i32
    %dma_wait3A_508 = arith.constant 0 : i32
    %dma_wait3A_509 = arith.constant 0 : i32
    %dma_wait3A_510 = tpu.memref_slice %arg4[%dma_wait3A_501, %dma_wait3A_502, %dma_wait3A_507, %dma_wait3A_508, %dma_wait3A_509] : memref<50x8x128x8x128xf32, #tpu.memory_space<hbm>> -> memref<1x1x2x8x128xf32, #tpu.memory_space<hbm>>
    %dma_wait3A_511 = tpu.memref_squeeze %dma_wait3A_510 : memref<1x1x2x8x128xf32, #tpu.memory_space<hbm>> -> memref<2x8x128xf32, #tpu.memory_space<hbm>>
    %dma_wait3A_512 = arith.constant 0 : i32
    %dma_wait3A_513 = arith.constant 0 : i32
    %dma_wait3A_514 = arith.constant 0 : i32
    %dma_wait3A_515 = tpu.memref_slice %arg4[%dma_wait3A_501, %dma_wait3A_502, %dma_wait3A_512, %dma_wait3A_513, %dma_wait3A_514] : memref<50x8x128x8x128xf32, #tpu.memory_space<hbm>> -> memref<1x1x2x8x128xf32, #tpu.memory_space<hbm>>
    %dma_wait3A_516 = tpu.memref_squeeze %dma_wait3A_515 : memref<1x1x2x8x128xf32, #tpu.memory_space<hbm>> -> memref<2x8x128xf32, #tpu.memory_space<hbm>>
    %dma_wait3A_517 = arith.constant 12 : i32
    %dma_wait3A_518 = arith.constant 0 : i32
    %dma_wait3A_519 = arith.constant 0 : i32
    %dma_wait3A_520 = tpu.memref_slice %arg9[%dma_wait3A_517, %dma_wait3A_518, %dma_wait3A_519] : memref<16x8x128xf32, #tpu.memory_space<vmem>> -> memref<2x8x128xf32, #tpu.memory_space<vmem>>
    tpu.wait_dma2 semaphore(%arg13 : memref<!tpu.dma_semaphore, #tpu.memory_space<semaphore_mem>>) src(%dma_wait3A_520 : memref<2x8x128xf32, #tpu.memory_space<vmem>>) dst(%dma_wait3A_516 : memref<2x8x128xf32, #tpu.memory_space<hbm>>)
    %dma_wait3A_521 = arith.constant 0 : i32
    %dma_wait3A_522 = arith.constant 7 : i32
    %dma_wait3A_523 = arith.constant 14 : i32
    %dma_wait3A_524 = arith.constant 0 : i32
    %dma_wait3A_525 = arith.constant 0 : i32
    %dma_wait3A_526 = tpu.memref_slice %arg9[%dma_wait3A_523, %dma_wait3A_524, %dma_wait3A_525] : memref<16x8x128xf32, #tpu.memory_space<vmem>> -> memref<2x8x128xf32, #tpu.memory_space<vmem>>
    %dma_wait3A_527 = arith.constant 0 : i32
    %dma_wait3A_528 = arith.constant 0 : i32
    %dma_wait3A_529 = arith.constant 0 : i32
    %dma_wait3A_530 = tpu.memref_slice %arg4[%dma_wait3A_521, %dma_wait3A_522, %dma_wait3A_527, %dma_wait3A_528, %dma_wait3A_529] : memref<50x8x128x8x128xf32, #tpu.memory_space<hbm>> -> memref<1x1x2x8x128xf32, #tpu.memory_space<hbm>>
    %dma_wait3A_531 = tpu.memref_squeeze %dma_wait3A_530 : memref<1x1x2x8x128xf32, #tpu.memory_space<hbm>> -> memref<2x8x128xf32, #tpu.memory_space<hbm>>
    %dma_wait3A_532 = arith.constant 0 : i32
    %dma_wait3A_533 = arith.constant 0 : i32
    %dma_wait3A_534 = arith.constant 0 : i32
    %dma_wait3A_535 = tpu.memref_slice %arg4[%dma_wait3A_521, %dma_wait3A_522, %dma_wait3A_532, %dma_wait3A_533, %dma_wait3A_534] : memref<50x8x128x8x128xf32, #tpu.memory_space<hbm>> -> memref<1x1x2x8x128xf32, #tpu.memory_space<hbm>>
    %dma_wait3A_536 = tpu.memref_squeeze %dma_wait3A_535 : memref<1x1x2x8x128xf32, #tpu.memory_space<hbm>> -> memref<2x8x128xf32, #tpu.memory_space<hbm>>
    %dma_wait3A_537 = arith.constant 14 : i32
    %dma_wait3A_538 = arith.constant 0 : i32
    %dma_wait3A_539 = arith.constant 0 : i32
    %dma_wait3A_540 = tpu.memref_slice %arg9[%dma_wait3A_537, %dma_wait3A_538, %dma_wait3A_539] : memref<16x8x128xf32, #tpu.memory_space<vmem>> -> memref<2x8x128xf32, #tpu.memory_space<vmem>>
    tpu.wait_dma2 semaphore(%arg13 : memref<!tpu.dma_semaphore, #tpu.memory_space<semaphore_mem>>) src(%dma_wait3A_540 : memref<2x8x128xf32, #tpu.memory_space<vmem>>) dst(%dma_wait3A_536 : memref<2x8x128xf32, #tpu.memory_space<hbm>>)
    %parallel_loop3A_541 = arith.constant 0 : i32
    %parallel_loop3A_542 = arith.constant 256 : i32
    %parallel_loop3A_543 = arith.constant 1 : i32
    scf.for %parallel_loop3A_1066 = %parallel_loop3A_541 to %parallel_loop3A_542 step %parallel_loop3A_543  : i32 {
      %parallel_loop3A_1067 = arith.constant 16 : i32
      %parallel_loop3A_1068 = arith.divsi %parallel_loop3A_1066, %parallel_loop3A_1067 : i32
      %parallel_loop3A_1069 = arith.constant 0 : i32
      %parallel_loop3A_1070 = arith.cmpi sgt, %parallel_loop3A_1066, %parallel_loop3A_1069 : i32
      %parallel_loop3A_1071 = arith.extui %parallel_loop3A_1070 : i1 to i32
      %parallel_loop3A_1072 = arith.constant 0 : i32
      %parallel_loop3A_1073 = arith.cmpi slt, %parallel_loop3A_1066, %parallel_loop3A_1072 : i32
      %parallel_loop3A_1074 = arith.extui %parallel_loop3A_1073 : i1 to i32
      %parallel_loop3A_1075 = arith.subi %parallel_loop3A_1071, %parallel_loop3A_1074 : i32
      %parallel_loop3A_1076 = arith.constant 0 : i32
      %parallel_loop3A_1077 = arith.cmpi sgt, %parallel_loop3A_1067, %parallel_loop3A_1076 : i32
      %parallel_loop3A_1078 = arith.extui %parallel_loop3A_1077 : i1 to i32
      %parallel_loop3A_1079 = arith.constant 0 : i32
      %parallel_loop3A_1080 = arith.cmpi slt, %parallel_loop3A_1067, %parallel_loop3A_1079 : i32
      %parallel_loop3A_1081 = arith.extui %parallel_loop3A_1080 : i1 to i32
      %parallel_loop3A_1082 = arith.subi %parallel_loop3A_1078, %parallel_loop3A_1081 : i32
      %parallel_loop3A_1083 = arith.cmpi ne, %parallel_loop3A_1075, %parallel_loop3A_1082 : i32
      %parallel_loop3A_1084 = arith.remsi %parallel_loop3A_1066, %parallel_loop3A_1067 : i32
      %parallel_loop3A_1085 = arith.constant 0 : i32
      %parallel_loop3A_1086 = arith.cmpi ne, %parallel_loop3A_1084, %parallel_loop3A_1085 : i32
      %parallel_loop3A_1087 = arith.andi %parallel_loop3A_1083, %parallel_loop3A_1086 : i1
      %parallel_loop3A_1088 = arith.constant 1 : i32
      %parallel_loop3A_1089 = arith.subi %parallel_loop3A_1068, %parallel_loop3A_1088 : i32
      %parallel_loop3A_1090 = arith.select %parallel_loop3A_1087, %parallel_loop3A_1089, %parallel_loop3A_1068 : i32
      %parallel_loop3A_1091 = arith.constant 16 : i32
      %parallel_loop3A_1092 = arith.constant 0 : i32
      %parallel_loop3A_1093 = arith.cmpi eq, %parallel_loop3A_1091, %parallel_loop3A_1092 : i32
      %parallel_loop3A_1094 = arith.constant 1 : i32
      %parallel_loop3A_1095 = arith.select %parallel_loop3A_1093, %parallel_loop3A_1094, %parallel_loop3A_1091 : i32
      %parallel_loop3A_1096 = arith.remsi %parallel_loop3A_1066, %parallel_loop3A_1095 : i32
      %parallel_loop3A_1097 = arith.constant 0 : i32
      %parallel_loop3A_1098 = arith.cmpi ne, %parallel_loop3A_1096, %parallel_loop3A_1097 : i32
      %parallel_loop3A_1099 = arith.constant 0 : i32
      %parallel_loop3A_1100 = arith.cmpi slt, %parallel_loop3A_1096, %parallel_loop3A_1099 : i32
      %parallel_loop3A_1101 = arith.constant 0 : i32
      %parallel_loop3A_1102 = arith.cmpi slt, %parallel_loop3A_1095, %parallel_loop3A_1101 : i32
      %parallel_loop3A_1103 = arith.xori %parallel_loop3A_1100, %parallel_loop3A_1102 : i1
      %parallel_loop3A_1104 = arith.andi %parallel_loop3A_1103, %parallel_loop3A_1098 : i1
      %parallel_loop3A_1105 = arith.addi %parallel_loop3A_1096, %parallel_loop3A_1095 : i32
      %parallel_loop3A_1106 = arith.select %parallel_loop3A_1104, %parallel_loop3A_1105, %parallel_loop3A_1096 : i32
      %parallel_loop3A_1107 = arith.constant 8 : i32
      %parallel_loop3A_1108 = arith.divsi %parallel_loop3A_1090, %parallel_loop3A_1107 : i32
      %parallel_loop3A_1109 = arith.constant 0 : i32
      %parallel_loop3A_1110 = arith.cmpi sgt, %parallel_loop3A_1090, %parallel_loop3A_1109 : i32
      %parallel_loop3A_1111 = arith.extui %parallel_loop3A_1110 : i1 to i32
      %parallel_loop3A_1112 = arith.constant 0 : i32
      %parallel_loop3A_1113 = arith.cmpi slt, %parallel_loop3A_1090, %parallel_loop3A_1112 : i32
      %parallel_loop3A_1114 = arith.extui %parallel_loop3A_1113 : i1 to i32
      %parallel_loop3A_1115 = arith.subi %parallel_loop3A_1111, %parallel_loop3A_1114 : i32
      %parallel_loop3A_1116 = arith.constant 0 : i32
      %parallel_loop3A_1117 = arith.cmpi sgt, %parallel_loop3A_1107, %parallel_loop3A_1116 : i32
      %parallel_loop3A_1118 = arith.extui %parallel_loop3A_1117 : i1 to i32
      %parallel_loop3A_1119 = arith.constant 0 : i32
      %parallel_loop3A_1120 = arith.cmpi slt, %parallel_loop3A_1107, %parallel_loop3A_1119 : i32
      %parallel_loop3A_1121 = arith.extui %parallel_loop3A_1120 : i1 to i32
      %parallel_loop3A_1122 = arith.subi %parallel_loop3A_1118, %parallel_loop3A_1121 : i32
      %parallel_loop3A_1123 = arith.cmpi ne, %parallel_loop3A_1115, %parallel_loop3A_1122 : i32
      %parallel_loop3A_1124 = arith.remsi %parallel_loop3A_1090, %parallel_loop3A_1107 : i32
      %parallel_loop3A_1125 = arith.constant 0 : i32
      %parallel_loop3A_1126 = arith.cmpi ne, %parallel_loop3A_1124, %parallel_loop3A_1125 : i32
      %parallel_loop3A_1127 = arith.andi %parallel_loop3A_1123, %parallel_loop3A_1126 : i1
      %parallel_loop3A_1128 = arith.constant 1 : i32
      %parallel_loop3A_1129 = arith.subi %parallel_loop3A_1108, %parallel_loop3A_1128 : i32
      %parallel_loop3A_1130 = arith.select %parallel_loop3A_1127, %parallel_loop3A_1129, %parallel_loop3A_1108 : i32
      %parallel_loop3A_1131 = arith.constant 16 : i32
      %parallel_loop3A_1132 = arith.muli %parallel_loop3A_1090, %parallel_loop3A_1131 : i32
      %parallel_loop3A_1133 = vector.broadcast %parallel_loop3A_1132 : i32 to vector<16xi32>
      %parallel_loop3A_1134 = arith.addi %iota3A, %parallel_loop3A_1133 : vector<16xi32>
      %parallel_loop3A_1135 = arith.constant 8 : i32
      %parallel_loop3A_1136 = arith.constant 0 : i32
      %parallel_loop3A_1137 = arith.cmpi eq, %parallel_loop3A_1135, %parallel_loop3A_1136 : i32
      %parallel_loop3A_1138 = arith.constant 1 : i32
      %parallel_loop3A_1139 = arith.select %parallel_loop3A_1137, %parallel_loop3A_1138, %parallel_loop3A_1135 : i32
      %parallel_loop3A_1140 = arith.remsi %parallel_loop3A_1090, %parallel_loop3A_1139 : i32
      %parallel_loop3A_1141 = arith.constant 0 : i32
      %parallel_loop3A_1142 = arith.cmpi ne, %parallel_loop3A_1140, %parallel_loop3A_1141 : i32
      %parallel_loop3A_1143 = arith.constant 0 : i32
      %parallel_loop3A_1144 = arith.cmpi slt, %parallel_loop3A_1140, %parallel_loop3A_1143 : i32
      %parallel_loop3A_1145 = arith.constant 0 : i32
      %parallel_loop3A_1146 = arith.cmpi slt, %parallel_loop3A_1139, %parallel_loop3A_1145 : i32
      %parallel_loop3A_1147 = arith.xori %parallel_loop3A_1144, %parallel_loop3A_1146 : i1
      %parallel_loop3A_1148 = arith.andi %parallel_loop3A_1147, %parallel_loop3A_1142 : i1
      %parallel_loop3A_1149 = arith.addi %parallel_loop3A_1140, %parallel_loop3A_1139 : i32
      %parallel_loop3A_1150 = arith.select %parallel_loop3A_1148, %parallel_loop3A_1149, %parallel_loop3A_1140 : i32
      %parallel_loop3A_1151 = arith.constant 16 : i32
      %parallel_loop3A_1152 = arith.muli %parallel_loop3A_1150, %parallel_loop3A_1151 : i32
      %parallel_loop3A_1153 = vector.broadcast %parallel_loop3A_1152 : i32 to vector<16xi32>
      %parallel_loop3A_1154 = arith.addi %iota3A, %parallel_loop3A_1153 : vector<16xi32>
      %parallel_loop3A_1155 = vector.broadcast %parallel_loop3A_1106 : i32 to vector<16xi32>
      %parallel_loop3A_1156 = arith.addi %iota3A, %parallel_loop3A_1155 : vector<16xi32>
      %parallel_loop3A_1157 = arith.constant 16 : i32
      %parallel_loop3A_1158 = arith.constant 0 : i32
      %parallel_loop3A_1159 = arith.cmpi eq, %parallel_loop3A_1157, %parallel_loop3A_1158 : i32
      %parallel_loop3A_1160 = arith.constant 1 : i32
      %parallel_loop3A_1161 = arith.select %parallel_loop3A_1159, %parallel_loop3A_1160, %parallel_loop3A_1157 : i32
      %parallel_loop3A_1162 = vector.broadcast %parallel_loop3A_1161 : i32 to vector<16xi32>
      %parallel_loop3A_1163 = arith.remsi %parallel_loop3A_1156, %parallel_loop3A_1162 : vector<16xi32>
      %parallel_loop3A_1164 = arith.constant 0 : i32
      %parallel_loop3A_1165 = vector.broadcast %parallel_loop3A_1164 : i32 to vector<16xi32>
      %parallel_loop3A_1166 = arith.cmpi ne, %parallel_loop3A_1163, %parallel_loop3A_1165 : vector<16xi32>
      %parallel_loop3A_1167 = arith.constant 0 : i32
      %parallel_loop3A_1168 = vector.broadcast %parallel_loop3A_1167 : i32 to vector<16xi32>
      %parallel_loop3A_1169 = arith.cmpi slt, %parallel_loop3A_1163, %parallel_loop3A_1168 : vector<16xi32>
      %parallel_loop3A_1170 = arith.constant 0 : i32
      %parallel_loop3A_1171 = arith.cmpi slt, %parallel_loop3A_1161, %parallel_loop3A_1170 : i32
      %parallel_loop3A_1172 = vector.broadcast %parallel_loop3A_1171 : i1 to vector<16xi1>
      %parallel_loop3A_1173 = vector.broadcast %parallel_loop3A_1172 : vector<16xi1> to vector<16xi1>
      %parallel_loop3A_1174 = arith.xori %parallel_loop3A_1169, %parallel_loop3A_1173 : vector<16xi1>
      %parallel_loop3A_1175 = arith.andi %parallel_loop3A_1174, %parallel_loop3A_1166 : vector<16xi1>
      %parallel_loop3A_1176 = vector.broadcast %parallel_loop3A_1161 : i32 to vector<16xi32>
      %parallel_loop3A_1177 = arith.addi %parallel_loop3A_1163, %parallel_loop3A_1176 : vector<16xi32>
      %parallel_loop3A_1178 = arith.select %parallel_loop3A_1175, %parallel_loop3A_1177, %parallel_loop3A_1163 : vector<16xi1>, vector<16xi32>
      %parallel_loop3A_1179 = arith.constant 8 : i32
      %parallel_loop3A_1180 = vector.broadcast %parallel_loop3A_1179 : i32 to vector<16xi32>
      %parallel_loop3A_1181 = arith.divsi %parallel_loop3A_1178, %parallel_loop3A_1180 : vector<16xi32>
      %parallel_loop3A_1182 = arith.constant 0 : i32
      %parallel_loop3A_1183 = vector.broadcast %parallel_loop3A_1182 : i32 to vector<16xi32>
      %parallel_loop3A_1184 = arith.cmpi sgt, %parallel_loop3A_1178, %parallel_loop3A_1183 : vector<16xi32>
      %parallel_loop3A_1185 = arith.extui %parallel_loop3A_1184 : vector<16xi1> to vector<16xi32>
      %parallel_loop3A_1186 = arith.constant 0 : i32
      %parallel_loop3A_1187 = vector.broadcast %parallel_loop3A_1186 : i32 to vector<16xi32>
      %parallel_loop3A_1188 = arith.cmpi slt, %parallel_loop3A_1178, %parallel_loop3A_1187 : vector<16xi32>
      %parallel_loop3A_1189 = arith.extui %parallel_loop3A_1188 : vector<16xi1> to vector<16xi32>
      %parallel_loop3A_1190 = arith.subi %parallel_loop3A_1185, %parallel_loop3A_1189 : vector<16xi32>
      %parallel_loop3A_1191 = arith.constant 0 : i32
      %parallel_loop3A_1192 = arith.cmpi sgt, %parallel_loop3A_1179, %parallel_loop3A_1191 : i32
      %parallel_loop3A_1193 = arith.extui %parallel_loop3A_1192 : i1 to i32
      %parallel_loop3A_1194 = arith.constant 0 : i32
      %parallel_loop3A_1195 = arith.cmpi slt, %parallel_loop3A_1179, %parallel_loop3A_1194 : i32
      %parallel_loop3A_1196 = arith.extui %parallel_loop3A_1195 : i1 to i32
      %parallel_loop3A_1197 = arith.subi %parallel_loop3A_1193, %parallel_loop3A_1196 : i32
      %parallel_loop3A_1198 = vector.broadcast %parallel_loop3A_1197 : i32 to vector<16xi32>
      %parallel_loop3A_1199 = arith.cmpi ne, %parallel_loop3A_1190, %parallel_loop3A_1198 : vector<16xi32>
      %parallel_loop3A_1200 = vector.broadcast %parallel_loop3A_1179 : i32 to vector<16xi32>
      %parallel_loop3A_1201 = arith.remsi %parallel_loop3A_1178, %parallel_loop3A_1200 : vector<16xi32>
      %parallel_loop3A_1202 = arith.constant 0 : i32
      %parallel_loop3A_1203 = vector.broadcast %parallel_loop3A_1202 : i32 to vector<16xi32>
      %parallel_loop3A_1204 = arith.cmpi ne, %parallel_loop3A_1201, %parallel_loop3A_1203 : vector<16xi32>
      %parallel_loop3A_1205 = arith.andi %parallel_loop3A_1199, %parallel_loop3A_1204 : vector<16xi1>
      %parallel_loop3A_1206 = arith.constant 1 : i32
      %parallel_loop3A_1207 = vector.broadcast %parallel_loop3A_1206 : i32 to vector<16xi32>
      %parallel_loop3A_1208 = arith.subi %parallel_loop3A_1181, %parallel_loop3A_1207 : vector<16xi32>
      %parallel_loop3A_1209 = arith.select %parallel_loop3A_1205, %parallel_loop3A_1208, %parallel_loop3A_1181 : vector<16xi1>, vector<16xi32>
      %parallel_loop3A_1210 = arith.constant 2 : i32
      %parallel_loop3A_1211 = vector.broadcast %parallel_loop3A_1210 : i32 to vector<16xi32>
      %parallel_loop3A_1212 = arith.muli %parallel_loop3A_1209, %parallel_loop3A_1211 : vector<16xi32>
      %parallel_loop3A_1213 = arith.constant 8 : i32
      %parallel_loop3A_1214 = arith.constant 0 : i32
      %parallel_loop3A_1215 = arith.cmpi eq, %parallel_loop3A_1213, %parallel_loop3A_1214 : i32
      %parallel_loop3A_1216 = arith.constant 1 : i32
      %parallel_loop3A_1217 = arith.select %parallel_loop3A_1215, %parallel_loop3A_1216, %parallel_loop3A_1213 : i32
      %parallel_loop3A_1218 = vector.broadcast %parallel_loop3A_1217 : i32 to vector<16xi32>
      %parallel_loop3A_1219 = arith.remsi %parallel_loop3A_1178, %parallel_loop3A_1218 : vector<16xi32>
      %parallel_loop3A_1220 = arith.constant 0 : i32
      %parallel_loop3A_1221 = vector.broadcast %parallel_loop3A_1220 : i32 to vector<16xi32>
      %parallel_loop3A_1222 = arith.cmpi ne, %parallel_loop3A_1219, %parallel_loop3A_1221 : vector<16xi32>
      %parallel_loop3A_1223 = arith.constant 0 : i32
      %parallel_loop3A_1224 = vector.broadcast %parallel_loop3A_1223 : i32 to vector<16xi32>
      %parallel_loop3A_1225 = arith.cmpi slt, %parallel_loop3A_1219, %parallel_loop3A_1224 : vector<16xi32>
      %parallel_loop3A_1226 = arith.constant 0 : i32
      %parallel_loop3A_1227 = arith.cmpi slt, %parallel_loop3A_1217, %parallel_loop3A_1226 : i32
      %parallel_loop3A_1228 = vector.broadcast %parallel_loop3A_1227 : i1 to vector<16xi1>
      %parallel_loop3A_1229 = vector.broadcast %parallel_loop3A_1228 : vector<16xi1> to vector<16xi1>
      %parallel_loop3A_1230 = arith.xori %parallel_loop3A_1225, %parallel_loop3A_1229 : vector<16xi1>
      %parallel_loop3A_1231 = arith.andi %parallel_loop3A_1230, %parallel_loop3A_1222 : vector<16xi1>
      %parallel_loop3A_1232 = vector.broadcast %parallel_loop3A_1217 : i32 to vector<16xi32>
      %parallel_loop3A_1233 = arith.addi %parallel_loop3A_1219, %parallel_loop3A_1232 : vector<16xi32>
      %parallel_loop3A_1234 = arith.select %parallel_loop3A_1231, %parallel_loop3A_1233, %parallel_loop3A_1219 : vector<16xi1>, vector<16xi32>
      %parallel_loop3A_1235 = arith.constant 0 : i32
      %parallel_loop3A_1236 = vector.broadcast %parallel_loop3A_1235 : i32 to vector<16xi32>
      %parallel_loop3A_1237 = arith.addi %parallel_loop3A_1178, %parallel_loop3A_1236 : vector<16xi32>
      %parallel_loop3A_1238 = tpu.vector_load_idx %arg7[%parallel_loop3A_1134, %parallel_loop3A_1237] : memref<256x64xf32, #tpu.memory_space<vmem>>[vector<16xi32>, vector<16xi32>], vector<16xf32>,
      %parallel_loop3A_1239 = arith.constant 0 : i32
      %parallel_loop3A_1240 = arith.addi %parallel_loop3A_1239, %parallel_loop3A_1130 : i32
      %parallel_loop3A_1241 = vector.broadcast %parallel_loop3A_1240 : i32 to vector<16xi32>
      %parallel_loop3A_1242 = arith.addi %parallel_loop3A_1212, %parallel_loop3A_1241 : vector<16xi32>
      tpu.vector_store_idx %arg9[%parallel_loop3A_1242, %parallel_loop3A_1234, %parallel_loop3A_1154], %parallel_loop3A_1238 : memref<16x8x128xf32, #tpu.memory_space<vmem>>[vector<16xi32>, vector<16xi32>, vector<16xi32>], vector<16xf32>,
      %parallel_loop3A_1243 = arith.constant 16 : i32
      %parallel_loop3A_1244 = vector.broadcast %parallel_loop3A_1243 : i32 to vector<16xi32>
      %parallel_loop3A_1245 = arith.addi %parallel_loop3A_1178, %parallel_loop3A_1244 : vector<16xi32>
      %parallel_loop3A_1246 = tpu.vector_load_idx %arg7[%parallel_loop3A_1134, %parallel_loop3A_1245] : memref<256x64xf32, #tpu.memory_space<vmem>>[vector<16xi32>, vector<16xi32>], vector<16xf32>,
      %parallel_loop3A_1247 = arith.constant 4 : i32
      %parallel_loop3A_1248 = arith.addi %parallel_loop3A_1247, %parallel_loop3A_1130 : i32
      %parallel_loop3A_1249 = vector.broadcast %parallel_loop3A_1248 : i32 to vector<16xi32>
      %parallel_loop3A_1250 = arith.addi %parallel_loop3A_1212, %parallel_loop3A_1249 : vector<16xi32>
      tpu.vector_store_idx %arg9[%parallel_loop3A_1250, %parallel_loop3A_1234, %parallel_loop3A_1154], %parallel_loop3A_1246 : memref<16x8x128xf32, #tpu.memory_space<vmem>>[vector<16xi32>, vector<16xi32>, vector<16xi32>], vector<16xf32>,
      %parallel_loop3A_1251 = arith.constant 32 : i32
      %parallel_loop3A_1252 = vector.broadcast %parallel_loop3A_1251 : i32 to vector<16xi32>
      %parallel_loop3A_1253 = arith.addi %parallel_loop3A_1178, %parallel_loop3A_1252 : vector<16xi32>
      %parallel_loop3A_1254 = tpu.vector_load_idx %arg7[%parallel_loop3A_1134, %parallel_loop3A_1253] : memref<256x64xf32, #tpu.memory_space<vmem>>[vector<16xi32>, vector<16xi32>], vector<16xf32>,
      %parallel_loop3A_1255 = arith.constant 8 : i32
      %parallel_loop3A_1256 = arith.addi %parallel_loop3A_1255, %parallel_loop3A_1130 : i32
      %parallel_loop3A_1257 = vector.broadcast %parallel_loop3A_1256 : i32 to vector<16xi32>
      %parallel_loop3A_1258 = arith.addi %parallel_loop3A_1212, %parallel_loop3A_1257 : vector<16xi32>
      tpu.vector_store_idx %arg9[%parallel_loop3A_1258, %parallel_loop3A_1234, %parallel_loop3A_1154], %parallel_loop3A_1254 : memref<16x8x128xf32, #tpu.memory_space<vmem>>[vector<16xi32>, vector<16xi32>, vector<16xi32>], vector<16xf32>,
      %parallel_loop3A_1259 = arith.constant 48 : i32
      %parallel_loop3A_1260 = vector.broadcast %parallel_loop3A_1259 : i32 to vector<16xi32>
      %parallel_loop3A_1261 = arith.addi %parallel_loop3A_1178, %parallel_loop3A_1260 : vector<16xi32>
      %parallel_loop3A_1262 = tpu.vector_load_idx %arg7[%parallel_loop3A_1134, %parallel_loop3A_1261] : memref<256x64xf32, #tpu.memory_space<vmem>>[vector<16xi32>, vector<16xi32>], vector<16xf32>,
      %parallel_loop3A_1263 = arith.constant 12 : i32
      %parallel_loop3A_1264 = arith.addi %parallel_loop3A_1263, %parallel_loop3A_1130 : i32
      %parallel_loop3A_1265 = vector.broadcast %parallel_loop3A_1264 : i32 to vector<16xi32>
      %parallel_loop3A_1266 = arith.addi %parallel_loop3A_1212, %parallel_loop3A_1265 : vector<16xi32>
      tpu.vector_store_idx %arg9[%parallel_loop3A_1266, %parallel_loop3A_1234, %parallel_loop3A_1154], %parallel_loop3A_1262 : memref<16x8x128xf32, #tpu.memory_space<vmem>>[vector<16xi32>, vector<16xi32>, vector<16xi32>], vector<16xf32>,
    } {sc.loop_unroll_factor = 4 : i64, sc.parallel_access}
    %add3A_544 = arith.constant 25344 : i32
    %add3A_545 = arith.addi %mul3A_2, %add3A_544 : i32
    %jit3A_546 = arith.constant 16384 : i32
    %div3A_547 = arith.divsi %add3A_545, %jit3A_546 : i32
    %sign3A_548 = arith.constant 0 : i32
    %sign3A_549 = arith.cmpi sgt, %add3A_545, %sign3A_548 : i32
    %sign3A_550 = arith.extui %sign3A_549 : i1 to i32
    %sign3A_551 = arith.constant 0 : i32
    %sign3A_552 = arith.cmpi slt, %add3A_545, %sign3A_551 : i32
    %sign3A_553 = arith.extui %sign3A_552 : i1 to i32
    %sign3A_554 = arith.subi %sign3A_550, %sign3A_553 : i32
    %sign3A_555 = arith.constant 0 : i32
    %sign3A_556 = arith.cmpi sgt, %jit3A_546, %sign3A_555 : i32
    %sign3A_557 = arith.extui %sign3A_556 : i1 to i32
    %sign3A_558 = arith.constant 0 : i32
    %sign3A_559 = arith.cmpi slt, %jit3A_546, %sign3A_558 : i32
    %sign3A_560 = arith.extui %sign3A_559 : i1 to i32
    %sign3A_561 = arith.subi %sign3A_557, %sign3A_560 : i32
    %ne3A_562 = arith.cmpi ne, %sign3A_554, %sign3A_561 : i32
    %rem3A_563 = arith.remsi %add3A_545, %jit3A_546 : i32
    %ne3A_564 = arith.constant 0 : i32
    %ne3A_565 = arith.cmpi ne, %rem3A_563, %ne3A_564 : i32
    %and3A_566 = arith.andi %ne3A_562, %ne3A_565 : i1
    %sub3A_567 = arith.constant 1 : i32
    %sub3A_568 = arith.subi %div3A_547, %sub3A_567 : i32
    %select_n3A_569 = arith.select %and3A_566, %sub3A_568, %div3A_547 : i32
    %jit3A_570 = arith.constant 16384 : i32
    %eq3A_571 = arith.constant 0 : i32
    %eq3A_572 = arith.cmpi eq, %jit3A_570, %eq3A_571 : i32
    %jit3A_573 = arith.constant 1 : i32
    %select_n3A_574 = arith.select %eq3A_572, %jit3A_573, %jit3A_570 : i32
    %rem3A_575 = arith.remsi %add3A_545, %select_n3A_574 : i32
    %ne3A_576 = arith.constant 0 : i32
    %ne3A_577 = arith.cmpi ne, %rem3A_575, %ne3A_576 : i32
    %lt3A_578 = arith.constant 0 : i32
    %lt3A_579 = arith.cmpi slt, %rem3A_575, %lt3A_578 : i32
    %lt3A_580 = arith.constant 0 : i32
    %lt3A_581 = arith.cmpi slt, %select_n3A_574, %lt3A_580 : i32
    %ne3A_582 = arith.xori %lt3A_579, %lt3A_581 : i1
    %and3A_583 = arith.andi %ne3A_582, %ne3A_577 : i1
    %add3A_584 = arith.addi %rem3A_575, %select_n3A_574 : i32
    %select_n3A_585 = arith.select %and3A_583, %add3A_584, %rem3A_575 : i32
    %jit3A_586 = arith.constant 128 : i32
    %div3A_587 = arith.divsi %select_n3A_585, %jit3A_586 : i32
    %sign3A_588 = arith.constant 0 : i32
    %sign3A_589 = arith.cmpi sgt, %select_n3A_585, %sign3A_588 : i32
    %sign3A_590 = arith.extui %sign3A_589 : i1 to i32
    %sign3A_591 = arith.constant 0 : i32
    %sign3A_592 = arith.cmpi slt, %select_n3A_585, %sign3A_591 : i32
    %sign3A_593 = arith.extui %sign3A_592 : i1 to i32
    %sign3A_594 = arith.subi %sign3A_590, %sign3A_593 : i32
    %sign3A_595 = arith.constant 0 : i32
    %sign3A_596 = arith.cmpi sgt, %jit3A_586, %sign3A_595 : i32
    %sign3A_597 = arith.extui %sign3A_596 : i1 to i32
    %sign3A_598 = arith.constant 0 : i32
    %sign3A_599 = arith.cmpi slt, %jit3A_586, %sign3A_598 : i32
    %sign3A_600 = arith.extui %sign3A_599 : i1 to i32
    %sign3A_601 = arith.subi %sign3A_597, %sign3A_600 : i32
    %ne3A_602 = arith.cmpi ne, %sign3A_594, %sign3A_601 : i32
    %rem3A_603 = arith.remsi %select_n3A_585, %jit3A_586 : i32
    %ne3A_604 = arith.constant 0 : i32
    %ne3A_605 = arith.cmpi ne, %rem3A_603, %ne3A_604 : i32
    %and3A_606 = arith.andi %ne3A_602, %ne3A_605 : i1
    %sub3A_607 = arith.constant 1 : i32
    %sub3A_608 = arith.subi %div3A_587, %sub3A_607 : i32
    %select_n3A_609 = arith.select %and3A_606, %sub3A_608, %div3A_587 : i32
    %dma_start3A_610 = arith.constant 0 : i32
    %dma_start3A_611 = arith.constant 0 : i32
    %dma_start3A_612 = arith.constant 0 : i32
    %dma_start3A_613 = arith.constant 0 : i32
    %dma_start3A_614 = tpu.memref_slice %arg9[%dma_start3A_611, %dma_start3A_612, %dma_start3A_613] : memref<16x8x128xf32, #tpu.memory_space<vmem>> -> memref<2x8x128xf32, #tpu.memory_space<vmem>>
    %dma_start3A_615 = arith.constant 0 : i32
    %dma_start3A_616 = arith.constant 0 : i32
    %dma_start3A_617 = tpu.memref_slice %arg4[%select_n3A_569, %dma_start3A_610, %select_n3A_609, %dma_start3A_615, %dma_start3A_616] : memref<50x8x128x8x128xf32, #tpu.memory_space<hbm>> -> memref<1x1x2x8x128xf32, #tpu.memory_space<hbm>>
    %dma_start3A_618 = tpu.memref_squeeze %dma_start3A_617 : memref<1x1x2x8x128xf32, #tpu.memory_space<hbm>> -> memref<2x8x128xf32, #tpu.memory_space<hbm>>
    %dma_start3A_619 = arith.constant 0 : i32
    %dma_start3A_620 = arith.constant 0 : i32
    %dma_start3A_621 = tpu.memref_slice %arg4[%select_n3A_569, %dma_start3A_610, %select_n3A_609, %dma_start3A_619, %dma_start3A_620] : memref<50x8x128x8x128xf32, #tpu.memory_space<hbm>> -> memref<1x1x2x8x128xf32, #tpu.memory_space<hbm>>
    %dma_start3A_622 = tpu.memref_squeeze %dma_start3A_621 : memref<1x1x2x8x128xf32, #tpu.memory_space<hbm>> -> memref<2x8x128xf32, #tpu.memory_space<hbm>>
    %dma_start3A_623 = arith.constant 0 : i32
    %dma_start3A_624 = arith.constant 0 : i32
    %dma_start3A_625 = arith.constant 0 : i32
    %dma_start3A_626 = tpu.memref_slice %arg9[%dma_start3A_623, %dma_start3A_624, %dma_start3A_625] : memref<16x8x128xf32, #tpu.memory_space<vmem>> -> memref<2x8x128xf32, #tpu.memory_space<vmem>>
    tpu.enqueue_dma source(%dma_start3A_626 : memref<2x8x128xf32, #tpu.memory_space<vmem>>) target(%dma_start3A_622 : memref<2x8x128xf32, #tpu.memory_space<hbm>>) target_semaphore(%arg13 : memref<!tpu.dma_semaphore, #tpu.memory_space<semaphore_mem>>)
    %dma_start3A_627 = arith.constant 1 : i32
    %dma_start3A_628 = arith.constant 2 : i32
    %dma_start3A_629 = arith.constant 0 : i32
    %dma_start3A_630 = arith.constant 0 : i32
    %dma_start3A_631 = tpu.memref_slice %arg9[%dma_start3A_628, %dma_start3A_629, %dma_start3A_630] : memref<16x8x128xf32, #tpu.memory_space<vmem>> -> memref<2x8x128xf32, #tpu.memory_space<vmem>>
    %dma_start3A_632 = arith.constant 0 : i32
    %dma_start3A_633 = arith.constant 0 : i32
    %dma_start3A_634 = tpu.memref_slice %arg4[%select_n3A_569, %dma_start3A_627, %select_n3A_609, %dma_start3A_632, %dma_start3A_633] : memref<50x8x128x8x128xf32, #tpu.memory_space<hbm>> -> memref<1x1x2x8x128xf32, #tpu.memory_space<hbm>>
    %dma_start3A_635 = tpu.memref_squeeze %dma_start3A_634 : memref<1x1x2x8x128xf32, #tpu.memory_space<hbm>> -> memref<2x8x128xf32, #tpu.memory_space<hbm>>
    %dma_start3A_636 = arith.constant 0 : i32
    %dma_start3A_637 = arith.constant 0 : i32
    %dma_start3A_638 = tpu.memref_slice %arg4[%select_n3A_569, %dma_start3A_627, %select_n3A_609, %dma_start3A_636, %dma_start3A_637] : memref<50x8x128x8x128xf32, #tpu.memory_space<hbm>> -> memref<1x1x2x8x128xf32, #tpu.memory_space<hbm>>
    %dma_start3A_639 = tpu.memref_squeeze %dma_start3A_638 : memref<1x1x2x8x128xf32, #tpu.memory_space<hbm>> -> memref<2x8x128xf32, #tpu.memory_space<hbm>>
    %dma_start3A_640 = arith.constant 2 : i32
    %dma_start3A_641 = arith.constant 0 : i32
    %dma_start3A_642 = arith.constant 0 : i32
    %dma_start3A_643 = tpu.memref_slice %arg9[%dma_start3A_640, %dma_start3A_641, %dma_start3A_642] : memref<16x8x128xf32, #tpu.memory_space<vmem>> -> memref<2x8x128xf32, #tpu.memory_space<vmem>>
    tpu.enqueue_dma source(%dma_start3A_643 : memref<2x8x128xf32, #tpu.memory_space<vmem>>) target(%dma_start3A_639 : memref<2x8x128xf32, #tpu.memory_space<hbm>>) target_semaphore(%arg13 : memref<!tpu.dma_semaphore, #tpu.memory_space<semaphore_mem>>)
    %dma_start3A_644 = arith.constant 2 : i32
    %dma_start3A_645 = arith.constant 4 : i32
    %dma_start3A_646 = arith.constant 0 : i32
    %dma_start3A_647 = arith.constant 0 : i32
    %dma_start3A_648 = tpu.memref_slice %arg9[%dma_start3A_645, %dma_start3A_646, %dma_start3A_647] : memref<16x8x128xf32, #tpu.memory_space<vmem>> -> memref<2x8x128xf32, #tpu.memory_space<vmem>>
    %dma_start3A_649 = arith.constant 0 : i32
    %dma_start3A_650 = arith.constant 0 : i32
    %dma_start3A_651 = tpu.memref_slice %arg4[%select_n3A_569, %dma_start3A_644, %select_n3A_609, %dma_start3A_649, %dma_start3A_650] : memref<50x8x128x8x128xf32, #tpu.memory_space<hbm>> -> memref<1x1x2x8x128xf32, #tpu.memory_space<hbm>>
    %dma_start3A_652 = tpu.memref_squeeze %dma_start3A_651 : memref<1x1x2x8x128xf32, #tpu.memory_space<hbm>> -> memref<2x8x128xf32, #tpu.memory_space<hbm>>
    %dma_start3A_653 = arith.constant 0 : i32
    %dma_start3A_654 = arith.constant 0 : i32
    %dma_start3A_655 = tpu.memref_slice %arg4[%select_n3A_569, %dma_start3A_644, %select_n3A_609, %dma_start3A_653, %dma_start3A_654] : memref<50x8x128x8x128xf32, #tpu.memory_space<hbm>> -> memref<1x1x2x8x128xf32, #tpu.memory_space<hbm>>
    %dma_start3A_656 = tpu.memref_squeeze %dma_start3A_655 : memref<1x1x2x8x128xf32, #tpu.memory_space<hbm>> -> memref<2x8x128xf32, #tpu.memory_space<hbm>>
    %dma_start3A_657 = arith.constant 4 : i32
    %dma_start3A_658 = arith.constant 0 : i32
    %dma_start3A_659 = arith.constant 0 : i32
    %dma_start3A_660 = tpu.memref_slice %arg9[%dma_start3A_657, %dma_start3A_658, %dma_start3A_659] : memref<16x8x128xf32, #tpu.memory_space<vmem>> -> memref<2x8x128xf32, #tpu.memory_space<vmem>>
    tpu.enqueue_dma source(%dma_start3A_660 : memref<2x8x128xf32, #tpu.memory_space<vmem>>) target(%dma_start3A_656 : memref<2x8x128xf32, #tpu.memory_space<hbm>>) target_semaphore(%arg13 : memref<!tpu.dma_semaphore, #tpu.memory_space<semaphore_mem>>)
    %dma_start3A_661 = arith.constant 3 : i32
    %dma_start3A_662 = arith.constant 6 : i32
    %dma_start3A_663 = arith.constant 0 : i32
    %dma_start3A_664 = arith.constant 0 : i32
    %dma_start3A_665 = tpu.memref_slice %arg9[%dma_start3A_662, %dma_start3A_663, %dma_start3A_664] : memref<16x8x128xf32, #tpu.memory_space<vmem>> -> memref<2x8x128xf32, #tpu.memory_space<vmem>>
    %dma_start3A_666 = arith.constant 0 : i32
    %dma_start3A_667 = arith.constant 0 : i32
    %dma_start3A_668 = tpu.memref_slice %arg4[%select_n3A_569, %dma_start3A_661, %select_n3A_609, %dma_start3A_666, %dma_start3A_667] : memref<50x8x128x8x128xf32, #tpu.memory_space<hbm>> -> memref<1x1x2x8x128xf32, #tpu.memory_space<hbm>>
    %dma_start3A_669 = tpu.memref_squeeze %dma_start3A_668 : memref<1x1x2x8x128xf32, #tpu.memory_space<hbm>> -> memref<2x8x128xf32, #tpu.memory_space<hbm>>
    %dma_start3A_670 = arith.constant 0 : i32
    %dma_start3A_671 = arith.constant 0 : i32
    %dma_start3A_672 = tpu.memref_slice %arg4[%select_n3A_569, %dma_start3A_661, %select_n3A_609, %dma_start3A_670, %dma_start3A_671] : memref<50x8x128x8x128xf32, #tpu.memory_space<hbm>> -> memref<1x1x2x8x128xf32, #tpu.memory_space<hbm>>
    %dma_start3A_673 = tpu.memref_squeeze %dma_start3A_672 : memref<1x1x2x8x128xf32, #tpu.memory_space<hbm>> -> memref<2x8x128xf32, #tpu.memory_space<hbm>>
    %dma_start3A_674 = arith.constant 6 : i32
    %dma_start3A_675 = arith.constant 0 : i32
    %dma_start3A_676 = arith.constant 0 : i32
    %dma_start3A_677 = tpu.memref_slice %arg9[%dma_start3A_674, %dma_start3A_675, %dma_start3A_676] : memref<16x8x128xf32, #tpu.memory_space<vmem>> -> memref<2x8x128xf32, #tpu.memory_space<vmem>>
    tpu.enqueue_dma source(%dma_start3A_677 : memref<2x8x128xf32, #tpu.memory_space<vmem>>) target(%dma_start3A_673 : memref<2x8x128xf32, #tpu.memory_space<hbm>>) target_semaphore(%arg13 : memref<!tpu.dma_semaphore, #tpu.memory_space<semaphore_mem>>)
    %dma_start3A_678 = arith.constant 4 : i32
    %dma_start3A_679 = arith.constant 8 : i32
    %dma_start3A_680 = arith.constant 0 : i32
    %dma_start3A_681 = arith.constant 0 : i32
    %dma_start3A_682 = tpu.memref_slice %arg9[%dma_start3A_679, %dma_start3A_680, %dma_start3A_681] : memref<16x8x128xf32, #tpu.memory_space<vmem>> -> memref<2x8x128xf32, #tpu.memory_space<vmem>>
    %dma_start3A_683 = arith.constant 0 : i32
    %dma_start3A_684 = arith.constant 0 : i32
    %dma_start3A_685 = tpu.memref_slice %arg4[%select_n3A_569, %dma_start3A_678, %select_n3A_609, %dma_start3A_683, %dma_start3A_684] : memref<50x8x128x8x128xf32, #tpu.memory_space<hbm>> -> memref<1x1x2x8x128xf32, #tpu.memory_space<hbm>>
    %dma_start3A_686 = tpu.memref_squeeze %dma_start3A_685 : memref<1x1x2x8x128xf32, #tpu.memory_space<hbm>> -> memref<2x8x128xf32, #tpu.memory_space<hbm>>
    %dma_start3A_687 = arith.constant 0 : i32
    %dma_start3A_688 = arith.constant 0 : i32
    %dma_start3A_689 = tpu.memref_slice %arg4[%select_n3A_569, %dma_start3A_678, %select_n3A_609, %dma_start3A_687, %dma_start3A_688] : memref<50x8x128x8x128xf32, #tpu.memory_space<hbm>> -> memref<1x1x2x8x128xf32, #tpu.memory_space<hbm>>
    %dma_start3A_690 = tpu.memref_squeeze %dma_start3A_689 : memref<1x1x2x8x128xf32, #tpu.memory_space<hbm>> -> memref<2x8x128xf32, #tpu.memory_space<hbm>>
    %dma_start3A_691 = arith.constant 8 : i32
    %dma_start3A_692 = arith.constant 0 : i32
    %dma_start3A_693 = arith.constant 0 : i32
    %dma_start3A_694 = tpu.memref_slice %arg9[%dma_start3A_691, %dma_start3A_692, %dma_start3A_693] : memref<16x8x128xf32, #tpu.memory_space<vmem>> -> memref<2x8x128xf32, #tpu.memory_space<vmem>>
    tpu.enqueue_dma source(%dma_start3A_694 : memref<2x8x128xf32, #tpu.memory_space<vmem>>) target(%dma_start3A_690 : memref<2x8x128xf32, #tpu.memory_space<hbm>>) target_semaphore(%arg13 : memref<!tpu.dma_semaphore, #tpu.memory_space<semaphore_mem>>)
    %dma_start3A_695 = arith.constant 5 : i32
    %dma_start3A_696 = arith.constant 10 : i32
    %dma_start3A_697 = arith.constant 0 : i32
    %dma_start3A_698 = arith.constant 0 : i32
    %dma_start3A_699 = tpu.memref_slice %arg9[%dma_start3A_696, %dma_start3A_697, %dma_start3A_698] : memref<16x8x128xf32, #tpu.memory_space<vmem>> -> memref<2x8x128xf32, #tpu.memory_space<vmem>>
    %dma_start3A_700 = arith.constant 0 : i32
    %dma_start3A_701 = arith.constant 0 : i32
    %dma_start3A_702 = tpu.memref_slice %arg4[%select_n3A_569, %dma_start3A_695, %select_n3A_609, %dma_start3A_700, %dma_start3A_701] : memref<50x8x128x8x128xf32, #tpu.memory_space<hbm>> -> memref<1x1x2x8x128xf32, #tpu.memory_space<hbm>>
    %dma_start3A_703 = tpu.memref_squeeze %dma_start3A_702 : memref<1x1x2x8x128xf32, #tpu.memory_space<hbm>> -> memref<2x8x128xf32, #tpu.memory_space<hbm>>
    %dma_start3A_704 = arith.constant 0 : i32
    %dma_start3A_705 = arith.constant 0 : i32
    %dma_start3A_706 = tpu.memref_slice %arg4[%select_n3A_569, %dma_start3A_695, %select_n3A_609, %dma_start3A_704, %dma_start3A_705] : memref<50x8x128x8x128xf32, #tpu.memory_space<hbm>> -> memref<1x1x2x8x128xf32, #tpu.memory_space<hbm>>
    %dma_start3A_707 = tpu.memref_squeeze %dma_start3A_706 : memref<1x1x2x8x128xf32, #tpu.memory_space<hbm>> -> memref<2x8x128xf32, #tpu.memory_space<hbm>>
    %dma_start3A_708 = arith.constant 10 : i32
    %dma_start3A_709 = arith.constant 0 : i32
    %dma_start3A_710 = arith.constant 0 : i32
    %dma_start3A_711 = tpu.memref_slice %arg9[%dma_start3A_708, %dma_start3A_709, %dma_start3A_710] : memref<16x8x128xf32, #tpu.memory_space<vmem>> -> memref<2x8x128xf32, #tpu.memory_space<vmem>>
    tpu.enqueue_dma source(%dma_start3A_711 : memref<2x8x128xf32, #tpu.memory_space<vmem>>) target(%dma_start3A_707 : memref<2x8x128xf32, #tpu.memory_space<hbm>>) target_semaphore(%arg13 : memref<!tpu.dma_semaphore, #tpu.memory_space<semaphore_mem>>)
    %dma_start3A_712 = arith.constant 6 : i32
    %dma_start3A_713 = arith.constant 12 : i32
    %dma_start3A_714 = arith.constant 0 : i32
    %dma_start3A_715 = arith.constant 0 : i32
    %dma_start3A_716 = tpu.memref_slice %arg9[%dma_start3A_713, %dma_start3A_714, %dma_start3A_715] : memref<16x8x128xf32, #tpu.memory_space<vmem>> -> memref<2x8x128xf32, #tpu.memory_space<vmem>>
    %dma_start3A_717 = arith.constant 0 : i32
    %dma_start3A_718 = arith.constant 0 : i32
    %dma_start3A_719 = tpu.memref_slice %arg4[%select_n3A_569, %dma_start3A_712, %select_n3A_609, %dma_start3A_717, %dma_start3A_718] : memref<50x8x128x8x128xf32, #tpu.memory_space<hbm>> -> memref<1x1x2x8x128xf32, #tpu.memory_space<hbm>>
    %dma_start3A_720 = tpu.memref_squeeze %dma_start3A_719 : memref<1x1x2x8x128xf32, #tpu.memory_space<hbm>> -> memref<2x8x128xf32, #tpu.memory_space<hbm>>
    %dma_start3A_721 = arith.constant 0 : i32
    %dma_start3A_722 = arith.constant 0 : i32
    %dma_start3A_723 = tpu.memref_slice %arg4[%select_n3A_569, %dma_start3A_712, %select_n3A_609, %dma_start3A_721, %dma_start3A_722] : memref<50x8x128x8x128xf32, #tpu.memory_space<hbm>> -> memref<1x1x2x8x128xf32, #tpu.memory_space<hbm>>
    %dma_start3A_724 = tpu.memref_squeeze %dma_start3A_723 : memref<1x1x2x8x128xf32, #tpu.memory_space<hbm>> -> memref<2x8x128xf32, #tpu.memory_space<hbm>>
    %dma_start3A_725 = arith.constant 12 : i32
    %dma_start3A_726 = arith.constant 0 : i32
    %dma_start3A_727 = arith.constant 0 : i32
    %dma_start3A_728 = tpu.memref_slice %arg9[%dma_start3A_725, %dma_start3A_726, %dma_start3A_727] : memref<16x8x128xf32, #tpu.memory_space<vmem>> -> memref<2x8x128xf32, #tpu.memory_space<vmem>>
    tpu.enqueue_dma source(%dma_start3A_728 : memref<2x8x128xf32, #tpu.memory_space<vmem>>) target(%dma_start3A_724 : memref<2x8x128xf32, #tpu.memory_space<hbm>>) target_semaphore(%arg13 : memref<!tpu.dma_semaphore, #tpu.memory_space<semaphore_mem>>)
    %dma_start3A_729 = arith.constant 7 : i32
    %dma_start3A_730 = arith.constant 14 : i32
    %dma_start3A_731 = arith.constant 0 : i32
    %dma_start3A_732 = arith.constant 0 : i32
    %dma_start3A_733 = tpu.memref_slice %arg9[%dma_start3A_730, %dma_start3A_731, %dma_start3A_732] : memref<16x8x128xf32, #tpu.memory_space<vmem>> -> memref<2x8x128xf32, #tpu.memory_space<vmem>>
    %dma_start3A_734 = arith.constant 0 : i32
    %dma_start3A_735 = arith.constant 0 : i32
    %dma_start3A_736 = tpu.memref_slice %arg4[%select_n3A_569, %dma_start3A_729, %select_n3A_609, %dma_start3A_734, %dma_start3A_735] : memref<50x8x128x8x128xf32, #tpu.memory_space<hbm>> -> memref<1x1x2x8x128xf32, #tpu.memory_space<hbm>>
    %dma_start3A_737 = tpu.memref_squeeze %dma_start3A_736 : memref<1x1x2x8x128xf32, #tpu.memory_space<hbm>> -> memref<2x8x128xf32, #tpu.memory_space<hbm>>
    %dma_start3A_738 = arith.constant 0 : i32
    %dma_start3A_739 = arith.constant 0 : i32
    %dma_start3A_740 = tpu.memref_slice %arg4[%select_n3A_569, %dma_start3A_729, %select_n3A_609, %dma_start3A_738, %dma_start3A_739] : memref<50x8x128x8x128xf32, #tpu.memory_space<hbm>> -> memref<1x1x2x8x128xf32, #tpu.memory_space<hbm>>
    %dma_start3A_741 = tpu.memref_squeeze %dma_start3A_740 : memref<1x1x2x8x128xf32, #tpu.memory_space<hbm>> -> memref<2x8x128xf32, #tpu.memory_space<hbm>>
    %dma_start3A_742 = arith.constant 14 : i32
    %dma_start3A_743 = arith.constant 0 : i32
    %dma_start3A_744 = arith.constant 0 : i32
    %dma_start3A_745 = tpu.memref_slice %arg9[%dma_start3A_742, %dma_start3A_743, %dma_start3A_744] : memref<16x8x128xf32, #tpu.memory_space<vmem>> -> memref<2x8x128xf32, #tpu.memory_space<vmem>>
    tpu.enqueue_dma source(%dma_start3A_745 : memref<2x8x128xf32, #tpu.memory_space<vmem>>) target(%dma_start3A_741 : memref<2x8x128xf32, #tpu.memory_space<hbm>>) target_semaphore(%arg13 : memref<!tpu.dma_semaphore, #tpu.memory_space<semaphore_mem>>)
    %dma_wait3A_746 = arith.constant 0 : i32
    %dma_wait3A_747 = arith.constant 0 : i32
    %dma_wait3A_748 = arith.constant 0 : i32
    %dma_wait3A_749 = arith.constant 0 : i32
    %dma_wait3A_750 = arith.constant 0 : i32
    %dma_wait3A_751 = tpu.memref_slice %arg8[%dma_wait3A_748, %dma_wait3A_749, %dma_wait3A_750] : memref<16x8x128xf32, #tpu.memory_space<vmem>> -> memref<2x8x128xf32, #tpu.memory_space<vmem>>
    %dma_wait3A_752 = arith.constant 0 : i32
    %dma_wait3A_753 = arith.constant 0 : i32
    %dma_wait3A_754 = arith.constant 0 : i32
    %dma_wait3A_755 = tpu.memref_slice %arg4[%dma_wait3A_746, %dma_wait3A_747, %dma_wait3A_752, %dma_wait3A_753, %dma_wait3A_754] : memref<50x8x128x8x128xf32, #tpu.memory_space<hbm>> -> memref<1x1x2x8x128xf32, #tpu.memory_space<hbm>>
    %dma_wait3A_756 = tpu.memref_squeeze %dma_wait3A_755 : memref<1x1x2x8x128xf32, #tpu.memory_space<hbm>> -> memref<2x8x128xf32, #tpu.memory_space<hbm>>
    %dma_wait3A_757 = arith.constant 0 : i32
    %dma_wait3A_758 = arith.constant 0 : i32
    %dma_wait3A_759 = arith.constant 0 : i32
    %dma_wait3A_760 = tpu.memref_slice %arg4[%dma_wait3A_746, %dma_wait3A_747, %dma_wait3A_757, %dma_wait3A_758, %dma_wait3A_759] : memref<50x8x128x8x128xf32, #tpu.memory_space<hbm>> -> memref<1x1x2x8x128xf32, #tpu.memory_space<hbm>>
    %dma_wait3A_761 = tpu.memref_squeeze %dma_wait3A_760 : memref<1x1x2x8x128xf32, #tpu.memory_space<hbm>> -> memref<2x8x128xf32, #tpu.memory_space<hbm>>
    %dma_wait3A_762 = arith.constant 0 : i32
    %dma_wait3A_763 = arith.constant 0 : i32
    %dma_wait3A_764 = arith.constant 0 : i32
    %dma_wait3A_765 = tpu.memref_slice %arg8[%dma_wait3A_762, %dma_wait3A_763, %dma_wait3A_764] : memref<16x8x128xf32, #tpu.memory_space<vmem>> -> memref<2x8x128xf32, #tpu.memory_space<vmem>>
    tpu.wait_dma2 semaphore(%arg12 : memref<!tpu.dma_semaphore, #tpu.memory_space<semaphore_mem>>) src(%dma_wait3A_765 : memref<2x8x128xf32, #tpu.memory_space<vmem>>) dst(%dma_wait3A_761 : memref<2x8x128xf32, #tpu.memory_space<hbm>>)
    %dma_wait3A_766 = arith.constant 0 : i32
    %dma_wait3A_767 = arith.constant 1 : i32
    %dma_wait3A_768 = arith.constant 2 : i32
    %dma_wait3A_769 = arith.constant 0 : i32
    %dma_wait3A_770 = arith.constant 0 : i32
    %dma_wait3A_771 = tpu.memref_slice %arg8[%dma_wait3A_768, %dma_wait3A_769, %dma_wait3A_770] : memref<16x8x128xf32, #tpu.memory_space<vmem>> -> memref<2x8x128xf32, #tpu.memory_space<vmem>>
    %dma_wait3A_772 = arith.constant 0 : i32
    %dma_wait3A_773 = arith.constant 0 : i32
    %dma_wait3A_774 = arith.constant 0 : i32
    %dma_wait3A_775 = tpu.memref_slice %arg4[%dma_wait3A_766, %dma_wait3A_767, %dma_wait3A_772, %dma_wait3A_773, %dma_wait3A_774] : memref<50x8x128x8x128xf32, #tpu.memory_space<hbm>> -> memref<1x1x2x8x128xf32, #tpu.memory_space<hbm>>
    %dma_wait3A_776 = tpu.memref_squeeze %dma_wait3A_775 : memref<1x1x2x8x128xf32, #tpu.memory_space<hbm>> -> memref<2x8x128xf32, #tpu.memory_space<hbm>>
    %dma_wait3A_777 = arith.constant 0 : i32
    %dma_wait3A_778 = arith.constant 0 : i32
    %dma_wait3A_779 = arith.constant 0 : i32
    %dma_wait3A_780 = tpu.memref_slice %arg4[%dma_wait3A_766, %dma_wait3A_767, %dma_wait3A_777, %dma_wait3A_778, %dma_wait3A_779] : memref<50x8x128x8x128xf32, #tpu.memory_space<hbm>> -> memref<1x1x2x8x128xf32, #tpu.memory_space<hbm>>
    %dma_wait3A_781 = tpu.memref_squeeze %dma_wait3A_780 : memref<1x1x2x8x128xf32, #tpu.memory_space<hbm>> -> memref<2x8x128xf32, #tpu.memory_space<hbm>>
    %dma_wait3A_782 = arith.constant 2 : i32
    %dma_wait3A_783 = arith.constant 0 : i32
    %dma_wait3A_784 = arith.constant 0 : i32
    %dma_wait3A_785 = tpu.memref_slice %arg8[%dma_wait3A_782, %dma_wait3A_783, %dma_wait3A_784] : memref<16x8x128xf32, #tpu.memory_space<vmem>> -> memref<2x8x128xf32, #tpu.memory_space<vmem>>
    tpu.wait_dma2 semaphore(%arg12 : memref<!tpu.dma_semaphore, #tpu.memory_space<semaphore_mem>>) src(%dma_wait3A_785 : memref<2x8x128xf32, #tpu.memory_space<vmem>>) dst(%dma_wait3A_781 : memref<2x8x128xf32, #tpu.memory_space<hbm>>)
    %dma_wait3A_786 = arith.constant 0 : i32
    %dma_wait3A_787 = arith.constant 2 : i32
    %dma_wait3A_788 = arith.constant 4 : i32
    %dma_wait3A_789 = arith.constant 0 : i32
    %dma_wait3A_790 = arith.constant 0 : i32
    %dma_wait3A_791 = tpu.memref_slice %arg8[%dma_wait3A_788, %dma_wait3A_789, %dma_wait3A_790] : memref<16x8x128xf32, #tpu.memory_space<vmem>> -> memref<2x8x128xf32, #tpu.memory_space<vmem>>
    %dma_wait3A_792 = arith.constant 0 : i32
    %dma_wait3A_793 = arith.constant 0 : i32
    %dma_wait3A_794 = arith.constant 0 : i32
    %dma_wait3A_795 = tpu.memref_slice %arg4[%dma_wait3A_786, %dma_wait3A_787, %dma_wait3A_792, %dma_wait3A_793, %dma_wait3A_794] : memref<50x8x128x8x128xf32, #tpu.memory_space<hbm>> -> memref<1x1x2x8x128xf32, #tpu.memory_space<hbm>>
    %dma_wait3A_796 = tpu.memref_squeeze %dma_wait3A_795 : memref<1x1x2x8x128xf32, #tpu.memory_space<hbm>> -> memref<2x8x128xf32, #tpu.memory_space<hbm>>
    %dma_wait3A_797 = arith.constant 0 : i32
    %dma_wait3A_798 = arith.constant 0 : i32
    %dma_wait3A_799 = arith.constant 0 : i32
    %dma_wait3A_800 = tpu.memref_slice %arg4[%dma_wait3A_786, %dma_wait3A_787, %dma_wait3A_797, %dma_wait3A_798, %dma_wait3A_799] : memref<50x8x128x8x128xf32, #tpu.memory_space<hbm>> -> memref<1x1x2x8x128xf32, #tpu.memory_space<hbm>>
    %dma_wait3A_801 = tpu.memref_squeeze %dma_wait3A_800 : memref<1x1x2x8x128xf32, #tpu.memory_space<hbm>> -> memref<2x8x128xf32, #tpu.memory_space<hbm>>
    %dma_wait3A_802 = arith.constant 4 : i32
    %dma_wait3A_803 = arith.constant 0 : i32
    %dma_wait3A_804 = arith.constant 0 : i32
    %dma_wait3A_805 = tpu.memref_slice %arg8[%dma_wait3A_802, %dma_wait3A_803, %dma_wait3A_804] : memref<16x8x128xf32, #tpu.memory_space<vmem>> -> memref<2x8x128xf32, #tpu.memory_space<vmem>>
    tpu.wait_dma2 semaphore(%arg12 : memref<!tpu.dma_semaphore, #tpu.memory_space<semaphore_mem>>) src(%dma_wait3A_805 : memref<2x8x128xf32, #tpu.memory_space<vmem>>) dst(%dma_wait3A_801 : memref<2x8x128xf32, #tpu.memory_space<hbm>>)
    %dma_wait3A_806 = arith.constant 0 : i32
    %dma_wait3A_807 = arith.constant 3 : i32
    %dma_wait3A_808 = arith.constant 6 : i32
    %dma_wait3A_809 = arith.constant 0 : i32
    %dma_wait3A_810 = arith.constant 0 : i32
    %dma_wait3A_811 = tpu.memref_slice %arg8[%dma_wait3A_808, %dma_wait3A_809, %dma_wait3A_810] : memref<16x8x128xf32, #tpu.memory_space<vmem>> -> memref<2x8x128xf32, #tpu.memory_space<vmem>>
    %dma_wait3A_812 = arith.constant 0 : i32
    %dma_wait3A_813 = arith.constant 0 : i32
    %dma_wait3A_814 = arith.constant 0 : i32
    %dma_wait3A_815 = tpu.memref_slice %arg4[%dma_wait3A_806, %dma_wait3A_807, %dma_wait3A_812, %dma_wait3A_813, %dma_wait3A_814] : memref<50x8x128x8x128xf32, #tpu.memory_space<hbm>> -> memref<1x1x2x8x128xf32, #tpu.memory_space<hbm>>
    %dma_wait3A_816 = tpu.memref_squeeze %dma_wait3A_815 : memref<1x1x2x8x128xf32, #tpu.memory_space<hbm>> -> memref<2x8x128xf32, #tpu.memory_space<hbm>>
    %dma_wait3A_817 = arith.constant 0 : i32
    %dma_wait3A_818 = arith.constant 0 : i32
    %dma_wait3A_819 = arith.constant 0 : i32
    %dma_wait3A_820 = tpu.memref_slice %arg4[%dma_wait3A_806, %dma_wait3A_807, %dma_wait3A_817, %dma_wait3A_818, %dma_wait3A_819] : memref<50x8x128x8x128xf32, #tpu.memory_space<hbm>> -> memref<1x1x2x8x128xf32, #tpu.memory_space<hbm>>
    %dma_wait3A_821 = tpu.memref_squeeze %dma_wait3A_820 : memref<1x1x2x8x128xf32, #tpu.memory_space<hbm>> -> memref<2x8x128xf32, #tpu.memory_space<hbm>>
    %dma_wait3A_822 = arith.constant 6 : i32
    %dma_wait3A_823 = arith.constant 0 : i32
    %dma_wait3A_824 = arith.constant 0 : i32
    %dma_wait3A_825 = tpu.memref_slice %arg8[%dma_wait3A_822, %dma_wait3A_823, %dma_wait3A_824] : memref<16x8x128xf32, #tpu.memory_space<vmem>> -> memref<2x8x128xf32, #tpu.memory_space<vmem>>
    tpu.wait_dma2 semaphore(%arg12 : memref<!tpu.dma_semaphore, #tpu.memory_space<semaphore_mem>>) src(%dma_wait3A_825 : memref<2x8x128xf32, #tpu.memory_space<vmem>>) dst(%dma_wait3A_821 : memref<2x8x128xf32, #tpu.memory_space<hbm>>)
    %dma_wait3A_826 = arith.constant 0 : i32
    %dma_wait3A_827 = arith.constant 4 : i32
    %dma_wait3A_828 = arith.constant 8 : i32
    %dma_wait3A_829 = arith.constant 0 : i32
    %dma_wait3A_830 = arith.constant 0 : i32
    %dma_wait3A_831 = tpu.memref_slice %arg8[%dma_wait3A_828, %dma_wait3A_829, %dma_wait3A_830] : memref<16x8x128xf32, #tpu.memory_space<vmem>> -> memref<2x8x128xf32, #tpu.memory_space<vmem>>
    %dma_wait3A_832 = arith.constant 0 : i32
    %dma_wait3A_833 = arith.constant 0 : i32
    %dma_wait3A_834 = arith.constant 0 : i32
    %dma_wait3A_835 = tpu.memref_slice %arg4[%dma_wait3A_826, %dma_wait3A_827, %dma_wait3A_832, %dma_wait3A_833, %dma_wait3A_834] : memref<50x8x128x8x128xf32, #tpu.memory_space<hbm>> -> memref<1x1x2x8x128xf32, #tpu.memory_space<hbm>>
    %dma_wait3A_836 = tpu.memref_squeeze %dma_wait3A_835 : memref<1x1x2x8x128xf32, #tpu.memory_space<hbm>> -> memref<2x8x128xf32, #tpu.memory_space<hbm>>
    %dma_wait3A_837 = arith.constant 0 : i32
    %dma_wait3A_838 = arith.constant 0 : i32
    %dma_wait3A_839 = arith.constant 0 : i32
    %dma_wait3A_840 = tpu.memref_slice %arg4[%dma_wait3A_826, %dma_wait3A_827, %dma_wait3A_837, %dma_wait3A_838, %dma_wait3A_839] : memref<50x8x128x8x128xf32, #tpu.memory_space<hbm>> -> memref<1x1x2x8x128xf32, #tpu.memory_space<hbm>>
    %dma_wait3A_841 = tpu.memref_squeeze %dma_wait3A_840 : memref<1x1x2x8x128xf32, #tpu.memory_space<hbm>> -> memref<2x8x128xf32, #tpu.memory_space<hbm>>
    %dma_wait3A_842 = arith.constant 8 : i32
    %dma_wait3A_843 = arith.constant 0 : i32
    %dma_wait3A_844 = arith.constant 0 : i32
    %dma_wait3A_845 = tpu.memref_slice %arg8[%dma_wait3A_842, %dma_wait3A_843, %dma_wait3A_844] : memref<16x8x128xf32, #tpu.memory_space<vmem>> -> memref<2x8x128xf32, #tpu.memory_space<vmem>>
    tpu.wait_dma2 semaphore(%arg12 : memref<!tpu.dma_semaphore, #tpu.memory_space<semaphore_mem>>) src(%dma_wait3A_845 : memref<2x8x128xf32, #tpu.memory_space<vmem>>) dst(%dma_wait3A_841 : memref<2x8x128xf32, #tpu.memory_space<hbm>>)
    %dma_wait3A_846 = arith.constant 0 : i32
    %dma_wait3A_847 = arith.constant 5 : i32
    %dma_wait3A_848 = arith.constant 10 : i32
    %dma_wait3A_849 = arith.constant 0 : i32
    %dma_wait3A_850 = arith.constant 0 : i32
    %dma_wait3A_851 = tpu.memref_slice %arg8[%dma_wait3A_848, %dma_wait3A_849, %dma_wait3A_850] : memref<16x8x128xf32, #tpu.memory_space<vmem>> -> memref<2x8x128xf32, #tpu.memory_space<vmem>>
    %dma_wait3A_852 = arith.constant 0 : i32
    %dma_wait3A_853 = arith.constant 0 : i32
    %dma_wait3A_854 = arith.constant 0 : i32
    %dma_wait3A_855 = tpu.memref_slice %arg4[%dma_wait3A_846, %dma_wait3A_847, %dma_wait3A_852, %dma_wait3A_853, %dma_wait3A_854] : memref<50x8x128x8x128xf32, #tpu.memory_space<hbm>> -> memref<1x1x2x8x128xf32, #tpu.memory_space<hbm>>
    %dma_wait3A_856 = tpu.memref_squeeze %dma_wait3A_855 : memref<1x1x2x8x128xf32, #tpu.memory_space<hbm>> -> memref<2x8x128xf32, #tpu.memory_space<hbm>>
    %dma_wait3A_857 = arith.constant 0 : i32
    %dma_wait3A_858 = arith.constant 0 : i32
    %dma_wait3A_859 = arith.constant 0 : i32
    %dma_wait3A_860 = tpu.memref_slice %arg4[%dma_wait3A_846, %dma_wait3A_847, %dma_wait3A_857, %dma_wait3A_858, %dma_wait3A_859] : memref<50x8x128x8x128xf32, #tpu.memory_space<hbm>> -> memref<1x1x2x8x128xf32, #tpu.memory_space<hbm>>
    %dma_wait3A_861 = tpu.memref_squeeze %dma_wait3A_860 : memref<1x1x2x8x128xf32, #tpu.memory_space<hbm>> -> memref<2x8x128xf32, #tpu.memory_space<hbm>>
    %dma_wait3A_862 = arith.constant 10 : i32
    %dma_wait3A_863 = arith.constant 0 : i32
    %dma_wait3A_864 = arith.constant 0 : i32
    %dma_wait3A_865 = tpu.memref_slice %arg8[%dma_wait3A_862, %dma_wait3A_863, %dma_wait3A_864] : memref<16x8x128xf32, #tpu.memory_space<vmem>> -> memref<2x8x128xf32, #tpu.memory_space<vmem>>
    tpu.wait_dma2 semaphore(%arg12 : memref<!tpu.dma_semaphore, #tpu.memory_space<semaphore_mem>>) src(%dma_wait3A_865 : memref<2x8x128xf32, #tpu.memory_space<vmem>>) dst(%dma_wait3A_861 : memref<2x8x128xf32, #tpu.memory_space<hbm>>)
    %dma_wait3A_866 = arith.constant 0 : i32
    %dma_wait3A_867 = arith.constant 6 : i32
    %dma_wait3A_868 = arith.constant 12 : i32
    %dma_wait3A_869 = arith.constant 0 : i32
    %dma_wait3A_870 = arith.constant 0 : i32
    %dma_wait3A_871 = tpu.memref_slice %arg8[%dma_wait3A_868, %dma_wait3A_869, %dma_wait3A_870] : memref<16x8x128xf32, #tpu.memory_space<vmem>> -> memref<2x8x128xf32, #tpu.memory_space<vmem>>
    %dma_wait3A_872 = arith.constant 0 : i32
    %dma_wait3A_873 = arith.constant 0 : i32
    %dma_wait3A_874 = arith.constant 0 : i32
    %dma_wait3A_875 = tpu.memref_slice %arg4[%dma_wait3A_866, %dma_wait3A_867, %dma_wait3A_872, %dma_wait3A_873, %dma_wait3A_874] : memref<50x8x128x8x128xf32, #tpu.memory_space<hbm>> -> memref<1x1x2x8x128xf32, #tpu.memory_space<hbm>>
    %dma_wait3A_876 = tpu.memref_squeeze %dma_wait3A_875 : memref<1x1x2x8x128xf32, #tpu.memory_space<hbm>> -> memref<2x8x128xf32, #tpu.memory_space<hbm>>
    %dma_wait3A_877 = arith.constant 0 : i32
    %dma_wait3A_878 = arith.constant 0 : i32
    %dma_wait3A_879 = arith.constant 0 : i32
    %dma_wait3A_880 = tpu.memref_slice %arg4[%dma_wait3A_866, %dma_wait3A_867, %dma_wait3A_877, %dma_wait3A_878, %dma_wait3A_879] : memref<50x8x128x8x128xf32, #tpu.memory_space<hbm>> -> memref<1x1x2x8x128xf32, #tpu.memory_space<hbm>>
    %dma_wait3A_881 = tpu.memref_squeeze %dma_wait3A_880 : memref<1x1x2x8x128xf32, #tpu.memory_space<hbm>> -> memref<2x8x128xf32, #tpu.memory_space<hbm>>
    %dma_wait3A_882 = arith.constant 12 : i32
    %dma_wait3A_883 = arith.constant 0 : i32
    %dma_wait3A_884 = arith.constant 0 : i32
    %dma_wait3A_885 = tpu.memref_slice %arg8[%dma_wait3A_882, %dma_wait3A_883, %dma_wait3A_884] : memref<16x8x128xf32, #tpu.memory_space<vmem>> -> memref<2x8x128xf32, #tpu.memory_space<vmem>>
    tpu.wait_dma2 semaphore(%arg12 : memref<!tpu.dma_semaphore, #tpu.memory_space<semaphore_mem>>) src(%dma_wait3A_885 : memref<2x8x128xf32, #tpu.memory_space<vmem>>) dst(%dma_wait3A_881 : memref<2x8x128xf32, #tpu.memory_space<hbm>>)
    %dma_wait3A_886 = arith.constant 0 : i32
    %dma_wait3A_887 = arith.constant 7 : i32
    %dma_wait3A_888 = arith.constant 14 : i32
    %dma_wait3A_889 = arith.constant 0 : i32
    %dma_wait3A_890 = arith.constant 0 : i32
    %dma_wait3A_891 = tpu.memref_slice %arg8[%dma_wait3A_888, %dma_wait3A_889, %dma_wait3A_890] : memref<16x8x128xf32, #tpu.memory_space<vmem>> -> memref<2x8x128xf32, #tpu.memory_space<vmem>>
    %dma_wait3A_892 = arith.constant 0 : i32
    %dma_wait3A_893 = arith.constant 0 : i32
    %dma_wait3A_894 = arith.constant 0 : i32
    %dma_wait3A_895 = tpu.memref_slice %arg4[%dma_wait3A_886, %dma_wait3A_887, %dma_wait3A_892, %dma_wait3A_893, %dma_wait3A_894] : memref<50x8x128x8x128xf32, #tpu.memory_space<hbm>> -> memref<1x1x2x8x128xf32, #tpu.memory_space<hbm>>
    %dma_wait3A_896 = tpu.memref_squeeze %dma_wait3A_895 : memref<1x1x2x8x128xf32, #tpu.memory_space<hbm>> -> memref<2x8x128xf32, #tpu.memory_space<hbm>>
    %dma_wait3A_897 = arith.constant 0 : i32
    %dma_wait3A_898 = arith.constant 0 : i32
    %dma_wait3A_899 = arith.constant 0 : i32
    %dma_wait3A_900 = tpu.memref_slice %arg4[%dma_wait3A_886, %dma_wait3A_887, %dma_wait3A_897, %dma_wait3A_898, %dma_wait3A_899] : memref<50x8x128x8x128xf32, #tpu.memory_space<hbm>> -> memref<1x1x2x8x128xf32, #tpu.memory_space<hbm>>
    %dma_wait3A_901 = tpu.memref_squeeze %dma_wait3A_900 : memref<1x1x2x8x128xf32, #tpu.memory_space<hbm>> -> memref<2x8x128xf32, #tpu.memory_space<hbm>>
    %dma_wait3A_902 = arith.constant 14 : i32
    %dma_wait3A_903 = arith.constant 0 : i32
    %dma_wait3A_904 = arith.constant 0 : i32
    %dma_wait3A_905 = tpu.memref_slice %arg8[%dma_wait3A_902, %dma_wait3A_903, %dma_wait3A_904] : memref<16x8x128xf32, #tpu.memory_space<vmem>> -> memref<2x8x128xf32, #tpu.memory_space<vmem>>
    tpu.wait_dma2 semaphore(%arg12 : memref<!tpu.dma_semaphore, #tpu.memory_space<semaphore_mem>>) src(%dma_wait3A_905 : memref<2x8x128xf32, #tpu.memory_space<vmem>>) dst(%dma_wait3A_901 : memref<2x8x128xf32, #tpu.memory_space<hbm>>)
    %dma_wait3A_906 = arith.constant 0 : i32
    %dma_wait3A_907 = arith.constant 0 : i32
    %dma_wait3A_908 = arith.constant 0 : i32
    %dma_wait3A_909 = arith.constant 0 : i32
    %dma_wait3A_910 = arith.constant 0 : i32
    %dma_wait3A_911 = tpu.memref_slice %arg9[%dma_wait3A_908, %dma_wait3A_909, %dma_wait3A_910] : memref<16x8x128xf32, #tpu.memory_space<vmem>> -> memref<2x8x128xf32, #tpu.memory_space<vmem>>
    %dma_wait3A_912 = arith.constant 0 : i32
    %dma_wait3A_913 = arith.constant 0 : i32
    %dma_wait3A_914 = arith.constant 0 : i32
    %dma_wait3A_915 = tpu.memref_slice %arg4[%dma_wait3A_906, %dma_wait3A_907, %dma_wait3A_912, %dma_wait3A_913, %dma_wait3A_914] : memref<50x8x128x8x128xf32, #tpu.memory_space<hbm>> -> memref<1x1x2x8x128xf32, #tpu.memory_space<hbm>>
    %dma_wait3A_916 = tpu.memref_squeeze %dma_wait3A_915 : memref<1x1x2x8x128xf32, #tpu.memory_space<hbm>> -> memref<2x8x128xf32, #tpu.memory_space<hbm>>
    %dma_wait3A_917 = arith.constant 0 : i32
    %dma_wait3A_918 = arith.constant 0 : i32
    %dma_wait3A_919 = arith.constant 0 : i32
    %dma_wait3A_920 = tpu.memref_slice %arg4[%dma_wait3A_906, %dma_wait3A_907, %dma_wait3A_917, %dma_wait3A_918, %dma_wait3A_919] : memref<50x8x128x8x128xf32, #tpu.memory_space<hbm>> -> memref<1x1x2x8x128xf32, #tpu.memory_space<hbm>>
    %dma_wait3A_921 = tpu.memref_squeeze %dma_wait3A_920 : memref<1x1x2x8x128xf32, #tpu.memory_space<hbm>> -> memref<2x8x128xf32, #tpu.memory_space<hbm>>
    %dma_wait3A_922 = arith.constant 0 : i32
    %dma_wait3A_923 = arith.constant 0 : i32
    %dma_wait3A_924 = arith.constant 0 : i32
    %dma_wait3A_925 = tpu.memref_slice %arg9[%dma_wait3A_922, %dma_wait3A_923, %dma_wait3A_924] : memref<16x8x128xf32, #tpu.memory_space<vmem>> -> memref<2x8x128xf32, #tpu.memory_space<vmem>>
    tpu.wait_dma2 semaphore(%arg13 : memref<!tpu.dma_semaphore, #tpu.memory_space<semaphore_mem>>) src(%dma_wait3A_925 : memref<2x8x128xf32, #tpu.memory_space<vmem>>) dst(%dma_wait3A_921 : memref<2x8x128xf32, #tpu.memory_space<hbm>>)
    %dma_wait3A_926 = arith.constant 0 : i32
    %dma_wait3A_927 = arith.constant 1 : i32
    %dma_wait3A_928 = arith.constant 2 : i32
    %dma_wait3A_929 = arith.constant 0 : i32
    %dma_wait3A_930 = arith.constant 0 : i32
    %dma_wait3A_931 = tpu.memref_slice %arg9[%dma_wait3A_928, %dma_wait3A_929, %dma_wait3A_930] : memref<16x8x128xf32, #tpu.memory_space<vmem>> -> memref<2x8x128xf32, #tpu.memory_space<vmem>>
    %dma_wait3A_932 = arith.constant 0 : i32
    %dma_wait3A_933 = arith.constant 0 : i32
    %dma_wait3A_934 = arith.constant 0 : i32
    %dma_wait3A_935 = tpu.memref_slice %arg4[%dma_wait3A_926, %dma_wait3A_927, %dma_wait3A_932, %dma_wait3A_933, %dma_wait3A_934] : memref<50x8x128x8x128xf32, #tpu.memory_space<hbm>> -> memref<1x1x2x8x128xf32, #tpu.memory_space<hbm>>
    %dma_wait3A_936 = tpu.memref_squeeze %dma_wait3A_935 : memref<1x1x2x8x128xf32, #tpu.memory_space<hbm>> -> memref<2x8x128xf32, #tpu.memory_space<hbm>>
    %dma_wait3A_937 = arith.constant 0 : i32
    %dma_wait3A_938 = arith.constant 0 : i32
    %dma_wait3A_939 = arith.constant 0 : i32
    %dma_wait3A_940 = tpu.memref_slice %arg4[%dma_wait3A_926, %dma_wait3A_927, %dma_wait3A_937, %dma_wait3A_938, %dma_wait3A_939] : memref<50x8x128x8x128xf32, #tpu.memory_space<hbm>> -> memref<1x1x2x8x128xf32, #tpu.memory_space<hbm>>
    %dma_wait3A_941 = tpu.memref_squeeze %dma_wait3A_940 : memref<1x1x2x8x128xf32, #tpu.memory_space<hbm>> -> memref<2x8x128xf32, #tpu.memory_space<hbm>>
    %dma_wait3A_942 = arith.constant 2 : i32
    %dma_wait3A_943 = arith.constant 0 : i32
    %dma_wait3A_944 = arith.constant 0 : i32
    %dma_wait3A_945 = tpu.memref_slice %arg9[%dma_wait3A_942, %dma_wait3A_943, %dma_wait3A_944] : memref<16x8x128xf32, #tpu.memory_space<vmem>> -> memref<2x8x128xf32, #tpu.memory_space<vmem>>
    tpu.wait_dma2 semaphore(%arg13 : memref<!tpu.dma_semaphore, #tpu.memory_space<semaphore_mem>>) src(%dma_wait3A_945 : memref<2x8x128xf32, #tpu.memory_space<vmem>>) dst(%dma_wait3A_941 : memref<2x8x128xf32, #tpu.memory_space<hbm>>)
    %dma_wait3A_946 = arith.constant 0 : i32
    %dma_wait3A_947 = arith.constant 2 : i32
    %dma_wait3A_948 = arith.constant 4 : i32
    %dma_wait3A_949 = arith.constant 0 : i32
    %dma_wait3A_950 = arith.constant 0 : i32
    %dma_wait3A_951 = tpu.memref_slice %arg9[%dma_wait3A_948, %dma_wait3A_949, %dma_wait3A_950] : memref<16x8x128xf32, #tpu.memory_space<vmem>> -> memref<2x8x128xf32, #tpu.memory_space<vmem>>
    %dma_wait3A_952 = arith.constant 0 : i32
    %dma_wait3A_953 = arith.constant 0 : i32
    %dma_wait3A_954 = arith.constant 0 : i32
    %dma_wait3A_955 = tpu.memref_slice %arg4[%dma_wait3A_946, %dma_wait3A_947, %dma_wait3A_952, %dma_wait3A_953, %dma_wait3A_954] : memref<50x8x128x8x128xf32, #tpu.memory_space<hbm>> -> memref<1x1x2x8x128xf32, #tpu.memory_space<hbm>>
    %dma_wait3A_956 = tpu.memref_squeeze %dma_wait3A_955 : memref<1x1x2x8x128xf32, #tpu.memory_space<hbm>> -> memref<2x8x128xf32, #tpu.memory_space<hbm>>
    %dma_wait3A_957 = arith.constant 0 : i32
    %dma_wait3A_958 = arith.constant 0 : i32
    %dma_wait3A_959 = arith.constant 0 : i32
    %dma_wait3A_960 = tpu.memref_slice %arg4[%dma_wait3A_946, %dma_wait3A_947, %dma_wait3A_957, %dma_wait3A_958, %dma_wait3A_959] : memref<50x8x128x8x128xf32, #tpu.memory_space<hbm>> -> memref<1x1x2x8x128xf32, #tpu.memory_space<hbm>>
    %dma_wait3A_961 = tpu.memref_squeeze %dma_wait3A_960 : memref<1x1x2x8x128xf32, #tpu.memory_space<hbm>> -> memref<2x8x128xf32, #tpu.memory_space<hbm>>
    %dma_wait3A_962 = arith.constant 4 : i32
    %dma_wait3A_963 = arith.constant 0 : i32
    %dma_wait3A_964 = arith.constant 0 : i32
    %dma_wait3A_965 = tpu.memref_slice %arg9[%dma_wait3A_962, %dma_wait3A_963, %dma_wait3A_964] : memref<16x8x128xf32, #tpu.memory_space<vmem>> -> memref<2x8x128xf32, #tpu.memory_space<vmem>>
    tpu.wait_dma2 semaphore(%arg13 : memref<!tpu.dma_semaphore, #tpu.memory_space<semaphore_mem>>) src(%dma_wait3A_965 : memref<2x8x128xf32, #tpu.memory_space<vmem>>) dst(%dma_wait3A_961 : memref<2x8x128xf32, #tpu.memory_space<hbm>>)
    %dma_wait3A_966 = arith.constant 0 : i32
    %dma_wait3A_967 = arith.constant 3 : i32
    %dma_wait3A_968 = arith.constant 6 : i32
    %dma_wait3A_969 = arith.constant 0 : i32
    %dma_wait3A_970 = arith.constant 0 : i32
    %dma_wait3A_971 = tpu.memref_slice %arg9[%dma_wait3A_968, %dma_wait3A_969, %dma_wait3A_970] : memref<16x8x128xf32, #tpu.memory_space<vmem>> -> memref<2x8x128xf32, #tpu.memory_space<vmem>>
    %dma_wait3A_972 = arith.constant 0 : i32
    %dma_wait3A_973 = arith.constant 0 : i32
    %dma_wait3A_974 = arith.constant 0 : i32
    %dma_wait3A_975 = tpu.memref_slice %arg4[%dma_wait3A_966, %dma_wait3A_967, %dma_wait3A_972, %dma_wait3A_973, %dma_wait3A_974] : memref<50x8x128x8x128xf32, #tpu.memory_space<hbm>> -> memref<1x1x2x8x128xf32, #tpu.memory_space<hbm>>
    %dma_wait3A_976 = tpu.memref_squeeze %dma_wait3A_975 : memref<1x1x2x8x128xf32, #tpu.memory_space<hbm>> -> memref<2x8x128xf32, #tpu.memory_space<hbm>>
    %dma_wait3A_977 = arith.constant 0 : i32
    %dma_wait3A_978 = arith.constant 0 : i32
    %dma_wait3A_979 = arith.constant 0 : i32
    %dma_wait3A_980 = tpu.memref_slice %arg4[%dma_wait3A_966, %dma_wait3A_967, %dma_wait3A_977, %dma_wait3A_978, %dma_wait3A_979] : memref<50x8x128x8x128xf32, #tpu.memory_space<hbm>> -> memref<1x1x2x8x128xf32, #tpu.memory_space<hbm>>
    %dma_wait3A_981 = tpu.memref_squeeze %dma_wait3A_980 : memref<1x1x2x8x128xf32, #tpu.memory_space<hbm>> -> memref<2x8x128xf32, #tpu.memory_space<hbm>>
    %dma_wait3A_982 = arith.constant 6 : i32
    %dma_wait3A_983 = arith.constant 0 : i32
    %dma_wait3A_984 = arith.constant 0 : i32
    %dma_wait3A_985 = tpu.memref_slice %arg9[%dma_wait3A_982, %dma_wait3A_983, %dma_wait3A_984] : memref<16x8x128xf32, #tpu.memory_space<vmem>> -> memref<2x8x128xf32, #tpu.memory_space<vmem>>
    tpu.wait_dma2 semaphore(%arg13 : memref<!tpu.dma_semaphore, #tpu.memory_space<semaphore_mem>>) src(%dma_wait3A_985 : memref<2x8x128xf32, #tpu.memory_space<vmem>>) dst(%dma_wait3A_981 : memref<2x8x128xf32, #tpu.memory_space<hbm>>)
    %dma_wait3A_986 = arith.constant 0 : i32
    %dma_wait3A_987 = arith.constant 4 : i32
    %dma_wait3A_988 = arith.constant 8 : i32
    %dma_wait3A_989 = arith.constant 0 : i32
    %dma_wait3A_990 = arith.constant 0 : i32
    %dma_wait3A_991 = tpu.memref_slice %arg9[%dma_wait3A_988, %dma_wait3A_989, %dma_wait3A_990] : memref<16x8x128xf32, #tpu.memory_space<vmem>> -> memref<2x8x128xf32, #tpu.memory_space<vmem>>
    %dma_wait3A_992 = arith.constant 0 : i32
    %dma_wait3A_993 = arith.constant 0 : i32
    %dma_wait3A_994 = arith.constant 0 : i32
    %dma_wait3A_995 = tpu.memref_slice %arg4[%dma_wait3A_986, %dma_wait3A_987, %dma_wait3A_992, %dma_wait3A_993, %dma_wait3A_994] : memref<50x8x128x8x128xf32, #tpu.memory_space<hbm>> -> memref<1x1x2x8x128xf32, #tpu.memory_space<hbm>>
    %dma_wait3A_996 = tpu.memref_squeeze %dma_wait3A_995 : memref<1x1x2x8x128xf32, #tpu.memory_space<hbm>> -> memref<2x8x128xf32, #tpu.memory_space<hbm>>
    %dma_wait3A_997 = arith.constant 0 : i32
    %dma_wait3A_998 = arith.constant 0 : i32
    %dma_wait3A_999 = arith.constant 0 : i32
    %dma_wait3A_1000 = tpu.memref_slice %arg4[%dma_wait3A_986, %dma_wait3A_987, %dma_wait3A_997, %dma_wait3A_998, %dma_wait3A_999] : memref<50x8x128x8x128xf32, #tpu.memory_space<hbm>> -> memref<1x1x2x8x128xf32, #tpu.memory_space<hbm>>
    %dma_wait3A_1001 = tpu.memref_squeeze %dma_wait3A_1000 : memref<1x1x2x8x128xf32, #tpu.memory_space<hbm>> -> memref<2x8x128xf32, #tpu.memory_space<hbm>>
    %dma_wait3A_1002 = arith.constant 8 : i32
    %dma_wait3A_1003 = arith.constant 0 : i32
    %dma_wait3A_1004 = arith.constant 0 : i32
    %dma_wait3A_1005 = tpu.memref_slice %arg9[%dma_wait3A_1002, %dma_wait3A_1003, %dma_wait3A_1004] : memref<16x8x128xf32, #tpu.memory_space<vmem>> -> memref<2x8x128xf32, #tpu.memory_space<vmem>>
    tpu.wait_dma2 semaphore(%arg13 : memref<!tpu.dma_semaphore, #tpu.memory_space<semaphore_mem>>) src(%dma_wait3A_1005 : memref<2x8x128xf32, #tpu.memory_space<vmem>>) dst(%dma_wait3A_1001 : memref<2x8x128xf32, #tpu.memory_space<hbm>>)
    %dma_wait3A_1006 = arith.constant 0 : i32
    %dma_wait3A_1007 = arith.constant 5 : i32
    %dma_wait3A_1008 = arith.constant 10 : i32
    %dma_wait3A_1009 = arith.constant 0 : i32
    %dma_wait3A_1010 = arith.constant 0 : i32
    %dma_wait3A_1011 = tpu.memref_slice %arg9[%dma_wait3A_1008, %dma_wait3A_1009, %dma_wait3A_1010] : memref<16x8x128xf32, #tpu.memory_space<vmem>> -> memref<2x8x128xf32, #tpu.memory_space<vmem>>
    %dma_wait3A_1012 = arith.constant 0 : i32
    %dma_wait3A_1013 = arith.constant 0 : i32
    %dma_wait3A_1014 = arith.constant 0 : i32
    %dma_wait3A_1015 = tpu.memref_slice %arg4[%dma_wait3A_1006, %dma_wait3A_1007, %dma_wait3A_1012, %dma_wait3A_1013, %dma_wait3A_1014] : memref<50x8x128x8x128xf32, #tpu.memory_space<hbm>> -> memref<1x1x2x8x128xf32, #tpu.memory_space<hbm>>
    %dma_wait3A_1016 = tpu.memref_squeeze %dma_wait3A_1015 : memref<1x1x2x8x128xf32, #tpu.memory_space<hbm>> -> memref<2x8x128xf32, #tpu.memory_space<hbm>>
    %dma_wait3A_1017 = arith.constant 0 : i32
    %dma_wait3A_1018 = arith.constant 0 : i32
    %dma_wait3A_1019 = arith.constant 0 : i32
    %dma_wait3A_1020 = tpu.memref_slice %arg4[%dma_wait3A_1006, %dma_wait3A_1007, %dma_wait3A_1017, %dma_wait3A_1018, %dma_wait3A_1019] : memref<50x8x128x8x128xf32, #tpu.memory_space<hbm>> -> memref<1x1x2x8x128xf32, #tpu.memory_space<hbm>>
    %dma_wait3A_1021 = tpu.memref_squeeze %dma_wait3A_1020 : memref<1x1x2x8x128xf32, #tpu.memory_space<hbm>> -> memref<2x8x128xf32, #tpu.memory_space<hbm>>
    %dma_wait3A_1022 = arith.constant 10 : i32
    %dma_wait3A_1023 = arith.constant 0 : i32
    %dma_wait3A_1024 = arith.constant 0 : i32
    %dma_wait3A_1025 = tpu.memref_slice %arg9[%dma_wait3A_1022, %dma_wait3A_1023, %dma_wait3A_1024] : memref<16x8x128xf32, #tpu.memory_space<vmem>> -> memref<2x8x128xf32, #tpu.memory_space<vmem>>
    tpu.wait_dma2 semaphore(%arg13 : memref<!tpu.dma_semaphore, #tpu.memory_space<semaphore_mem>>) src(%dma_wait3A_1025 : memref<2x8x128xf32, #tpu.memory_space<vmem>>) dst(%dma_wait3A_1021 : memref<2x8x128xf32, #tpu.memory_space<hbm>>)
    %dma_wait3A_1026 = arith.constant 0 : i32
    %dma_wait3A_1027 = arith.constant 6 : i32
    %dma_wait3A_1028 = arith.constant 12 : i32
    %dma_wait3A_1029 = arith.constant 0 : i32
    %dma_wait3A_1030 = arith.constant 0 : i32
    %dma_wait3A_1031 = tpu.memref_slice %arg9[%dma_wait3A_1028, %dma_wait3A_1029, %dma_wait3A_1030] : memref<16x8x128xf32, #tpu.memory_space<vmem>> -> memref<2x8x128xf32, #tpu.memory_space<vmem>>
    %dma_wait3A_1032 = arith.constant 0 : i32
    %dma_wait3A_1033 = arith.constant 0 : i32
    %dma_wait3A_1034 = arith.constant 0 : i32
    %dma_wait3A_1035 = tpu.memref_slice %arg4[%dma_wait3A_1026, %dma_wait3A_1027, %dma_wait3A_1032, %dma_wait3A_1033, %dma_wait3A_1034] : memref<50x8x128x8x128xf32, #tpu.memory_space<hbm>> -> memref<1x1x2x8x128xf32, #tpu.memory_space<hbm>>
    %dma_wait3A_1036 = tpu.memref_squeeze %dma_wait3A_1035 : memref<1x1x2x8x128xf32, #tpu.memory_space<hbm>> -> memref<2x8x128xf32, #tpu.memory_space<hbm>>
    %dma_wait3A_1037 = arith.constant 0 : i32
    %dma_wait3A_1038 = arith.constant 0 : i32
    %dma_wait3A_1039 = arith.constant 0 : i32
    %dma_wait3A_1040 = tpu.memref_slice %arg4[%dma_wait3A_1026, %dma_wait3A_1027, %dma_wait3A_1037, %dma_wait3A_1038, %dma_wait3A_1039] : memref<50x8x128x8x128xf32, #tpu.memory_space<hbm>> -> memref<1x1x2x8x128xf32, #tpu.memory_space<hbm>>
    %dma_wait3A_1041 = tpu.memref_squeeze %dma_wait3A_1040 : memref<1x1x2x8x128xf32, #tpu.memory_space<hbm>> -> memref<2x8x128xf32, #tpu.memory_space<hbm>>
    %dma_wait3A_1042 = arith.constant 12 : i32
    %dma_wait3A_1043 = arith.constant 0 : i32
    %dma_wait3A_1044 = arith.constant 0 : i32
    %dma_wait3A_1045 = tpu.memref_slice %arg9[%dma_wait3A_1042, %dma_wait3A_1043, %dma_wait3A_1044] : memref<16x8x128xf32, #tpu.memory_space<vmem>> -> memref<2x8x128xf32, #tpu.memory_space<vmem>>
    tpu.wait_dma2 semaphore(%arg13 : memref<!tpu.dma_semaphore, #tpu.memory_space<semaphore_mem>>) src(%dma_wait3A_1045 : memref<2x8x128xf32, #tpu.memory_space<vmem>>) dst(%dma_wait3A_1041 : memref<2x8x128xf32, #tpu.memory_space<hbm>>)
    %dma_wait3A_1046 = arith.constant 0 : i32
    %dma_wait3A_1047 = arith.constant 7 : i32
    %dma_wait3A_1048 = arith.constant 14 : i32
    %dma_wait3A_1049 = arith.constant 0 : i32
    %dma_wait3A_1050 = arith.constant 0 : i32
    %dma_wait3A_1051 = tpu.memref_slice %arg9[%dma_wait3A_1048, %dma_wait3A_1049, %dma_wait3A_1050] : memref<16x8x128xf32, #tpu.memory_space<vmem>> -> memref<2x8x128xf32, #tpu.memory_space<vmem>>
    %dma_wait3A_1052 = arith.constant 0 : i32
    %dma_wait3A_1053 = arith.constant 0 : i32
    %dma_wait3A_1054 = arith.constant 0 : i32
    %dma_wait3A_1055 = tpu.memref_slice %arg4[%dma_wait3A_1046, %dma_wait3A_1047, %dma_wait3A_1052, %dma_wait3A_1053, %dma_wait3A_1054] : memref<50x8x128x8x128xf32, #tpu.memory_space<hbm>> -> memref<1x1x2x8x128xf32, #tpu.memory_space<hbm>>
    %dma_wait3A_1056 = tpu.memref_squeeze %dma_wait3A_1055 : memref<1x1x2x8x128xf32, #tpu.memory_space<hbm>> -> memref<2x8x128xf32, #tpu.memory_space<hbm>>
    %dma_wait3A_1057 = arith.constant 0 : i32
    %dma_wait3A_1058 = arith.constant 0 : i32
    %dma_wait3A_1059 = arith.constant 0 : i32
    %dma_wait3A_1060 = tpu.memref_slice %arg4[%dma_wait3A_1046, %dma_wait3A_1047, %dma_wait3A_1057, %dma_wait3A_1058, %dma_wait3A_1059] : memref<50x8x128x8x128xf32, #tpu.memory_space<hbm>> -> memref<1x1x2x8x128xf32, #tpu.memory_space<hbm>>
    %dma_wait3A_1061 = tpu.memref_squeeze %dma_wait3A_1060 : memref<1x1x2x8x128xf32, #tpu.memory_space<hbm>> -> memref<2x8x128xf32, #tpu.memory_space<hbm>>
    %dma_wait3A_1062 = arith.constant 14 : i32
    %dma_wait3A_1063 = arith.constant 0 : i32
    %dma_wait3A_1064 = arith.constant 0 : i32
    %dma_wait3A_1065 = tpu.memref_slice %arg9[%dma_wait3A_1062, %dma_wait3A_1063, %dma_wait3A_1064] : memref<16x8x128xf32, #tpu.memory_space<vmem>> -> memref<2x8x128xf32, #tpu.memory_space<vmem>>
    tpu.wait_dma2 semaphore(%arg13 : memref<!tpu.dma_semaphore, #tpu.memory_space<semaphore_mem>>) src(%dma_wait3A_1065 : memref<2x8x128xf32, #tpu.memory_space<vmem>>) dst(%dma_wait3A_1061 : memref<2x8x128xf32, #tpu.memory_space<hbm>>)
    return
  }
}

#map = affine_map<(d0, d1) -> (0, 0)>
#map1 = affine_map<(d0, d1) -> (0)>
module attributes {stable_mosaic.version = 14 : i64} {
  func.func @_widen_body(%arg0: i32, %arg1: i32, %arg2: memref<64x1000000xf32, #tpu.memory_space<hbm>>, %arg3: memref<128000000xf32, #tpu.memory_space<hbm>>, %arg4: memref<64x128xf32, #tpu.memory_space<vmem>>, %arg5: memref<64x128xf32, #tpu.memory_space<vmem>>, %arg6: memref<16384xf32, #tpu.memory_space<vmem>>, %arg7: memref<16384xf32, #tpu.memory_space<vmem>>, %arg8: memref<!tpu.dma_semaphore, #tpu.memory_space<semaphore_mem>>, %arg9: memref<!tpu.dma_semaphore, #tpu.memory_space<semaphore_mem>>, %arg10: memref<!tpu.dma_semaphore, #tpu.memory_space<semaphore_mem>>, %arg11: memref<!tpu.dma_semaphore, #tpu.memory_space<semaphore_mem>>) attributes {dimension_semantics = [#tpu.dimension_semantics<core_parallel>, #tpu.dimension_semantics<subcore_parallel>], iteration_bounds = array<i64: 2, 16>, scalar_prefetch = 0 : i64, scratch_operands = 8 : i64, tpu.core_type = #tpu.core_type<sc_vector_subcore>, window_params = [{transform_indices = #map}, {transform_indices = #map1}]} {
    %mul3A = arith.constant 2 : i32
    %mul3A_0 = arith.muli %arg1, %mul3A : i32
    %add3A = arith.addi %mul3A_0, %arg0 : i32
    %iota3A = tpu.iota {dimensions = array<i32: 0>} : vector<16xi32>
    %add3A_1 = arith.constant 0 : i32
    %add3A_2 = arith.addi %add3A, %add3A_1 : i32
    %mul3A_3 = arith.constant 128 : i32
    %mul3A_4 = arith.muli %add3A_2, %mul3A_3 : i32
    %dma_start3A = arith.constant 0 : i32
    %dma_start3A_5 = tpu.memref_slice %arg2[%dma_start3A, %mul3A_4] : memref<64x1000000xf32, #tpu.memory_space<hbm>> -> memref<64x128xf32, #tpu.memory_space<hbm>>
    %dma_start3A_6 = arith.constant 0 : i32
    %dma_start3A_7 = tpu.memref_slice %arg2[%dma_start3A_6, %mul3A_4] : memref<64x1000000xf32, #tpu.memory_space<hbm>> -> memref<64x128xf32, #tpu.memory_space<hbm>>
    tpu.enqueue_dma source(%dma_start3A_7 : memref<64x128xf32, #tpu.memory_space<hbm>>) target(%arg4 : memref<64x128xf32, #tpu.memory_space<vmem>>) target_semaphore(%arg8 : memref<!tpu.dma_semaphore, #tpu.memory_space<semaphore_mem>>)
    %scan3A = arith.constant 0 : i32
    %scan3A_8 = arith.constant 0 : i32
    %scan3A_9 = arith.constant 122 : i32
    %scan3A_10 = arith.addi %scan3A_8, %scan3A_9 : i32
    %scan3A_11 = arith.constant 1 : i32
    %scan3A_12 = scf.for %scan3A_23 = %scan3A_8 to %scan3A_10 step %scan3A_11 iter_args(%scan3A_24 = %scan3A) -> (i32)  : i32 {
      %mul3A_25 = arith.constant 2 : i32
      %mul3A_26 = arith.muli %mul3A_25, %scan3A_23 : i32
      %add3A_27 = arith.constant 0 : i32
      %add3A_28 = arith.addi %mul3A_26, %add3A_27 : i32
      %dma_wait3A_29 = arith.constant 0 : i32
      %dma_wait3A_30 = arith.constant 0 : i32
      %dma_wait3A_31 = tpu.memref_slice %arg2[%dma_wait3A_29, %dma_wait3A_30] : memref<64x1000000xf32, #tpu.memory_space<hbm>> -> memref<64x128xf32, #tpu.memory_space<hbm>>
      %dma_wait3A_32 = arith.constant 0 : i32
      %dma_wait3A_33 = arith.constant 0 : i32
      %dma_wait3A_34 = tpu.memref_slice %arg2[%dma_wait3A_32, %dma_wait3A_33] : memref<64x1000000xf32, #tpu.memory_space<hbm>> -> memref<64x128xf32, #tpu.memory_space<hbm>>
      tpu.wait_dma2 semaphore(%arg8 : memref<!tpu.dma_semaphore, #tpu.memory_space<semaphore_mem>>) src(%dma_wait3A_34 : memref<64x128xf32, #tpu.memory_space<hbm>>) dst(%arg4 : memref<64x128xf32, #tpu.memory_space<vmem>>)
      %add3A_35 = arith.constant 1 : i32
      %add3A_36 = arith.addi %add3A_28, %add3A_35 : i32
      %mul3A_37 = arith.constant 32 : i32
      %mul3A_38 = arith.muli %mul3A_37, %add3A_36 : i32
      %add3A_39 = arith.addi %add3A, %mul3A_38 : i32
      %mul3A_40 = arith.constant 128 : i32
      %mul3A_41 = arith.muli %add3A_39, %mul3A_40 : i32
      %dma_start3A_42 = arith.constant 0 : i32
      %dma_start3A_43 = tpu.memref_slice %arg2[%dma_start3A_42, %mul3A_41] : memref<64x1000000xf32, #tpu.memory_space<hbm>> -> memref<64x128xf32, #tpu.memory_space<hbm>>
      %dma_start3A_44 = arith.constant 0 : i32
      %dma_start3A_45 = tpu.memref_slice %arg2[%dma_start3A_44, %mul3A_41] : memref<64x1000000xf32, #tpu.memory_space<hbm>> -> memref<64x128xf32, #tpu.memory_space<hbm>>
      tpu.enqueue_dma source(%dma_start3A_45 : memref<64x128xf32, #tpu.memory_space<hbm>>) target(%arg5 : memref<64x128xf32, #tpu.memory_space<vmem>>) target_semaphore(%arg9 : memref<!tpu.dma_semaphore, #tpu.memory_space<semaphore_mem>>)
      %ge3A = arith.constant 2 : i32
      %ge3A_46 = arith.cmpi sge, %add3A_28, %ge3A : i32
      %convert_element_type3A_47 = arith.extui %ge3A_46 : i1 to i32
      %cond3A_48 = arith.constant 0 : i32
      %cond3A_49 = arith.cmpi ne, %convert_element_type3A_47, %cond3A_48 : i32
      scf.if %cond3A_49 {
        %dma_wait3A_100 = arith.constant 0 : i32
        %dma_wait3A_101 = tpu.memref_slice %arg3[%dma_wait3A_100] : memref<128000000xf32, #tpu.memory_space<hbm>> -> memref<16384xf32, #tpu.memory_space<hbm>>
        %dma_wait3A_102 = arith.constant 0 : i32
        %dma_wait3A_103 = tpu.memref_slice %arg3[%dma_wait3A_102] : memref<128000000xf32, #tpu.memory_space<hbm>> -> memref<16384xf32, #tpu.memory_space<hbm>>
        tpu.wait_dma2 semaphore(%arg10 : memref<!tpu.dma_semaphore, #tpu.memory_space<semaphore_mem>>) src(%arg6 : memref<16384xf32, #tpu.memory_space<vmem>>) dst(%dma_wait3A_103 : memref<16384xf32, #tpu.memory_space<hbm>>)
      } else {
      }
      %mul3A_50 = arith.constant 128 : i32
      %mul3A_51 = vector.broadcast %mul3A_50 : i32 to vector<16xi32>
      %mul3A_52 = arith.muli %iota3A, %mul3A_51 : vector<16xi32>
      %parallel_loop3A = arith.constant 0 : i32
      %parallel_loop3A_53 = arith.constant 128 : i32
      %parallel_loop3A_54 = arith.constant 1 : i32
      scf.for %parallel_loop3A_100 = %parallel_loop3A to %parallel_loop3A_53 step %parallel_loop3A_54  : i32 {
        %parallel_loop3A_101 = arith.constant 16 : i32
        %parallel_loop3A_102 = arith.divsi %parallel_loop3A_100, %parallel_loop3A_101 : i32
        %parallel_loop3A_103 = arith.constant 0 : i32
        %parallel_loop3A_104 = arith.cmpi sgt, %parallel_loop3A_100, %parallel_loop3A_103 : i32
        %parallel_loop3A_105 = arith.extui %parallel_loop3A_104 : i1 to i32
        %parallel_loop3A_106 = arith.constant 0 : i32
        %parallel_loop3A_107 = arith.cmpi slt, %parallel_loop3A_100, %parallel_loop3A_106 : i32
        %parallel_loop3A_108 = arith.extui %parallel_loop3A_107 : i1 to i32
        %parallel_loop3A_109 = arith.subi %parallel_loop3A_105, %parallel_loop3A_108 : i32
        %parallel_loop3A_110 = arith.constant 0 : i32
        %parallel_loop3A_111 = arith.cmpi sgt, %parallel_loop3A_101, %parallel_loop3A_110 : i32
        %parallel_loop3A_112 = arith.extui %parallel_loop3A_111 : i1 to i32
        %parallel_loop3A_113 = arith.constant 0 : i32
        %parallel_loop3A_114 = arith.cmpi slt, %parallel_loop3A_101, %parallel_loop3A_113 : i32
        %parallel_loop3A_115 = arith.extui %parallel_loop3A_114 : i1 to i32
        %parallel_loop3A_116 = arith.subi %parallel_loop3A_112, %parallel_loop3A_115 : i32
        %parallel_loop3A_117 = arith.cmpi ne, %parallel_loop3A_109, %parallel_loop3A_116 : i32
        %parallel_loop3A_118 = arith.remsi %parallel_loop3A_100, %parallel_loop3A_101 : i32
        %parallel_loop3A_119 = arith.constant 0 : i32
        %parallel_loop3A_120 = arith.cmpi ne, %parallel_loop3A_118, %parallel_loop3A_119 : i32
        %parallel_loop3A_121 = arith.andi %parallel_loop3A_117, %parallel_loop3A_120 : i1
        %parallel_loop3A_122 = arith.constant 1 : i32
        %parallel_loop3A_123 = arith.subi %parallel_loop3A_102, %parallel_loop3A_122 : i32
        %parallel_loop3A_124 = arith.select %parallel_loop3A_121, %parallel_loop3A_123, %parallel_loop3A_102 : i32
        %parallel_loop3A_125 = arith.constant 16 : i32
        %parallel_loop3A_126 = arith.constant 0 : i32
        %parallel_loop3A_127 = arith.cmpi eq, %parallel_loop3A_125, %parallel_loop3A_126 : i32
        %parallel_loop3A_128 = arith.constant 1 : i32
        %parallel_loop3A_129 = arith.select %parallel_loop3A_127, %parallel_loop3A_128, %parallel_loop3A_125 : i32
        %parallel_loop3A_130 = arith.remsi %parallel_loop3A_100, %parallel_loop3A_129 : i32
        %parallel_loop3A_131 = arith.constant 0 : i32
        %parallel_loop3A_132 = arith.cmpi ne, %parallel_loop3A_130, %parallel_loop3A_131 : i32
        %parallel_loop3A_133 = arith.constant 0 : i32
        %parallel_loop3A_134 = arith.cmpi slt, %parallel_loop3A_130, %parallel_loop3A_133 : i32
        %parallel_loop3A_135 = arith.constant 0 : i32
        %parallel_loop3A_136 = arith.cmpi slt, %parallel_loop3A_129, %parallel_loop3A_135 : i32
        %parallel_loop3A_137 = arith.xori %parallel_loop3A_134, %parallel_loop3A_136 : i1
        %parallel_loop3A_138 = arith.andi %parallel_loop3A_137, %parallel_loop3A_132 : i1
        %parallel_loop3A_139 = arith.addi %parallel_loop3A_130, %parallel_loop3A_129 : i32
        %parallel_loop3A_140 = arith.select %parallel_loop3A_138, %parallel_loop3A_139, %parallel_loop3A_130 : i32
        %parallel_loop3A_141 = vector.broadcast %parallel_loop3A_140 : i32 to vector<16xi32>
        %parallel_loop3A_142 = arith.addi %iota3A, %parallel_loop3A_141 : vector<16xi32>
        %parallel_loop3A_143 = arith.constant 16 : i32
        %parallel_loop3A_144 = arith.constant 0 : i32
        %parallel_loop3A_145 = arith.cmpi eq, %parallel_loop3A_143, %parallel_loop3A_144 : i32
        %parallel_loop3A_146 = arith.constant 1 : i32
        %parallel_loop3A_147 = arith.select %parallel_loop3A_145, %parallel_loop3A_146, %parallel_loop3A_143 : i32
        %parallel_loop3A_148 = vector.broadcast %parallel_loop3A_147 : i32 to vector<16xi32>
        %parallel_loop3A_149 = arith.remsi %parallel_loop3A_142, %parallel_loop3A_148 : vector<16xi32>
        %parallel_loop3A_150 = arith.constant 0 : i32
        %parallel_loop3A_151 = vector.broadcast %parallel_loop3A_150 : i32 to vector<16xi32>
        %parallel_loop3A_152 = arith.cmpi ne, %parallel_loop3A_149, %parallel_loop3A_151 : vector<16xi32>
        %parallel_loop3A_153 = arith.constant 0 : i32
        %parallel_loop3A_154 = vector.broadcast %parallel_loop3A_153 : i32 to vector<16xi32>
        %parallel_loop3A_155 = arith.cmpi slt, %parallel_loop3A_149, %parallel_loop3A_154 : vector<16xi32>
        %parallel_loop3A_156 = arith.constant 0 : i32
        %parallel_loop3A_157 = arith.cmpi slt, %parallel_loop3A_147, %parallel_loop3A_156 : i32
        %parallel_loop3A_158 = vector.broadcast %parallel_loop3A_157 : i1 to vector<16xi1>
        %parallel_loop3A_159 = vector.broadcast %parallel_loop3A_158 : vector<16xi1> to vector<16xi1>
        %parallel_loop3A_160 = arith.xori %parallel_loop3A_155, %parallel_loop3A_159 : vector<16xi1>
        %parallel_loop3A_161 = arith.andi %parallel_loop3A_160, %parallel_loop3A_152 : vector<16xi1>
        %parallel_loop3A_162 = vector.broadcast %parallel_loop3A_147 : i32 to vector<16xi32>
        %parallel_loop3A_163 = arith.addi %parallel_loop3A_149, %parallel_loop3A_162 : vector<16xi32>
        %parallel_loop3A_164 = arith.select %parallel_loop3A_161, %parallel_loop3A_163, %parallel_loop3A_149 : vector<16xi1>, vector<16xi32>
        %parallel_loop3A_165 = arith.constant 16 : i32
        %parallel_loop3A_166 = arith.muli %parallel_loop3A_124, %parallel_loop3A_165 : i32
        %parallel_loop3A_167 = vector.broadcast %parallel_loop3A_166 : i32 to vector<16xi32>
        %parallel_loop3A_168 = arith.addi %iota3A, %parallel_loop3A_167 : vector<16xi32>
        %parallel_loop3A_169 = arith.addi %mul3A_52, %parallel_loop3A_164 : vector<16xi32>
        %parallel_loop3A_170 = arith.constant 2048 : i32
        %parallel_loop3A_171 = arith.muli %parallel_loop3A_124, %parallel_loop3A_170 : i32
        %parallel_loop3A_172 = vector.broadcast %parallel_loop3A_171 : i32 to vector<16xi32>
        %parallel_loop3A_173 = arith.addi %parallel_loop3A_169, %parallel_loop3A_172 : vector<16xi32>
        %parallel_loop3A_174 = arith.constant 0 : i32
        %parallel_loop3A_175 = vector.broadcast %parallel_loop3A_174 : i32 to vector<16xi32>
        %parallel_loop3A_176 = arith.addi %parallel_loop3A_164, %parallel_loop3A_175 : vector<16xi32>
        %parallel_loop3A_177 = tpu.vector_load_idx %arg4[%parallel_loop3A_176, %parallel_loop3A_168] : memref<64x128xf32, #tpu.memory_space<vmem>>[vector<16xi32>, vector<16xi32>], vector<16xf32>,
        %parallel_loop3A_178 = arith.constant 0 : i32
        %parallel_loop3A_179 = vector.broadcast %parallel_loop3A_178 : i32 to vector<16xi32>
        %parallel_loop3A_180 = arith.addi %parallel_loop3A_173, %parallel_loop3A_179 : vector<16xi32>
        %parallel_loop3A_181 = arith.constant 8.000000e+00 : f32
        %parallel_loop3A_182 = vector.broadcast %parallel_loop3A_181 : f32 to vector<16xf32>
        %parallel_loop3A_183 = arith.mulf %parallel_loop3A_177, %parallel_loop3A_182 : vector<16xf32>
        tpu.vector_store_idx %arg6[%parallel_loop3A_180], %parallel_loop3A_183 : memref<16384xf32, #tpu.memory_space<vmem>>[vector<16xi32>], vector<16xf32>,
        %parallel_loop3A_184 = arith.constant 16 : i32
        %parallel_loop3A_185 = vector.broadcast %parallel_loop3A_184 : i32 to vector<16xi32>
        %parallel_loop3A_186 = arith.addi %parallel_loop3A_164, %parallel_loop3A_185 : vector<16xi32>
        %parallel_loop3A_187 = tpu.vector_load_idx %arg4[%parallel_loop3A_186, %parallel_loop3A_168] : memref<64x128xf32, #tpu.memory_space<vmem>>[vector<16xi32>, vector<16xi32>], vector<16xf32>,
        %parallel_loop3A_188 = arith.constant 16 : i32
        %parallel_loop3A_189 = vector.broadcast %parallel_loop3A_188 : i32 to vector<16xi32>
        %parallel_loop3A_190 = arith.addi %parallel_loop3A_173, %parallel_loop3A_189 : vector<16xi32>
        %parallel_loop3A_191 = arith.constant 8.000000e+00 : f32
        %parallel_loop3A_192 = vector.broadcast %parallel_loop3A_191 : f32 to vector<16xf32>
        %parallel_loop3A_193 = arith.mulf %parallel_loop3A_187, %parallel_loop3A_192 : vector<16xf32>
        tpu.vector_store_idx %arg6[%parallel_loop3A_190], %parallel_loop3A_193 : memref<16384xf32, #tpu.memory_space<vmem>>[vector<16xi32>], vector<16xf32>,
        %parallel_loop3A_194 = arith.constant 32 : i32
        %parallel_loop3A_195 = vector.broadcast %parallel_loop3A_194 : i32 to vector<16xi32>
        %parallel_loop3A_196 = arith.addi %parallel_loop3A_164, %parallel_loop3A_195 : vector<16xi32>
        %parallel_loop3A_197 = tpu.vector_load_idx %arg4[%parallel_loop3A_196, %parallel_loop3A_168] : memref<64x128xf32, #tpu.memory_space<vmem>>[vector<16xi32>, vector<16xi32>], vector<16xf32>,
        %parallel_loop3A_198 = arith.constant 32 : i32
        %parallel_loop3A_199 = vector.broadcast %parallel_loop3A_198 : i32 to vector<16xi32>
        %parallel_loop3A_200 = arith.addi %parallel_loop3A_173, %parallel_loop3A_199 : vector<16xi32>
        %parallel_loop3A_201 = arith.constant 8.000000e+00 : f32
        %parallel_loop3A_202 = vector.broadcast %parallel_loop3A_201 : f32 to vector<16xf32>
        %parallel_loop3A_203 = arith.mulf %parallel_loop3A_197, %parallel_loop3A_202 : vector<16xf32>
        tpu.vector_store_idx %arg6[%parallel_loop3A_200], %parallel_loop3A_203 : memref<16384xf32, #tpu.memory_space<vmem>>[vector<16xi32>], vector<16xf32>,
        %parallel_loop3A_204 = arith.constant 48 : i32
        %parallel_loop3A_205 = vector.broadcast %parallel_loop3A_204 : i32 to vector<16xi32>
        %parallel_loop3A_206 = arith.addi %parallel_loop3A_164, %parallel_loop3A_205 : vector<16xi32>
        %parallel_loop3A_207 = tpu.vector_load_idx %arg4[%parallel_loop3A_206, %parallel_loop3A_168] : memref<64x128xf32, #tpu.memory_space<vmem>>[vector<16xi32>, vector<16xi32>], vector<16xf32>,
        %parallel_loop3A_208 = arith.constant 48 : i32
        %parallel_loop3A_209 = vector.broadcast %parallel_loop3A_208 : i32 to vector<16xi32>
        %parallel_loop3A_210 = arith.addi %parallel_loop3A_173, %parallel_loop3A_209 : vector<16xi32>
        %parallel_loop3A_211 = arith.constant 8.000000e+00 : f32
        %parallel_loop3A_212 = vector.broadcast %parallel_loop3A_211 : f32 to vector<16xf32>
        %parallel_loop3A_213 = arith.mulf %parallel_loop3A_207, %parallel_loop3A_212 : vector<16xf32>
        tpu.vector_store_idx %arg6[%parallel_loop3A_210], %parallel_loop3A_213 : memref<16384xf32, #tpu.memory_space<vmem>>[vector<16xi32>], vector<16xf32>,
      } {sc.loop_unroll_factor = 4 : i64, sc.parallel_access}
      %mul3A_55 = arith.constant 32 : i32
      %mul3A_56 = arith.muli %mul3A_55, %add3A_28 : i32
      %add3A_57 = arith.addi %add3A, %mul3A_56 : i32
      %mul3A_58 = arith.constant 16384 : i32
      %mul3A_59 = arith.muli %add3A_57, %mul3A_58 : i32
      %dma_start3A_60 = tpu.memref_slice %arg3[%mul3A_59] : memref<128000000xf32, #tpu.memory_space<hbm>> -> memref<16384xf32, #tpu.memory_space<hbm>>
      %dma_start3A_61 = tpu.memref_slice %arg3[%mul3A_59] : memref<128000000xf32, #tpu.memory_space<hbm>> -> memref<16384xf32, #tpu.memory_space<hbm>>
      tpu.enqueue_dma source(%arg6 : memref<16384xf32, #tpu.memory_space<vmem>>) target(%dma_start3A_61 : memref<16384xf32, #tpu.memory_space<hbm>>) target_semaphore(%arg10 : memref<!tpu.dma_semaphore, #tpu.memory_space<semaphore_mem>>)
      %mul3A_62 = arith.constant 2 : i32
      %mul3A_63 = arith.muli %mul3A_62, %scan3A_23 : i32
      %add3A_64 = arith.constant 1 : i32
      %add3A_65 = arith.addi %mul3A_63, %add3A_64 : i32
      %dma_wait3A_66 = arith.constant 0 : i32
      %dma_wait3A_67 = arith.constant 0 : i32
      %dma_wait3A_68 = tpu.memref_slice %arg2[%dma_wait3A_66, %dma_wait3A_67] : memref<64x1000000xf32, #tpu.memory_space<hbm>> -> memref<64x128xf32, #tpu.memory_space<hbm>>
      %dma_wait3A_69 = arith.constant 0 : i32
      %dma_wait3A_70 = arith.constant 0 : i32
      %dma_wait3A_71 = tpu.memref_slice %arg2[%dma_wait3A_69, %dma_wait3A_70] : memref<64x1000000xf32, #tpu.memory_space<hbm>> -> memref<64x128xf32, #tpu.memory_space<hbm>>
      tpu.wait_dma2 semaphore(%arg9 : memref<!tpu.dma_semaphore, #tpu.memory_space<semaphore_mem>>) src(%dma_wait3A_71 : memref<64x128xf32, #tpu.memory_space<hbm>>) dst(%arg5 : memref<64x128xf32, #tpu.memory_space<vmem>>)
      %add3A_72 = arith.constant 1 : i32
      %add3A_73 = arith.addi %add3A_65, %add3A_72 : i32
      %lt3A_74 = arith.constant 244 : i32
      %lt3A_75 = arith.cmpi slt, %add3A_73, %lt3A_74 : i32
      %lt3A_76 = arith.constant 4 : i32
      %lt3A_77 = arith.cmpi slt, %add3A, %lt3A_76 : i32
      %or3A = arith.ori %lt3A_75, %lt3A_77 : i1
      %convert_element_type3A_78 = arith.extui %or3A : i1 to i32
      %cond3A_79 = arith.constant 0 : i32
      %cond3A_80 = arith.cmpi ne, %convert_element_type3A_78, %cond3A_79 : i32
      scf.if %cond3A_80 {
        %add3A_100 = arith.constant 1 : i32
        %add3A_101 = arith.addi %add3A_65, %add3A_100 : i32
        %mul3A_102 = arith.constant 32 : i32
        %mul3A_103 = arith.muli %mul3A_102, %add3A_101 : i32
        %add3A_104 = arith.addi %add3A, %mul3A_103 : i32
        %mul3A_105 = arith.constant 128 : i32
        %mul3A_106 = arith.muli %add3A_104, %mul3A_105 : i32
        %dma_start3A_107 = arith.constant 0 : i32
        %dma_start3A_108 = tpu.memref_slice %arg2[%dma_start3A_107, %mul3A_106] : memref<64x1000000xf32, #tpu.memory_space<hbm>> -> memref<64x128xf32, #tpu.memory_space<hbm>>
        %dma_start3A_109 = arith.constant 0 : i32
        %dma_start3A_110 = tpu.memref_slice %arg2[%dma_start3A_109, %mul3A_106] : memref<64x1000000xf32, #tpu.memory_space<hbm>> -> memref<64x128xf32, #tpu.memory_space<hbm>>
        tpu.enqueue_dma source(%dma_start3A_110 : memref<64x128xf32, #tpu.memory_space<hbm>>) target(%arg4 : memref<64x128xf32, #tpu.memory_space<vmem>>) target_semaphore(%arg8 : memref<!tpu.dma_semaphore, #tpu.memory_space<semaphore_mem>>)
      } else {
      }
      %ge3A_81 = arith.constant 2 : i32
      %ge3A_82 = arith.cmpi sge, %add3A_65, %ge3A_81 : i32
      %convert_element_type3A_83 = arith.extui %ge3A_82 : i1 to i32
      %cond3A_84 = arith.constant 0 : i32
      %cond3A_85 = arith.cmpi ne, %convert_element_type3A_83, %cond3A_84 : i32
      scf.if %cond3A_85 {
        %dma_wait3A_100 = arith.constant 0 : i32
        %dma_wait3A_101 = tpu.memref_slice %arg3[%dma_wait3A_100] : memref<128000000xf32, #tpu.memory_space<hbm>> -> memref<16384xf32, #tpu.memory_space<hbm>>
        %dma_wait3A_102 = arith.constant 0 : i32
        %dma_wait3A_103 = tpu.memref_slice %arg3[%dma_wait3A_102] : memref<128000000xf32, #tpu.memory_space<hbm>> -> memref<16384xf32, #tpu.memory_space<hbm>>
        tpu.wait_dma2 semaphore(%arg11 : memref<!tpu.dma_semaphore, #tpu.memory_space<semaphore_mem>>) src(%arg7 : memref<16384xf32, #tpu.memory_space<vmem>>) dst(%dma_wait3A_103 : memref<16384xf32, #tpu.memory_space<hbm>>)
      } else {
      }
      %mul3A_86 = arith.constant 128 : i32
      %mul3A_87 = vector.broadcast %mul3A_86 : i32 to vector<16xi32>
      %mul3A_88 = arith.muli %iota3A, %mul3A_87 : vector<16xi32>
      %parallel_loop3A_89 = arith.constant 0 : i32
      %parallel_loop3A_90 = arith.constant 128 : i32
      %parallel_loop3A_91 = arith.constant 1 : i32
      scf.for %parallel_loop3A_100 = %parallel_loop3A_89 to %parallel_loop3A_90 step %parallel_loop3A_91  : i32 {
        %parallel_loop3A_101 = arith.constant 16 : i32
        %parallel_loop3A_102 = arith.divsi %parallel_loop3A_100, %parallel_loop3A_101 : i32
        %parallel_loop3A_103 = arith.constant 0 : i32
        %parallel_loop3A_104 = arith.cmpi sgt, %parallel_loop3A_100, %parallel_loop3A_103 : i32
        %parallel_loop3A_105 = arith.extui %parallel_loop3A_104 : i1 to i32
        %parallel_loop3A_106 = arith.constant 0 : i32
        %parallel_loop3A_107 = arith.cmpi slt, %parallel_loop3A_100, %parallel_loop3A_106 : i32
        %parallel_loop3A_108 = arith.extui %parallel_loop3A_107 : i1 to i32
        %parallel_loop3A_109 = arith.subi %parallel_loop3A_105, %parallel_loop3A_108 : i32
        %parallel_loop3A_110 = arith.constant 0 : i32
        %parallel_loop3A_111 = arith.cmpi sgt, %parallel_loop3A_101, %parallel_loop3A_110 : i32
        %parallel_loop3A_112 = arith.extui %parallel_loop3A_111 : i1 to i32
        %parallel_loop3A_113 = arith.constant 0 : i32
        %parallel_loop3A_114 = arith.cmpi slt, %parallel_loop3A_101, %parallel_loop3A_113 : i32
        %parallel_loop3A_115 = arith.extui %parallel_loop3A_114 : i1 to i32
        %parallel_loop3A_116 = arith.subi %parallel_loop3A_112, %parallel_loop3A_115 : i32
        %parallel_loop3A_117 = arith.cmpi ne, %parallel_loop3A_109, %parallel_loop3A_116 : i32
        %parallel_loop3A_118 = arith.remsi %parallel_loop3A_100, %parallel_loop3A_101 : i32
        %parallel_loop3A_119 = arith.constant 0 : i32
        %parallel_loop3A_120 = arith.cmpi ne, %parallel_loop3A_118, %parallel_loop3A_119 : i32
        %parallel_loop3A_121 = arith.andi %parallel_loop3A_117, %parallel_loop3A_120 : i1
        %parallel_loop3A_122 = arith.constant 1 : i32
        %parallel_loop3A_123 = arith.subi %parallel_loop3A_102, %parallel_loop3A_122 : i32
        %parallel_loop3A_124 = arith.select %parallel_loop3A_121, %parallel_loop3A_123, %parallel_loop3A_102 : i32
        %parallel_loop3A_125 = arith.constant 16 : i32
        %parallel_loop3A_126 = arith.constant 0 : i32
        %parallel_loop3A_127 = arith.cmpi eq, %parallel_loop3A_125, %parallel_loop3A_126 : i32
        %parallel_loop3A_128 = arith.constant 1 : i32
        %parallel_loop3A_129 = arith.select %parallel_loop3A_127, %parallel_loop3A_128, %parallel_loop3A_125 : i32
        %parallel_loop3A_130 = arith.remsi %parallel_loop3A_100, %parallel_loop3A_129 : i32
        %parallel_loop3A_131 = arith.constant 0 : i32
        %parallel_loop3A_132 = arith.cmpi ne, %parallel_loop3A_130, %parallel_loop3A_131 : i32
        %parallel_loop3A_133 = arith.constant 0 : i32
        %parallel_loop3A_134 = arith.cmpi slt, %parallel_loop3A_130, %parallel_loop3A_133 : i32
        %parallel_loop3A_135 = arith.constant 0 : i32
        %parallel_loop3A_136 = arith.cmpi slt, %parallel_loop3A_129, %parallel_loop3A_135 : i32
        %parallel_loop3A_137 = arith.xori %parallel_loop3A_134, %parallel_loop3A_136 : i1
        %parallel_loop3A_138 = arith.andi %parallel_loop3A_137, %parallel_loop3A_132 : i1
        %parallel_loop3A_139 = arith.addi %parallel_loop3A_130, %parallel_loop3A_129 : i32
        %parallel_loop3A_140 = arith.select %parallel_loop3A_138, %parallel_loop3A_139, %parallel_loop3A_130 : i32
        %parallel_loop3A_141 = vector.broadcast %parallel_loop3A_140 : i32 to vector<16xi32>
        %parallel_loop3A_142 = arith.addi %iota3A, %parallel_loop3A_141 : vector<16xi32>
        %parallel_loop3A_143 = arith.constant 16 : i32
        %parallel_loop3A_144 = arith.constant 0 : i32
        %parallel_loop3A_145 = arith.cmpi eq, %parallel_loop3A_143, %parallel_loop3A_144 : i32
        %parallel_loop3A_146 = arith.constant 1 : i32
        %parallel_loop3A_147 = arith.select %parallel_loop3A_145, %parallel_loop3A_146, %parallel_loop3A_143 : i32
        %parallel_loop3A_148 = vector.broadcast %parallel_loop3A_147 : i32 to vector<16xi32>
        %parallel_loop3A_149 = arith.remsi %parallel_loop3A_142, %parallel_loop3A_148 : vector<16xi32>
        %parallel_loop3A_150 = arith.constant 0 : i32
        %parallel_loop3A_151 = vector.broadcast %parallel_loop3A_150 : i32 to vector<16xi32>
        %parallel_loop3A_152 = arith.cmpi ne, %parallel_loop3A_149, %parallel_loop3A_151 : vector<16xi32>
        %parallel_loop3A_153 = arith.constant 0 : i32
        %parallel_loop3A_154 = vector.broadcast %parallel_loop3A_153 : i32 to vector<16xi32>
        %parallel_loop3A_155 = arith.cmpi slt, %parallel_loop3A_149, %parallel_loop3A_154 : vector<16xi32>
        %parallel_loop3A_156 = arith.constant 0 : i32
        %parallel_loop3A_157 = arith.cmpi slt, %parallel_loop3A_147, %parallel_loop3A_156 : i32
        %parallel_loop3A_158 = vector.broadcast %parallel_loop3A_157 : i1 to vector<16xi1>
        %parallel_loop3A_159 = vector.broadcast %parallel_loop3A_158 : vector<16xi1> to vector<16xi1>
        %parallel_loop3A_160 = arith.xori %parallel_loop3A_155, %parallel_loop3A_159 : vector<16xi1>
        %parallel_loop3A_161 = arith.andi %parallel_loop3A_160, %parallel_loop3A_152 : vector<16xi1>
        %parallel_loop3A_162 = vector.broadcast %parallel_loop3A_147 : i32 to vector<16xi32>
        %parallel_loop3A_163 = arith.addi %parallel_loop3A_149, %parallel_loop3A_162 : vector<16xi32>
        %parallel_loop3A_164 = arith.select %parallel_loop3A_161, %parallel_loop3A_163, %parallel_loop3A_149 : vector<16xi1>, vector<16xi32>
        %parallel_loop3A_165 = arith.constant 16 : i32
        %parallel_loop3A_166 = arith.muli %parallel_loop3A_124, %parallel_loop3A_165 : i32
        %parallel_loop3A_167 = vector.broadcast %parallel_loop3A_166 : i32 to vector<16xi32>
        %parallel_loop3A_168 = arith.addi %iota3A, %parallel_loop3A_167 : vector<16xi32>
        %parallel_loop3A_169 = arith.addi %mul3A_88, %parallel_loop3A_164 : vector<16xi32>
        %parallel_loop3A_170 = arith.constant 2048 : i32
        %parallel_loop3A_171 = arith.muli %parallel_loop3A_124, %parallel_loop3A_170 : i32
        %parallel_loop3A_172 = vector.broadcast %parallel_loop3A_171 : i32 to vector<16xi32>
        %parallel_loop3A_173 = arith.addi %parallel_loop3A_169, %parallel_loop3A_172 : vector<16xi32>
        %parallel_loop3A_174 = arith.constant 0 : i32
        %parallel_loop3A_175 = vector.broadcast %parallel_loop3A_174 : i32 to vector<16xi32>
        %parallel_loop3A_176 = arith.addi %parallel_loop3A_164, %parallel_loop3A_175 : vector<16xi32>
        %parallel_loop3A_177 = tpu.vector_load_idx %arg5[%parallel_loop3A_176, %parallel_loop3A_168] : memref<64x128xf32, #tpu.memory_space<vmem>>[vector<16xi32>, vector<16xi32>], vector<16xf32>,
        %parallel_loop3A_178 = arith.constant 0 : i32
        %parallel_loop3A_179 = vector.broadcast %parallel_loop3A_178 : i32 to vector<16xi32>
        %parallel_loop3A_180 = arith.addi %parallel_loop3A_173, %parallel_loop3A_179 : vector<16xi32>
        %parallel_loop3A_181 = arith.constant 8.000000e+00 : f32
        %parallel_loop3A_182 = vector.broadcast %parallel_loop3A_181 : f32 to vector<16xf32>
        %parallel_loop3A_183 = arith.mulf %parallel_loop3A_177, %parallel_loop3A_182 : vector<16xf32>
        tpu.vector_store_idx %arg7[%parallel_loop3A_180], %parallel_loop3A_183 : memref<16384xf32, #tpu.memory_space<vmem>>[vector<16xi32>], vector<16xf32>,
        %parallel_loop3A_184 = arith.constant 16 : i32
        %parallel_loop3A_185 = vector.broadcast %parallel_loop3A_184 : i32 to vector<16xi32>
        %parallel_loop3A_186 = arith.addi %parallel_loop3A_164, %parallel_loop3A_185 : vector<16xi32>
        %parallel_loop3A_187 = tpu.vector_load_idx %arg5[%parallel_loop3A_186, %parallel_loop3A_168] : memref<64x128xf32, #tpu.memory_space<vmem>>[vector<16xi32>, vector<16xi32>], vector<16xf32>,
        %parallel_loop3A_188 = arith.constant 16 : i32
        %parallel_loop3A_189 = vector.broadcast %parallel_loop3A_188 : i32 to vector<16xi32>
        %parallel_loop3A_190 = arith.addi %parallel_loop3A_173, %parallel_loop3A_189 : vector<16xi32>
        %parallel_loop3A_191 = arith.constant 8.000000e+00 : f32
        %parallel_loop3A_192 = vector.broadcast %parallel_loop3A_191 : f32 to vector<16xf32>
        %parallel_loop3A_193 = arith.mulf %parallel_loop3A_187, %parallel_loop3A_192 : vector<16xf32>
        tpu.vector_store_idx %arg7[%parallel_loop3A_190], %parallel_loop3A_193 : memref<16384xf32, #tpu.memory_space<vmem>>[vector<16xi32>], vector<16xf32>,
        %parallel_loop3A_194 = arith.constant 32 : i32
        %parallel_loop3A_195 = vector.broadcast %parallel_loop3A_194 : i32 to vector<16xi32>
        %parallel_loop3A_196 = arith.addi %parallel_loop3A_164, %parallel_loop3A_195 : vector<16xi32>
        %parallel_loop3A_197 = tpu.vector_load_idx %arg5[%parallel_loop3A_196, %parallel_loop3A_168] : memref<64x128xf32, #tpu.memory_space<vmem>>[vector<16xi32>, vector<16xi32>], vector<16xf32>,
        %parallel_loop3A_198 = arith.constant 32 : i32
        %parallel_loop3A_199 = vector.broadcast %parallel_loop3A_198 : i32 to vector<16xi32>
        %parallel_loop3A_200 = arith.addi %parallel_loop3A_173, %parallel_loop3A_199 : vector<16xi32>
        %parallel_loop3A_201 = arith.constant 8.000000e+00 : f32
        %parallel_loop3A_202 = vector.broadcast %parallel_loop3A_201 : f32 to vector<16xf32>
        %parallel_loop3A_203 = arith.mulf %parallel_loop3A_197, %parallel_loop3A_202 : vector<16xf32>
        tpu.vector_store_idx %arg7[%parallel_loop3A_200], %parallel_loop3A_203 : memref<16384xf32, #tpu.memory_space<vmem>>[vector<16xi32>], vector<16xf32>,
        %parallel_loop3A_204 = arith.constant 48 : i32
        %parallel_loop3A_205 = vector.broadcast %parallel_loop3A_204 : i32 to vector<16xi32>
        %parallel_loop3A_206 = arith.addi %parallel_loop3A_164, %parallel_loop3A_205 : vector<16xi32>
        %parallel_loop3A_207 = tpu.vector_load_idx %arg5[%parallel_loop3A_206, %parallel_loop3A_168] : memref<64x128xf32, #tpu.memory_space<vmem>>[vector<16xi32>, vector<16xi32>], vector<16xf32>,
        %parallel_loop3A_208 = arith.constant 48 : i32
        %parallel_loop3A_209 = vector.broadcast %parallel_loop3A_208 : i32 to vector<16xi32>
        %parallel_loop3A_210 = arith.addi %parallel_loop3A_173, %parallel_loop3A_209 : vector<16xi32>
        %parallel_loop3A_211 = arith.constant 8.000000e+00 : f32
        %parallel_loop3A_212 = vector.broadcast %parallel_loop3A_211 : f32 to vector<16xf32>
        %parallel_loop3A_213 = arith.mulf %parallel_loop3A_207, %parallel_loop3A_212 : vector<16xf32>
        tpu.vector_store_idx %arg7[%parallel_loop3A_210], %parallel_loop3A_213 : memref<16384xf32, #tpu.memory_space<vmem>>[vector<16xi32>], vector<16xf32>,
      } {sc.loop_unroll_factor = 4 : i64, sc.parallel_access}
      %mul3A_92 = arith.constant 32 : i32
      %mul3A_93 = arith.muli %mul3A_92, %add3A_65 : i32
      %add3A_94 = arith.addi %add3A, %mul3A_93 : i32
      %mul3A_95 = arith.constant 16384 : i32
      %mul3A_96 = arith.muli %add3A_94, %mul3A_95 : i32
      %dma_start3A_97 = tpu.memref_slice %arg3[%mul3A_96] : memref<128000000xf32, #tpu.memory_space<hbm>> -> memref<16384xf32, #tpu.memory_space<hbm>>
      %dma_start3A_98 = tpu.memref_slice %arg3[%mul3A_96] : memref<128000000xf32, #tpu.memory_space<hbm>> -> memref<16384xf32, #tpu.memory_space<hbm>>
      tpu.enqueue_dma source(%arg7 : memref<16384xf32, #tpu.memory_space<vmem>>) target(%dma_start3A_98 : memref<16384xf32, #tpu.memory_space<hbm>>) target_semaphore(%arg11 : memref<!tpu.dma_semaphore, #tpu.memory_space<semaphore_mem>>)
      %scan3A_99 = arith.constant 0 : i32
      scf.yield %scan3A_99 : i32
    }
    %scan3A_13 = arith.constant 122 : i32
    %lt3A = arith.constant 4 : i32
    %lt3A_14 = arith.cmpi slt, %add3A, %lt3A : i32
    %convert_element_type3A = arith.extui %lt3A_14 : i1 to i32
    %cond3A = arith.constant 0 : i32
    %cond3A_15 = arith.cmpi ne, %convert_element_type3A, %cond3A : i32
    scf.if %cond3A_15 {
      %dma_wait3A_23 = arith.constant 0 : i32
      %dma_wait3A_24 = arith.constant 0 : i32
      %dma_wait3A_25 = tpu.memref_slice %arg2[%dma_wait3A_23, %dma_wait3A_24] : memref<64x1000000xf32, #tpu.memory_space<hbm>> -> memref<64x128xf32, #tpu.memory_space<hbm>>
      %dma_wait3A_26 = arith.constant 0 : i32
      %dma_wait3A_27 = arith.constant 0 : i32
      %dma_wait3A_28 = tpu.memref_slice %arg2[%dma_wait3A_26, %dma_wait3A_27] : memref<64x1000000xf32, #tpu.memory_space<hbm>> -> memref<64x128xf32, #tpu.memory_space<hbm>>
      tpu.wait_dma2 semaphore(%arg8 : memref<!tpu.dma_semaphore, #tpu.memory_space<semaphore_mem>>) src(%dma_wait3A_28 : memref<64x128xf32, #tpu.memory_space<hbm>>) dst(%arg4 : memref<64x128xf32, #tpu.memory_space<vmem>>)
      %dma_wait3A_29 = arith.constant 0 : i32
      %dma_wait3A_30 = tpu.memref_slice %arg3[%dma_wait3A_29] : memref<128000000xf32, #tpu.memory_space<hbm>> -> memref<16384xf32, #tpu.memory_space<hbm>>
      %dma_wait3A_31 = arith.constant 0 : i32
      %dma_wait3A_32 = tpu.memref_slice %arg3[%dma_wait3A_31] : memref<128000000xf32, #tpu.memory_space<hbm>> -> memref<16384xf32, #tpu.memory_space<hbm>>
      tpu.wait_dma2 semaphore(%arg10 : memref<!tpu.dma_semaphore, #tpu.memory_space<semaphore_mem>>) src(%arg6 : memref<16384xf32, #tpu.memory_space<vmem>>) dst(%dma_wait3A_32 : memref<16384xf32, #tpu.memory_space<hbm>>)
      %mul3A_33 = arith.constant 128 : i32
      %mul3A_34 = vector.broadcast %mul3A_33 : i32 to vector<16xi32>
      %mul3A_35 = arith.muli %iota3A, %mul3A_34 : vector<16xi32>
      %parallel_loop3A = arith.constant 0 : i32
      %parallel_loop3A_36 = arith.constant 128 : i32
      %parallel_loop3A_37 = arith.constant 1 : i32
      scf.for %parallel_loop3A_44 = %parallel_loop3A to %parallel_loop3A_36 step %parallel_loop3A_37  : i32 {
        %parallel_loop3A_45 = arith.constant 16 : i32
        %parallel_loop3A_46 = arith.divsi %parallel_loop3A_44, %parallel_loop3A_45 : i32
        %parallel_loop3A_47 = arith.constant 0 : i32
        %parallel_loop3A_48 = arith.cmpi sgt, %parallel_loop3A_44, %parallel_loop3A_47 : i32
        %parallel_loop3A_49 = arith.extui %parallel_loop3A_48 : i1 to i32
        %parallel_loop3A_50 = arith.constant 0 : i32
        %parallel_loop3A_51 = arith.cmpi slt, %parallel_loop3A_44, %parallel_loop3A_50 : i32
        %parallel_loop3A_52 = arith.extui %parallel_loop3A_51 : i1 to i32
        %parallel_loop3A_53 = arith.subi %parallel_loop3A_49, %parallel_loop3A_52 : i32
        %parallel_loop3A_54 = arith.constant 0 : i32
        %parallel_loop3A_55 = arith.cmpi sgt, %parallel_loop3A_45, %parallel_loop3A_54 : i32
        %parallel_loop3A_56 = arith.extui %parallel_loop3A_55 : i1 to i32
        %parallel_loop3A_57 = arith.constant 0 : i32
        %parallel_loop3A_58 = arith.cmpi slt, %parallel_loop3A_45, %parallel_loop3A_57 : i32
        %parallel_loop3A_59 = arith.extui %parallel_loop3A_58 : i1 to i32
        %parallel_loop3A_60 = arith.subi %parallel_loop3A_56, %parallel_loop3A_59 : i32
        %parallel_loop3A_61 = arith.cmpi ne, %parallel_loop3A_53, %parallel_loop3A_60 : i32
        %parallel_loop3A_62 = arith.remsi %parallel_loop3A_44, %parallel_loop3A_45 : i32
        %parallel_loop3A_63 = arith.constant 0 : i32
        %parallel_loop3A_64 = arith.cmpi ne, %parallel_loop3A_62, %parallel_loop3A_63 : i32
        %parallel_loop3A_65 = arith.andi %parallel_loop3A_61, %parallel_loop3A_64 : i1
        %parallel_loop3A_66 = arith.constant 1 : i32
        %parallel_loop3A_67 = arith.subi %parallel_loop3A_46, %parallel_loop3A_66 : i32
        %parallel_loop3A_68 = arith.select %parallel_loop3A_65, %parallel_loop3A_67, %parallel_loop3A_46 : i32
        %parallel_loop3A_69 = arith.constant 16 : i32
        %parallel_loop3A_70 = arith.constant 0 : i32
        %parallel_loop3A_71 = arith.cmpi eq, %parallel_loop3A_69, %parallel_loop3A_70 : i32
        %parallel_loop3A_72 = arith.constant 1 : i32
        %parallel_loop3A_73 = arith.select %parallel_loop3A_71, %parallel_loop3A_72, %parallel_loop3A_69 : i32
        %parallel_loop3A_74 = arith.remsi %parallel_loop3A_44, %parallel_loop3A_73 : i32
        %parallel_loop3A_75 = arith.constant 0 : i32
        %parallel_loop3A_76 = arith.cmpi ne, %parallel_loop3A_74, %parallel_loop3A_75 : i32
        %parallel_loop3A_77 = arith.constant 0 : i32
        %parallel_loop3A_78 = arith.cmpi slt, %parallel_loop3A_74, %parallel_loop3A_77 : i32
        %parallel_loop3A_79 = arith.constant 0 : i32
        %parallel_loop3A_80 = arith.cmpi slt, %parallel_loop3A_73, %parallel_loop3A_79 : i32
        %parallel_loop3A_81 = arith.xori %parallel_loop3A_78, %parallel_loop3A_80 : i1
        %parallel_loop3A_82 = arith.andi %parallel_loop3A_81, %parallel_loop3A_76 : i1
        %parallel_loop3A_83 = arith.addi %parallel_loop3A_74, %parallel_loop3A_73 : i32
        %parallel_loop3A_84 = arith.select %parallel_loop3A_82, %parallel_loop3A_83, %parallel_loop3A_74 : i32
        %parallel_loop3A_85 = vector.broadcast %parallel_loop3A_84 : i32 to vector<16xi32>
        %parallel_loop3A_86 = arith.addi %iota3A, %parallel_loop3A_85 : vector<16xi32>
        %parallel_loop3A_87 = arith.constant 16 : i32
        %parallel_loop3A_88 = arith.constant 0 : i32
        %parallel_loop3A_89 = arith.cmpi eq, %parallel_loop3A_87, %parallel_loop3A_88 : i32
        %parallel_loop3A_90 = arith.constant 1 : i32
        %parallel_loop3A_91 = arith.select %parallel_loop3A_89, %parallel_loop3A_90, %parallel_loop3A_87 : i32
        %parallel_loop3A_92 = vector.broadcast %parallel_loop3A_91 : i32 to vector<16xi32>
        %parallel_loop3A_93 = arith.remsi %parallel_loop3A_86, %parallel_loop3A_92 : vector<16xi32>
        %parallel_loop3A_94 = arith.constant 0 : i32
        %parallel_loop3A_95 = vector.broadcast %parallel_loop3A_94 : i32 to vector<16xi32>
        %parallel_loop3A_96 = arith.cmpi ne, %parallel_loop3A_93, %parallel_loop3A_95 : vector<16xi32>
        %parallel_loop3A_97 = arith.constant 0 : i32
        %parallel_loop3A_98 = vector.broadcast %parallel_loop3A_97 : i32 to vector<16xi32>
        %parallel_loop3A_99 = arith.cmpi slt, %parallel_loop3A_93, %parallel_loop3A_98 : vector<16xi32>
        %parallel_loop3A_100 = arith.constant 0 : i32
        %parallel_loop3A_101 = arith.cmpi slt, %parallel_loop3A_91, %parallel_loop3A_100 : i32
        %parallel_loop3A_102 = vector.broadcast %parallel_loop3A_101 : i1 to vector<16xi1>
        %parallel_loop3A_103 = vector.broadcast %parallel_loop3A_102 : vector<16xi1> to vector<16xi1>
        %parallel_loop3A_104 = arith.xori %parallel_loop3A_99, %parallel_loop3A_103 : vector<16xi1>
        %parallel_loop3A_105 = arith.andi %parallel_loop3A_104, %parallel_loop3A_96 : vector<16xi1>
        %parallel_loop3A_106 = vector.broadcast %parallel_loop3A_91 : i32 to vector<16xi32>
        %parallel_loop3A_107 = arith.addi %parallel_loop3A_93, %parallel_loop3A_106 : vector<16xi32>
        %parallel_loop3A_108 = arith.select %parallel_loop3A_105, %parallel_loop3A_107, %parallel_loop3A_93 : vector<16xi1>, vector<16xi32>
        %parallel_loop3A_109 = arith.constant 16 : i32
        %parallel_loop3A_110 = arith.muli %parallel_loop3A_68, %parallel_loop3A_109 : i32
        %parallel_loop3A_111 = vector.broadcast %parallel_loop3A_110 : i32 to vector<16xi32>
        %parallel_loop3A_112 = arith.addi %iota3A, %parallel_loop3A_111 : vector<16xi32>
        %parallel_loop3A_113 = arith.addi %mul3A_35, %parallel_loop3A_108 : vector<16xi32>
        %parallel_loop3A_114 = arith.constant 2048 : i32
        %parallel_loop3A_115 = arith.muli %parallel_loop3A_68, %parallel_loop3A_114 : i32
        %parallel_loop3A_116 = vector.broadcast %parallel_loop3A_115 : i32 to vector<16xi32>
        %parallel_loop3A_117 = arith.addi %parallel_loop3A_113, %parallel_loop3A_116 : vector<16xi32>
        %parallel_loop3A_118 = arith.constant 0 : i32
        %parallel_loop3A_119 = vector.broadcast %parallel_loop3A_118 : i32 to vector<16xi32>
        %parallel_loop3A_120 = arith.addi %parallel_loop3A_108, %parallel_loop3A_119 : vector<16xi32>
        %parallel_loop3A_121 = tpu.vector_load_idx %arg4[%parallel_loop3A_120, %parallel_loop3A_112] : memref<64x128xf32, #tpu.memory_space<vmem>>[vector<16xi32>, vector<16xi32>], vector<16xf32>,
        %parallel_loop3A_122 = arith.constant 0 : i32
        %parallel_loop3A_123 = vector.broadcast %parallel_loop3A_122 : i32 to vector<16xi32>
        %parallel_loop3A_124 = arith.addi %parallel_loop3A_117, %parallel_loop3A_123 : vector<16xi32>
        %parallel_loop3A_125 = arith.constant 8.000000e+00 : f32
        %parallel_loop3A_126 = vector.broadcast %parallel_loop3A_125 : f32 to vector<16xf32>
        %parallel_loop3A_127 = arith.mulf %parallel_loop3A_121, %parallel_loop3A_126 : vector<16xf32>
        tpu.vector_store_idx %arg6[%parallel_loop3A_124], %parallel_loop3A_127 : memref<16384xf32, #tpu.memory_space<vmem>>[vector<16xi32>], vector<16xf32>,
        %parallel_loop3A_128 = arith.constant 16 : i32
        %parallel_loop3A_129 = vector.broadcast %parallel_loop3A_128 : i32 to vector<16xi32>
        %parallel_loop3A_130 = arith.addi %parallel_loop3A_108, %parallel_loop3A_129 : vector<16xi32>
        %parallel_loop3A_131 = tpu.vector_load_idx %arg4[%parallel_loop3A_130, %parallel_loop3A_112] : memref<64x128xf32, #tpu.memory_space<vmem>>[vector<16xi32>, vector<16xi32>], vector<16xf32>,
        %parallel_loop3A_132 = arith.constant 16 : i32
        %parallel_loop3A_133 = vector.broadcast %parallel_loop3A_132 : i32 to vector<16xi32>
        %parallel_loop3A_134 = arith.addi %parallel_loop3A_117, %parallel_loop3A_133 : vector<16xi32>
        %parallel_loop3A_135 = arith.constant 8.000000e+00 : f32
        %parallel_loop3A_136 = vector.broadcast %parallel_loop3A_135 : f32 to vector<16xf32>
        %parallel_loop3A_137 = arith.mulf %parallel_loop3A_131, %parallel_loop3A_136 : vector<16xf32>
        tpu.vector_store_idx %arg6[%parallel_loop3A_134], %parallel_loop3A_137 : memref<16384xf32, #tpu.memory_space<vmem>>[vector<16xi32>], vector<16xf32>,
        %parallel_loop3A_138 = arith.constant 32 : i32
        %parallel_loop3A_139 = vector.broadcast %parallel_loop3A_138 : i32 to vector<16xi32>
        %parallel_loop3A_140 = arith.addi %parallel_loop3A_108, %parallel_loop3A_139 : vector<16xi32>
        %parallel_loop3A_141 = tpu.vector_load_idx %arg4[%parallel_loop3A_140, %parallel_loop3A_112] : memref<64x128xf32, #tpu.memory_space<vmem>>[vector<16xi32>, vector<16xi32>], vector<16xf32>,
        %parallel_loop3A_142 = arith.constant 32 : i32
        %parallel_loop3A_143 = vector.broadcast %parallel_loop3A_142 : i32 to vector<16xi32>
        %parallel_loop3A_144 = arith.addi %parallel_loop3A_117, %parallel_loop3A_143 : vector<16xi32>
        %parallel_loop3A_145 = arith.constant 8.000000e+00 : f32
        %parallel_loop3A_146 = vector.broadcast %parallel_loop3A_145 : f32 to vector<16xf32>
        %parallel_loop3A_147 = arith.mulf %parallel_loop3A_141, %parallel_loop3A_146 : vector<16xf32>
        tpu.vector_store_idx %arg6[%parallel_loop3A_144], %parallel_loop3A_147 : memref<16384xf32, #tpu.memory_space<vmem>>[vector<16xi32>], vector<16xf32>,
        %parallel_loop3A_148 = arith.constant 48 : i32
        %parallel_loop3A_149 = vector.broadcast %parallel_loop3A_148 : i32 to vector<16xi32>
        %parallel_loop3A_150 = arith.addi %parallel_loop3A_108, %parallel_loop3A_149 : vector<16xi32>
        %parallel_loop3A_151 = tpu.vector_load_idx %arg4[%parallel_loop3A_150, %parallel_loop3A_112] : memref<64x128xf32, #tpu.memory_space<vmem>>[vector<16xi32>, vector<16xi32>], vector<16xf32>,
        %parallel_loop3A_152 = arith.constant 48 : i32
        %parallel_loop3A_153 = vector.broadcast %parallel_loop3A_152 : i32 to vector<16xi32>
        %parallel_loop3A_154 = arith.addi %parallel_loop3A_117, %parallel_loop3A_153 : vector<16xi32>
        %parallel_loop3A_155 = arith.constant 8.000000e+00 : f32
        %parallel_loop3A_156 = vector.broadcast %parallel_loop3A_155 : f32 to vector<16xf32>
        %parallel_loop3A_157 = arith.mulf %parallel_loop3A_151, %parallel_loop3A_156 : vector<16xf32>
        tpu.vector_store_idx %arg6[%parallel_loop3A_154], %parallel_loop3A_157 : memref<16384xf32, #tpu.memory_space<vmem>>[vector<16xi32>], vector<16xf32>,
      } {sc.loop_unroll_factor = 4 : i64, sc.parallel_access}
      %add3A_38 = arith.constant 7808 : i32
      %add3A_39 = arith.addi %add3A, %add3A_38 : i32
      %mul3A_40 = arith.constant 16384 : i32
      %mul3A_41 = arith.muli %add3A_39, %mul3A_40 : i32
      %dma_start3A_42 = tpu.memref_slice %arg3[%mul3A_41] : memref<128000000xf32, #tpu.memory_space<hbm>> -> memref<16384xf32, #tpu.memory_space<hbm>>
      %dma_start3A_43 = tpu.memref_slice %arg3[%mul3A_41] : memref<128000000xf32, #tpu.memory_space<hbm>> -> memref<16384xf32, #tpu.memory_space<hbm>>
      tpu.enqueue_dma source(%arg6 : memref<16384xf32, #tpu.memory_space<vmem>>) target(%dma_start3A_43 : memref<16384xf32, #tpu.memory_space<hbm>>) target_semaphore(%arg10 : memref<!tpu.dma_semaphore, #tpu.memory_space<semaphore_mem>>)
    } else {
    }
    %dma_wait3A = arith.constant 0 : i32
    %dma_wait3A_16 = tpu.memref_slice %arg3[%dma_wait3A] : memref<128000000xf32, #tpu.memory_space<hbm>> -> memref<16384xf32, #tpu.memory_space<hbm>>
    %dma_wait3A_17 = arith.constant 0 : i32
    %dma_wait3A_18 = tpu.memref_slice %arg3[%dma_wait3A_17] : memref<128000000xf32, #tpu.memory_space<hbm>> -> memref<16384xf32, #tpu.memory_space<hbm>>
    tpu.wait_dma2 semaphore(%arg11 : memref<!tpu.dma_semaphore, #tpu.memory_space<semaphore_mem>>) src(%arg7 : memref<16384xf32, #tpu.memory_space<vmem>>) dst(%dma_wait3A_18 : memref<16384xf32, #tpu.memory_space<hbm>>)
    %dma_wait3A_19 = arith.constant 0 : i32
    %dma_wait3A_20 = tpu.memref_slice %arg3[%dma_wait3A_19] : memref<128000000xf32, #tpu.memory_space<hbm>> -> memref<16384xf32, #tpu.memory_space<hbm>>
    %dma_wait3A_21 = arith.constant 0 : i32
    %dma_wait3A_22 = tpu.memref_slice %arg3[%dma_wait3A_21] : memref<128000000xf32, #tpu.memory_space<hbm>> -> memref<16384xf32, #tpu.memory_space<hbm>>
    tpu.wait_dma2 semaphore(%arg10 : memref<!tpu.dma_semaphore, #tpu.memory_space<semaphore_mem>>) src(%arg6 : memref<16384xf32, #tpu.memory_space<vmem>>) dst(%dma_wait3A_22 : memref<16384xf32, #tpu.memory_space<hbm>>)
    return
  }
}

</mosaic_0001>

<sc_bundles>
// kernel: kernel.4.cloned.1.call-start
scs
__scs_entry_jumppad:
0x0: {  	(pc) =	sbr.rel $0x88, $3  }
0x1: {  	(tag) =	ssettag $0x0;
	lr =	simm.s32 $0x1  }
0x2: {  	[smem:$0x3F9F] =	sst lr;
	_ =	strace $0xD0000000  }
0x3: {  	_ = 	snop  }
0x4: {  	_ = 	snop  }
0x5: {  	_ = 	snop  }
0x6: {  	_ = 	snop  }
0x7: {  	_ = 	snop  }
__scs_overlays_trampoline_lowered:
0x8: {  	[smem:$0x3FAE] =	sst s0  }
0x9: {  	[smem:$0x3FAF] =	sst s1  }
0xa: {  	[smem:$0x3FB0] =	sst s2  }
0xb: {  	[smem:$0x3FB1] =	sst s3  }
0xc: {  	[smem:$0x3FB2] =	sst s4  }
0xd: {  	[smem:$0x3FB3] =	sst s5  }
0xe: {  	[smem:$0x3FB4] =	sst s6  }
0xf: {  	[smem:$0x3FB5] =	sst s7  }
0x10: {  	[smem:$0x3FB6] =	sst s8  }
0x11: {  	[smem:$0x3FB7] =	sst s9;
	s0 =	simm.s32 @!p0 $0x0  }
0x12: {  	s1 =	sld [smem:$0x3F9D];
	s0 =	simm.s32 @p0 $0x1  }
0x13: {  	[smem:$0x3FB8] =	sst s0;
	s0 =	simm.s32 @!p1 $0x0  }
0x14: {  	s2 =	sld [smem:$0x3F9C];
	s0 =	simm.s32 @p1 $0x1  }
0x15: {  	[smem:$0x3FB9] =	sst s0;
	s0 =	simm.s32 @!p2 $0x0  }
0x16: {  	s3 =	sld [smem:$0x3FDB];
	s0 =	simm.s32 @p2 $0x1  }
0x17: {  	s4 =	simm.s32 $0x1BF5;
	[smem:$0x3FBB] =	sst s0  }
0x18: {  	s0 =	sld [smem:$0x3F9E];
	_ =	swait.ge [sflag:s4], $0x0  }
0x19: {  	s7 =	sld [smem:$0x3F9F]  }
0x1a: {  	s8 =	sadd.s32 $0xFFFFE003, lr  }
0x1b: {  	s9 =	sadd.s32 $0xFFFFFEF7, lr;
	s5 =	simm.s32 $0xFFFFFFFF;
	p2 =	slt.u32 s8, $0xFFFFF086  }
0x1c: {  	p1 =	slt.u32 s9, $0xF7A;
	s5 =	simm.s32 @!p2 $0x0  }
0x1d: {  	s5 =	simm.s32 @p1 $0x1;
	p0 =	seq.s32 s7, s2  }
0x1e: {  	s7 =	smul.u32 @!p0 $0xF7A, s2;
	p2 =	seq.s32 @!p0 s5, $0x0  }
0x1f: {  	s9 =	smul.u32 $0xF7A, s1;
	s8 =	simm.s32 @!p0 $0x1BF5;
	p2 =	por !p2, p0  }
0x20: {  	[sflag:s8] =	ssyncset.s32 @!p0 $0xFFFFF086;
	s6 =	sadd.s32 @!p0 s3, s7;
	s7 =	simm.s32 @!p0 $0x108  }
0x21: {  	s3 =	sadd.s32 s3, s9;
	s6 =	sadd.s32 @!p0 $0x88, s6;
	s7 =	simm.s32 @p2 $0x1082  }
0x22: {  	[simem:s7], [sflag:s8] =	dma.local @!p0 [hbm:s6], $0xF7A  }
0x23: {  	s9 =	sor.u32 $0xD0000000, s2;
	s6 =	simm.s32 $0x108;
	_ =	swait.ge @!p0 [sflag:s8], $0x0  }
0x24: {  	s3 =	sadd.s32 $0x88, s3;
	s6 =	simm.s32 @!p1 $0x1082;
	[sflag:s4] =	ssyncset.s32 $0xFFFFF086  }
0x25: {  	[simem:s6], [sflag:s4] =	dma.local [hbm:s3], $0xF7A  }
0x26: {  	[smem:$0x3F9F] =	sst s1;
	(tag) =	ssettag s2;
	_ =	strace s9  }
0x27: {  	s1 =	sld [smem:$0x3FAF]  }
0x28: {  	s2 =	sld [smem:$0x3FB0]  }
0x29: {  	s4 =	sld [smem:$0x3FB2]  }
0x2a: {  	p0 =	seq.s32 s5, $0x0;
	s5 =	sld [smem:$0x3FB3]  }
0x2b: {  	s6 =	sld [smem:$0x3FB4]  }
0x2c: {  	s7 =	sld [smem:$0x3FB5]  }
0x2d: {  	s3 =	simm.s32 $0x108;
	s8 =	sld [smem:$0x3FB6]  }
0x2e: {  	s3 =	simm.s32 @!p0 $0x1082;
	s9 =	sld [smem:$0x3FB7]  }
0x2f: {  	lr =	sadd.s32 s0, s3;
	s0 =	sld [smem:$0x3FAE]  }
0x30: {  	s3 =	sld [smem:$0x3FB1]  }
0x31: {  	[smem:$0x3FBA] =	sst s10  }
0x32: {  	s10 =	sld [smem:$0x3FB8];
	_ =	sdelay $0x3  }
0x33: {  	p0 =	seq.s32 s10, $0x1;
	s10 =	sld [smem:$0x3FBA];
	_ =	sdelay $0x3  }
0x34: {  	[smem:$0x3FBA] =	sst s10  }
0x35: {  	s10 =	sld [smem:$0x3FB9];
	_ =	sdelay $0x3  }
0x36: {  	p1 =	seq.s32 s10, $0x1;
	s10 =	sld [smem:$0x3FBA];
	_ =	sdelay $0x3  }
0x37: {  	[smem:$0x3FBA] =	sst s10  }
0x38: {  	s10 =	sld [smem:$0x3FBB]  }
0x39: {  	_ = 	snop;
	(pc) =	sbr.ind lr, $3  }
0x3a: {  	_ = 	snop  }
0x3b: {  	_ = 	snop  }
0x3c: {  	p2 =	seq.s32 s10, $0x1;
	s10 =	sld [smem:$0x3FBA]  }
0x3d: {  	_ =	shalt  }
0x3e: {  	_ =	shalt  }
0x3f: {  	_ =	shalt  }
0x40: {  	_ =	shalt  }
0x41: {  	_ =	shalt  }
0x42: {  	_ =	shalt  }
0x43: {  	_ =	shalt  }
0x44: {  	_ =	shalt  }
0x45: {  	_ =	shalt  }
0x46: {  	_ =	shalt  }
0x47: {  	_ =	shalt  }
0x48: {  	_ =	shalt  }
0x49: {  	_ =	shalt  }
0x4a: {  	_ =	shalt  }
0x4b: {  	_ =	shalt  }
0x4c: {  	_ =	shalt  }
0x4d: {  	_ =	shalt  }
0x4e: {  	_ =	shalt  }
0x4f: {  	_ =	shalt  }
0x50: {  	_ =	shalt  }
0x51: {  	_ =	shalt  }
0x52: {  	_ =	shalt  }
0x53: {  	_ =	shalt  }
0x54: {  	_ =	shalt  }
0x55: {  	_ =	shalt  }
0x56: {  	_ =	shalt  }
0x57: {  	_ =	shalt  }
0x58: {  	_ =	shalt  }
0x59: {  	_ =	shalt  }
0x5a: {  	_ =	shalt  }
0x5b: {  	_ =	shalt  }
0x5c: {  	_ =	shalt  }
0x5d: {  	_ =	shalt  }
0x5e: {  	_ =	shalt  }
0x5f: {  	_ =	shalt  }
0x60: {  	_ =	shalt  }
0x61: {  	_ =	shalt  }
0x62: {  	_ =	shalt  }
0x63: {  	_ =	shalt  }
0x64: {  	_ =	shalt  }
0x65: {  	_ =	shalt  }
0x66: {  	_ =	shalt  }
0x67: {  	_ =	shalt  }
0x68: {  	_ =	shalt  }
0x69: {  	_ =	shalt  }
0x6a: {  	_ =	shalt  }
0x6b: {  	_ =	shalt  }
0x6c: {  	_ =	shalt  }
0x6d: {  	_ =	shalt  }
0x6e: {  	_ =	shalt  }
0x6f: {  	_ =	shalt  }
0x70: {  	_ =	shalt  }
0x71: {  	_ =	shalt  }
0x72: {  	_ =	shalt  }
0x73: {  	_ =	shalt  }
0x74: {  	_ =	shalt  }
0x75: {  	_ =	shalt  }
0x76: {  	_ =	shalt  }
0x77: {  	_ =	shalt  }
0x78: {  	_ =	shalt  }
0x79: {  	_ =	shalt  }
0x7a: {  	_ =	shalt  }
0x7b: {  	_ =	shalt  }
0x7c: {  	_ =	shalt  }
0x7d: {  	_ =	shalt  }
0x7e: {  	_ =	shalt  }
0x7f: {  	_ =	shalt  }
0x80: {  	_ =	shalt  }
0x81: {  	_ =	shalt  }
0x82: {  	_ =	shalt  }
0x83: {  	_ =	shalt  }
0x84: {  	_ =	shalt  }
0x85: {  	_ =	shalt  }
0x86: {  	_ =	shalt  }
0x87: {  	_ =	shalt  }
.Lfunc_end0:
.L_simem_size_0:
called_computation_lowered:
.L_overlay_start_0:
0x88: {  	s2 =	sld [smem:$0x3FD9]  }
0x89: {  	s3 =	sld [smem:$0x3FFE];
	_ =	sdelay $0x1  }
0x8a: {  	s1 =	srdreg.scid  }
0x8b: {  	s0 =	sand.u32 $0x1, s1  }
0x8c: {  	s17 =	sshll.u32 s0, $0xA;
	s2 =	sadd.s32 s3, s2  }
0x8d: {  	s2 =	sadd.s32 s2, s17  }
0x8e: {  	[smem:$0x3FC6] =	sst s2  }
0x8f: {  	_ = 	snop  }
0x90: {  	s2 =	sld [smem:$0x3FC8];
	(tm) =	ssettm $0x1  }
0x91: {  	s18 =	sld [smem:$0x3FFB];
	_ =	sdelay $0x3  }
0x92: {  	_ =	strace s18  }
0x93: {  	s3 =	sld [smem:$0x3FFC];
	_ =	sdelay $0x3  }
0x94: {  	_ =	strace s3  }
0x95: {  	s3 =	sld [smem:$0x3FFD];
	_ =	sdelay $0x3  }
0x96: {  	_ =	strace s3  }
0x97: {  	_ =	strace $0x8FFFFFFF  }
0x98: {  	s19 =	sld [smem:$0x3FDB];
	_ =	sdelay $0x1  }
0x99: {  	s4 =	simm.s32 $_scs_section_size  }
0x9a: {  	s5 =	simm.s32 $_size__tile_overlayer_lowered;
	s6 =	simm.s32 $_tile_overlayer_lowered  }
0x9b: {  	s22 =	simm.s32 $0x1BFF;
	s21 =	sshll.u32 s6, $0x1;
	s3 =	sadd.s32 s4, s19  }
0x9c: {  	s7 =	simm.s32 $0x0;
	s20 =	sshll.u32 s5, $0x1;
	s5 =	sadd.s32 s21, s3  }
0x9d: {  	[timem:s7], [sflag:s22] =	dma.local [hbm:s5], s20  }
0x9e: {  	_ =	swait.ge [sflag:s22], s20  }
0x9f: {  	s4 =	ssub.s32 $0x0, s20;
	[sflag:s22] =	ssyncset.done $0x0  }
0xa0: {  	[sflag:s22] =	ssyncadd.s32 s4;
	_ =	sdelay $0x1  }
0xa1: {  	s23 =	simm.s32 $0x1B8B  }
0xa2: {  	_ =	swait.ge [sflag:s23], $0x1  }
0xa3: {  	[sflag:s23] =	ssyncset.done $0x0  }
0xa4: {  	s25 =	simm.s32 $0x1B8E;
	s24 =	sld [smem:$0x3FFE];
	[sflag:s23] =	ssyncadd.s32 $0xFFFFFFFF  }
0xa5: {  	s26 =	simm.s32 $execute0_lowered;
	[smem:$0x3FD2] =	sst s25  }
0xa6: {  	s5 =	sshll.u32 s26, $0x1;
	_ =	strace $0x80000046;
	[dreg:$0x1] =	wrdreg $0xFFFFFFFF  }
0xa7: {  	s28 =	simm.s32 $_size_execute0_lowered;
	s3 =	sadd.s32 s3, s5;
	[dreg:$0x0] =	wrdreg $0x0  }
0xa8: {  	s5 =	sshll.u32 s28, $0x1;
	[dreg:$0x2] =	wrdreg s3  }
0xa9: {  	[dreg:$0x3] =	wrdreg s5  }
0xaa: {  	[dreg:$0x4] =	wrdreg $0xC0  }
0xab: {  	_ =	task [dreg:s7], $0x5FFFF  }
0xac: {  	[dreg:$0x1] =	wrdreg $0xFFFFFFFF  }
0xad: {  	[dreg:$0x0] =	wrdreg $0x60  }
0xae: {  	[dreg:$0x2] =	wrdreg s2  }
0xaf: {  	[dreg:$0x3] =	wrdreg s24  }
0xb0: {  	[dreg:$0x4] =	wrdreg $0x9  }
0xb1: {  	_ =	task.clear_ibuf [dreg:s7], $0x5FFFF;
	_ =	strace $0x90000046  }
0xb2: {  	s29 =	simm.s32 $0x9;
	_ =	strace $0x80000048  }
0xb3: {  	_ =	swait.ge [sflag:s29], $0x1  }
0xb4: {  	[sflag:s29] =	ssyncadd.s32 $0xFFFFFFFF  }
0xb5: {  	_ =	strace $0x90000048  }
0xb6: {  	_ =	sfence  }
0xb7: {  	s30 =	sld [smem:$0x0];
	_ =	sdelay $0x2  }
0xb8: {  	s31 =	sshll.u32 s1, $0xD;
	s1 =	sshrl.u32 s1, $0x2  }
0xb9: {  	s3 =	sand.u32 $0x4000, s31;
	s1 =	sadd.s32 s1, s30  }
0xba: {  	s0 =	sor.u32 s3, s0;
	s1 =	sshll.u32 s1, $0x11  }
0xbb: {  	s0 =	sor.u32 s1, s0  }
0xbc: {  	s0 =	sadd.s32 $0x8F2B, s0  }
0xbd: {  	[sflag:s0] =	ssyncadd.remote.s32 $0x1  }
0xbe: {  	_ =	sfence.sel $0xFFFF  }
0xbf: {  	[dreg:$0x0] =	wrdreg $0xFFFFFFFF;
	(pc) =	sbr.abs _section_cstart, $3  }
0xc0: {  	[dreg:$0x1] =	wrdreg $0xFFFFFFFF  }
0xc1: {  	_ =	task.clear_ibuf [dreg:s7], $0x2FFFF;
	_ =	strace $0x9FFFFFFF  }
0xc2: {  	(tm) =	ssettm $0x7FFFFFFF  }
0xc3: {  	_ =	shalt  }
tec
execute0_lowered:
.L_overlay_start_1:
0x0: {  	(tag) =	ssettag $0x1  }
0x1: {  	s1 =	rddreg [dreg:$0x0]  }
0x2: {  	s4 =	rddreg [dreg:$0x1]  }
0x3: {  	s0 =	rddreg [dreg:$0x2]  }
0x4: {  	s3 =	simm.s32 $0x0;
	s5 =	srdreg.scid;
	s2 =	stileid.u32  }
0x5: {  	s11 =	simm.s32 $0x400;
	s12 =	simm.s32 $0x7A1400;
	s13 =	simm.s32 $0x1  }
0x6: {  	s14 =	simm.s32 $0x2000;
	s15 =	simm.s32 $0x4000;
	s16 =	simm.s32 $0x2  }
0x7: {  	s17 =	simm.s32 $0x8000;
	s18 =	simm.s32 $0x3;
	s19 =	simm.s32 $0x4  }
0x8: {  	s20 =	simm.s32 $0x0;
	[smem:$0x7FF] =	sst s3;
	s5 =	sand.u32 $0x1, s5  }
0x9: {  	s7 =	sshll.u32 s2, $0x1;
	s4 =	sadd.s32 $0xA00, s4;
	p0 =	slt.u32 s2, $0x2  }
.Ltmp0:
0xa: {  	p1 =	sgt.u32 s2, $0x1;
	s6 =	ssub.s32 $0x2, s5;
	(pc) =	sbr.rel .LBB2_1-.Ltmp0, $4  }
0xb: {  	v0 =	vlaneseq.u32;
	_ =	strace $0x80000047;
	s7 =	sor.u32 s5, s7;
	s8 =	sshrl.u32 s6, $0x1  }
0xc: {  	v4 =	vmul.u32 $0x81, v0;
	s5 =	sshll.u32 s7, $0x7;
	s31 =	sshll.u32 s7, $0xB;
	s10 =	ssub.s32 s6, s8  }
0xd: {  	v1 =	vmul.u32 $0x80, v0;
	v2 =	vor.u32 $0x800, v0;
	s5 =	sadd.s32 s1, s5;
	s6 =	sor.u32 $0x20, s7;
	s7 =	sadd.s32 s4, s31  }
0xe: {  	v3 =	vor.u32 $0x1000, v0;
	v5 =	vor.u32 $0x1800, v0;
	v4 =	vadd.s32 $0x20, v4;
	s8 =	sadd.s32 $0x2000, s5;
	s9 =	sadd.s32 $0xF40000, s7;
	s10 =	smax.u32 s10, $0x1  }
.LBB2_11:
0xf: {  	s20 =	sadd.s32 $0x1, s20  }
0x10: {  	_ =	swait.ge [sflag:s19], $0x4000;
	p2 =	sne.s32 s20, s10  }
.Ltmp1:
0x11: {  	[sflag:s19] =	ssyncset.done $0x0;
	(pc) =	sbr.rel @!p2 .LBB2_12-.Ltmp1, $4  }
0x12: {  	[sflag:s19] =	ssyncadd.s32 $0xFFFFC000  }
0x13: {  	_ =	swait.ge [sflag:s18], $0x4000  }
0x14: {  	[sflag:s18] =	ssyncset.done $0x0  }
0x15: {  	[sflag:s18] =	ssyncadd.s32 $0xFFFFC000  }
.LBB2_1:
0x16: {  	[tilespmem:s3], [sflag:$0x1] =	stream.strided.gather [hbm4b:s5+s11], $0x2000, s12, s11, $0x38;
	[tilespmem:$0xC000] =	vst v63  }
0x17: {  	s21 =	simm.s32 $0x0  }
.LBB2_2:
0x18: {  	s23 =	simm.s32 $0x0  }
0x19: {  	s25 =	sand.u32 $0xC, s23;
	s23 =	sand.u32 $0x70, s23  }
0x1a: {  	_ =	swait.ge [sflag:s13], $0x2000;
	s22 =	sshll.u32 s21, $0x6;
	s24 =	sor.u32 $0x3, s25;
	v9 =	vor.u32 s23, v0  }
0x1b: {  	s22 =	sor.u32 s6, s22;
	s28 =	sor.u32 $0x1, s25;
	s29 =	sor.u32 $0x2, s25;
	v15 =	vadd.s32 s25, v0;
	v21 =	vadd.s32 s25, v4;
	v6 =	vadd.s32 s24, v0  }
0x1c: {  	p2 =	seq.s32 s21, $0x0;
	[sflag:s13] =	ssyncset.done $0x0;
	s26 =	sshll.u32 s22, $0x7;
	v8 =	vadd.s32 s28, v0;
	v17 =	vadd.s32 s29, v0;
	v7 =	vand.u32 $0xF, v6  }
0x1d: {  	s31 =	simm.s32 $0x0;
	[sflag:s13] =	ssyncadd.s32 $0xFFFFE000;
	s26 =	sadd.s32 s1, s26;
	v19 =	vand.u32 $0xF, v15;
	v14 =	vand.u32 $0xF, v8;
	v13 =	vshll.u32 v7, $0x7  }
0x1e: {  	[tilespmem:s14], [sflag:$0x2] =	stream.strided.gather [hbm4b:s26+s11], $0x2000, s12, s11, $0x38;
	v20 =	vand.u32 $0xF, v17;
	v16 =	vshll.u32 v14, $0x7;
	v10 =	vor.u32 v9, v13;
	[tilespmem:$0xC000] =	vst v63  }
0x1f: {  	s30 =	sand.u32 $0x3800, s31;
	s26 =	simm.s32 @!p2 $0x3;
	v22 =	vshll.u32 v19, $0x7;
	v23 =	vshll.u32 v20, $0x7;
	v18 =	vor.u32 v9, v16  }
0x20: {  	v26 =	vor.u32 s30, v1;
	_ =	swait.ge @!p2 [sflag:s26], $0x4000;
	v24 =	vor.u32 v9, v23;
	v9 =	vor.u32 v9, v22  }
0x21: {  	v27 =	vor.u32 s23, v2;
	v29 =	vadd.s32 s28, v4;
	v30 =	vadd.s32 s29, v4;
	[sflag:s26] =	ssyncset.done @!p2 $0x0  }
0x22: {  	s31 =	simm.s32 $0x4;
	v12 =	vshll.u32 v8, $0x7;
	v11 =	vshll.u32 v17, $0x7;
	v28 =	vshll.u32 v6, $0x7;
	[sflag:s26] =	ssyncadd.s32 @!p2 $0xFFFFC000  }
0x23: {  	s28 =	sand.u32 $0xC, s31;
	s31 =	sand.u32 $0x70, s31;
	v29 =	vand.u32 $0x2F, v29;
	v30 =	vand.u32 $0x2F, v30;
	v19 =	vor.u32 v19, v26;
	v25 =	vld.idx.msk [tilespmem:v10+s3+$0x0], $0xffff  }
0x24: {  	v8 =	vor.u32 v8, v26;
	v34 =	vor.u32 v17, v26;
	v59 =	vor.u32 s31, v2;
	v18 =	vld.idx.msk [tilespmem:v18+s3+$0x0], $0xffff  }
0x25: {  	v7 =	vor.u32 v26, v7;
	v31 =	vor.u32 v28, v27;
	v14 =	vor.u32 v26, v14;
	v9 =	vld.idx.msk [tilespmem:v9+s3+$0x0], $0xffff  }
0x26: {  	v20 =	vor.u32 v26, v20;
	v32 =	vor.u32 v12, v27;
	v35 =	vor.u32 $0x10, v8  }
0x27: {  	s30 =	sor.u32 $0x2, s28;
	v36 =	vor.u32 $0x10, v34;
	v17 =	vor.u32 v26, v29;
	v8 =	vor.u32 $0x30, v8  }
0x28: {  	v57 =	vadd.s32 s30, v4;
	s26 =	sor.u32 $0x3, s28;
	v10 =	vshll.u32 v15, $0x7;
	v24 =	vld.idx.msk [tilespmem:v24+s3+$0x0], $0xffff;
	v25 =	vmul.f32 $8.000000000e+00, v25  }
0x29: {  	v56 =	vadd.s32 s26, v0;
	v33 =	vor.u32 v10, v27;
	v27 =	vor.u32 v11, v27  }
0x2a: {  	v9 =	vmul.f32 $8.000000000e+00, v9;
	[tilespmem:v7+s15+$0x0] =	vst.idx.msk $0xffff, v25;
	v7 =	vmul.f32 $8.000000000e+00, v18;
	v25 =	vor.u32 v15, v26  }
0x2b: {  	v18 =	vand.u32 $0x2F, v21;
	v15 =	vor.u32 v26, v30;
	v21 =	vor.u32 v6, v26;
	v31 =	vld.idx.msk [tilespmem:v31+s3+$0x0], $0xffff  }
0x2c: {  	v6 =	vor.u32 s23, v3;
	v30 =	vadd.s32 s28, v4;
	[tilespmem:v19+s15+$0x0] =	vst.idx.msk $0xffff, v9;
	v19 =	vand.u32 $0xF, v56  }
0x2d: {  	v37 =	vor.u32 $0x10, v25;
	[tilespmem:v14+s15+$0x0] =	vst.idx.msk $0xffff, v7;
	v7 =	vmul.f32 $8.000000000e+00, v24;
	v24 =	vor.u32 $0x10, v21  }
0x2e: {  	v18 =	vor.u32 v26, v18;
	v16 =	vor.u32 v16, v6;
	v13 =	vor.u32 v13, v6;
	v14 =	vld.idx.msk [tilespmem:v32+s3+$0x0], $0xffff  }
0x2f: {  	v23 =	vor.u32 v23, v6;
	v29 =	vor.u32 v22, v6;
	v6 =	vor.u32 $0x30, v25  }
0x30: {  	v25 =	vor.u32 s31, v0;
	v21 =	vor.u32 $0x30, v21;
	[tilespmem:v20+s15+$0x0] =	vst.idx.msk $0xffff, v7;
	v22 =	vmul.f32 $8.000000000e+00, v31  }
0x31: {  	v7 =	vor.u32 $0x30, v34;
	v20 =	vld.idx.msk [tilespmem:v27+s3+$0x0], $0xffff;
	v27 =	vadd.s32 s28, v0;
	v31 =	vadd.s32 s30, v0  }
0x32: {  	v34 =	vshll.u32 v19, $0x7;
	v38 =	vand.u32 $0xF, v27;
	v39 =	vand.u32 $0xF, v31;
	[tilespmem:v24+s15+$0x0] =	vst.idx.msk $0xffff, v22  }
0x33: {  	s29 =	sor.u32 $0x1, s28;
	v40 =	vshll.u32 v38, $0x7;
	v14 =	vmul.f32 $8.000000000e+00, v14;
	v22 =	vadd.s32 s24, v4;
	v9 =	vld.idx.msk [tilespmem:v13+s3+$0x0], $0xffff  }
0x34: {  	v33 =	vld.idx.msk [tilespmem:v33+s3+$0x0], $0xffff;
	v24 =	vadd.s32 s29, v0;
	v46 =	vor.u32 v25, v40;
	v22 =	vand.u32 $0x2F, v22  }
0x35: {  	v42 =	vshll.u32 v39, $0x7;
	[tilespmem:v35+s15+$0x0] =	vst.idx.msk $0xffff, v14;
	v35 =	vor.u32 s23, v5;
	v26 =	vor.u32 v26, v22  }
0x36: {  	v13 =	vand.u32 $0xF, v24;
	v44 =	vor.u32 v25, v42;
	v16 =	vld.idx.msk [tilespmem:v16+s3+$0x0], $0xffff;
	v28 =	vor.u32 v28, v35  }
0x37: {  	v14 =	vor.u32 v25, v34;
	v41 =	vshll.u32 v13, $0x7;
	v20 =	vmul.f32 $8.000000000e+00, v20  }
0x38: {  	v43 =	vor.u32 v25, v41;
	v25 =	vshll.u32 v24, $0x7;
	v45 =	vmul.f32 $8.000000000e+00, v9  }
0x39: {  	v33 =	vmul.f32 $8.000000000e+00, v33;
	s24 =	simm.s32 $0x200;
	[tilespmem:v36+s15+$0x0] =	vst.idx.msk $0xffff, v20;
	v62 =	vor.u32 v25, v59;
	v46 =	vld.idx.msk [tilespmem:v46+s3+$0x0], $0xffff;
	v9 =	vshll.u32 v27, $0x7  }
0x3a: {  	v22 =	vshll.u32 v31, $0x7;
	s23 =	sand.u32 $0x3800, s24;
	v23 =	vld.idx.msk [tilespmem:v23+s3+$0x0], $0xffff;
	v48 =	vor.u32 v9, v59;
	[tilespmem:v26+s15+$0x0] =	vst.idx.msk $0xffff, v45;
	v26 =	vadd.s32 s29, v4  }
0x3b: {  	v47 =	vmul.f32 $8.000000000e+00, v16;
	v45 =	vand.u32 $0x2F, v57;
	v16 =	vld.idx.msk [tilespmem:v28+s3+$0x0], $0xffff;
	v28 =	vor.u32 s23, v1  }
0x3c: {  	v14 =	vld.idx.msk [tilespmem:v14+s3+$0x0], $0xffff;
	v26 =	vand.u32 $0x2F, v26;
	v20 =	vor.u32 v28, v13;
	v58 =	vor.u32 v28, v39  }
0x3d: {  	v13 =	vor.u32 v28, v19;
	v19 =	vld.idx.msk [tilespmem:v43+s3+$0x0], $0xffff;
	v43 =	vshll.u32 v56, $0x7;
	v61 =	vor.u32 v38, v28  }
0x3e: {  	v39 =	vor.u32 v22, v59;
	v24 =	vor.u32 v24, v28;
	v31 =	vor.u32 v31, v28  }
0x3f: {  	v60 =	vld.idx.msk [tilespmem:v44+s3+$0x0], $0xffff;
	s23 =	simm.s32 $0x8;
	v27 =	vor.u32 v27, v28;
	v55 =	vmul.f32 $8.000000000e+00, v46;
	v32 =	vor.u32 v56, v28  }
0x40: {  	v23 =	vmul.f32 $8.000000000e+00, v23;
	s25 =	sand.u32 $0xC, s23;
	v63 =	vor.u32 v43, v59;
	v50 =	vor.u32 $0x10, v31  }
0x41: {  	[tilespmem:v37+s15+$0x0] =	vst.idx.msk $0xffff, v33;
	v51 =	vor.u32 $0x10, v27;
	v56 =	vor.u32 $0x10, v32;
	s24 =	sor.u32 $0x3, s25;
	v14 =	vmul.f32 $8.000000000e+00, v14  }
0x42: {  	v32 =	vor.u32 $0x30, v32;
	v38 =	vadd.s32 s24, v0;
	v49 =	vmul.f32 $8.000000000e+00, v16;
	v16 =	vld.idx.msk [tilespmem:v29+s3+$0x0], $0xffff  }
0x43: {  	v29 =	vor.u32 $0x10, v24;
	[tilespmem:v13+s15+$0x0] =	vst.idx.msk $0xffff, v14;
	v13 =	vand.u32 $0x2F, v30;
	v19 =	vmul.f32 $8.000000000e+00, v19  }
0x44: {  	v30 =	vor.u32 v28, v26;
	v26 =	vmul.f32 $8.000000000e+00, v60;
	v14 =	vor.u32 v28, v45  }
0x45: {  	v13 =	vor.u32 v28, v13;
	[tilespmem:v20+s15+$0x0] =	vst.idx.msk $0xffff, v19;
	v19 =	vor.u32 v12, v35;
	v12 =	vor.u32 s31, v3  }
0x46: {  	[tilespmem:v58+s15+$0x0] =	vst.idx.msk $0xffff, v26;
	v26 =	vadd.s32 s25, v0;
	v41 =	vor.u32 v41, v12;
	v42 =	vor.u32 v42, v12  }
0x47: {  	[tilespmem:v61+s15+$0x0] =	vst.idx.msk $0xffff, v55;
	v54 =	vld.idx.msk [tilespmem:v63+s3+$0x0], $0xffff;
	v63 =	vand.u32 $0xF, v26;
	v57 =	vmul.f32 $8.000000000e+00, v16;
	v16 =	vor.u32 v34, v12  }
0x48: {  	v44 =	vld.idx.msk [tilespmem:v48+s3+$0x0], $0xffff;
	v34 =	vor.u32 v40, v12;
	v40 =	vor.u32 v11, v35;
	v35 =	vor.u32 v10, v35  }
0x49: {  	s29 =	sor.u32 $0x1, s25;
	v20 =	vld.idx.msk [tilespmem:v62+s3+$0x0], $0xffff;
	v10 =	vor.u32 $0x30, v27;
	v11 =	vor.u32 $0x30, v24;
	v12 =	vor.u32 $0x30, v31  }
0x4a: {  	s30 =	sor.u32 $0x2, s25;
	v24 =	vld.idx.msk [tilespmem:v39+s3+$0x0], $0xffff;
	v27 =	vadd.s32 s25, v4;
	v31 =	vadd.s32 s29, v0;
	s25 =	sand.u32 $0x70, s23;
	v39 =	vand.u32 $0xF, v38  }
0x4b: {  	[tilespmem:v15+s15+$0x0] =	vst.idx.msk $0xffff, v23;
	v53 =	vshll.u32 v63, $0x7;
	v37 =	vand.u32 $0xF, v31;
	v59 =	vor.u32 s25, v0  }
0x4c: {  	[tilespmem:v21+s15+$0x0] =	vst.idx.msk $0xffff, v49;
	v52 =	vshll.u32 v39, $0x7;
	v15 =	vshll.u32 v31, $0x7;
	v33 =	vmul.f32 $8.000000000e+00, v54  }
0x4d: {  	v49 =	vshll.u32 v37, $0x7;
	v46 =	vor.u32 v59, v53;
	[tilespmem:v18+s15+$0x0] =	vst.idx.msk $0xffff, v57;
	v18 =	vshll.u32 v26, $0x7  }
0x4e: {  	v44 =	vmul.f32 $8.000000000e+00, v44;
	v20 =	vmul.f32 $8.000000000e+00, v20;
	[tilespmem:v56+s15+$0x0] =	vst.idx.msk $0xffff, v33;
	v33 =	vadd.s32 s30, v0  }
0x4f: {  	[tilespmem:v17+s15+$0x0] =	vst.idx.msk $0xffff, v47;
	v21 =	vor.u32 v59, v49;
	v58 =	vld.idx.msk [tilespmem:v16+s3+$0x0], $0xffff;
	v16 =	vadd.s32 s26, v4;
	v60 =	vand.u32 $0xF, v33  }
0x50: {  	v55 =	vld.idx.msk [tilespmem:v19+s3+$0x0], $0xffff;
	v17 =	vshll.u32 v33, $0x7;
	v23 =	vmul.f32 $8.000000000e+00, v24;
	[tilespmem:v29+s15+$0x0] =	vst.idx.msk $0xffff, v20;
	v20 =	vor.u32 v59, v52  }
0x51: {  	[tilespmem:v51+s15+$0x0] =	vst.idx.msk $0xffff, v44;
	s26 =	simm.s32 $0x400;
	v24 =	vadd.s32 s29, v4;
	v40 =	vld.idx.msk [tilespmem:v40+s3+$0x0], $0xffff;
	v62 =	vand.u32 $0x2F, v16;
	v16 =	vor.u32 s31, v5  }
0x52: {  	v54 =	vshll.u32 v60, $0x7;
	s31 =	sand.u32 $0x3800, s26;
	v28 =	vor.u32 v28, v62;
	v43 =	vor.u32 v43, v16;
	v46 =	vld.idx.msk [tilespmem:v46+s3+$0x0], $0xffff  }
0x53: {  	v29 =	vld.idx.msk [tilespmem:v41+s3+$0x0], $0xffff;
	v61 =	vor.u32 v59, v54;
	v19 =	vor.u32 s31, v1;
	[tilespmem:v50+s15+$0x0] =	vst.idx.msk $0xffff, v23;
	v23 =	vshll.u32 v38, $0x7  }
0x54: {  	v37 =	vor.u32 v19, v37;
	v50 =	vld.idx.msk [tilespmem:v21+s3+$0x0], $0xffff;
	v21 =	vor.u32 s25, v2;
	v51 =	vor.u32 v63, v19  }
0x55: {  	v48 =	vor.u32 v19, v60;
	v39 =	vor.u32 v19, v39;
	v57 =	vor.u32 v15, v21;
	v20 =	vld.idx.msk [tilespmem:v20+s3+$0x0], $0xffff  }
0x56: {  	v41 =	vor.u32 v23, v21;
	v59 =	vor.u32 v17, v21;
	v36 =	vmul.f32 $8.000000000e+00, v58  }
0x57: {  	v60 =	vld.idx.msk [tilespmem:v34+s3+$0x0], $0xffff;
	v58 =	vor.u32 v18, v21;
	v40 =	vmul.f32 $8.000000000e+00, v40;
	v63 =	vmul.f32 $8.000000000e+00, v46  }
0x58: {  	[tilespmem:v28+s15+$0x0] =	vst.idx.msk $0xffff, v36;
	v28 =	vadd.s32 s30, v4;
	v56 =	vmul.f32 $8.000000000e+00, v29;
	v44 =	vld.idx.msk [tilespmem:v61+s3+$0x0], $0xffff;
	v29 =	vor.u32 v31, v19  }
0x59: {  	v31 =	vor.u32 v26, v19;
	v26 =	vand.u32 $0x2F, v27;
	v36 =	vld.idx.msk [tilespmem:v43+s3+$0x0], $0xffff;
	v27 =	vmul.f32 $8.000000000e+00, v50;
	[tilespmem:v51+s15+$0x0] =	vst.idx.msk $0xffff, v63  }
0x5a: {  	v43 =	vand.u32 $0x2F, v24;
	v45 =	vand.u32 $0x2F, v28;
	[tilespmem:v30+s15+$0x0] =	vst.idx.msk $0xffff, v56;
	v20 =	vmul.f32 $8.000000000e+00, v20  }
0x5b: {  	v42 =	vld.idx.msk [tilespmem:v42+s3+$0x0], $0xffff;
	v28 =	vor.u32 v33, v19;
	v33 =	vor.u32 $0x10, v29;
	v21 =	vor.u32 $0x10, v31;
	[tilespmem:v37+s15+$0x0] =	vst.idx.msk $0xffff, v27  }
0x5c: {  	v34 =	vor.u32 v19, v26;
	v26 =	vor.u32 s25, v3;
	v46 =	vmul.f32 $8.000000000e+00, v60;
	[tilespmem:v39+s15+$0x0] =	vst.idx.msk $0xffff, v20;
	v20 =	vld.idx.msk [tilespmem:v35+s3+$0x0], $0xffff  }
0x5d: {  	v27 =	vor.u32 v54, v26;
	v62 =	vmul.f32 $8.000000000e+00, v44;
	v47 =	vld.idx.msk [tilespmem:v41+s3+$0x0], $0xffff;
	v41 =	vor.u32 v25, v16  }
0x5e: {  	v44 =	vld.idx.msk [tilespmem:v57+s3+$0x0], $0xffff;
	v36 =	vmul.f32 $8.000000000e+00, v36;
	v35 =	vor.u32 v19, v43;
	v25 =	vor.u32 v38, v19  }
0x5f: {  	v43 =	vor.u32 v49, v26;
	v49 =	vor.u32 v52, v26;
	[tilespmem:v48+s15+$0x0] =	vst.idx.msk $0xffff, v62;
	v48 =	vor.u32 $0x10, v25  }
0x60: {  	v24 =	vor.u32 $0x10, v28;
	v38 =	vld.idx.msk [tilespmem:v58+s3+$0x0], $0xffff;
	[tilespmem:v32+s15+$0x0] =	vst.idx.msk $0xffff, v36;
	v36 =	vor.u32 v19, v45;
	v45 =	vmul.f32 $8.000000000e+00, v42  }
0x61: {  	v39 =	vmul.f32 $8.000000000e+00, v55;
	v26 =	vor.u32 v53, v26;
	v37 =	vld.idx.msk [tilespmem:v59+s3+$0x0], $0xffff;
	v42 =	vor.u32 v22, v16  }
.LBB2_3:
0x62: {  	s23 =	sadd.s32 $0x4, s23;
	v50 =	vmul.f32 $8.000000000e+00, v47;
	v47 =	vor.u32 v9, v16;
	v30 =	vld.idx.msk [tilespmem:v41+s3+$0x0], $0xffff;
	[tilespmem:v14+s15+$0x0] =	vst.idx.msk $0xffff, v45;
	v41 =	vmul.f32 $8.000000000e+00, v20  }
0x63: {  	v31 =	vor.u32 $0x30, v31;
	v29 =	vor.u32 $0x30, v29;
	v28 =	vor.u32 $0x30, v28;
	v22 =	vmovc v17;
	v9 =	vmovc v18;
	s30 =	sand.u32 $0xC, s23;
	p2 =	slt.u32 s23, $0x7C;
	[tilespmem:v13+s15+$0x0] =	vst.idx.msk $0xffff, v46  }
0x64: {  	v32 =	vmovc v35;
	v14 =	vmovc v36;
	v16 =	vmul.f32 $8.000000000e+00, v44;
	v45 =	vadd.s32 s30, v0;
	v46 =	vadd.s32 s30, v4;
	s28 =	sor.u32 $0x1, s30;
	s29 =	sor.u32 $0x2, s30;
	s30 =	sor.u32 $0x3, s30;
	[tilespmem:v48+s15+$0x0] =	vst.idx.msk $0xffff, v50  }
0x65: {  	v13 =	vmovc v34;
	v35 =	vadd.s32 s28, v0;
	v36 =	vadd.s32 s29, v0;
	v48 =	vadd.s32 s30, v0;
	v17 =	vld.idx.msk [tilespmem:v49+s3+$0x0], $0xffff  }
0x66: {  	s31 =	sand.u32 $0x70, s23;
	v34 =	vand.u32 $0xF, v35;
	v44 =	vand.u32 $0xF, v48;
	[tilespmem:v33+s15+$0x0] =	vst.idx.msk $0xffff, v16;
	v16 =	vadd.s32 s24, v4;
	v50 =	vld.idx.msk [tilespmem:v42+s3+$0x0], $0xffff;
	s24 =	smov.u32 s30  }
0x67: {  	v18 =	vor.u32 s31, v0;
	v42 =	vshll.u32 v44, $0x7;
	v33 =	vld.idx.msk [tilespmem:v43+s3+$0x0], $0xffff;
	v20 =	vand.u32 $0x2F, v16;
	[tilespmem:v8+s15+$0x0] =	vst.idx.msk $0xffff, v39;
	v8 =	vmovc v11  }
0x68: {  	v16 =	vor.u32 s25, v5;
	v11 =	vmovc v29;
	s25 =	smov.u32 s31;
	v39 =	vor.u32 v18, v42;
	v19 =	vor.u32 v19, v20;
	v20 =	vld.idx.msk [tilespmem:v47+s3+$0x0], $0xffff  }
0x69: {  	v29 =	vand.u32 $0xF, v45;
	v43 =	vand.u32 $0xF, v36;
	v23 =	vor.u32 v23, v16;
	[tilespmem:v7+s15+$0x0] =	vst.idx.msk $0xffff, v40;
	v7 =	vmovc v12  }
0x6a: {  	v49 =	vshll.u32 v34, $0x7;
	v51 =	vshll.u32 v43, $0x7;
	v40 =	vshll.u32 v29, $0x7;
	[tilespmem:v6+s15+$0x0] =	vst.idx.msk $0xffff, v41;
	v6 =	vmovc v10;
	v10 =	vmovc v31  }
0x6b: {  	v12 =	vmovc v28;
	v31 =	vor.u32 v18, v49;
	v41 =	vor.u32 v18, v51;
	v47 =	vmul.f32 $8.000000000e+00, v17  }
0x6c: {  	v52 =	vshll.u32 v35, $0x7;
	v28 =	vor.u32 v18, v40;
	v17 =	vshll.u32 v36, $0x7  }
0x6d: {  	s26 =	sadd.s32 $0x200, s26;
	v37 =	vmul.f32 $8.000000000e+00, v37;
	v38 =	vmul.f32 $8.000000000e+00, v38;
	v18 =	vshll.u32 v45, $0x7;
	v39 =	vld.idx.msk [tilespmem:v39+s3+$0x0], $0xffff;
	[tilespmem:v19+s15+$0x0] =	vst.idx.msk $0xffff, v47  }
0x6e: {  	v53 =	vadd.s32 s29, v4;
	s30 =	sand.u32 $0x3800, s26;
	v54 =	vmul.f32 $8.000000000e+00, v33;
	v47 =	vadd.s32 s28, v4;
	v33 =	vld.idx.msk [tilespmem:v23+s3+$0x0], $0xffff  }
0x6f: {  	v53 =	vand.u32 $0x2F, v53;
	v19 =	vor.u32 s30, v1;
	v47 =	vand.u32 $0x2F, v47;
	[tilespmem:v24+s15+$0x0] =	vst.idx.msk $0xffff, v37  }
0x70: {  	v55 =	vor.u32 v19, v34;
	v43 =	vor.u32 v19, v43;
	v34 =	vor.u32 v19, v44;
	v37 =	vld.idx.msk [tilespmem:v31+s3+$0x0], $0xffff  }
0x71: {  	v25 =	vor.u32 $0x30, v25;
	v23 =	vshll.u32 v48, $0x7;
	v24 =	vor.u32 s25, v2;
	v41 =	vld.idx.msk [tilespmem:v41+s3+$0x0], $0xffff;
	[tilespmem:v21+s15+$0x0] =	vst.idx.msk $0xffff, v38  }
0x72: {  	v56 =	vor.u32 v29, v19;
	v44 =	vor.u32 v52, v24;
	v57 =	vor.u32 v23, v24;
	v38 =	vld.idx.msk [tilespmem:v28+s3+$0x0], $0xffff  }
0x73: {  	v58 =	vor.u32 v18, v24;
	v59 =	vor.u32 v17, v24;
	v21 =	vmul.f32 $8.000000000e+00, v39;
	v27 =	vld.idx.msk [tilespmem:v27+s3+$0x0], $0xffff  }
0x74: {  	v29 =	vor.u32 v35, v19;
	v28 =	vor.u32 v36, v19;
	v35 =	vmul.f32 $8.000000000e+00, v33;
	v26 =	vld.idx.msk [tilespmem:v26+s3+$0x0], $0xffff  }
0x75: {  	v31 =	vor.u32 v45, v19;
	v33 =	vor.u32 $0x10, v29;
	v24 =	vor.u32 $0x10, v28;
	[tilespmem:v34+s15+$0x0] =	vst.idx.msk $0xffff, v21  }
0x76: {  	v21 =	vor.u32 $0x10, v31;
	v34 =	vand.u32 $0x2F, v46;
	v37 =	vmul.f32 $8.000000000e+00, v37;
	[tilespmem:v25+s15+$0x0] =	vst.idx.msk $0xffff, v35  }
0x77: {  	v36 =	vor.u32 v19, v53;
	v35 =	vor.u32 v19, v47;
	v25 =	vmul.f32 $8.000000000e+00, v41;
	v47 =	vld.idx.msk [tilespmem:v57+s3+$0x0], $0xffff  }
.Ltmp2:
0x78: {  	v34 =	vor.u32 v19, v34;
	v41 =	vor.u32 v15, v16;
	v38 =	vmul.f32 $8.000000000e+00, v38;
	[tilespmem:v55+s15+$0x0] =	vst.idx.msk $0xffff, v37;
	(pc) =	sbr.rel @p2 .LBB2_3-.Ltmp2, $4  }
0x79: {  	v39 =	vmul.f32 $8.000000000e+00, v30;
	v45 =	vmul.f32 $8.000000000e+00, v27;
	v44 =	vld.idx.msk [tilespmem:v44+s3+$0x0], $0xffff;
	[tilespmem:v43+s15+$0x0] =	vst.idx.msk $0xffff, v25;
	v25 =	vor.u32 v48, v19  }
0x7a: {  	v30 =	vor.u32 s25, v3;
	v15 =	vmovc v52;
	v46 =	vmul.f32 $8.000000000e+00, v26;
	[tilespmem:v56+s15+$0x0] =	vst.idx.msk $0xffff, v38;
	v37 =	vld.idx.msk [tilespmem:v59+s3+$0x0], $0xffff;
	v48 =	vor.u32 $0x10, v25  }
0x7b: {  	v27 =	vor.u32 v51, v30;
	v43 =	vor.u32 v49, v30;
	v49 =	vor.u32 v42, v30;
	v38 =	vld.idx.msk [tilespmem:v58+s3+$0x0], $0xffff  }
0x7c: {  	v26 =	vor.u32 v40, v30;
	v42 =	vor.u32 v22, v16;
	v40 =	vmul.f32 $8.000000000e+00, v50;
	[tilespmem:v32+s15+$0x0] =	vst.idx.msk $0xffff, v54  }
0x7d: {  	_ =	sdelay $0x1  }
0x7e: {  	v22 =	vmul.f32 $8.000000000e+00, v47;
	_ =	sdelay $0x1  }
0x7f: {  	v30 =	vadd.s32 s24, v4;
	[tilespmem:v48+s15+$0x0] =	vst.idx.msk $0xffff, v22  }
0x80: {  	v32 =	vmul.f32 $8.000000000e+00, v44;
	v30 =	vand.u32 $0x2F, v30;
	v22 =	vld.idx.msk [tilespmem:v49+s3+$0x0], $0xffff  }
0x81: {  	v19 =	vor.u32 v19, v30;
	v30 =	vmul.f32 $8.000000000e+00, v37  }
0x82: {  	v63 =	vor.u32 s25, v5;
	v9 =	vor.u32 v9, v16;
	[tilespmem:v33+s15+$0x0] =	vst.idx.msk $0xffff, v32;
	v38 =	vmul.f32 $8.000000000e+00, v38  }
0x83: {  	v23 =	vor.u32 v23, v63;
	v33 =	vld.idx.msk [tilespmem:v43+s3+$0x0], $0xffff;
	[tilespmem:v24+s15+$0x0] =	vst.idx.msk $0xffff, v30  }
0x84: {  	[tilespmem:v21+s15+$0x0] =	vst.idx.msk $0xffff, v38;
	v21 =	vld.idx.msk [tilespmem:v27+s3+$0x0], $0xffff  }
0x85: {  	[tilespmem:v14+s15+$0x0] =	vst.idx.msk $0xffff, v45;
	v14 =	vld.idx.msk [tilespmem:v26+s3+$0x0], $0xffff;
	v22 =	vmul.f32 $8.000000000e+00, v22  }
0x86: {  	[tilespmem:v13+s15+$0x0] =	vst.idx.msk $0xffff, v46;
	v15 =	vor.u32 v15, v63  }
0x87: {  	v16 =	vor.u32 v17, v63;
	v9 =	vld.idx.msk [tilespmem:v9+s3+$0x0], $0xffff;
	[tilespmem:v19+s15+$0x0] =	vst.idx.msk $0xffff, v22  }
0x88: {  	[tilespmem:v8+s15+$0x0] =	vst.idx.msk $0xffff, v39;
	v18 =	vor.u32 v18, v63;
	v8 =	vmul.f32 $8.000000000e+00, v33;
	v13 =	vld.idx.msk [tilespmem:v23+s3+$0x0], $0xffff  }
0x89: {  	v17 =	vld.idx.msk [tilespmem:v41+s3+$0x0], $0xffff;
	[tilespmem:v7+s15+$0x0] =	vst.idx.msk $0xffff, v40;
	v21 =	vmul.f32 $8.000000000e+00, v21  }
0x8a: {  	v7 =	vor.u32 $0x30, v25;
	v19 =	vld.idx.msk [tilespmem:v42+s3+$0x0], $0xffff;
	v14 =	vmul.f32 $8.000000000e+00, v14;
	[tilespmem:v35+s15+$0x0] =	vst.idx.msk $0xffff, v8  }
0x8b: {  	v8 =	vmul.f32 $8.000000000e+00, v20;
	v15 =	vld.idx.msk [tilespmem:v15+s3+$0x0], $0xffff;
	[tilespmem:v36+s15+$0x0] =	vst.idx.msk $0xffff, v21  }
0x8c: {  	v9 =	vmul.f32 $8.000000000e+00, v9;
	[tilespmem:v34+s15+$0x0] =	vst.idx.msk $0xffff, v14;
	v14 =	vld.idx.msk [tilespmem:v16+s3+$0x0], $0xffff  }
0x8d: {  	v16 =	vor.u32 $0x30, v29;
	[tilespmem:v6+s15+$0x0] =	vst.idx.msk $0xffff, v8;
	v8 =	vld.idx.msk [tilespmem:v18+s3+$0x0], $0xffff;
	v13 =	vmul.f32 $8.000000000e+00, v13  }
0x8e: {  	[tilespmem:v10+s15+$0x0] =	vst.idx.msk $0xffff, v9;
	v6 =	vmul.f32 $8.000000000e+00, v17;
	v17 =	vor.u32 $0x30, v28  }
0x8f: {  	[tilespmem:v7+s15+$0x0] =	vst.idx.msk $0xffff, v13;
	v7 =	vmul.f32 $8.000000000e+00, v19;
	v13 =	vor.u32 $0x30, v31  }
0x90: {  	[tilespmem:v11+s15+$0x0] =	vst.idx.msk $0xffff, v6;
	v6 =	vmul.f32 $8.000000000e+00, v15  }
0x91: {  	[tilespmem:v12+s15+$0x0] =	vst.idx.msk $0xffff, v7;
	v7 =	vmul.f32 $8.000000000e+00, v14  }
0x92: {  	p2 =	seq.s32 @!p0 s21, $0x79;
	v8 =	vmul.f32 $8.000000000e+00, v8;
	[tilespmem:v16+s15+$0x0] =	vst.idx.msk $0xffff, v6  }
0x93: {  	s23 =	sshll.u32 s21, $0x11;
	s29 =	simm.s32 $0x0;
	p2 =	por p0, !p2;
	[tilespmem:v17+s15+$0x0] =	vst.idx.msk $0xffff, v7  }
0x94: {  	s23 =	sadd.s32 s23, s7;
	s30 =	sand.u32 $0xC, s29;
	s24 =	simm.s32 @p2 $0x400;
	[tilespmem:v13+s15+$0x0] =	vst.idx.msk $0xffff, v8  }
0x95: {  	[hbm4b:s23+s3] =	stream.linear.scatter [tilespmem:s15], [sflag:$0x3], $0x4000, $0x38;
	[tilespmem:$0xC000] =	vst v63  }
0x96: {  	s25 =	simm.s32 @p2 $0x7A1400;
	s26 =	simm.s32 @p2 $0x0;
	_ =	swait.ge [sflag:s16], $0x2000  }
0x97: {  	s28 =	sor.u32 $0x2, s30;
	s23 =	sshll.u32 @p2 s21, $0xD;
	[sflag:s16] =	ssyncset.done $0x0  }
0x98: {  	s31 =	sor.u32 $0x1, s30;
	v30 =	vadd.s32 s28, v4;
	s23 =	sadd.s32 @p2 s23, s8;
	[sflag:s16] =	ssyncadd.s32 $0xFFFFE000  }
0x99: {  	v30 =	vand.u32 $0x2F, v30;
	[tilespmem:s26], [sflag:$0x1] =	stream.strided.gather @p2 [hbm4b:s23+s24], $0x2000, s25, s24, $0x38;
	[tilespmem:$0xC000] =	vst v63  }
0x9a: {  	v21 =	vadd.s32 s30, v4;
	v29 =	vadd.s32 s31, v4;
	v15 =	vadd.s32 s30, v0;
	s24 =	sor.u32 $0x3, s30  }
0x9b: {  	v29 =	vand.u32 $0x2F, v29;
	v19 =	vand.u32 $0xF, v15;
	v6 =	vadd.s32 s24, v0  }
0x9c: {  	v17 =	vadd.s32 s28, v0;
	v8 =	vadd.s32 s31, v0;
	s23 =	sand.u32 $0x70, s29;
	v7 =	vand.u32 $0xF, v6  }
0x9d: {  	v14 =	vand.u32 $0xF, v8;
	v9 =	vor.u32 s23, v0;
	v13 =	vshll.u32 v7, $0x7  }
0x9e: {  	p3 =	seq.s32 @p2 s21, $0x0;
	v20 =	vand.u32 $0xF, v17;
	s31 =	simm.s32 $0x4;
	v16 =	vshll.u32 v14, $0x7;
	v10 =	vor.u32 v9, v13  }
0x9f: {  	v22 =	vshll.u32 v19, $0x7;
	v23 =	vshll.u32 v20, $0x7;
	s28 =	sand.u32 $0xC, s31;
	p2 =	por !p2, !p3;
	v18 =	vor.u32 v9, v16  }
0xa0: {  	v11 =	vshll.u32 v17, $0x7;
	s31 =	sand.u32 $0x70, s31;
	s29 =	simm.s32 $0x0;
	_ =	swait.ge @p2 [sflag:s19], $0x4000;
	v24 =	vor.u32 v9, v23;
	v9 =	vor.u32 v9, v22  }
0xa1: {  	v12 =	vshll.u32 v8, $0x7;
	v61 =	vor.u32 s31, v2;
	s26 =	sor.u32 $0x3, s28;
	s30 =	sand.u32 $0x3800, s29;
	v27 =	vor.u32 s23, v2;
	[sflag:s19] =	ssyncset.done @p2 $0x0  }
0xa2: {  	v32 =	vadd.s32 s26, v0;
	v35 =	vor.u32 s23, v5;
	v26 =	vor.u32 s30, v1;
	[sflag:s19] =	ssyncadd.s32 @p2 $0xFFFFC000  }
0xa3: {  	v28 =	vshll.u32 v6, $0x7;
	v46 =	vor.u32 v12, v27;
	v43 =	vshll.u32 v32, $0x7;
	v25 =	vld.idx.msk [tilespmem:v10+s14+$0x0], $0xffff  }
0xa4: {  	v7 =	vor.u32 v26, v7;
	v31 =	vor.u32 v28, v27;
	v14 =	vor.u32 v26, v14;
	v18 =	vld.idx.msk [tilespmem:v18+s14+$0x0], $0xffff  }
0xa5: {  	v20 =	vor.u32 v26, v20;
	v19 =	vor.u32 v19, v26;
	v8 =	vor.u32 v8, v26;
	v9 =	vld.idx.msk [tilespmem:v9+s14+$0x0], $0xffff  }
0xa6: {  	s30 =	sor.u32 $0x2, s28;
	v48 =	vor.u32 v17, v26;
	v17 =	vor.u32 v26, v29;
	v28 =	vor.u32 v28, v35  }
0xa7: {  	v60 =	vadd.s32 s30, v4;
	v59 =	vor.u32 v43, v61;
	v49 =	vor.u32 $0x10, v8  }
0xa8: {  	v50 =	vor.u32 $0x10, v48;
	v24 =	vld.idx.msk [tilespmem:v24+s14+$0x0], $0xffff;
	v10 =	vshll.u32 v15, $0x7;
	v25 =	vmul.f32 $8.000000000e+00, v25  }
0xa9: {  	v8 =	vor.u32 $0x30, v8;
	v45 =	vand.u32 $0x2F, v60;
	v47 =	vor.u32 v10, v27  }
0xaa: {  	v27 =	vor.u32 v11, v27;
	v9 =	vmul.f32 $8.000000000e+00, v9;
	[tilespmem:v7+s17+$0x0] =	vst.idx.msk $0xffff, v25;
	v7 =	vmul.f32 $8.000000000e+00, v18  }
0xab: {  	v25 =	vor.u32 v15, v26;
	v18 =	vand.u32 $0x2F, v21;
	v15 =	vor.u32 v26, v30;
	v31 =	vld.idx.msk [tilespmem:v31+s14+$0x0], $0xffff  }
0xac: {  	v21 =	vor.u32 v6, v26;
	v6 =	vor.u32 s23, v3;
	v30 =	vadd.s32 s28, v4;
	[tilespmem:v19+s17+$0x0] =	vst.idx.msk $0xffff, v9  }
0xad: {  	v19 =	vand.u32 $0xF, v32;
	[tilespmem:v14+s17+$0x0] =	vst.idx.msk $0xffff, v7;
	v7 =	vmul.f32 $8.000000000e+00, v24;
	v24 =	vor.u32 $0x10, v21  }
0xae: {  	v18 =	vor.u32 v26, v18;
	v16 =	vor.u32 v16, v6;
	v13 =	vor.u32 v13, v6;
	v14 =	vld.idx.msk [tilespmem:v46+s14+$0x0], $0xffff  }
0xaf: {  	v51 =	vor.u32 $0x10, v25;
	v23 =	vor.u32 v23, v6;
	v29 =	vor.u32 v22, v6;
	[tilespmem:v20+s17+$0x0] =	vst.idx.msk $0xffff, v7  }
0xb0: {  	v6 =	vor.u32 $0x30, v25;
	v20 =	vld.idx.msk [tilespmem:v27+s14+$0x0], $0xffff;
	v27 =	vadd.s32 s28, v0;
	v22 =	vmul.f32 $8.000000000e+00, v31  }
0xb1: {  	v25 =	vor.u32 s31, v0;
	v34 =	vshll.u32 v19, $0x7;
	v52 =	vand.u32 $0xF, v27  }
0xb2: {  	v33 =	vld.idx.msk [tilespmem:v47+s14+$0x0], $0xffff;
	v21 =	vor.u32 $0x30, v21;
	v31 =	vadd.s32 s30, v0;
	v40 =	vshll.u32 v52, $0x7;
	[tilespmem:v24+s17+$0x0] =	vst.idx.msk $0xffff, v22  }
0xb3: {  	v14 =	vmul.f32 $8.000000000e+00, v14;
	v22 =	vadd.s32 s24, v4;
	v57 =	vor.u32 v25, v40;
	v9 =	vld.idx.msk [tilespmem:v13+s14+$0x0], $0xffff  }
0xb4: {  	s29 =	sor.u32 $0x1, s28;
	v7 =	vor.u32 $0x30, v48;
	v53 =	vand.u32 $0xF, v31;
	v22 =	vand.u32 $0x2F, v22  }
0xb5: {  	v24 =	vadd.s32 s29, v0;
	[tilespmem:v49+s17+$0x0] =	vst.idx.msk $0xffff, v14;
	v14 =	vor.u32 v25, v34;
	v26 =	vor.u32 v26, v22  }
0xb6: {  	v42 =	vshll.u32 v53, $0x7;
	v13 =	vand.u32 $0xF, v24;
	v20 =	vmul.f32 $8.000000000e+00, v20;
	v16 =	vld.idx.msk [tilespmem:v16+s14+$0x0], $0xffff  }
0xb7: {  	v33 =	vmul.f32 $8.000000000e+00, v33;
	v55 =	vor.u32 v25, v42;
	v41 =	vshll.u32 v13, $0x7  }
0xb8: {  	v22 =	vshll.u32 v31, $0x7;
	v54 =	vor.u32 v25, v41;
	[tilespmem:v50+s17+$0x0] =	vst.idx.msk $0xffff, v20;
	v46 =	vld.idx.msk [tilespmem:v57+s14+$0x0], $0xffff;
	v56 =	vmul.f32 $8.000000000e+00, v9  }
0xb9: {  	s24 =	simm.s32 $0x200;
	v25 =	vshll.u32 v24, $0x7;
	v39 =	vor.u32 v22, v61;
	v23 =	vld.idx.msk [tilespmem:v23+s14+$0x0], $0xffff;
	v9 =	vshll.u32 v27, $0x7  }
0xba: {  	s23 =	sand.u32 $0x3800, s24;
	v58 =	vor.u32 v25, v61;
	v14 =	vld.idx.msk [tilespmem:v14+s14+$0x0], $0xffff;
	v60 =	vor.u32 v9, v61;
	[tilespmem:v26+s17+$0x0] =	vst.idx.msk $0xffff, v56  }
0xbb: {  	v26 =	vadd.s32 s29, v4;
	v47 =	vmul.f32 $8.000000000e+00, v16;
	v16 =	vld.idx.msk [tilespmem:v28+s14+$0x0], $0xffff;
	v28 =	vor.u32 s23, v1  }
0xbc: {  	v26 =	vand.u32 $0x2F, v26;
	v20 =	vor.u32 v28, v13;
	v36 =	vor.u32 v28, v53  }
0xbd: {  	v13 =	vor.u32 v28, v19;
	v19 =	vld.idx.msk [tilespmem:v54+s14+$0x0], $0xffff;
	v63 =	vor.u32 v52, v28;
	v24 =	vor.u32 v24, v28  }
0xbe: {  	v62 =	vld.idx.msk [tilespmem:v55+s14+$0x0], $0xffff;
	s23 =	simm.s32 $0x8;
	v31 =	vor.u32 v31, v28;
	v27 =	vor.u32 v27, v28;
	v55 =	vmul.f32 $8.000000000e+00, v46  }
0xbf: {  	v32 =	vor.u32 v32, v28;
	v23 =	vmul.f32 $8.000000000e+00, v23;
	s25 =	sand.u32 $0xC, s23;
	v50 =	vor.u32 $0x10, v31  }
0xc0: {  	[tilespmem:v51+s17+$0x0] =	vst.idx.msk $0xffff, v33;
	v51 =	vor.u32 $0x10, v27;
	v56 =	vor.u32 $0x10, v32;
	s24 =	sor.u32 $0x3, s25;
	v14 =	vmul.f32 $8.000000000e+00, v14  }
0xc1: {  	v32 =	vor.u32 $0x30, v32;
	v38 =	vadd.s32 s24, v0;
	v61 =	vmul.f32 $8.000000000e+00, v16;
	v16 =	vld.idx.msk [tilespmem:v29+s14+$0x0], $0xffff  }
0xc2: {  	v29 =	vor.u32 $0x10, v24;
	[tilespmem:v13+s17+$0x0] =	vst.idx.msk $0xffff, v14;
	v13 =	vand.u32 $0x2F, v30;
	v19 =	vmul.f32 $8.000000000e+00, v19  }
0xc3: {  	v30 =	vor.u32 v28, v26;
	v26 =	vmul.f32 $8.000000000e+00, v62;
	v14 =	vor.u32 v28, v45  }
0xc4: {  	v13 =	vor.u32 v28, v13;
	[tilespmem:v20+s17+$0x0] =	vst.idx.msk $0xffff, v19;
	v19 =	vor.u32 v12, v35;
	v12 =	vor.u32 s31, v3  }
0xc5: {  	[tilespmem:v36+s17+$0x0] =	vst.idx.msk $0xffff, v26;
	v26 =	vadd.s32 s25, v0;
	v41 =	vor.u32 v41, v12;
	v42 =	vor.u32 v42, v12  }
0xc6: {  	[tilespmem:v63+s17+$0x0] =	vst.idx.msk $0xffff, v55;
	v54 =	vld.idx.msk [tilespmem:v59+s14+$0x0], $0xffff;
	v63 =	vand.u32 $0xF, v26;
	v57 =	vmul.f32 $8.000000000e+00, v16;
	v16 =	vor.u32 v34, v12  }
0xc7: {  	v44 =	vld.idx.msk [tilespmem:v60+s14+$0x0], $0xffff;
	v34 =	vor.u32 v40, v12;
	v40 =	vor.u32 v11, v35;
	v35 =	vor.u32 v10, v35  }
0xc8: {  	s29 =	sor.u32 $0x1, s25;
	v20 =	vld.idx.msk [tilespmem:v58+s14+$0x0], $0xffff;
	v10 =	vor.u32 $0x30, v27;
	v11 =	vor.u32 $0x30, v24;
	v12 =	vor.u32 $0x30, v31  }
0xc9: {  	s30 =	sor.u32 $0x2, s25;
	v24 =	vld.idx.msk [tilespmem:v39+s14+$0x0], $0xffff;
	v27 =	vadd.s32 s25, v4;
	v31 =	vadd.s32 s29, v0;
	s25 =	sand.u32 $0x70, s23;
	v39 =	vand.u32 $0xF, v38  }
0xca: {  	[tilespmem:v17+s17+$0x0] =	vst.idx.msk $0xffff, v47;
	v53 =	vshll.u32 v63, $0x7;
	v37 =	vand.u32 $0xF, v31;
	v59 =	vor.u32 s25, v0  }
0xcb: {  	[tilespmem:v15+s17+$0x0] =	vst.idx.msk $0xffff, v23;
	v52 =	vshll.u32 v39, $0x7;
	v15 =	vshll.u32 v31, $0x7;
	v33 =	vmul.f32 $8.000000000e+00, v54  }
0xcc: {  	v49 =	vshll.u32 v37, $0x7;
	v46 =	vor.u32 v59, v53;
	[tilespmem:v18+s17+$0x0] =	vst.idx.msk $0xffff, v57;
	v18 =	vshll.u32 v26, $0x7  }
0xcd: {  	v44 =	vmul.f32 $8.000000000e+00, v44;
	v20 =	vmul.f32 $8.000000000e+00, v20;
	[tilespmem:v56+s17+$0x0] =	vst.idx.msk $0xffff, v33;
	v33 =	vadd.s32 s30, v0  }
0xce: {  	[tilespmem:v21+s17+$0x0] =	vst.idx.msk $0xffff, v61;
	v21 =	vor.u32 v59, v49;
	v58 =	vld.idx.msk [tilespmem:v16+s14+$0x0], $0xffff;
	v16 =	vadd.s32 s26, v4;
	v60 =	vand.u32 $0xF, v33  }
0xcf: {  	v55 =	vld.idx.msk [tilespmem:v19+s14+$0x0], $0xffff;
	v17 =	vshll.u32 v33, $0x7;
	v23 =	vmul.f32 $8.000000000e+00, v24;
	[tilespmem:v29+s17+$0x0] =	vst.idx.msk $0xffff, v20;
	v20 =	vor.u32 v59, v52  }
0xd0: {  	[tilespmem:v51+s17+$0x0] =	vst.idx.msk $0xffff, v44;
	s26 =	simm.s32 $0x400;
	v24 =	vadd.s32 s29, v4;
	v40 =	vld.idx.msk [tilespmem:v40+s14+$0x0], $0xffff;
	v62 =	vand.u32 $0x2F, v16;
	v16 =	vor.u32 s31, v5  }
0xd1: {  	v54 =	vshll.u32 v60, $0x7;
	s31 =	sand.u32 $0x3800, s26;
	v28 =	vor.u32 v28, v62;
	v43 =	vor.u32 v43, v16;
	v46 =	vld.idx.msk [tilespmem:v46+s14+$0x0], $0xffff  }
0xd2: {  	v29 =	vld.idx.msk [tilespmem:v41+s14+$0x0], $0xffff;
	v61 =	vor.u32 v59, v54;
	v19 =	vor.u32 s31, v1;
	[tilespmem:v50+s17+$0x0] =	vst.idx.msk $0xffff, v23;
	v23 =	vshll.u32 v38, $0x7  }
0xd3: {  	v37 =	vor.u32 v19, v37;
	v50 =	vld.idx.msk [tilespmem:v21+s14+$0x0], $0xffff;
	v21 =	vor.u32 s25, v2;
	v51 =	vor.u32 v63, v19  }
0xd4: {  	v48 =	vor.u32 v19, v60;
	v39 =	vor.u32 v19, v39;
	v57 =	vor.u32 v15, v21;
	v20 =	vld.idx.msk [tilespmem:v20+s14+$0x0], $0xffff  }
0xd5: {  	v41 =	vor.u32 v23, v21;
	v59 =	vor.u32 v17, v21;
	v36 =	vmul.f32 $8.000000000e+00, v58  }
0xd6: {  	v60 =	vld.idx.msk [tilespmem:v34+s14+$0x0], $0xffff;
	v58 =	vor.u32 v18, v21;
	v40 =	vmul.f32 $8.000000000e+00, v40;
	v63 =	vmul.f32 $8.000000000e+00, v46  }
0xd7: {  	[tilespmem:v28+s17+$0x0] =	vst.idx.msk $0xffff, v36;
	v28 =	vadd.s32 s30, v4;
	v56 =	vmul.f32 $8.000000000e+00, v29;
	v44 =	vld.idx.msk [tilespmem:v61+s14+$0x0], $0xffff;
	v29 =	vor.u32 v31, v19  }
0xd8: {  	v31 =	vor.u32 v26, v19;
	v26 =	vand.u32 $0x2F, v27;
	v36 =	vld.idx.msk [tilespmem:v43+s14+$0x0], $0xffff;
	v27 =	vmul.f32 $8.000000000e+00, v50;
	[tilespmem:v51+s17+$0x0] =	vst.idx.msk $0xffff, v63  }
0xd9: {  	v43 =	vand.u32 $0x2F, v24;
	v45 =	vand.u32 $0x2F, v28;
	[tilespmem:v30+s17+$0x0] =	vst.idx.msk $0xffff, v56;
	v20 =	vmul.f32 $8.000000000e+00, v20  }
0xda: {  	v42 =	vld.idx.msk [tilespmem:v42+s14+$0x0], $0xffff;
	v28 =	vor.u32 v33, v19;
	v33 =	vor.u32 $0x10, v29;
	v21 =	vor.u32 $0x10, v31;
	[tilespmem:v37+s17+$0x0] =	vst.idx.msk $0xffff, v27  }
0xdb: {  	v34 =	vor.u32 v19, v26;
	v26 =	vor.u32 s25, v3;
	v46 =	vmul.f32 $8.000000000e+00, v60;
	[tilespmem:v39+s17+$0x0] =	vst.idx.msk $0xffff, v20;
	v20 =	vld.idx.msk [tilespmem:v35+s14+$0x0], $0xffff  }
0xdc: {  	v27 =	vor.u32 v54, v26;
	v62 =	vmul.f32 $8.000000000e+00, v44;
	v47 =	vld.idx.msk [tilespmem:v41+s14+$0x0], $0xffff;
	v41 =	vor.u32 v25, v16  }
0xdd: {  	v44 =	vld.idx.msk [tilespmem:v57+s14+$0x0], $0xffff;
	v36 =	vmul.f32 $8.000000000e+00, v36;
	v35 =	vor.u32 v19, v43;
	v25 =	vor.u32 v38, v19  }
0xde: {  	v43 =	vor.u32 v49, v26;
	v49 =	vor.u32 v52, v26;
	[tilespmem:v48+s17+$0x0] =	vst.idx.msk $0xffff, v62;
	v48 =	vor.u32 $0x10, v25  }
0xdf: {  	v24 =	vor.u32 $0x10, v28;
	v38 =	vld.idx.msk [tilespmem:v58+s14+$0x0], $0xffff;
	[tilespmem:v32+s17+$0x0] =	vst.idx.msk $0xffff, v36;
	v36 =	vor.u32 v19, v45;
	v45 =	vmul.f32 $8.000000000e+00, v42  }
0xe0: {  	v39 =	vmul.f32 $8.000000000e+00, v55;
	v26 =	vor.u32 v53, v26;
	v37 =	vld.idx.msk [tilespmem:v59+s14+$0x0], $0xffff;
	v42 =	vor.u32 v22, v16  }
.LBB2_5:
0xe1: {  	s23 =	sadd.s32 $0x4, s23;
	v50 =	vmul.f32 $8.000000000e+00, v47;
	v47 =	vor.u32 v9, v16;
	v30 =	vld.idx.msk [tilespmem:v41+s14+$0x0], $0xffff;
	[tilespmem:v14+s17+$0x0] =	vst.idx.msk $0xffff, v45;
	v41 =	vmul.f32 $8.000000000e+00, v20  }
0xe2: {  	v31 =	vor.u32 $0x30, v31;
	v29 =	vor.u32 $0x30, v29;
	v28 =	vor.u32 $0x30, v28;
	v22 =	vmovc v17;
	v9 =	vmovc v18;
	s30 =	sand.u32 $0xC, s23;
	p2 =	slt.u32 s23, $0x7C;
	[tilespmem:v13+s17+$0x0] =	vst.idx.msk $0xffff, v46  }
0xe3: {  	v32 =	vmovc v35;
	v14 =	vmovc v36;
	v16 =	vmul.f32 $8.000000000e+00, v44;
	v45 =	vadd.s32 s30, v0;
	v46 =	vadd.s32 s30, v4;
	s28 =	sor.u32 $0x1, s30;
	s29 =	sor.u32 $0x2, s30;
	s30 =	sor.u32 $0x3, s30;
	[tilespmem:v48+s17+$0x0] =	vst.idx.msk $0xffff, v50  }
0xe4: {  	v13 =	vmovc v34;
	v35 =	vadd.s32 s28, v0;
	v36 =	vadd.s32 s29, v0;
	v48 =	vadd.s32 s30, v0;
	v17 =	vld.idx.msk [tilespmem:v49+s14+$0x0], $0xffff  }
0xe5: {  	s31 =	sand.u32 $0x70, s23;
	v34 =	vand.u32 $0xF, v35;
	v44 =	vand.u32 $0xF, v48;
	[tilespmem:v33+s17+$0x0] =	vst.idx.msk $0xffff, v16;
	v16 =	vadd.s32 s24, v4;
	v50 =	vld.idx.msk [tilespmem:v42+s14+$0x0], $0xffff;
	s24 =	smov.u32 s30  }
0xe6: {  	v18 =	vor.u32 s31, v0;
	v42 =	vshll.u32 v44, $0x7;
	v33 =	vld.idx.msk [tilespmem:v43+s14+$0x0], $0xffff;
	v20 =	vand.u32 $0x2F, v16;
	[tilespmem:v8+s17+$0x0] =	vst.idx.msk $0xffff, v39;
	v8 =	vmovc v11  }
0xe7: {  	v16 =	vor.u32 s25, v5;
	v11 =	vmovc v29;
	s25 =	smov.u32 s31;
	v39 =	vor.u32 v18, v42;
	v19 =	vor.u32 v19, v20;
	v20 =	vld.idx.msk [tilespmem:v47+s14+$0x0], $0xffff  }
0xe8: {  	v29 =	vand.u32 $0xF, v45;
	v43 =	vand.u32 $0xF, v36;
	v23 =	vor.u32 v23, v16;
	[tilespmem:v7+s17+$0x0] =	vst.idx.msk $0xffff, v40;
	v7 =	vmovc v12  }
0xe9: {  	v49 =	vshll.u32 v34, $0x7;
	v51 =	vshll.u32 v43, $0x7;
	v40 =	vshll.u32 v29, $0x7;
	[tilespmem:v6+s17+$0x0] =	vst.idx.msk $0xffff, v41;
	v6 =	vmovc v10;
	v10 =	vmovc v31  }
0xea: {  	v12 =	vmovc v28;
	v31 =	vor.u32 v18, v49;
	v41 =	vor.u32 v18, v51;
	v47 =	vmul.f32 $8.000000000e+00, v17  }
0xeb: {  	v52 =	vshll.u32 v35, $0x7;
	v28 =	vor.u32 v18, v40;
	v17 =	vshll.u32 v36, $0x7  }
0xec: {  	s26 =	sadd.s32 $0x200, s26;
	v37 =	vmul.f32 $8.000000000e+00, v37;
	v38 =	vmul.f32 $8.000000000e+00, v38;
	v18 =	vshll.u32 v45, $0x7;
	v39 =	vld.idx.msk [tilespmem:v39+s14+$0x0], $0xffff;
	[tilespmem:v19+s17+$0x0] =	vst.idx.msk $0xffff, v47  }
0xed: {  	v53 =	vadd.s32 s29, v4;
	s30 =	sand.u32 $0x3800, s26;
	v54 =	vmul.f32 $8.000000000e+00, v33;
	v47 =	vadd.s32 s28, v4;
	v33 =	vld.idx.msk [tilespmem:v23+s14+$0x0], $0xffff  }
0xee: {  	v53 =	vand.u32 $0x2F, v53;
	v19 =	vor.u32 s30, v1;
	v47 =	vand.u32 $0x2F, v47;
	[tilespmem:v24+s17+$0x0] =	vst.idx.msk $0xffff, v37  }
0xef: {  	v55 =	vor.u32 v19, v34;
	v43 =	vor.u32 v19, v43;
	v34 =	vor.u32 v19, v44;
	v37 =	vld.idx.msk [tilespmem:v31+s14+$0x0], $0xffff  }
0xf0: {  	v25 =	vor.u32 $0x30, v25;
	v23 =	vshll.u32 v48, $0x7;
	v24 =	vor.u32 s25, v2;
	v41 =	vld.idx.msk [tilespmem:v41+s14+$0x0], $0xffff;
	[tilespmem:v21+s17+$0x0] =	vst.idx.msk $0xffff, v38  }
0xf1: {  	v56 =	vor.u32 v29, v19;
	v44 =	vor.u32 v52, v24;
	v57 =	vor.u32 v23, v24;
	v38 =	vld.idx.msk [tilespmem:v28+s14+$0x0], $0xffff  }
0xf2: {  	v58 =	vor.u32 v18, v24;
	v59 =	vor.u32 v17, v24;
	v21 =	vmul.f32 $8.000000000e+00, v39;
	v27 =	vld.idx.msk [tilespmem:v27+s14+$0x0], $0xffff  }
0xf3: {  	v29 =	vor.u32 v35, v19;
	v28 =	vor.u32 v36, v19;
	v35 =	vmul.f32 $8.000000000e+00, v33;
	v26 =	vld.idx.msk [tilespmem:v26+s14+$0x0], $0xffff  }
0xf4: {  	v31 =	vor.u32 v45, v19;
	v33 =	vor.u32 $0x10, v29;
	v24 =	vor.u32 $0x10, v28;
	[tilespmem:v34+s17+$0x0] =	vst.idx.msk $0xffff, v21  }
0xf5: {  	v21 =	vor.u32 $0x10, v31;
	v34 =	vand.u32 $0x2F, v46;
	v37 =	vmul.f32 $8.000000000e+00, v37;
	[tilespmem:v25+s17+$0x0] =	vst.idx.msk $0xffff, v35  }
0xf6: {  	v36 =	vor.u32 v19, v53;
	v35 =	vor.u32 v19, v47;
	v25 =	vmul.f32 $8.000000000e+00, v41;
	v47 =	vld.idx.msk [tilespmem:v57+s14+$0x0], $0xffff  }
.Ltmp3:
0xf7: {  	v34 =	vor.u32 v19, v34;
	v41 =	vor.u32 v15, v16;
	v38 =	vmul.f32 $8.000000000e+00, v38;
	[tilespmem:v55+s17+$0x0] =	vst.idx.msk $0xffff, v37;
	(pc) =	sbr.rel @p2 .LBB2_5-.Ltmp3, $4  }
0xf8: {  	v39 =	vmul.f32 $8.000000000e+00, v30;
	v45 =	vmul.f32 $8.000000000e+00, v27;
	v44 =	vld.idx.msk [tilespmem:v44+s14+$0x0], $0xffff;
	[tilespmem:v43+s17+$0x0] =	vst.idx.msk $0xffff, v25;
	v25 =	vor.u32 v48, v19  }
0xf9: {  	v30 =	vor.u32 s25, v3;
	v15 =	vmovc v52;
	v46 =	vmul.f32 $8.000000000e+00, v26;
	[tilespmem:v56+s17+$0x0] =	vst.idx.msk $0xffff, v38;
	v37 =	vld.idx.msk [tilespmem:v59+s14+$0x0], $0xffff;
	v48 =	vor.u32 $0x10, v25  }
0xfa: {  	v27 =	vor.u32 v51, v30;
	v43 =	vor.u32 v49, v30;
	v49 =	vor.u32 v42, v30;
	v38 =	vld.idx.msk [tilespmem:v58+s14+$0x0], $0xffff  }
0xfb: {  	v26 =	vor.u32 v40, v30;
	v42 =	vor.u32 v22, v16;
	v40 =	vmul.f32 $8.000000000e+00, v50;
	[tilespmem:v32+s17+$0x0] =	vst.idx.msk $0xffff, v54  }
0xfc: {  	_ =	sdelay $0x1  }
0xfd: {  	v22 =	vmul.f32 $8.000000000e+00, v47  }
0xfe: {  	v32 =	vmul.f32 $8.000000000e+00, v44  }
0xff: {  	[tilespmem:v48+s17+$0x0] =	vst.idx.msk $0xffff, v22  }
0x100: {  	v30 =	vadd.s32 s24, v4;
	v22 =	vld.idx.msk [tilespmem:v49+s14+$0x0], $0xffff;
	[tilespmem:v33+s17+$0x0] =	vst.idx.msk $0xffff, v32;
	v50 =	vmul.f32 $8.000000000e+00, v38  }
0x101: {  	v30 =	vand.u32 $0x2F, v30;
	v49 =	vmul.f32 $8.000000000e+00, v37;
	v33 =	vld.idx.msk [tilespmem:v43+s14+$0x0], $0xffff  }
0x102: {  	v9 =	vor.u32 v9, v16;
	v48 =	vor.u32 s25, v5;
	v19 =	vor.u32 v19, v30;
	[tilespmem:v21+s17+$0x0] =	vst.idx.msk $0xffff, v50  }
0x103: {  	v23 =	vor.u32 v23, v48;
	[tilespmem:v24+s17+$0x0] =	vst.idx.msk $0xffff, v49;
	v52 =	vld.idx.msk [tilespmem:v26+s14+$0x0], $0xffff  }
0x104: {  	[tilespmem:v14+s17+$0x0] =	vst.idx.msk $0xffff, v45;
	v15 =	vor.u32 v15, v48;
	v51 =	vld.idx.msk [tilespmem:v27+s14+$0x0], $0xffff  }
0x105: {  	[tilespmem:v13+s17+$0x0] =	vst.idx.msk $0xffff, v46;
	v22 =	vmul.f32 $8.000000000e+00, v22  }
0x106: {  	v55 =	vld.idx.msk [tilespmem:v41+s14+$0x0], $0xffff;
	[tilespmem:v7+s17+$0x0] =	vst.idx.msk $0xffff, v40;
	v18 =	vor.u32 v18, v48;
	v56 =	vmul.f32 $8.000000000e+00, v33  }
0x107: {  	v58 =	vmul.f32 $8.000000000e+00, v20;
	v54 =	vor.u32 v17, v48;
	v9 =	vld.idx.msk [tilespmem:v9+s14+$0x0], $0xffff;
	[tilespmem:v19+s17+$0x0] =	vst.idx.msk $0xffff, v22  }
0x108: {  	v53 =	vld.idx.msk [tilespmem:v23+s14+$0x0], $0xffff;
	v14 =	vmul.f32 $8.000000000e+00, v52;
	[tilespmem:v35+s17+$0x0] =	vst.idx.msk $0xffff, v56  }
0x109: {  	[tilespmem:v6+s17+$0x0] =	vst.idx.msk $0xffff, v58;
	v21 =	vmul.f32 $8.000000000e+00, v51;
	v15 =	vld.idx.msk [tilespmem:v15+s14+$0x0], $0xffff  }
0x10a: {  	v57 =	vld.idx.msk [tilespmem:v42+s14+$0x0], $0xffff;
	v7 =	vor.u32 $0x30, v25;
	[tilespmem:v34+s17+$0x0] =	vst.idx.msk $0xffff, v14  }
0x10b: {  	v60 =	vor.u32 $0x30, v29;
	v6 =	vmul.f32 $8.000000000e+00, v55;
	[tilespmem:v36+s17+$0x0] =	vst.idx.msk $0xffff, v21;
	v61 =	vld.idx.msk [tilespmem:v18+s14+$0x0], $0xffff  }
0x10c: {  	[tilespmem:v8+s17+$0x0] =	vst.idx.msk $0xffff, v39;
	v9 =	vmul.f32 $8.000000000e+00, v9;
	v59 =	vld.idx.msk [tilespmem:v54+s14+$0x0], $0xffff  }
0x10d: {  	v63 =	vor.u32 $0x30, v31;
	[tilespmem:v11+s17+$0x0] =	vst.idx.msk $0xffff, v6;
	v13 =	vmul.f32 $8.000000000e+00, v53  }
0x10e: {  	v62 =	vor.u32 $0x30, v28;
	s21 =	sadd.s32 $0x1, s21;
	[tilespmem:v10+s17+$0x0] =	vst.idx.msk $0xffff, v9;
	v6 =	vmul.f32 $8.000000000e+00, v15  }
0x10f: {  	p2 =	sne.s32 s21, $0x7A;
	[tilespmem:v7+s17+$0x0] =	vst.idx.msk $0xffff, v13;
	v7 =	vmul.f32 $8.000000000e+00, v57  }
.Ltmp4:
0x110: {  	v8 =	vmul.f32 $8.000000000e+00, v61;
	[tilespmem:v60+s17+$0x0] =	vst.idx.msk $0xffff, v6;
	(pc) =	sbr.rel @p2 .LBB2_2-.Ltmp4, $4  }
0x111: {  	[tilespmem:v12+s17+$0x0] =	vst.idx.msk $0xffff, v7;
	v7 =	vmul.f32 $8.000000000e+00, v59  }
0x112: {  	s22 =	sshll.u32 s22, $0xB;
	[tilespmem:v63+s17+$0x0] =	vst.idx.msk $0xffff, v8  }
0x113: {  	s22 =	sadd.s32 s4, s22;
	[tilespmem:v62+s17+$0x0] =	vst.idx.msk $0xffff, v7  }
0x114: {  	[hbm4b:s22+s3] =	stream.linear.scatter [tilespmem:s17], [sflag:$0x4], $0x4000, $0x38;
	[tilespmem:$0xC000] =	vst v63  }
.Ltmp5:
0x115: {  	(pc) =	sbr.rel @p1 .LBB2_11-.Ltmp5, $1  }
0x116: {  	_ =	sdelay $0x3  }
0x117: {  	s21 =	simm.s32 $0x0  }
0x118: {  	s23 =	sand.u32 $0xC, s21;
	s21 =	sand.u32 $0x70, s21  }
0x119: {  	s22 =	sor.u32 $0x3, s23;
	v9 =	vor.u32 s21, v0  }
0x11a: {  	s24 =	sor.u32 $0x1, s23;
	s25 =	sor.u32 $0x2, s23;
	v15 =	vadd.s32 s23, v0;
	v21 =	vadd.s32 s23, v4;
	v6 =	vadd.s32 s22, v0  }
0x11b: {  	v8 =	vadd.s32 s24, v0;
	v17 =	vadd.s32 s25, v0;
	v7 =	vand.u32 $0xF, v6  }
0x11c: {  	_ =	swait.ge [sflag:s13], $0x2000;
	v19 =	vand.u32 $0xF, v15;
	v14 =	vand.u32 $0xF, v8;
	v13 =	vshll.u32 v7, $0x7  }
0x11d: {  	s26 =	simm.s32 $0x0;
	[sflag:s13] =	ssyncset.done $0x0;
	v20 =	vand.u32 $0xF, v17;
	v16 =	vshll.u32 v14, $0x7;
	v10 =	vor.u32 v9, v13  }
0x11e: {  	s31 =	sand.u32 $0x3800, s26;
	[sflag:s13] =	ssyncadd.s32 $0xFFFFE000;
	v22 =	vshll.u32 v19, $0x7;
	v23 =	vshll.u32 v20, $0x7;
	v18 =	vor.u32 v9, v16  }
0x11f: {  	s26 =	simm.s32 $0x4;
	v26 =	vor.u32 s31, v1;
	_ =	swait.ge [sflag:s18], $0x4000;
	v24 =	vor.u32 v9, v23;
	v9 =	vor.u32 v9, v22  }
0x120: {  	v27 =	vor.u32 s21, v2;
	s31 =	sand.u32 $0x70, s26;
	v29 =	vadd.s32 s24, v4;
	v30 =	vadd.s32 s25, v4;
	[sflag:s18] =	ssyncset.done $0x0  }
0x121: {  	v59 =	vor.u32 s31, v2;
	v12 =	vshll.u32 v8, $0x7;
	v11 =	vshll.u32 v17, $0x7;
	[sflag:s18] =	ssyncadd.s32 $0xFFFFC000  }
0x122: {  	s29 =	sand.u32 $0xC, s26;
	v28 =	vshll.u32 v6, $0x7;
	v29 =	vand.u32 $0x2F, v29;
	v30 =	vand.u32 $0x2F, v30;
	v25 =	vld.idx.msk [tilespmem:v10+s3+$0x0], $0xffff  }
0x123: {  	s28 =	sor.u32 $0x2, s29;
	s24 =	sor.u32 $0x3, s29;
	v19 =	vor.u32 v19, v26;
	v8 =	vor.u32 v8, v26;
	v34 =	vor.u32 v17, v26;
	v18 =	vld.idx.msk [tilespmem:v18+s3+$0x0], $0xffff  }
0x124: {  	v56 =	vadd.s32 s24, v0;
	v57 =	vadd.s32 s28, v4;
	v7 =	vor.u32 v26, v7;
	v9 =	vld.idx.msk [tilespmem:v9+s3+$0x0], $0xffff  }
0x125: {  	v31 =	vor.u32 v28, v27;
	v14 =	vor.u32 v26, v14;
	v20 =	vor.u32 v26, v20  }
0x126: {  	v32 =	vor.u32 v12, v27;
	v35 =	vor.u32 $0x10, v8;
	v36 =	vor.u32 $0x10, v34  }
0x127: {  	v17 =	vor.u32 v26, v29;
	v10 =	vshll.u32 v15, $0x7;
	v24 =	vld.idx.msk [tilespmem:v24+s3+$0x0], $0xffff;
	v25 =	vmul.f32 $8.000000000e+00, v25  }
0x128: {  	v8 =	vor.u32 $0x30, v8;
	v33 =	vor.u32 v10, v27;
	v27 =	vor.u32 v11, v27  }
0x129: {  	v9 =	vmul.f32 $8.000000000e+00, v9;
	[tilespmem:v7+s15+$0x0] =	vst.idx.msk $0xffff, v25;
	v7 =	vmul.f32 $8.000000000e+00, v18;
	v25 =	vor.u32 v15, v26  }
0x12a: {  	v18 =	vand.u32 $0x2F, v21;
	v15 =	vor.u32 v26, v30;
	v21 =	vor.u32 v6, v26;
	v31 =	vld.idx.msk [tilespmem:v31+s3+$0x0], $0xffff  }
0x12b: {  	v6 =	vor.u32 s21, v3;
	v30 =	vadd.s32 s29, v4;
	[tilespmem:v19+s15+$0x0] =	vst.idx.msk $0xffff, v9;
	v19 =	vand.u32 $0xF, v56  }
0x12c: {  	v37 =	vor.u32 $0x10, v25;
	[tilespmem:v14+s15+$0x0] =	vst.idx.msk $0xffff, v7;
	v7 =	vmul.f32 $8.000000000e+00, v24;
	v24 =	vor.u32 $0x10, v21  }
0x12d: {  	v18 =	vor.u32 v26, v18;
	v16 =	vor.u32 v16, v6;
	v13 =	vor.u32 v13, v6;
	v14 =	vld.idx.msk [tilespmem:v32+s3+$0x0], $0xffff  }
0x12e: {  	v23 =	vor.u32 v23, v6;
	v29 =	vor.u32 v22, v6;
	v6 =	vor.u32 $0x30, v25  }
0x12f: {  	v25 =	vor.u32 s31, v0;
	v21 =	vor.u32 $0x30, v21;
	[tilespmem:v20+s15+$0x0] =	vst.idx.msk $0xffff, v7;
	v22 =	vmul.f32 $8.000000000e+00, v31  }
0x130: {  	v7 =	vor.u32 $0x30, v34;
	v20 =	vld.idx.msk [tilespmem:v27+s3+$0x0], $0xffff;
	v27 =	vadd.s32 s29, v0;
	v31 =	vadd.s32 s28, v0  }
0x131: {  	v34 =	vshll.u32 v19, $0x7;
	v38 =	vand.u32 $0xF, v27;
	v39 =	vand.u32 $0xF, v31;
	[tilespmem:v24+s15+$0x0] =	vst.idx.msk $0xffff, v22  }
0x132: {  	s30 =	sor.u32 $0x1, s29;
	v40 =	vshll.u32 v38, $0x7;
	v14 =	vmul.f32 $8.000000000e+00, v14;
	v22 =	vadd.s32 s22, v4;
	v9 =	vld.idx.msk [tilespmem:v13+s3+$0x0], $0xffff  }
0x133: {  	v33 =	vld.idx.msk [tilespmem:v33+s3+$0x0], $0xffff;
	v24 =	vadd.s32 s30, v0;
	v46 =	vor.u32 v25, v40;
	v22 =	vand.u32 $0x2F, v22  }
0x134: {  	v42 =	vshll.u32 v39, $0x7;
	[tilespmem:v35+s15+$0x0] =	vst.idx.msk $0xffff, v14;
	v35 =	vor.u32 s21, v5;
	v26 =	vor.u32 v26, v22  }
0x135: {  	v13 =	vand.u32 $0xF, v24;
	v44 =	vor.u32 v25, v42;
	v16 =	vld.idx.msk [tilespmem:v16+s3+$0x0], $0xffff;
	v28 =	vor.u32 v28, v35  }
0x136: {  	v14 =	vor.u32 v25, v34;
	v41 =	vshll.u32 v13, $0x7;
	v20 =	vmul.f32 $8.000000000e+00, v20  }
0x137: {  	v43 =	vor.u32 v25, v41;
	v25 =	vshll.u32 v24, $0x7;
	v45 =	vmul.f32 $8.000000000e+00, v9  }
0x138: {  	s23 =	simm.s32 $0x200;
	v33 =	vmul.f32 $8.000000000e+00, v33;
	[tilespmem:v36+s15+$0x0] =	vst.idx.msk $0xffff, v20;
	v62 =	vor.u32 v25, v59;
	v46 =	vld.idx.msk [tilespmem:v46+s3+$0x0], $0xffff;
	v9 =	vshll.u32 v27, $0x7  }
0x139: {  	v22 =	vshll.u32 v31, $0x7;
	s21 =	sand.u32 $0x3800, s23;
	v23 =	vld.idx.msk [tilespmem:v23+s3+$0x0], $0xffff;
	v48 =	vor.u32 v9, v59;
	[tilespmem:v26+s15+$0x0] =	vst.idx.msk $0xffff, v45;
	v26 =	vadd.s32 s30, v4  }
0x13a: {  	v47 =	vmul.f32 $8.000000000e+00, v16;
	v45 =	vand.u32 $0x2F, v57;
	v16 =	vld.idx.msk [tilespmem:v28+s3+$0x0], $0xffff;
	v28 =	vor.u32 s21, v1  }
0x13b: {  	v14 =	vld.idx.msk [tilespmem:v14+s3+$0x0], $0xffff;
	v26 =	vand.u32 $0x2F, v26;
	v20 =	vor.u32 v28, v13;
	v58 =	vor.u32 v28, v39  }
0x13c: {  	v13 =	vor.u32 v28, v19;
	v19 =	vld.idx.msk [tilespmem:v43+s3+$0x0], $0xffff;
	v43 =	vshll.u32 v56, $0x7;
	v61 =	vor.u32 v38, v28  }
0x13d: {  	v39 =	vor.u32 v22, v59;
	v24 =	vor.u32 v24, v28;
	v31 =	vor.u32 v31, v28  }
0x13e: {  	v60 =	vld.idx.msk [tilespmem:v44+s3+$0x0], $0xffff;
	s21 =	simm.s32 $0x8;
	v27 =	vor.u32 v27, v28;
	v55 =	vmul.f32 $8.000000000e+00, v46;
	v32 =	vor.u32 v56, v28  }
0x13f: {  	v23 =	vmul.f32 $8.000000000e+00, v23;
	s23 =	sand.u32 $0x70, s21;
	v63 =	vor.u32 v43, v59;
	v50 =	vor.u32 $0x10, v31  }
0x140: {  	[tilespmem:v37+s15+$0x0] =	vst.idx.msk $0xffff, v33;
	s26 =	sand.u32 $0xC, s21;
	v51 =	vor.u32 $0x10, v27;
	v56 =	vor.u32 $0x10, v32;
	v59 =	vor.u32 s23, v0  }
0x141: {  	s22 =	sor.u32 $0x3, s26;
	v32 =	vor.u32 $0x30, v32;
	v14 =	vmul.f32 $8.000000000e+00, v14;
	v49 =	vmul.f32 $8.000000000e+00, v16;
	v16 =	vld.idx.msk [tilespmem:v29+s3+$0x0], $0xffff  }
0x142: {  	v38 =	vadd.s32 s22, v0;
	v29 =	vor.u32 $0x10, v24;
	v19 =	vmul.f32 $8.000000000e+00, v19  }
0x143: {  	[tilespmem:v13+s15+$0x0] =	vst.idx.msk $0xffff, v14;
	v13 =	vand.u32 $0x2F, v30;
	v30 =	vor.u32 v28, v26;
	v26 =	vmul.f32 $8.000000000e+00, v60  }
0x144: {  	v14 =	vor.u32 v28, v45;
	[tilespmem:v20+s15+$0x0] =	vst.idx.msk $0xffff, v19;
	v19 =	vor.u32 v12, v35;
	v12 =	vor.u32 s31, v3  }
0x145: {  	v13 =	vor.u32 v28, v13;
	[tilespmem:v58+s15+$0x0] =	vst.idx.msk $0xffff, v26;
	v26 =	vadd.s32 s26, v0;
	v41 =	vor.u32 v41, v12  }
0x146: {  	[tilespmem:v61+s15+$0x0] =	vst.idx.msk $0xffff, v55;
	v54 =	vld.idx.msk [tilespmem:v63+s3+$0x0], $0xffff;
	v42 =	vor.u32 v42, v12;
	v63 =	vand.u32 $0xF, v26;
	v57 =	vmul.f32 $8.000000000e+00, v16  }
0x147: {  	v44 =	vld.idx.msk [tilespmem:v48+s3+$0x0], $0xffff;
	v16 =	vor.u32 v34, v12;
	v34 =	vor.u32 v40, v12;
	v40 =	vor.u32 v11, v35  }
0x148: {  	s29 =	sor.u32 $0x1, s26;
	v20 =	vld.idx.msk [tilespmem:v62+s3+$0x0], $0xffff;
	v35 =	vor.u32 v10, v35;
	v10 =	vor.u32 $0x30, v27;
	v11 =	vor.u32 $0x30, v24  }
0x149: {  	v12 =	vor.u32 $0x30, v31;
	v27 =	vadd.s32 s26, v4;
	v31 =	vadd.s32 s29, v0  }
0x14a: {  	[tilespmem:v15+s15+$0x0] =	vst.idx.msk $0xffff, v23;
	v24 =	vld.idx.msk [tilespmem:v39+s3+$0x0], $0xffff;
	v39 =	vand.u32 $0xF, v38;
	v53 =	vshll.u32 v63, $0x7;
	v37 =	vand.u32 $0xF, v31  }
0x14b: {  	[tilespmem:v21+s15+$0x0] =	vst.idx.msk $0xffff, v49;
	v52 =	vshll.u32 v39, $0x7;
	v46 =	vor.u32 v59, v53;
	v33 =	vmul.f32 $8.000000000e+00, v54  }
0x14c: {  	s30 =	sor.u32 $0x2, s26;
	v15 =	vshll.u32 v31, $0x7;
	v49 =	vshll.u32 v37, $0x7;
	[tilespmem:v18+s15+$0x0] =	vst.idx.msk $0xffff, v57;
	v18 =	vshll.u32 v26, $0x7  }
0x14d: {  	v44 =	vmul.f32 $8.000000000e+00, v44;
	v20 =	vmul.f32 $8.000000000e+00, v20;
	[tilespmem:v56+s15+$0x0] =	vst.idx.msk $0xffff, v33;
	v33 =	vadd.s32 s30, v0  }
0x14e: {  	[tilespmem:v17+s15+$0x0] =	vst.idx.msk $0xffff, v47;
	v21 =	vor.u32 v59, v49;
	v58 =	vld.idx.msk [tilespmem:v16+s3+$0x0], $0xffff;
	v16 =	vadd.s32 s24, v4;
	v60 =	vand.u32 $0xF, v33  }
0x14f: {  	v55 =	vld.idx.msk [tilespmem:v19+s3+$0x0], $0xffff;
	v17 =	vshll.u32 v33, $0x7;
	v23 =	vmul.f32 $8.000000000e+00, v24;
	[tilespmem:v29+s15+$0x0] =	vst.idx.msk $0xffff, v20;
	v20 =	vor.u32 v59, v52  }
0x150: {  	[tilespmem:v51+s15+$0x0] =	vst.idx.msk $0xffff, v44;
	s24 =	simm.s32 $0x400;
	v24 =	vadd.s32 s29, v4;
	v40 =	vld.idx.msk [tilespmem:v40+s3+$0x0], $0xffff;
	v62 =	vand.u32 $0x2F, v16;
	v16 =	vor.u32 s31, v5  }
0x151: {  	v54 =	vshll.u32 v60, $0x7;
	s31 =	sand.u32 $0x3800, s24;
	v46 =	vld.idx.msk [tilespmem:v46+s3+$0x0], $0xffff;
	v28 =	vor.u32 v28, v62;
	v43 =	vor.u32 v43, v16  }
0x152: {  	v29 =	vld.idx.msk [tilespmem:v41+s3+$0x0], $0xffff;
	v61 =	vor.u32 v59, v54;
	v19 =	vor.u32 s31, v1;
	[tilespmem:v50+s15+$0x0] =	vst.idx.msk $0xffff, v23;
	v23 =	vshll.u32 v38, $0x7  }
0x153: {  	v37 =	vor.u32 v19, v37;
	v50 =	vld.idx.msk [tilespmem:v21+s3+$0x0], $0xffff;
	v21 =	vor.u32 s23, v2;
	v51 =	vor.u32 v63, v19  }
0x154: {  	v48 =	vor.u32 v19, v60;
	v39 =	vor.u32 v19, v39;
	v57 =	vor.u32 v15, v21;
	v20 =	vld.idx.msk [tilespmem:v20+s3+$0x0], $0xffff  }
0x155: {  	v41 =	vor.u32 v23, v21;
	v59 =	vor.u32 v17, v21;
	v36 =	vmul.f32 $8.000000000e+00, v58  }
0x156: {  	v60 =	vld.idx.msk [tilespmem:v34+s3+$0x0], $0xffff;
	v58 =	vor.u32 v18, v21;
	v40 =	vmul.f32 $8.000000000e+00, v40;
	v63 =	vmul.f32 $8.000000000e+00, v46  }
0x157: {  	[tilespmem:v28+s15+$0x0] =	vst.idx.msk $0xffff, v36;
	v28 =	vadd.s32 s30, v4;
	v56 =	vmul.f32 $8.000000000e+00, v29;
	v44 =	vld.idx.msk [tilespmem:v61+s3+$0x0], $0xffff;
	v29 =	vor.u32 v31, v19  }
0x158: {  	v31 =	vor.u32 v26, v19;
	v26 =	vand.u32 $0x2F, v27;
	v36 =	vld.idx.msk [tilespmem:v43+s3+$0x0], $0xffff;
	v27 =	vmul.f32 $8.000000000e+00, v50;
	[tilespmem:v51+s15+$0x0] =	vst.idx.msk $0xffff, v63  }
0x159: {  	v43 =	vand.u32 $0x2F, v24;
	v45 =	vand.u32 $0x2F, v28;
	[tilespmem:v30+s15+$0x0] =	vst.idx.msk $0xffff, v56;
	v20 =	vmul.f32 $8.000000000e+00, v20  }
0x15a: {  	v42 =	vld.idx.msk [tilespmem:v42+s3+$0x0], $0xffff;
	v28 =	vor.u32 v33, v19;
	v33 =	vor.u32 $0x10, v29;
	v21 =	vor.u32 $0x10, v31;
	[tilespmem:v37+s15+$0x0] =	vst.idx.msk $0xffff, v27  }
0x15b: {  	v34 =	vor.u32 v19, v26;
	v26 =	vor.u32 s23, v3;
	v46 =	vmul.f32 $8.000000000e+00, v60;
	[tilespmem:v39+s15+$0x0] =	vst.idx.msk $0xffff, v20;
	v20 =	vld.idx.msk [tilespmem:v35+s3+$0x0], $0xffff  }
0x15c: {  	v27 =	vor.u32 v54, v26;
	v62 =	vmul.f32 $8.000000000e+00, v44;
	v47 =	vld.idx.msk [tilespmem:v41+s3+$0x0], $0xffff;
	v41 =	vor.u32 v25, v16  }
0x15d: {  	v44 =	vld.idx.msk [tilespmem:v57+s3+$0x0], $0xffff;
	v36 =	vmul.f32 $8.000000000e+00, v36;
	v35 =	vor.u32 v19, v43;
	v25 =	vor.u32 v38, v19  }
0x15e: {  	v43 =	vor.u32 v49, v26;
	v49 =	vor.u32 v52, v26;
	[tilespmem:v48+s15+$0x0] =	vst.idx.msk $0xffff, v62;
	v48 =	vor.u32 $0x10, v25  }
0x15f: {  	v24 =	vor.u32 $0x10, v28;
	v38 =	vld.idx.msk [tilespmem:v58+s3+$0x0], $0xffff;
	[tilespmem:v32+s15+$0x0] =	vst.idx.msk $0xffff, v36;
	v36 =	vor.u32 v19, v45;
	v45 =	vmul.f32 $8.000000000e+00, v42  }
0x160: {  	v39 =	vmul.f32 $8.000000000e+00, v55;
	v26 =	vor.u32 v53, v26;
	v37 =	vld.idx.msk [tilespmem:v59+s3+$0x0], $0xffff;
	v42 =	vor.u32 v22, v16  }
.LBB2_9:
0x161: {  	s21 =	sadd.s32 $0x4, s21;
	v50 =	vmul.f32 $8.000000000e+00, v47;
	v47 =	vor.u32 v9, v16;
	v30 =	vld.idx.msk [tilespmem:v41+s3+$0x0], $0xffff;
	[tilespmem:v14+s15+$0x0] =	vst.idx.msk $0xffff, v45;
	v41 =	vmul.f32 $8.000000000e+00, v20  }
0x162: {  	v31 =	vor.u32 $0x30, v31;
	v29 =	vor.u32 $0x30, v29;
	v28 =	vor.u32 $0x30, v28;
	v22 =	vmovc v17;
	v9 =	vmovc v18;
	s28 =	sand.u32 $0xC, s21;
	p2 =	slt.u32 s21, $0x7C;
	[tilespmem:v13+s15+$0x0] =	vst.idx.msk $0xffff, v46  }
0x163: {  	v32 =	vmovc v35;
	v14 =	vmovc v36;
	v16 =	vmul.f32 $8.000000000e+00, v44;
	v45 =	vadd.s32 s28, v0;
	v46 =	vadd.s32 s28, v4;
	s25 =	sor.u32 $0x1, s28;
	s26 =	sor.u32 $0x2, s28;
	s28 =	sor.u32 $0x3, s28;
	[tilespmem:v48+s15+$0x0] =	vst.idx.msk $0xffff, v50  }
0x164: {  	v13 =	vmovc v34;
	v35 =	vadd.s32 s25, v0;
	v36 =	vadd.s32 s26, v0;
	v48 =	vadd.s32 s28, v0;
	v17 =	vld.idx.msk [tilespmem:v49+s3+$0x0], $0xffff  }
0x165: {  	s29 =	sand.u32 $0x70, s21;
	v34 =	vand.u32 $0xF, v35;
	v44 =	vand.u32 $0xF, v48;
	[tilespmem:v33+s15+$0x0] =	vst.idx.msk $0xffff, v16;
	v16 =	vadd.s32 s22, v4;
	v50 =	vld.idx.msk [tilespmem:v42+s3+$0x0], $0xffff;
	s22 =	smov.u32 s28  }
0x166: {  	v18 =	vor.u32 s29, v0;
	v42 =	vshll.u32 v44, $0x7;
	v33 =	vld.idx.msk [tilespmem:v43+s3+$0x0], $0xffff;
	v20 =	vand.u32 $0x2F, v16;
	[tilespmem:v8+s15+$0x0] =	vst.idx.msk $0xffff, v39;
	v8 =	vmovc v11  }
0x167: {  	v16 =	vor.u32 s23, v5;
	v11 =	vmovc v29;
	s23 =	smov.u32 s29;
	v39 =	vor.u32 v18, v42;
	v19 =	vor.u32 v19, v20;
	v20 =	vld.idx.msk [tilespmem:v47+s3+$0x0], $0xffff  }
0x168: {  	v29 =	vand.u32 $0xF, v45;
	v43 =	vand.u32 $0xF, v36;
	v23 =	vor.u32 v23, v16;
	[tilespmem:v7+s15+$0x0] =	vst.idx.msk $0xffff, v40;
	v7 =	vmovc v12  }
0x169: {  	v49 =	vshll.u32 v34, $0x7;
	v51 =	vshll.u32 v43, $0x7;
	v40 =	vshll.u32 v29, $0x7;
	[tilespmem:v6+s15+$0x0] =	vst.idx.msk $0xffff, v41;
	v6 =	vmovc v10;
	v10 =	vmovc v31  }
0x16a: {  	v12 =	vmovc v28;
	v31 =	vor.u32 v18, v49;
	v41 =	vor.u32 v18, v51;
	v47 =	vmul.f32 $8.000000000e+00, v17  }
0x16b: {  	v52 =	vshll.u32 v35, $0x7;
	v28 =	vor.u32 v18, v40;
	v17 =	vshll.u32 v36, $0x7  }
0x16c: {  	s24 =	sadd.s32 $0x200, s24;
	v37 =	vmul.f32 $8.000000000e+00, v37;
	v38 =	vmul.f32 $8.000000000e+00, v38;
	v18 =	vshll.u32 v45, $0x7;
	v39 =	vld.idx.msk [tilespmem:v39+s3+$0x0], $0xffff;
	[tilespmem:v19+s15+$0x0] =	vst.idx.msk $0xffff, v47  }
0x16d: {  	v53 =	vadd.s32 s26, v4;
	s28 =	sand.u32 $0x3800, s24;
	v54 =	vmul.f32 $8.000000000e+00, v33;
	v47 =	vadd.s32 s25, v4;
	v33 =	vld.idx.msk [tilespmem:v23+s3+$0x0], $0xffff  }
0x16e: {  	v53 =	vand.u32 $0x2F, v53;
	v19 =	vor.u32 s28, v1;
	v47 =	vand.u32 $0x2F, v47;
	[tilespmem:v24+s15+$0x0] =	vst.idx.msk $0xffff, v37  }
0x16f: {  	v55 =	vor.u32 v19, v34;
	v43 =	vor.u32 v19, v43;
	v34 =	vor.u32 v19, v44;
	v37 =	vld.idx.msk [tilespmem:v31+s3+$0x0], $0xffff  }
0x170: {  	v25 =	vor.u32 $0x30, v25;
	v23 =	vshll.u32 v48, $0x7;
	v24 =	vor.u32 s23, v2;
	v41 =	vld.idx.msk [tilespmem:v41+s3+$0x0], $0xffff;
	[tilespmem:v21+s15+$0x0] =	vst.idx.msk $0xffff, v38  }
0x171: {  	v56 =	vor.u32 v29, v19;
	v44 =	vor.u32 v52, v24;
	v57 =	vor.u32 v23, v24;
	v38 =	vld.idx.msk [tilespmem:v28+s3+$0x0], $0xffff  }
0x172: {  	v58 =	vor.u32 v18, v24;
	v59 =	vor.u32 v17, v24;
	v21 =	vmul.f32 $8.000000000e+00, v39;
	v27 =	vld.idx.msk [tilespmem:v27+s3+$0x0], $0xffff  }
0x173: {  	v29 =	vor.u32 v35, v19;
	v28 =	vor.u32 v36, v19;
	v35 =	vmul.f32 $8.000000000e+00, v33;
	v26 =	vld.idx.msk [tilespmem:v26+s3+$0x0], $0xffff  }
0x174: {  	v31 =	vor.u32 v45, v19;
	v33 =	vor.u32 $0x10, v29;
	v24 =	vor.u32 $0x10, v28;
	[tilespmem:v34+s15+$0x0] =	vst.idx.msk $0xffff, v21  }
0x175: {  	v21 =	vor.u32 $0x10, v31;
	v34 =	vand.u32 $0x2F, v46;
	v37 =	vmul.f32 $8.000000000e+00, v37;
	[tilespmem:v25+s15+$0x0] =	vst.idx.msk $0xffff, v35  }
0x176: {  	v36 =	vor.u32 v19, v53;
	v35 =	vor.u32 v19, v47;
	v25 =	vmul.f32 $8.000000000e+00, v41;
	v47 =	vld.idx.msk [tilespmem:v57+s3+$0x0], $0xffff  }
.Ltmp6:
0x177: {  	v34 =	vor.u32 v19, v34;
	v41 =	vor.u32 v15, v16;
	v38 =	vmul.f32 $8.000000000e+00, v38;
	[tilespmem:v55+s15+$0x0] =	vst.idx.msk $0xffff, v37;
	(pc) =	sbr.rel @p2 .LBB2_9-.Ltmp6, $4  }
0x178: {  	v39 =	vmul.f32 $8.000000000e+00, v30;
	v45 =	vmul.f32 $8.000000000e+00, v27;
	v44 =	vld.idx.msk [tilespmem:v44+s3+$0x0], $0xffff;
	[tilespmem:v43+s15+$0x0] =	vst.idx.msk $0xffff, v25;
	v25 =	vor.u32 v48, v19  }
0x179: {  	v30 =	vor.u32 s23, v3;
	v15 =	vmovc v52;
	v46 =	vmul.f32 $8.000000000e+00, v26;
	[tilespmem:v56+s15+$0x0] =	vst.idx.msk $0xffff, v38;
	v37 =	vld.idx.msk [tilespmem:v59+s3+$0x0], $0xffff;
	v48 =	vor.u32 $0x10, v25  }
0x17a: {  	v27 =	vor.u32 v51, v30;
	v43 =	vor.u32 v49, v30;
	v49 =	vor.u32 v42, v30;
	v38 =	vld.idx.msk [tilespmem:v58+s3+$0x0], $0xffff  }
0x17b: {  	v26 =	vor.u32 v40, v30;
	v42 =	vor.u32 v22, v16;
	v40 =	vmul.f32 $8.000000000e+00, v50;
	[tilespmem:v32+s15+$0x0] =	vst.idx.msk $0xffff, v54  }
0x17c: {  	_ =	sdelay $0x1  }
0x17d: {  	v22 =	vmul.f32 $8.000000000e+00, v47  }
0x17e: {  	v32 =	vmul.f32 $8.000000000e+00, v44  }
0x17f: {  	[tilespmem:v48+s15+$0x0] =	vst.idx.msk $0xffff, v22  }
0x180: {  	v30 =	vadd.s32 s22, v4;
	v22 =	vld.idx.msk [tilespmem:v49+s3+$0x0], $0xffff;
	[tilespmem:v33+s15+$0x0] =	vst.idx.msk $0xffff, v32;
	v50 =	vmul.f32 $8.000000000e+00, v38  }
0x181: {  	v30 =	vand.u32 $0x2F, v30;
	v49 =	vmul.f32 $8.000000000e+00, v37;
	v33 =	vld.idx.msk [tilespmem:v43+s3+$0x0], $0xffff  }
0x182: {  	v9 =	vor.u32 v9, v16;
	v48 =	vor.u32 s23, v5;
	v19 =	vor.u32 v19, v30;
	[tilespmem:v21+s15+$0x0] =	vst.idx.msk $0xffff, v50  }
0x183: {  	v23 =	vor.u32 v23, v48;
	[tilespmem:v24+s15+$0x0] =	vst.idx.msk $0xffff, v49;
	v52 =	vld.idx.msk [tilespmem:v26+s3+$0x0], $0xffff  }
0x184: {  	[tilespmem:v14+s15+$0x0] =	vst.idx.msk $0xffff, v45;
	v15 =	vor.u32 v15, v48;
	v51 =	vld.idx.msk [tilespmem:v27+s3+$0x0], $0xffff  }
0x185: {  	[tilespmem:v13+s15+$0x0] =	vst.idx.msk $0xffff, v46;
	v22 =	vmul.f32 $8.000000000e+00, v22  }
0x186: {  	v55 =	vld.idx.msk [tilespmem:v41+s3+$0x0], $0xffff;
	[tilespmem:v7+s15+$0x0] =	vst.idx.msk $0xffff, v40;
	v18 =	vor.u32 v18, v48;
	v56 =	vmul.f32 $8.000000000e+00, v33  }
0x187: {  	v58 =	vmul.f32 $8.000000000e+00, v20;
	v54 =	vor.u32 v17, v48;
	v9 =	vld.idx.msk [tilespmem:v9+s3+$0x0], $0xffff;
	[tilespmem:v19+s15+$0x0] =	vst.idx.msk $0xffff, v22  }
0x188: {  	v53 =	vld.idx.msk [tilespmem:v23+s3+$0x0], $0xffff;
	v14 =	vmul.f32 $8.000000000e+00, v52;
	[tilespmem:v35+s15+$0x0] =	vst.idx.msk $0xffff, v56  }
0x189: {  	[tilespmem:v6+s15+$0x0] =	vst.idx.msk $0xffff, v58;
	v21 =	vmul.f32 $8.000000000e+00, v51;
	v15 =	vld.idx.msk [tilespmem:v15+s3+$0x0], $0xffff  }
0x18a: {  	v57 =	vld.idx.msk [tilespmem:v42+s3+$0x0], $0xffff;
	v7 =	vor.u32 $0x30, v25;
	[tilespmem:v34+s15+$0x0] =	vst.idx.msk $0xffff, v14  }
0x18b: {  	v60 =	vor.u32 $0x30, v29;
	v6 =	vmul.f32 $8.000000000e+00, v55;
	[tilespmem:v36+s15+$0x0] =	vst.idx.msk $0xffff, v21;
	v61 =	vld.idx.msk [tilespmem:v18+s3+$0x0], $0xffff  }
0x18c: {  	[tilespmem:v8+s15+$0x0] =	vst.idx.msk $0xffff, v39;
	v9 =	vmul.f32 $8.000000000e+00, v9;
	v59 =	vld.idx.msk [tilespmem:v54+s3+$0x0], $0xffff  }
0x18d: {  	v63 =	vor.u32 $0x30, v31;
	[tilespmem:v11+s15+$0x0] =	vst.idx.msk $0xffff, v6;
	v13 =	vmul.f32 $8.000000000e+00, v53  }
0x18e: {  	v62 =	vor.u32 $0x30, v28;
	[tilespmem:v10+s15+$0x0] =	vst.idx.msk $0xffff, v9;
	v6 =	vmul.f32 $8.000000000e+00, v15  }
0x18f: {  	[tilespmem:v7+s15+$0x0] =	vst.idx.msk $0xffff, v13;
	v7 =	vmul.f32 $8.000000000e+00, v57  }
.Ltmp7:
0x190: {  	v8 =	vmul.f32 $8.000000000e+00, v61;
	[tilespmem:v60+s15+$0x0] =	vst.idx.msk $0xffff, v6;
	(pc) =	sbr.rel .LBB2_11-.Ltmp7, $4  }
0x191: {  	[tilespmem:v12+s15+$0x0] =	vst.idx.msk $0xffff, v7;
	v7 =	vmul.f32 $8.000000000e+00, v59  }
0x192: {  	[tilespmem:v63+s15+$0x0] =	vst.idx.msk $0xffff, v8  }
0x193: {  	[tilespmem:v62+s15+$0x0] =	vst.idx.msk $0xffff, v7  }
0x194: {  	[hbm4b:s9+s3] =	stream.linear.scatter [tilespmem:s15], [sflag:$0x3], $0x4000, $0x38;
	[tilespmem:$0xC000] =	vst v63  }
.LBB2_12:
0x195: {  	_ =	sfence.sel $0x180000  }
0x196: {  	[bflag:$0x0] =	sbarrier.arrive $0xFFFF  }
0x197: {  	p0 =	sne.s32 s2, $0x0;
	_ =	strace $0x90000047  }
0x198: {  	s0 =	sadd.s32 @!p0 $0x100000, s0;
	[bflag:$0x2] =	sbarrier.arrive $0xFFFF  }
0x199: {  	[sflag:s0] =	ssyncadd.tile.s32 @!p0 $0x1;
	_ =	shalt  }
.Lfunc_end2:
_tile_overlayer_lowered:
.L_overlay_start_2:
0x19a: {  	(tag) =	ssettag $0x2  }
0x19b: {  	s0 =	rddreg [dreg:$0x0];
	s2 =	stileid.u32  }
0x19c: {  	s1 =	rddreg [dreg:$0x1];
	p0 =	sne.s32 s2, $0x0  }
0x19d: {  	s3 =	rddreg [dreg:$0x2];
	[bflag:$0x3] =	sbarrier.arrive $0xFFFF;
	s2 =	simm.s32 @!p0 $0x1C05  }
0x19e: {  	[timem:s3], [sflag:s2] =	dma.local @!p0 [hbm:s0], s1  }
0x19f: {  	s0 =	simm.s32 @!p0 $0x5  }
0x1a0: {  	_ =	swait.ge @!p0 [sflag:s0], s1  }
0x1a1: {  	s1 =	ssub.s32 @!p0 $0x0, s1;
	[sflag:s0] =	ssyncset.done @!p0 $0x0  }
0x1a2: {  	[sflag:s0] =	ssyncadd.s32 @!p0 s1  }
0x1a3: {  	[bflag:$0x3] =	sbarrier.arrive $0xFFFF  }
0x1a4: {  	_ =	shalt  }

// kernel: kernel.7.cloned.1.call-start
scs
__scs_entry_jumppad:
0x0: {  	(pc) =	sbr.rel $0x88, $3  }
0x1: {  	(tag) =	ssettag $0x0;
	lr =	simm.s32 $0x1  }
0x2: {  	[smem:$0x3F9F] =	sst lr;
	_ =	strace $0xD0000000  }
0x3: {  	_ = 	snop  }
0x4: {  	_ = 	snop  }
0x5: {  	_ = 	snop  }
0x6: {  	_ = 	snop  }
0x7: {  	_ = 	snop  }
__scs_overlays_trampoline_lowered:
0x8: {  	[smem:$0x3FAE] =	sst s0  }
0x9: {  	[smem:$0x3FAF] =	sst s1  }
0xa: {  	[smem:$0x3FB0] =	sst s2  }
0xb: {  	[smem:$0x3FB1] =	sst s3  }
0xc: {  	[smem:$0x3FB2] =	sst s4  }
0xd: {  	[smem:$0x3FB3] =	sst s5  }
0xe: {  	[smem:$0x3FB4] =	sst s6  }
0xf: {  	[smem:$0x3FB5] =	sst s7  }
0x10: {  	[smem:$0x3FB6] =	sst s8  }
0x11: {  	[smem:$0x3FB7] =	sst s9;
	s0 =	simm.s32 @!p0 $0x0  }
0x12: {  	s1 =	sld [smem:$0x3F9D];
	s0 =	simm.s32 @p0 $0x1  }
0x13: {  	[smem:$0x3FB8] =	sst s0;
	s0 =	simm.s32 @!p1 $0x0  }
0x14: {  	s2 =	sld [smem:$0x3F9C];
	s0 =	simm.s32 @p1 $0x1  }
0x15: {  	[smem:$0x3FB9] =	sst s0;
	s0 =	simm.s32 @!p2 $0x0  }
0x16: {  	s3 =	sld [smem:$0x3FDB];
	s0 =	simm.s32 @p2 $0x1  }
0x17: {  	s4 =	simm.s32 $0x1BF5;
	[smem:$0x3FBB] =	sst s0  }
0x18: {  	s0 =	sld [smem:$0x3F9E];
	_ =	swait.ge [sflag:s4], $0x0  }
0x19: {  	s7 =	sld [smem:$0x3F9F]  }
0x1a: {  	s8 =	sadd.s32 $0xFFFFE003, lr  }
0x1b: {  	s9 =	sadd.s32 $0xFFFFFEF7, lr;
	s5 =	simm.s32 $0xFFFFFFFF;
	p2 =	slt.u32 s8, $0xFFFFF086  }
0x1c: {  	p1 =	slt.u32 s9, $0xF7A;
	s5 =	simm.s32 @!p2 $0x0  }
0x1d: {  	s5 =	simm.s32 @p1 $0x1;
	p0 =	seq.s32 s7, s2  }
0x1e: {  	s7 =	smul.u32 @!p0 $0xF7A, s2;
	p2 =	seq.s32 @!p0 s5, $0x0  }
0x1f: {  	s9 =	smul.u32 $0xF7A, s1;
	s8 =	simm.s32 @!p0 $0x1BF5;
	p2 =	por !p2, p0  }
0x20: {  	[sflag:s8] =	ssyncset.s32 @!p0 $0xFFFFF086;
	s6 =	sadd.s32 @!p0 s3, s7;
	s7 =	simm.s32 @!p0 $0x108  }
0x21: {  	s3 =	sadd.s32 s3, s9;
	s6 =	sadd.s32 @!p0 $0x88, s6;
	s7 =	simm.s32 @p2 $0x1082  }
0x22: {  	[simem:s7], [sflag:s8] =	dma.local @!p0 [hbm:s6], $0xF7A  }
0x23: {  	s9 =	sor.u32 $0xD0000000, s2;
	s6 =	simm.s32 $0x108;
	_ =	swait.ge @!p0 [sflag:s8], $0x0  }
0x24: {  	s3 =	sadd.s32 $0x88, s3;
	s6 =	simm.s32 @!p1 $0x1082;
	[sflag:s4] =	ssyncset.s32 $0xFFFFF086  }
0x25: {  	[simem:s6], [sflag:s4] =	dma.local [hbm:s3], $0xF7A  }
0x26: {  	[smem:$0x3F9F] =	sst s1;
	(tag) =	ssettag s2;
	_ =	strace s9  }
0x27: {  	s1 =	sld [smem:$0x3FAF]  }
0x28: {  	s2 =	sld [smem:$0x3FB0]  }
0x29: {  	s4 =	sld [smem:$0x3FB2]  }
0x2a: {  	p0 =	seq.s32 s5, $0x0;
	s5 =	sld [smem:$0x3FB3]  }
0x2b: {  	s6 =	sld [smem:$0x3FB4]  }
0x2c: {  	s7 =	sld [smem:$0x3FB5]  }
0x2d: {  	s3 =	simm.s32 $0x108;
	s8 =	sld [smem:$0x3FB6]  }
0x2e: {  	s3 =	simm.s32 @!p0 $0x1082;
	s9 =	sld [smem:$0x3FB7]  }
0x2f: {  	lr =	sadd.s32 s0, s3;
	s0 =	sld [smem:$0x3FAE]  }
0x30: {  	s3 =	sld [smem:$0x3FB1]  }
0x31: {  	[smem:$0x3FBA] =	sst s10  }
0x32: {  	s10 =	sld [smem:$0x3FB8];
	_ =	sdelay $0x3  }
0x33: {  	p0 =	seq.s32 s10, $0x1;
	s10 =	sld [smem:$0x3FBA];
	_ =	sdelay $0x3  }
0x34: {  	[smem:$0x3FBA] =	sst s10  }
0x35: {  	s10 =	sld [smem:$0x3FB9];
	_ =	sdelay $0x3  }
0x36: {  	p1 =	seq.s32 s10, $0x1;
	s10 =	sld [smem:$0x3FBA];
	_ =	sdelay $0x3  }
0x37: {  	[smem:$0x3FBA] =	sst s10  }
0x38: {  	s10 =	sld [smem:$0x3FBB]  }
0x39: {  	_ = 	snop;
	(pc) =	sbr.ind lr, $3  }
0x3a: {  	_ = 	snop  }
0x3b: {  	_ = 	snop  }
0x3c: {  	p2 =	seq.s32 s10, $0x1;
	s10 =	sld [smem:$0x3FBA]  }
0x3d: {  	_ =	shalt  }
0x3e: {  	_ =	shalt  }
0x3f: {  	_ =	shalt  }
0x40: {  	_ =	shalt  }
0x41: {  	_ =	shalt  }
0x42: {  	_ =	shalt  }
0x43: {  	_ =	shalt  }
0x44: {  	_ =	shalt  }
0x45: {  	_ =	shalt  }
0x46: {  	_ =	shalt  }
0x47: {  	_ =	shalt  }
0x48: {  	_ =	shalt  }
0x49: {  	_ =	shalt  }
0x4a: {  	_ =	shalt  }
0x4b: {  	_ =	shalt  }
0x4c: {  	_ =	shalt  }
0x4d: {  	_ =	shalt  }
0x4e: {  	_ =	shalt  }
0x4f: {  	_ =	shalt  }
0x50: {  	_ =	shalt  }
0x51: {  	_ =	shalt  }
0x52: {  	_ =	shalt  }
0x53: {  	_ =	shalt  }
0x54: {  	_ =	shalt  }
0x55: {  	_ =	shalt  }
0x56: {  	_ =	shalt  }
0x57: {  	_ =	shalt  }
0x58: {  	_ =	shalt  }
0x59: {  	_ =	shalt  }
0x5a: {  	_ =	shalt  }
0x5b: {  	_ =	shalt  }
0x5c: {  	_ =	shalt  }
0x5d: {  	_ =	shalt  }
0x5e: {  	_ =	shalt  }
0x5f: {  	_ =	shalt  }
0x60: {  	_ =	shalt  }
0x61: {  	_ =	shalt  }
0x62: {  	_ =	shalt  }
0x63: {  	_ =	shalt  }
0x64: {  	_ =	shalt  }
0x65: {  	_ =	shalt  }
0x66: {  	_ =	shalt  }
0x67: {  	_ =	shalt  }
0x68: {  	_ =	shalt  }
0x69: {  	_ =	shalt  }
0x6a: {  	_ =	shalt  }
0x6b: {  	_ =	shalt  }
0x6c: {  	_ =	shalt  }
0x6d: {  	_ =	shalt  }
0x6e: {  	_ =	shalt  }
0x6f: {  	_ =	shalt  }
0x70: {  	_ =	shalt  }
0x71: {  	_ =	shalt  }
0x72: {  	_ =	shalt  }
0x73: {  	_ =	shalt  }
0x74: {  	_ =	shalt  }
0x75: {  	_ =	shalt  }
0x76: {  	_ =	shalt  }
0x77: {  	_ =	shalt  }
0x78: {  	_ =	shalt  }
0x79: {  	_ =	shalt  }
0x7a: {  	_ =	shalt  }
0x7b: {  	_ =	shalt  }
0x7c: {  	_ =	shalt  }
0x7d: {  	_ =	shalt  }
0x7e: {  	_ =	shalt  }
0x7f: {  	_ =	shalt  }
0x80: {  	_ =	shalt  }
0x81: {  	_ =	shalt  }
0x82: {  	_ =	shalt  }
0x83: {  	_ =	shalt  }
0x84: {  	_ =	shalt  }
0x85: {  	_ =	shalt  }
0x86: {  	_ =	shalt  }
0x87: {  	_ =	shalt  }
.Lfunc_end0:
.L_simem_size_0:
called_computation.1_lowered:
.L_overlay_start_0:
0x88: {  	s2 =	sld [smem:$0x3FD9]  }
0x89: {  	s3 =	sld [smem:$0x3FFE];
	_ =	sdelay $0x1  }
0x8a: {  	s1 =	srdreg.scid  }
0x8b: {  	s0 =	sand.u32 $0x1, s1  }
0x8c: {  	s17 =	sshll.u32 s0, $0xA;
	s2 =	sadd.s32 s3, s2  }
0x8d: {  	s2 =	sadd.s32 s2, s17  }
0x8e: {  	[smem:$0x3FC6] =	sst s2  }
0x8f: {  	_ = 	snop  }
0x90: {  	s2 =	sld [smem:$0x3FD0];
	(tm) =	ssettm $0x1  }
0x91: {  	s18 =	sld [smem:$0x3FFB];
	_ =	sdelay $0x3  }
0x92: {  	_ =	strace s18  }
0x93: {  	s3 =	sld [smem:$0x3FFC];
	_ =	sdelay $0x3  }
0x94: {  	_ =	strace s3  }
0x95: {  	s3 =	sld [smem:$0x3FFD];
	_ =	sdelay $0x3  }
0x96: {  	_ =	strace s3  }
0x97: {  	_ =	strace $0x8FFFFFFF  }
0x98: {  	s19 =	sld [smem:$0x3FDB];
	_ =	sdelay $0x1  }
0x99: {  	s4 =	simm.s32 $_scs_section_size  }
0x9a: {  	s5 =	simm.s32 $_size__tile_overlayer_lowered;
	s6 =	simm.s32 $_tile_overlayer_lowered  }
0x9b: {  	s22 =	simm.s32 $0x1BFF;
	s21 =	sshll.u32 s6, $0x1;
	s3 =	sadd.s32 s4, s19  }
0x9c: {  	s7 =	simm.s32 $0x0;
	s20 =	sshll.u32 s5, $0x1;
	s5 =	sadd.s32 s21, s3  }
0x9d: {  	[timem:s7], [sflag:s22] =	dma.local [hbm:s5], s20  }
0x9e: {  	_ =	swait.ge [sflag:s22], s20  }
0x9f: {  	s4 =	ssub.s32 $0x0, s20;
	[sflag:s22] =	ssyncset.done $0x0  }
0xa0: {  	[sflag:s22] =	ssyncadd.s32 s4;
	_ =	sdelay $0x1  }
0xa1: {  	s23 =	simm.s32 $0x1B8B  }
0xa2: {  	_ =	swait.ge [sflag:s23], $0x1  }
0xa3: {  	[sflag:s23] =	ssyncset.done $0x0  }
0xa4: {  	s25 =	simm.s32 $0x1B8E;
	s24 =	sld [smem:$0x3FFE];
	[sflag:s23] =	ssyncadd.s32 $0xFFFFFFFF  }
0xa5: {  	s26 =	simm.s32 $execute0_lowered;
	[smem:$0x3FD2] =	sst s25  }
0xa6: {  	s5 =	sshll.u32 s26, $0x1;
	_ =	strace $0x80000049;
	[dreg:$0x1] =	wrdreg $0xFFFFFFFF  }
0xa7: {  	s28 =	simm.s32 $_size_execute0_lowered;
	s3 =	sadd.s32 s3, s5;
	[dreg:$0x0] =	wrdreg $0x0  }
0xa8: {  	s5 =	sshll.u32 s28, $0x1;
	[dreg:$0x2] =	wrdreg s3  }
0xa9: {  	[dreg:$0x3] =	wrdreg s5  }
0xaa: {  	[dreg:$0x4] =	wrdreg $0xC0  }
0xab: {  	_ =	task [dreg:s7], $0x5FFFF  }
0xac: {  	[dreg:$0x1] =	wrdreg $0xFFFFFFFF  }
0xad: {  	[dreg:$0x0] =	wrdreg $0x60  }
0xae: {  	[dreg:$0x2] =	wrdreg s24  }
0xaf: {  	[dreg:$0x3] =	wrdreg s2  }
0xb0: {  	[dreg:$0x4] =	wrdreg $0x9  }
0xb1: {  	_ =	task.clear_ibuf [dreg:s7], $0x5FFFF;
	_ =	strace $0x90000049  }
0xb2: {  	s29 =	simm.s32 $0x9;
	_ =	strace $0x8000004B  }
0xb3: {  	_ =	swait.ge [sflag:s29], $0x1  }
0xb4: {  	[sflag:s29] =	ssyncadd.s32 $0xFFFFFFFF  }
0xb5: {  	_ =	strace $0x9000004B  }
0xb6: {  	_ =	sfence  }
0xb7: {  	s30 =	sld [smem:$0x0];
	_ =	sdelay $0x2  }
0xb8: {  	s31 =	sshll.u32 s1, $0xD;
	s1 =	sshrl.u32 s1, $0x2  }
0xb9: {  	s3 =	sand.u32 $0x4000, s31;
	s1 =	sadd.s32 s1, s30  }
0xba: {  	s0 =	sor.u32 s3, s0;
	s1 =	sshll.u32 s1, $0x11  }
0xbb: {  	s0 =	sor.u32 s1, s0  }
0xbc: {  	s0 =	sadd.s32 $0x8F2B, s0  }
0xbd: {  	[sflag:s0] =	ssyncadd.remote.s32 $0x1  }
0xbe: {  	_ =	sfence.sel $0xFFFF  }
0xbf: {  	[dreg:$0x0] =	wrdreg $0xFFFFFFFF;
	(pc) =	sbr.abs _section_cstart, $3  }
0xc0: {  	[dreg:$0x1] =	wrdreg $0xFFFFFFFF  }
0xc1: {  	_ =	task.clear_ibuf [dreg:s7], $0x2FFFF;
	_ =	strace $0x9FFFFFFF  }
0xc2: {  	(tm) =	ssettm $0x7FFFFFFF  }
0xc3: {  	_ =	shalt  }
tec
execute0_lowered:
.L_overlay_start_1:
0x0: {  	(tag) =	ssettag $0x1  }
0x1: {  	s0 =	srdreg.scid;
	s2 =	stileid.u32  }
0x2: {  	s1 =	rddreg [dreg:$0x0];
	s0 =	sand.u32 $0x1, s0;
	s3 =	sshll.u32 s2, $0x1  }
0x3: {  	s31 =	simm.s32 $0x14C00;
	s2 =	rddreg [dreg:$0x1];
	s4 =	sor.u32 s0, s3  }
0x4: {  	s3 =	simm.s32 $0x0;
	s0 =	ssub.s32 $0x2, s0;
	s8 =	sadd.s32 $0x8000, s2  }
0x5: {  	s9 =	sadd.s32 $0xC000, s2;
	s4 =	smul.u32 $0x6400, s4;
	[smem:$0x7FF] =	sst s3  }
0x6: {  	s10 =	sadd.s32 $0x10000, s2;
	s6 =	sshrl.u32 s0, $0x1;
	_ =	strace $0x8000004A  }
0x7: {  	s0 =	ssub.s32 s0, s6;
	s5 =	sshrl.u32 s4, $0x3;
	s14 =	sadd.s32 $0x6200, s4  }
0x8: {  	s0 =	smax.u32 s0, $0x1;
	s7 =	sadd.s32 s5, s1;
	s15 =	sshll.u32 s14, $0x3  }
0x9: {  	s5 =	sadd.s32 $0xA00, s1;
	s1 =	sand.u32 $0x3E00, s14;
	s6 =	sand.u32 $0xFE0000, s15  }
0xa: {  	[dreg:$0x14] =	wrdreg s0;
	s13 =	sadd.s32 $0xF42E00, s7;
	s1 =	sor.u32 s1, s6  }
0xb: {  	s7 =	sadd.s32 $0x4000, s2;
	[dreg:$0x3] =	wrdreg s13;
	s6 =	sadd.s32 s2, s1  }
0xc: {  	s11 =	sadd.s32 $0x14000, s2;
	s14 =	sadd.s32 s1, s7;
	[dreg:$0x4] =	wrdreg s6  }
0xd: {  	s12 =	sadd.s32 $0x18000, s2;
	s17 =	sadd.s32 s1, s8;
	[dreg:$0x5] =	wrdreg s14  }
0xe: {  	s16 =	sadd.s32 $0x6300, s4;
	s15 =	sadd.s32 s1, s9;
	[dreg:$0x6] =	wrdreg s17  }
0xf: {  	s18 =	sshll.u32 s16, $0x3;
	s19 =	sadd.s32 s1, s10;
	[dreg:$0x7] =	wrdreg s15  }
0x10: {  	s13 =	sadd.s32 $0x1C000, s2;
	s20 =	sadd.s32 s1, s11;
	[dreg:$0x8] =	wrdreg s19  }
0x11: {  	s21 =	sadd.s32 s1, s12;
	s1 =	sadd.s32 s1, s13;
	[dreg:$0x9] =	wrdreg s20  }
0x12: {  	s14 =	sand.u32 $0xFE0000, s18;
	s6 =	sand.u32 $0x3F00, s16;
	[dreg:$0xa] =	wrdreg s21  }
0x13: {  	s0 =	simm.s32 $0x100;
	[dreg:$0xb] =	wrdreg s1;
	s6 =	sor.u32 s6, s14  }
0x14: {  	s15 =	simm.s32 $0x1;
	s16 =	simm.s32 $0xE400;
	s22 =	sadd.s32 s2, s6  }
0x15: {  	s1 =	simm.s32 $0x15400;
	s23 =	sadd.s32 s6, s7;
	[dreg:$0xc] =	wrdreg s22  }
0x16: {  	s17 =	simm.s32 $0x15C00;
	s24 =	sadd.s32 s6, s8;
	[dreg:$0xd] =	wrdreg s23  }
0x17: {  	s18 =	simm.s32 $0x3;
	s25 =	sadd.s32 s6, s9;
	[dreg:$0xe] =	wrdreg s24  }
0x18: {  	s19 =	simm.s32 $0x4;
	s26 =	sadd.s32 s6, s10;
	[dreg:$0xf] =	wrdreg s25  }
0x19: {  	s21 =	simm.s32 $0x0;
	s28 =	sadd.s32 s6, s11;
	[dreg:$0x10] =	wrdreg s26  }
0x1a: {  	v0 =	vlaneseq.u32;
	s14 =	simm.s32 $0xA400;
	s29 =	sadd.s32 s6, s12;
	[dreg:$0x11] =	wrdreg s28  }
0x1b: {  	v2 =	vshrl.u32 v0, $0x3;
	s30 =	sadd.s32 s6, s13;
	s6 =	simm.s32 $0x6400;
	[dreg:$0x12] =	wrdreg s29  }
0x1c: {  	v1 =	vmul.u32 $0x40, v0;
	v3 =	vand.u32 $0x7, v0;
	v2 =	vmul.u32 $0x8, v2;
	[dreg:$0x13] =	wrdreg s30;
	s24 =	simm.s32 $0x2;
	s25 =	simm.s32 $0x12400  }
.LBB2_1:
0x1d: {  	[dreg:$0x15] =	wrdreg s21  }
0x1e: {  	s20 =	rddreg [dreg:$0x3];
	s30 =	simm.s32 $0x5  }
0x1f: {  	[tilespmem:s3], [sflag:$0x5] =	stream.linear.gather [hbm4b:s20+s3], $0x6400, $0x38;
	[tilespmem:$0x16400] =	vst v63  }
0x20: {  	_ =	swait.ge [sflag:s30], $0x6400  }
0x21: {  	[sflag:s30] =	ssyncset.done $0x0  }
0x22: {  	[sflag:s30] =	ssyncadd.s32 $0xFFFF9C00  }
0x23: {  	[tilespmem:s6], [sflag:$0x1] =	stream.indirect.gather [hbm4b:s5+s0], $0x40, s3, s0, $0xb8;
	[tilespmem:$0x16400] =	vst v63  }
0x24: {  	s20 =	simm.s32 $0x0  }
0x25: {  	[tilespmem:s14], [sflag:$0x2] =	stream.indirect.gather [hbm4b:s5+s0], $0x40, s0, s0, $0xb8;
	[tilespmem:$0x16400] =	vst v63  }
.LBB2_2:
0x26: {  	_ =	swait.ge [sflag:s15], $0x4000;
	p0 =	seq.s32 s20, $0x0  }
0x27: {  	s21 =	simm.s32 $0x0;
	[sflag:s15] =	ssyncset.done $0x0;
	s22 =	simm.s32 @!p0 $0x3  }
0x28: {  	s23 =	sand.u32 $0xF0, s21;
	s26 =	sand.u32 $0xC, s21;
	[sflag:s15] =	ssyncadd.s32 $0xFFFFC000  }
0x29: {  	s28 =	sand.u32 $0x70, s21;
	v5 =	vmov s23;
	v6 =	vadd.s32 s26, v0;
	s29 =	sor.u32 $0x1, s26;
	_ =	swait.ge @!p0 [sflag:s22], $0x800  }
0x2a: {  	v4 =	vor.u32 s28, v2;
	s30 =	sor.u32 $0x3, s26;
	v5 =	vshll.u32 v5, $0x6;
	v9 =	vadd.s32 s29, v0;
	[sflag:s22] =	ssyncset.done @!p0 $0x0  }
0x2b: {  	s26 =	sor.u32 $0x2, s26;
	v7 =	vshll.u32 v6, $0x7;
	v8 =	vadd.s32 s30, v0;
	v12 =	vshrl.u32 v6, $0x2;
	[sflag:s22] =	ssyncadd.s32 @!p0 $0xFFFFF800  }
0x2c: {  	v14 =	vand.u32 $0xF, v6;
	v29 =	vadd.s32 s26, v0;
	v10 =	vor.u32 v1, v5;
	_ =	swait.ge @!p0 [sflag:s22], $0x800  }
0x2d: {  	v5 =	vand.u32 $0xF, v9;
	v13 =	vand.u32 $0xF, v8;
	v16 =	vshll.u32 v8, $0x7;
	[sflag:s22] =	ssyncset.done @!p0 $0x0  }
0x2e: {  	v17 =	vshrl.u32 v9, $0x2;
	v20 =	vshll.u32 v9, $0x7;
	v22 =	vshrl.u32 v8, $0x2;
	[sflag:s22] =	ssyncadd.s32 @!p0 $0xFFFFF800  }
0x2f: {  	v28 =	vand.u32 $0x380, v7;
	v12 =	vand.u32 $0x2, v12;
	v52 =	vshrl.u32 v29, $0x2;
	_ =	swait.ge @!p0 [sflag:s22], $0x800  }
0x30: {  	v53 =	vshll.u32 v29, $0x7;
	v35 =	vand.u32 $0xF, v29;
	v15 =	vor.u32 $0x20, v10;
	[sflag:s22] =	ssyncset.done @!p0 $0x0  }
0x31: {  	s28 =	simm.s32 $0x0;
	v18 =	vor.u32 v10, v5;
	v19 =	vor.u32 v14, v10;
	v20 =	vand.u32 $0x380, v20;
	[sflag:s22] =	ssyncadd.s32 @!p0 $0xFFFFF800  }
0x32: {  	s29 =	sor.u32 $0x4, s28;
	v24 =	vand.u32 $0x2, v22;
	v30 =	vand.u32 $0x380, v16;
	v31 =	vadd.s32 s28, v12;
	_ =	swait.ge @!p0 [sflag:s22], $0x800  }
0x33: {  	v34 =	vadd.s32 s29, v12;
	v55 =	vor.u32 v10, v35;
	v11 =	vor.u32 v5, v15;
	[sflag:s22] =	ssyncset.done @!p0 $0x0  }
0x34: {  	v5 =	vor.u32 v14, v15;
	v14 =	vand.u32 $0x2, v17;
	v21 =	vor.u32 v13, v15;
	[sflag:s22] =	ssyncadd.s32 @!p0 $0xFFFFF800  }
0x35: {  	s30 =	sor.u32 $0x8, s28;
	v17 =	vor.u32 $0x10, v10;
	v13 =	vor.u32 v10, v13;
	v31 =	vshll.u32 v31, $0xA;
	_ =	swait.ge @!p0 [sflag:s22], $0x800  }
0x36: {  	v34 =	vshll.u32 v34, $0xA;
	v56 =	vadd.s32 s30, v24;
	v23 =	vadd.s32 s28, v14;
	[sflag:s22] =	ssyncset.done @!p0 $0x0  }
0x37: {  	v25 =	vor.u32 v6, v17;
	v26 =	vor.u32 v8, v17;
	v27 =	vor.u32 v9, v17;
	[sflag:s22] =	ssyncadd.s32 @!p0 $0xFFFFF800  }
0x38: {  	v33 =	vor.u32 v29, v17;
	v17 =	vand.u32 $0x2, v52;
	v54 =	vor.u32 v28, v34;
	_ =	swait.ge @!p0 [sflag:s22], $0x800  }
0x39: {  	v58 =	vadd.s32 s29, v14;
	v39 =	vadd.s32 s30, v14;
	v22 =	vshll.u32 v23, $0xA;
	[sflag:s22] =	ssyncset.done @!p0 $0x0  }
0x3a: {  	v23 =	vadd.s32 s28, v24;
	v37 =	vadd.s32 s28, v17;
	v38 =	vadd.s32 s29, v17;
	[sflag:s22] =	ssyncadd.s32 @!p0 $0xFFFFF800  }
0x3b: {  	v22 =	vor.u32 v20, v22;
	v23 =	vshll.u32 v23, $0xA;
	v57 =	vshll.u32 v37, $0xA;
	_ =	swait.ge @!p0 [sflag:s22], $0x800  }
0x3c: {  	v37 =	vshll.u32 v58, $0xA;
	v38 =	vshll.u32 v38, $0xA;
	v7 =	vor.u32 v4, v22;
	[sflag:s22] =	ssyncset.done @!p0 $0x0  }
0x3d: {  	v22 =	vor.u32 $0x30, v10;
	v23 =	vor.u32 v30, v23;
	v10 =	vor.u32 v4, v54;
	[sflag:s22] =	ssyncadd.s32 @!p0 $0xFFFFF800  }
0x3e: {  	v37 =	vor.u32 v20, v37;
	v16 =	vor.u32 v3, v7;
	v7 =	vadd.s32 s29, v24;
	_ =	swait.ge @!p0 [sflag:s22], $0x800  }
0x3f: {  	v6 =	vor.u32 v6, v22;
	v23 =	vor.u32 v4, v23;
	v10 =	vor.u32 v3, v10;
	[sflag:s22] =	ssyncset.done @!p0 $0x0  }
0x40: {  	v9 =	vor.u32 v9, v22;
	v7 =	vshll.u32 v7, $0xA;
	v23 =	vor.u32 v3, v23;
	[sflag:s22] =	ssyncadd.s32 @!p0 $0xFFFFF800  }
0x41: {  	v32 =	vor.u32 v30, v7;
	v7 =	vor.u32 v8, v22;
	v8 =	vor.u32 v28, v31;
	v13 =	vld.idx.msk [tilespmem:v13+s6+$0x0], $0xffff  }
0x42: {  	v59 =	vor.u32 v4, v37;
	v31 =	vand.u32 $0x380, v53;
	v36 =	vor.u32 v4, v8;
	v18 =	vld.idx.msk [tilespmem:v18+s6+$0x0], $0xffff  }
0x43: {  	v8 =	vor.u32 v35, v15;
	v15 =	vor.u32 v4, v32;
	v32 =	vshll.u32 v56, $0xA  }
0x44: {  	v35 =	vor.u32 v3, v59;
	v15 =	vor.u32 v3, v15;
	v32 =	vor.u32 v30, v32  }
0x45: {  	v60 =	vor.u32 v3, v36;
	v32 =	vor.u32 v4, v32;
	v61 =	vld.idx.msk [tilespmem:v19+s6+$0x0], $0xffff;
	v19 =	vadd.s32 s30, v17  }
0x46: {  	s23 =	sor.u32 $0xC, s28;
	v63 =	vshll.u32 v19, $0xA;
	[tilespmem:v23+s16+$0x0] =	vst.idx.msk $0xffff, v13;
	v13 =	vor.u32 v31, v57;
	v23 =	vadd.s32 s30, v12  }
0x47: {  	v12 =	vadd.s32 s23, v12;
	[tilespmem:v16+s16+$0x0] =	vst.idx.msk $0xffff, v18;
	v26 =	vld.idx.msk [tilespmem:v26+s6+$0x0], $0xffff;
	v13 =	vor.u32 v4, v13;
	v18 =	vshll.u32 v23, $0xA  }
0x48: {  	v16 =	vld.idx.msk [tilespmem:v55+s6+$0x0], $0xffff;
	v23 =	vshll.u32 v39, $0xA;
	v12 =	vshll.u32 v12, $0xA;
	v13 =	vor.u32 v3, v13  }
0x49: {  	v27 =	vld.idx.msk [tilespmem:v27+s6+$0x0], $0xffff;
	v18 =	vor.u32 v28, v18;
	v23 =	vor.u32 v20, v23;
	v12 =	vor.u32 v28, v12  }
0x4a: {  	v62 =	vor.u32 v4, v18;
	v18 =	vor.u32 v31, v38;
	v23 =	vor.u32 v4, v23  }
0x4b: {  	[tilespmem:v60+s16+$0x0] =	vst.idx.msk $0xffff, v61;
	v38 =	vor.u32 v4, v18;
	v18 =	vor.u32 v3, v23;
	v23 =	vadd.s32 s23, v24  }
0x4c: {  	v19 =	vor.u32 v4, v12;
	v23 =	vshll.u32 v23, $0xA;
	[tilespmem:v15+s16+$0x0] =	vst.idx.msk $0xffff, v26;
	v26 =	vadd.s32 s23, v14  }
0x4d: {  	v14 =	vor.u32 v29, v22;
	v22 =	vor.u32 v3, v38;
	[tilespmem:v13+s16+$0x0] =	vst.idx.msk $0xffff, v16;
	v15 =	vld.idx.msk [tilespmem:v21+s6+$0x0], $0xffff  }
0x4e: {  	[tilespmem:v35+s16+$0x0] =	vst.idx.msk $0xffff, v27;
	v23 =	vor.u32 v30, v23;
	v13 =	vadd.s32 s23, v17;
	v12 =	vshll.u32 v26, $0xA;
	v21 =	vld.idx.msk [tilespmem:v33+s6+$0x0], $0xffff  }
0x4f: {  	v17 =	vor.u32 v3, v32;
	v16 =	vor.u32 v3, v62;
	v12 =	vor.u32 v20, v12  }
0x50: {  	v26 =	vshll.u32 v13, $0xA;
	v20 =	vld.idx.msk [tilespmem:v25+s6+$0x0], $0xffff;
	v13 =	vor.u32 v4, v12;
	v12 =	vor.u32 v31, v63  }
0x51: {  	v11 =	vld.idx.msk [tilespmem:v11+s6+$0x0], $0xffff;
	v23 =	vor.u32 v4, v23;
	v24 =	vor.u32 v4, v12;
	v12 =	vor.u32 v31, v26  }
.LBB2_3:
0x52: {  	s21 =	sadd.s32 $0x4, s21;
	v25 =	vor.u32 v3, v13;
	v13 =	vor.u32 v3, v24;
	v23 =	vor.u32 v3, v23  }
0x53: {  	v19 =	vor.u32 v3, v19;
	v12 =	vor.u32 v4, v12;
	s22 =	sand.u32 $0xC, s21;
	s23 =	sand.u32 $0x70, s21;
	s26 =	sand.u32 $0xF0, s21;
	[tilespmem:v22+s16+$0x0] =	vst.idx.msk $0xffff, v21  }
0x54: {  	p1 =	slt.u32 s21, $0xFC;
	v21 =	vmov s26;
	v22 =	vadd.s32 s22, v0;
	v4 =	vor.u32 s23, v2;
	s26 =	sor.u32 $0x1, s22;
	s23 =	sor.u32 $0x2, s22;
	v8 =	vld.idx.msk [tilespmem:v8+s6+$0x0], $0xffff  }
0x55: {  	s22 =	sor.u32 $0x3, s22;
	v21 =	vshll.u32 v21, $0x6;
	v24 =	vadd.s32 s26, v0;
	[tilespmem:v10+s16+$0x0] =	vst.idx.msk $0xffff, v20;
	v10 =	vor.u32 v3, v12  }
0x56: {  	v26 =	vadd.s32 s22, v0;
	v20 =	vor.u32 v1, v21;
	v21 =	vshll.u32 v22, $0x7;
	v27 =	vld.idx.msk [tilespmem:v5+s6+$0x0], $0xffff;
	[tilespmem:v18+s16+$0x0] =	vst.idx.msk $0xffff, v11  }
0x57: {  	v18 =	vshrl.u32 v22, $0x2;
	v5 =	vand.u32 $0xF, v24;
	v28 =	vand.u32 $0xF, v26;
	v9 =	vld.idx.msk [tilespmem:v9+s6+$0x0], $0xffff  }
0x58: {  	v12 =	vand.u32 $0xF, v22;
	v30 =	vshll.u32 v26, $0x7;
	v29 =	vor.u32 $0x20, v20;
	[tilespmem:v17+s16+$0x0] =	vst.idx.msk $0xffff, v15  }
0x59: {  	v15 =	vshrl.u32 v24, $0x2;
	v17 =	vor.u32 v20, v5;
	v11 =	vor.u32 v5, v29;
	v7 =	vld.idx.msk [tilespmem:v7+s6+$0x0], $0xffff  }
0x5a: {  	v31 =	vor.u32 v12, v20;
	v5 =	vor.u32 v12, v29;
	v12 =	vshll.u32 v24, $0x7;
	[tilespmem:v13+s16+$0x0] =	vst.idx.msk $0xffff, v8  }
0x5b: {  	v32 =	vand.u32 $0x2, v15;
	v12 =	vand.u32 $0x380, v12;
	v15 =	vor.u32 v28, v29;
	v8 =	vld.idx.msk [tilespmem:v14+s6+$0x0], $0xffff  }
0x5c: {  	s22 =	sshrl.u32 s21, $0x7;
	v28 =	vor.u32 v20, v28;
	v13 =	vshrl.u32 v26, $0x2;
	v14 =	vor.u32 $0x10, v20;
	[tilespmem:v16+s16+$0x0] =	vst.idx.msk $0xffff, v27  }
0x5d: {  	v13 =	vand.u32 $0x2, v13;
	v16 =	vor.u32 v22, v14;
	v27 =	vadd.s32 s22, v32;
	v33 =	vld.idx.msk [tilespmem:v6+s6+$0x0], $0xffff;
	[tilespmem:v25+s16+$0x0] =	vst.idx.msk $0xffff, v9  }
0x5e: {  	v6 =	vshll.u32 v27, $0xA;
	v9 =	vadd.s32 s22, v13;
	v25 =	vor.u32 v26, v14  }
0x5f: {  	v6 =	vor.u32 v12, v6;
	v9 =	vshll.u32 v9, $0xA;
	v27 =	vld.idx.msk [tilespmem:v31+s6+$0x0], $0xffff;
	v31 =	vor.u32 v24, v14  }
0x60: {  	s26 =	sor.u32 $0x4, s22;
	v21 =	vand.u32 $0x380, v21;
	v30 =	vand.u32 $0x380, v30;
	v6 =	vor.u32 v4, v6;
	v17 =	vld.idx.msk [tilespmem:v17+s6+$0x0], $0xffff;
	[tilespmem:v23+s16+$0x0] =	vst.idx.msk $0xffff, v7  }
0x61: {  	v18 =	vand.u32 $0x2, v18;
	v23 =	vor.u32 v3, v6;
	v6 =	vadd.s32 s26, v13;
	v28 =	vld.idx.msk [tilespmem:v28+s6+$0x0], $0xffff;
	[tilespmem:v10+s16+$0x0] =	vst.idx.msk $0xffff, v8  }
0x62: {  	v35 =	vadd.s32 s23, v0;
	v34 =	vor.u32 $0x30, v20;
	v7 =	vshll.u32 v6, $0xA  }
0x63: {  	v9 =	vor.u32 v30, v9;
	v8 =	vadd.s32 s22, v18;
	v6 =	vor.u32 v22, v34;
	[tilespmem:v19+s16+$0x0] =	vst.idx.msk $0xffff, v33  }
0x64: {  	v8 =	vshll.u32 v8, $0xA;
	v10 =	vor.u32 v30, v7;
	v7 =	vor.u32 v26, v34  }
0x65: {  	v22 =	vor.u32 v35, v14;
	v8 =	vor.u32 v21, v8;
	v19 =	vshrl.u32 v35, $0x2  }
0x66: {  	v9 =	vor.u32 v4, v9;
	v14 =	vshll.u32 v35, $0x7;
	[tilespmem:v23+s16+$0x0] =	vst.idx.msk $0xffff, v17;
	v17 =	vand.u32 $0x2, v19  }
0x67: {  	v9 =	vor.u32 v3, v9;
	v19 =	vadd.s32 s26, v18;
	v23 =	vand.u32 $0xF, v35  }
0x68: {  	v26 =	vor.u32 v4, v8;
	v19 =	vshll.u32 v19, $0xA;
	v33 =	vadd.s32 s22, v17  }
0x69: {  	v10 =	vor.u32 v4, v10;
	v36 =	vadd.s32 s26, v17;
	v8 =	vor.u32 v23, v29  }
0x6a: {  	s23 =	sor.u32 $0x8, s22;
	v20 =	vor.u32 v20, v23;
	v23 =	vor.u32 v3, v10;
	v19 =	vor.u32 v21, v19  }
0x6b: {  	v29 =	vand.u32 $0x380, v14;
	v14 =	vadd.s32 s23, v13;
	v10 =	vor.u32 v4, v19  }
0x6c: {  	v14 =	vshll.u32 v14, $0xA;
	v19 =	vshll.u32 v33, $0xA;
	v10 =	vor.u32 v3, v10;
	[tilespmem:v9+s16+$0x0] =	vst.idx.msk $0xffff, v28  }
0x6d: {  	v14 =	vor.u32 v30, v14;
	v28 =	vadd.s32 s26, v32;
	v9 =	vor.u32 v24, v34  }
0x6e: {  	v33 =	vor.u32 v4, v14;
	v24 =	vshll.u32 v28, $0xA;
	v28 =	vshll.u32 v36, $0xA  }
0x6f: {  	v19 =	vor.u32 v29, v19;
	v14 =	vor.u32 v12, v24;
	v24 =	vadd.s32 s23, v32;
	v25 =	vld.idx.msk [tilespmem:v25+s6+$0x0], $0xffff  }
0x70: {  	s22 =	sor.u32 $0xC, s22;
	v19 =	vor.u32 v4, v19;
	v36 =	vadd.s32 s23, v18;
	v14 =	vor.u32 v4, v14;
	v20 =	vld.idx.msk [tilespmem:v20+s6+$0x0], $0xffff  }
0x71: {  	v18 =	vadd.s32 s22, v18;
	v37 =	vor.u32 v3, v14;
	v14 =	vor.u32 v3, v19  }
0x72: {  	v24 =	vshll.u32 v24, $0xA;
	v19 =	vor.u32 v3, v26;
	v26 =	vshll.u32 v36, $0xA  }
0x73: {  	v24 =	vor.u32 v12, v24;
	v36 =	vadd.s32 s23, v17;
	v26 =	vor.u32 v21, v26;
	v31 =	vld.idx.msk [tilespmem:v31+s6+$0x0], $0xffff  }
0x74: {  	v28 =	vor.u32 v29, v28;
	v24 =	vor.u32 v4, v24;
	v26 =	vor.u32 v4, v26  }
0x75: {  	v18 =	vshll.u32 v18, $0xA;
	v28 =	vor.u32 v4, v28;
	v36 =	vshll.u32 v36, $0xA;
	[tilespmem:v23+s16+$0x0] =	vst.idx.msk $0xffff, v25  }
0x76: {  	v23 =	vadd.s32 s22, v32;
	v25 =	vadd.s32 s22, v17;
	[tilespmem:v14+s16+$0x0] =	vst.idx.msk $0xffff, v20;
	v14 =	vor.u32 v35, v34;
	v15 =	vld.idx.msk [tilespmem:v15+s6+$0x0], $0xffff  }
0x77: {  	v18 =	vor.u32 v21, v18;
	v17 =	vor.u32 v3, v33;
	[tilespmem:v19+s16+$0x0] =	vst.idx.msk $0xffff, v27;
	v21 =	vld.idx.msk [tilespmem:v22+s6+$0x0], $0xffff  }
.Ltmp0:
0x78: {  	v19 =	vor.u32 v4, v18;
	v18 =	vor.u32 v3, v24;
	v22 =	vor.u32 v3, v28;
	v20 =	vld.idx.msk [tilespmem:v16+s6+$0x0], $0xffff;
	(pc) =	sbr.rel @p1 .LBB2_3-.Ltmp0, $4  }
0x79: {  	v13 =	vadd.s32 s22, v13;
	v23 =	vshll.u32 v23, $0xA;
	v16 =	vor.u32 v3, v26;
	[tilespmem:v37+s16+$0x0] =	vst.idx.msk $0xffff, v31  }
0x7a: {  	v12 =	vor.u32 v12, v23;
	v23 =	vshll.u32 v25, $0xA;
	v24 =	vshll.u32 v13, $0xA;
	v11 =	vld.idx.msk [tilespmem:v11+s6+$0x0], $0xffff  }
0x7b: {  	v13 =	vor.u32 v4, v12;
	v12 =	vor.u32 v29, v36;
	v25 =	vor.u32 v30, v24  }
0x7c: {  	v24 =	vor.u32 v4, v12;
	v12 =	vor.u32 v29, v23;
	v23 =	vor.u32 v4, v25  }
0x7d: {  	_ =	sdelay $0x3  }
0x7e: {  	[tilespmem:v22+s16+$0x0] =	vst.idx.msk $0xffff, v21  }
0x7f: {  	v21 =	vor.u32 v3, v24;
	[tilespmem:v10+s16+$0x0] =	vst.idx.msk $0xffff, v20;
	v8 =	vld.idx.msk [tilespmem:v8+s6+$0x0], $0xffff  }
0x80: {  	v5 =	vld.idx.msk [tilespmem:v5+s6+$0x0], $0xffff;
	_ =	sdelay $0x1  }
0x81: {  	[tilespmem:v17+s16+$0x0] =	vst.idx.msk $0xffff, v15  }
0x82: {  	v7 =	vld.idx.msk [tilespmem:v7+s6+$0x0], $0xffff;
	[tilespmem:v18+s16+$0x0] =	vst.idx.msk $0xffff, v11;
	v11 =	vor.u32 v3, v23  }
0x83: {  	v10 =	vor.u32 v3, v13;
	v4 =	vor.u32 v4, v12;
	v9 =	vld.idx.msk [tilespmem:v9+s6+$0x0], $0xffff;
	[tilespmem:v21+s16+$0x0] =	vst.idx.msk $0xffff, v8  }
0x84: {  	v4 =	vor.u32 v3, v4;
	[tilespmem:v16+s16+$0x0] =	vst.idx.msk $0xffff, v5;
	v8 =	vld.idx.msk [tilespmem:v14+s6+$0x0], $0xffff  }
0x85: {  	s21 =	sshll.u32 s20, $0x9;
	v5 =	vor.u32 v3, v19;
	v6 =	vld.idx.msk [tilespmem:v6+s6+$0x0], $0xffff  }
0x86: {  	s22 =	sadd.s32 s4, s21  }
0x87: {  	s23 =	sshll.u32 s22, $0x3;
	[tilespmem:v11+s16+$0x0] =	vst.idx.msk $0xffff, v7  }
0x88: {  	s22 =	sand.u32 $0x3E00, s22;
	s23 =	sand.u32 $0xFFE0000, s23;
	[tilespmem:v10+s16+$0x0] =	vst.idx.msk $0xffff, v9  }
0x89: {  	s22 =	sor.u32 s22, s23;
	[tilespmem:v4+s16+$0x0] =	vst.idx.msk $0xffff, v8  }
0x8a: {  	s23 =	sadd.s32 s2, s22;
	[tilespmem:v5+s16+$0x0] =	vst.idx.msk $0xffff, v6  }
0x8b: {  	[hbm4b:s23+s3] =	stream.linear.scatter [tilespmem:s16], [sflag:$0x3], $0x800, $0x38;
	[tilespmem:$0x16400] =	vst v63  }
0x8c: {  	s26 =	simm.s32 $0xEC00;
	s28 =	sadd.s32 s22, s7  }
0x8d: {  	[hbm4b:s28+s3] =	stream.linear.scatter [tilespmem:s26], [sflag:$0x3], $0x800, $0x38;
	[tilespmem:$0x16400] =	vst v63  }
0x8e: {  	s30 =	simm.s32 $0xF400;
	s29 =	sadd.s32 s22, s8  }
0x8f: {  	[hbm4b:s29+s3] =	stream.linear.scatter [tilespmem:s30], [sflag:$0x3], $0x800, $0x38;
	[tilespmem:$0x16400] =	vst v63  }
0x90: {  	s26 =	sadd.s32 s22, s9;
	s28 =	simm.s32 $0xFC00  }
0x91: {  	[hbm4b:s26+s3] =	stream.linear.scatter [tilespmem:s28], [sflag:$0x3], $0x800, $0x38;
	[tilespmem:$0x16400] =	vst v63  }
0x92: {  	s29 =	sadd.s32 s22, s10;
	s30 =	simm.s32 $0x10400  }
0x93: {  	[hbm4b:s29+s3] =	stream.linear.scatter [tilespmem:s30], [sflag:$0x3], $0x800, $0x38;
	[tilespmem:$0x16400] =	vst v63  }
0x94: {  	s26 =	sadd.s32 s22, s11;
	s28 =	simm.s32 $0x10C00  }
0x95: {  	[hbm4b:s26+s3] =	stream.linear.scatter [tilespmem:s28], [sflag:$0x3], $0x800, $0x38;
	[tilespmem:$0x16400] =	vst v63  }
0x96: {  	s29 =	sadd.s32 s22, s12;
	s30 =	simm.s32 $0x11400  }
0x97: {  	[hbm4b:s29+s3] =	stream.linear.scatter [tilespmem:s30], [sflag:$0x3], $0x800, $0x38;
	[tilespmem:$0x16400] =	vst v63  }
0x98: {  	s22 =	sadd.s32 s22, s13;
	s28 =	simm.s32 $0x11C00  }
0x99: {  	[hbm4b:s22+s3] =	stream.linear.scatter [tilespmem:s28], [sflag:$0x3], $0x800, $0x38;
	[tilespmem:$0x16400] =	vst v63  }
0x9a: {  	s22 =	sand.u32 $0x3FFFFE00, s21  }
0x9b: {  	s29 =	sadd.s32 $0x200, s22  }
0x9c: {  	[tilespmem:s6], [sflag:$0x1] =	stream.indirect.gather [hbm4b:s5+s0], $0x40, s29, s0, $0xb8;
	[tilespmem:$0x16400] =	vst v63  }
0x9d: {  	s23 =	simm.s32 $0x0;
	_ =	swait.ge [sflag:s24], $0x4000  }
0x9e: {  	s28 =	sand.u32 $0xC, s23;
	[sflag:s24] =	ssyncset.done $0x0  }
0x9f: {  	s26 =	simm.s32 @!p0 $0x4;
	s30 =	sor.u32 $0x3, s28;
	[sflag:s24] =	ssyncadd.s32 $0xFFFFC000  }
0xa0: {  	v6 =	vadd.s32 s28, v0;
	s29 =	sand.u32 $0xF0, s23;
	v7 =	vadd.s32 s30, v0;
	_ =	swait.ge @!p0 [sflag:s26], $0x800  }
0xa1: {  	s30 =	sand.u32 $0x70, s23;
	v11 =	vshrl.u32 v6, $0x2;
	v29 =	vand.u32 $0xF, v6;
	v5 =	vmov s29;
	[sflag:s26] =	ssyncset.done @!p0 $0x0  }
0xa2: {  	s29 =	sor.u32 $0x1, s28;
	v4 =	vor.u32 s30, v2;
	v10 =	vshrl.u32 v7, $0x2;
	v11 =	vand.u32 $0x2, v11;
	[sflag:s26] =	ssyncadd.s32 @!p0 $0xFFFFF800  }
0xa3: {  	s28 =	sor.u32 $0x2, s28;
	v31 =	vshll.u32 v7, $0x7;
	v9 =	vadd.s32 s29, v0;
	v10 =	vand.u32 $0x2, v10;
	_ =	swait.ge @!p0 [sflag:s26], $0x800  }
0xa4: {  	s29 =	simm.s32 $0x0;
	v14 =	vadd.s32 s28, v0;
	v5 =	vshll.u32 v5, $0x6;
	v8 =	vshrl.u32 v9, $0x2;
	[sflag:s26] =	ssyncset.done @!p0 $0x0  }
0xa5: {  	v13 =	vadd.s32 s29, v10;
	s30 =	sor.u32 $0x4, s29;
	v16 =	vshrl.u32 v14, $0x2;
	v17 =	vadd.s32 s29, v11;
	[sflag:s26] =	ssyncadd.s32 @!p0 $0xFFFFF800  }
0xa6: {  	v58 =	vshll.u32 v9, $0x7;
	v8 =	vand.u32 $0x2, v8;
	v15 =	vadd.s32 s30, v10;
	_ =	swait.ge @!p0 [sflag:s26], $0x800  }
0xa7: {  	v16 =	vand.u32 $0x2, v16;
	v18 =	vadd.s32 s30, v11;
	v13 =	vshll.u32 v13, $0xA;
	[sflag:s26] =	ssyncset.done @!p0 $0x0  }
0xa8: {  	v12 =	vadd.s32 s29, v8;
	v20 =	vadd.s32 s30, v16;
	v21 =	vadd.s32 s30, v8;
	s30 =	sor.u32 $0x8, s29;
	[sflag:s26] =	ssyncadd.s32 @!p0 $0xFFFFF800  }
0xa9: {  	v19 =	vadd.s32 s29, v16;
	v18 =	vshll.u32 v18, $0xA;
	v22 =	vadd.s32 s30, v10;
	_ =	swait.ge @!p0 [sflag:s26], $0x800  }
0xaa: {  	s29 =	sor.u32 $0xC, s29;
	v23 =	vadd.s32 s30, v8;
	v24 =	vadd.s32 s30, v11;
	v25 =	vadd.s32 s30, v16;
	[sflag:s26] =	ssyncset.done @!p0 $0x0  }
0xab: {  	v11 =	vadd.s32 s29, v11;
	v26 =	vadd.s32 s29, v8;
	v27 =	vadd.s32 s29, v16;
	[sflag:s26] =	ssyncadd.s32 @!p0 $0xFFFFF800  }
0xac: {  	v28 =	vadd.s32 s29, v10;
	v10 =	vor.u32 v1, v5;
	v8 =	vshll.u32 v6, $0x7;
	_ =	swait.ge @!p0 [sflag:s26], $0x800  }
0xad: {  	v5 =	vand.u32 $0xF, v9;
	v16 =	vand.u32 $0xF, v7;
	v12 =	vshll.u32 v12, $0xA;
	[sflag:s26] =	ssyncset.done @!p0 $0x0  }
0xae: {  	v20 =	vshll.u32 v20, $0xA;
	v30 =	vor.u32 $0x20, v10;
	v32 =	vor.u32 v10, v5;
	[sflag:s26] =	ssyncadd.s32 @!p0 $0xFFFFF800  }
0xaf: {  	v34 =	vor.u32 v29, v10;
	v36 =	vor.u32 $0x10, v10;
	v40 =	vand.u32 $0x380, v8;
	_ =	swait.ge @!p0 [sflag:s26], $0x800  }
0xb0: {  	v41 =	vor.u32 $0x30, v10;
	v11 =	vshll.u32 v11, $0xA;
	v25 =	vshll.u32 v25, $0xA;
	[sflag:s26] =	ssyncset.done @!p0 $0x0  }
0xb1: {  	v33 =	vor.u32 v5, v30;
	v5 =	vor.u32 v29, v30;
	v29 =	vand.u32 $0x380, v58;
	[sflag:s26] =	ssyncadd.s32 @!p0 $0xFFFFF800  }
0xb2: {  	v35 =	vor.u32 v16, v30;
	v16 =	vor.u32 v10, v16;
	v37 =	vor.u32 v6, v36;
	_ =	swait.ge @!p0 [sflag:s26], $0x800  }
0xb3: {  	v38 =	vor.u32 v7, v36;
	v39 =	vor.u32 v9, v36;
	v6 =	vor.u32 v6, v41;
	[sflag:s26] =	ssyncset.done @!p0 $0x0  }
0xb4: {  	v7 =	vor.u32 v7, v41;
	v36 =	vor.u32 v14, v36;
	v12 =	vor.u32 v29, v12;
	[sflag:s26] =	ssyncadd.s32 @!p0 $0xFFFFF800  }
0xb5: {  	v18 =	vor.u32 v40, v18;
	v8 =	vor.u32 v4, v12;
	v12 =	vand.u32 $0x380, v31;
	_ =	swait.ge @!p0 [sflag:s26], $0x800  }
0xb6: {  	v59 =	vor.u32 v3, v8;
	v8 =	vshll.u32 v15, $0xA;
	v13 =	vor.u32 v12, v13;
	[sflag:s26] =	ssyncset.done @!p0 $0x0  }
0xb7: {  	v15 =	vshll.u32 v17, $0xA;
	v17 =	vor.u32 v12, v8;
	v8 =	vor.u32 v4, v13;
	[sflag:s26] =	ssyncadd.s32 @!p0 $0xFFFFF800  }
0xb8: {  	v9 =	vor.u32 v9, v41;
	v13 =	vand.u32 $0xF, v14;
	v42 =	vor.u32 v3, v8;
	v16 =	vld.idx.msk [tilespmem:v16+s14+$0x0], $0xffff  }
0xb9: {  	v11 =	vor.u32 v40, v11;
	v8 =	vor.u32 v13, v30;
	v13 =	vor.u32 v10, v13  }
0xba: {  	v18 =	vor.u32 v4, v18;
	v15 =	vor.u32 v40, v15;
	v10 =	vshll.u32 v14, $0x7  }
0xbb: {  	v61 =	vand.u32 $0x380, v10;
	v10 =	vor.u32 v3, v18;
	v18 =	vshll.u32 v19, $0xA  }
0xbc: {  	v15 =	vor.u32 v4, v15;
	v17 =	vor.u32 v4, v17;
	v18 =	vor.u32 v61, v18;
	v60 =	vld.idx.msk [tilespmem:v32+s14+$0x0], $0xffff  }
0xbd: {  	v17 =	vor.u32 v3, v17;
	v18 =	vor.u32 v4, v18;
	[tilespmem:v42+s25+$0x0] =	vst.idx.msk $0xffff, v16;
	v16 =	vshll.u32 v21, $0xA  }
0xbe: {  	v19 =	vshll.u32 v22, $0xA;
	v18 =	vor.u32 v3, v18;
	v13 =	vld.idx.msk [tilespmem:v13+s14+$0x0], $0xffff;
	v16 =	vor.u32 v29, v16  }
0xbf: {  	v19 =	vor.u32 v12, v19;
	v20 =	vor.u32 v61, v20;
	v21 =	vld.idx.msk [tilespmem:v38+s14+$0x0], $0xffff;
	v16 =	vor.u32 v4, v16  }
0xc0: {  	v25 =	vor.u32 v61, v25;
	v19 =	vor.u32 v4, v19;
	v62 =	vor.u32 v3, v16  }
0xc1: {  	v22 =	vld.idx.msk [tilespmem:v34+s14+$0x0], $0xffff;
	[tilespmem:v59+s25+$0x0] =	vst.idx.msk $0xffff, v60;
	v16 =	vshll.u32 v24, $0xA;
	v24 =	vor.u32 v3, v15;
	v15 =	vshll.u32 v23, $0xA  }
0xc2: {  	v20 =	vor.u32 v4, v20;
	v23 =	vld.idx.msk [tilespmem:v39+s14+$0x0], $0xffff;
	v16 =	vor.u32 v40, v16;
	v15 =	vor.u32 v29, v15  }
0xc3: {  	[tilespmem:v18+s25+$0x0] =	vst.idx.msk $0xffff, v13;
	v16 =	vor.u32 v4, v16;
	v63 =	vor.u32 v4, v15  }
0xc4: {  	v15 =	vor.u32 v14, v41;
	[tilespmem:v17+s25+$0x0] =	vst.idx.msk $0xffff, v21;
	v17 =	vor.u32 v3, v19  }
0xc5: {  	v19 =	vor.u32 v4, v11;
	v18 =	vor.u32 v3, v63;
	v16 =	vor.u32 v3, v16  }
0xc6: {  	v11 =	vshll.u32 v26, $0xA;
	v21 =	vld.idx.msk [tilespmem:v36+s14+$0x0], $0xffff;
	[tilespmem:v24+s25+$0x0] =	vst.idx.msk $0xffff, v22;
	v22 =	vor.u32 v3, v20  }
0xc7: {  	v14 =	vld.idx.msk [tilespmem:v35+s14+$0x0], $0xffff;
	v11 =	vor.u32 v29, v11;
	[tilespmem:v62+s25+$0x0] =	vst.idx.msk $0xffff, v23;
	v24 =	vshll.u32 v28, $0xA  }
0xc8: {  	v23 =	vshll.u32 v27, $0xA;
	v13 =	vor.u32 v4, v11;
	v20 =	vld.idx.msk [tilespmem:v37+s14+$0x0], $0xffff;
	v26 =	vor.u32 v12, v24  }
0xc9: {  	v11 =	vld.idx.msk [tilespmem:v33+s14+$0x0], $0xffff;
	v24 =	vor.u32 v4, v25;
	v12 =	vor.u32 v61, v23;
	v23 =	vor.u32 v4, v26  }
.LBB2_5:
0xca: {  	s23 =	sadd.s32 $0x4, s23;
	v25 =	vor.u32 v3, v13;
	v13 =	vor.u32 v3, v24;
	v23 =	vor.u32 v3, v23  }
0xcb: {  	v19 =	vor.u32 v3, v19;
	v12 =	vor.u32 v4, v12;
	s26 =	sand.u32 $0xC, s23;
	s28 =	sand.u32 $0x70, s23;
	s29 =	sand.u32 $0xF0, s23;
	[tilespmem:v22+s25+$0x0] =	vst.idx.msk $0xffff, v21  }
0xcc: {  	p0 =	slt.u32 s23, $0xFC;
	v21 =	vmov s29;
	v22 =	vadd.s32 s26, v0;
	v4 =	vor.u32 s28, v2;
	s29 =	sor.u32 $0x1, s26;
	s28 =	sor.u32 $0x2, s26;
	v8 =	vld.idx.msk [tilespmem:v8+s14+$0x0], $0xffff  }
0xcd: {  	s26 =	sor.u32 $0x3, s26;
	v21 =	vshll.u32 v21, $0x6;
	v24 =	vadd.s32 s29, v0;
	[tilespmem:v10+s25+$0x0] =	vst.idx.msk $0xffff, v20;
	v10 =	vor.u32 v3, v12  }
0xce: {  	v26 =	vadd.s32 s26, v0;
	v20 =	vor.u32 v1, v21;
	v21 =	vshll.u32 v22, $0x7;
	v27 =	vld.idx.msk [tilespmem:v5+s14+$0x0], $0xffff;
	[tilespmem:v18+s25+$0x0] =	vst.idx.msk $0xffff, v11  }
0xcf: {  	v18 =	vshrl.u32 v22, $0x2;
	v5 =	vand.u32 $0xF, v24;
	v28 =	vand.u32 $0xF, v26;
	v9 =	vld.idx.msk [tilespmem:v9+s14+$0x0], $0xffff  }
0xd0: {  	v12 =	vand.u32 $0xF, v22;
	v30 =	vshll.u32 v26, $0x7;
	v29 =	vor.u32 $0x20, v20;
	[tilespmem:v17+s25+$0x0] =	vst.idx.msk $0xffff, v14  }
0xd1: {  	v14 =	vshrl.u32 v24, $0x2;
	v17 =	vor.u32 v20, v5;
	v11 =	vor.u32 v5, v29;
	v7 =	vld.idx.msk [tilespmem:v7+s14+$0x0], $0xffff  }
0xd2: {  	v31 =	vor.u32 v12, v20;
	v5 =	vor.u32 v12, v29;
	v12 =	vshll.u32 v24, $0x7;
	[tilespmem:v13+s25+$0x0] =	vst.idx.msk $0xffff, v8  }
0xd3: {  	v32 =	vand.u32 $0x2, v14;
	v12 =	vand.u32 $0x380, v12;
	v14 =	vor.u32 v28, v29;
	v8 =	vld.idx.msk [tilespmem:v15+s14+$0x0], $0xffff  }
0xd4: {  	s26 =	sshrl.u32 s23, $0x7;
	v28 =	vor.u32 v20, v28;
	v13 =	vshrl.u32 v26, $0x2;
	v15 =	vor.u32 $0x10, v20;
	[tilespmem:v16+s25+$0x0] =	vst.idx.msk $0xffff, v27  }
0xd5: {  	v13 =	vand.u32 $0x2, v13;
	v16 =	vor.u32 v22, v15;
	v27 =	vadd.s32 s26, v32;
	v33 =	vld.idx.msk [tilespmem:v6+s14+$0x0], $0xffff;
	[tilespmem:v25+s25+$0x0] =	vst.idx.msk $0xffff, v9  }
0xd6: {  	v6 =	vshll.u32 v27, $0xA;
	v9 =	vadd.s32 s26, v13;
	v25 =	vor.u32 v26, v15  }
0xd7: {  	v6 =	vor.u32 v12, v6;
	v9 =	vshll.u32 v9, $0xA;
	v27 =	vld.idx.msk [tilespmem:v31+s14+$0x0], $0xffff;
	v31 =	vor.u32 v24, v15  }
0xd8: {  	s29 =	sor.u32 $0x4, s26;
	v21 =	vand.u32 $0x380, v21;
	v30 =	vand.u32 $0x380, v30;
	v6 =	vor.u32 v4, v6;
	v17 =	vld.idx.msk [tilespmem:v17+s14+$0x0], $0xffff;
	[tilespmem:v23+s25+$0x0] =	vst.idx.msk $0xffff, v7  }
0xd9: {  	v18 =	vand.u32 $0x2, v18;
	v23 =	vor.u32 v3, v6;
	v6 =	vadd.s32 s29, v13;
	v28 =	vld.idx.msk [tilespmem:v28+s14+$0x0], $0xffff;
	[tilespmem:v10+s25+$0x0] =	vst.idx.msk $0xffff, v8  }
0xda: {  	v35 =	vadd.s32 s28, v0;
	v34 =	vor.u32 $0x30, v20;
	v7 =	vshll.u32 v6, $0xA  }
0xdb: {  	v9 =	vor.u32 v30, v9;
	v8 =	vadd.s32 s26, v18;
	v6 =	vor.u32 v22, v34;
	[tilespmem:v19+s25+$0x0] =	vst.idx.msk $0xffff, v33  }
0xdc: {  	v8 =	vshll.u32 v8, $0xA;
	v10 =	vor.u32 v30, v7;
	v7 =	vor.u32 v26, v34  }
0xdd: {  	v22 =	vor.u32 v35, v15;
	v8 =	vor.u32 v21, v8;
	v19 =	vshrl.u32 v35, $0x2  }
0xde: {  	v9 =	vor.u32 v4, v9;
	v15 =	vshll.u32 v35, $0x7;
	[tilespmem:v23+s25+$0x0] =	vst.idx.msk $0xffff, v17;
	v17 =	vand.u32 $0x2, v19  }
0xdf: {  	v9 =	vor.u32 v3, v9;
	v19 =	vadd.s32 s29, v18;
	v23 =	vand.u32 $0xF, v35  }
0xe0: {  	v26 =	vor.u32 v4, v8;
	v19 =	vshll.u32 v19, $0xA;
	v33 =	vadd.s32 s26, v17  }
0xe1: {  	v10 =	vor.u32 v4, v10;
	v36 =	vadd.s32 s29, v17;
	v8 =	vor.u32 v23, v29  }
0xe2: {  	s28 =	sor.u32 $0x8, s26;
	v20 =	vor.u32 v20, v23;
	v23 =	vor.u32 v3, v10;
	v19 =	vor.u32 v21, v19  }
0xe3: {  	v29 =	vand.u32 $0x380, v15;
	v15 =	vadd.s32 s28, v13;
	v10 =	vor.u32 v4, v19  }
0xe4: {  	v15 =	vshll.u32 v15, $0xA;
	v19 =	vshll.u32 v33, $0xA;
	v10 =	vor.u32 v3, v10;
	[tilespmem:v9+s25+$0x0] =	vst.idx.msk $0xffff, v28  }
0xe5: {  	v15 =	vor.u32 v30, v15;
	v28 =	vadd.s32 s29, v32;
	v9 =	vor.u32 v24, v34  }
0xe6: {  	v33 =	vor.u32 v4, v15;
	v24 =	vshll.u32 v28, $0xA;
	v28 =	vshll.u32 v36, $0xA  }
0xe7: {  	v19 =	vor.u32 v29, v19;
	v15 =	vor.u32 v12, v24;
	v24 =	vadd.s32 s28, v32;
	v25 =	vld.idx.msk [tilespmem:v25+s14+$0x0], $0xffff  }
0xe8: {  	s26 =	sor.u32 $0xC, s26;
	v19 =	vor.u32 v4, v19;
	v36 =	vadd.s32 s28, v18;
	v15 =	vor.u32 v4, v15;
	v20 =	vld.idx.msk [tilespmem:v20+s14+$0x0], $0xffff  }
0xe9: {  	v18 =	vadd.s32 s26, v18;
	v37 =	vor.u32 v3, v15;
	v15 =	vor.u32 v3, v19  }
0xea: {  	v24 =	vshll.u32 v24, $0xA;
	v19 =	vor.u32 v3, v26;
	v26 =	vshll.u32 v36, $0xA  }
0xeb: {  	v24 =	vor.u32 v12, v24;
	v36 =	vadd.s32 s28, v17;
	v26 =	vor.u32 v21, v26;
	v31 =	vld.idx.msk [tilespmem:v31+s14+$0x0], $0xffff  }
0xec: {  	v28 =	vor.u32 v29, v28;
	v24 =	vor.u32 v4, v24;
	v26 =	vor.u32 v4, v26  }
0xed: {  	v18 =	vshll.u32 v18, $0xA;
	v28 =	vor.u32 v4, v28;
	v36 =	vshll.u32 v36, $0xA;
	[tilespmem:v23+s25+$0x0] =	vst.idx.msk $0xffff, v25  }
0xee: {  	v23 =	vadd.s32 s26, v32;
	v25 =	vadd.s32 s26, v17;
	[tilespmem:v15+s25+$0x0] =	vst.idx.msk $0xffff, v20;
	v15 =	vor.u32 v35, v34;
	v14 =	vld.idx.msk [tilespmem:v14+s14+$0x0], $0xffff  }
0xef: {  	v18 =	vor.u32 v21, v18;
	v17 =	vor.u32 v3, v33;
	[tilespmem:v19+s25+$0x0] =	vst.idx.msk $0xffff, v27;
	v21 =	vld.idx.msk [tilespmem:v22+s14+$0x0], $0xffff  }
.Ltmp1:
0xf0: {  	v19 =	vor.u32 v4, v18;
	v18 =	vor.u32 v3, v24;
	v22 =	vor.u32 v3, v28;
	v20 =	vld.idx.msk [tilespmem:v16+s14+$0x0], $0xffff;
	(pc) =	sbr.rel @p0 .LBB2_5-.Ltmp1, $4  }
0xf1: {  	v13 =	vadd.s32 s26, v13;
	v23 =	vshll.u32 v23, $0xA;
	v16 =	vor.u32 v3, v26;
	[tilespmem:v37+s25+$0x0] =	vst.idx.msk $0xffff, v31  }
0xf2: {  	v12 =	vor.u32 v12, v23;
	v23 =	vshll.u32 v25, $0xA;
	v24 =	vshll.u32 v13, $0xA;
	v11 =	vld.idx.msk [tilespmem:v11+s14+$0x0], $0xffff  }
0xf3: {  	v13 =	vor.u32 v4, v12;
	v12 =	vor.u32 v29, v36;
	v25 =	vor.u32 v30, v24  }
0xf4: {  	v24 =	vor.u32 v4, v12;
	v12 =	vor.u32 v29, v23;
	v23 =	vor.u32 v4, v25  }
0xf5: {  	_ =	sdelay $0x3  }
0xf6: {  	[tilespmem:v22+s25+$0x0] =	vst.idx.msk $0xffff, v21  }
0xf7: {  	v61 =	vor.u32 v3, v24;
	[tilespmem:v10+s25+$0x0] =	vst.idx.msk $0xffff, v20;
	v8 =	vld.idx.msk [tilespmem:v8+s14+$0x0], $0xffff  }
0xf8: {  	v5 =	vld.idx.msk [tilespmem:v5+s14+$0x0], $0xffff;
	_ =	sdelay $0x1  }
0xf9: {  	[tilespmem:v17+s25+$0x0] =	vst.idx.msk $0xffff, v14  }
0xfa: {  	v63 =	vor.u32 v3, v23;
	v7 =	vld.idx.msk [tilespmem:v7+s14+$0x0], $0xffff;
	[tilespmem:v18+s25+$0x0] =	vst.idx.msk $0xffff, v11  }
0xfb: {  	v62 =	vor.u32 v3, v13;
	v4 =	vor.u32 v4, v12;
	v9 =	vld.idx.msk [tilespmem:v9+s14+$0x0], $0xffff;
	[tilespmem:v61+s25+$0x0] =	vst.idx.msk $0xffff, v8  }
0xfc: {  	v4 =	vor.u32 v3, v4;
	[tilespmem:v16+s25+$0x0] =	vst.idx.msk $0xffff, v5;
	v8 =	vld.idx.msk [tilespmem:v15+s14+$0x0], $0xffff  }
0xfd: {  	s21 =	sadd.s32 s21, s4;
	v5 =	vor.u32 v3, v19;
	v6 =	vld.idx.msk [tilespmem:v6+s14+$0x0], $0xffff  }
0xfe: {  	s21 =	sadd.s32 $0x100, s21  }
0xff: {  	s23 =	sshll.u32 s21, $0x3;
	[tilespmem:v63+s25+$0x0] =	vst.idx.msk $0xffff, v7  }
0x100: {  	s21 =	sand.u32 $0x3F00, s21;
	s23 =	sand.u32 $0xFFE0000, s23;
	[tilespmem:v62+s25+$0x0] =	vst.idx.msk $0xffff, v9  }
0x101: {  	s21 =	sor.u32 s21, s23;
	[tilespmem:v4+s25+$0x0] =	vst.idx.msk $0xffff, v8  }
0x102: {  	s23 =	sadd.s32 s2, s21;
	[tilespmem:v5+s25+$0x0] =	vst.idx.msk $0xffff, v6  }
0x103: {  	[hbm4b:s23+s3] =	stream.linear.scatter [tilespmem:s25], [sflag:$0x4], $0x800, $0x38;
	[tilespmem:$0x16400] =	vst v63  }
0x104: {  	s26 =	simm.s32 $0x12C00;
	s28 =	sadd.s32 s21, s7  }
0x105: {  	[hbm4b:s28+s3] =	stream.linear.scatter [tilespmem:s26], [sflag:$0x4], $0x800, $0x38;
	[tilespmem:$0x16400] =	vst v63  }
0x106: {  	s30 =	simm.s32 $0x13400;
	s29 =	sadd.s32 s21, s8  }
0x107: {  	[hbm4b:s29+s3] =	stream.linear.scatter [tilespmem:s30], [sflag:$0x4], $0x800, $0x38;
	[tilespmem:$0x16400] =	vst v63  }
0x108: {  	s26 =	sadd.s32 s21, s9;
	s28 =	simm.s32 $0x13C00  }
0x109: {  	[hbm4b:s26+s3] =	stream.linear.scatter [tilespmem:s28], [sflag:$0x4], $0x800, $0x38;
	[tilespmem:$0x16400] =	vst v63  }
0x10a: {  	s29 =	sadd.s32 s21, s10;
	s30 =	simm.s32 $0x14400  }
0x10b: {  	[hbm4b:s29+s3] =	stream.linear.scatter [tilespmem:s30], [sflag:$0x4], $0x800, $0x38;
	[tilespmem:$0x16400] =	vst v63  }
0x10c: {  	s20 =	sadd.s32 $0x1, s20;
	s28 =	sadd.s32 s21, s11  }
0x10d: {  	[hbm4b:s28+s3] =	stream.linear.scatter [tilespmem:s31], [sflag:$0x4], $0x800, $0x38;
	[tilespmem:$0x16400] =	vst v63  }
0x10e: {  	p0 =	sne.s32 s20, $0x31;
	s29 =	sadd.s32 s21, s12  }
0x10f: {  	[hbm4b:s29+s3] =	stream.linear.scatter [tilespmem:s1], [sflag:$0x4], $0x800, $0x38;
	[tilespmem:$0x16400] =	vst v63  }
.Ltmp2:
0x110: {  	_ = 	snop;
	(pc) =	sbr.rel @p0 .LBB2_2-.Ltmp2, $4  }
0x111: {  	s21 =	sadd.s32 s21, s13  }
0x112: {  	[hbm4b:s21+s3] =	stream.linear.scatter [tilespmem:s17], [sflag:$0x4], $0x800, $0x38;
	[tilespmem:$0x16400] =	vst v63  }
0x113: {  	s30 =	sadd.s32 $0x300, s22  }
0x114: {  	[tilespmem:s14], [sflag:$0x2] =	stream.indirect.gather [hbm4b:s5+s0], $0x40, s30, s0, $0xb8;
	[tilespmem:$0x16400] =	vst v63  }
0x115: {  	_ =	swait.ge [sflag:s15], $0x4000;
	s20 =	simm.s32 $0x0  }
0x116: {  	[sflag:s15] =	ssyncset.done $0x0;
	s21 =	sand.u32 $0xF0, s20  }
0x117: {  	s22 =	sand.u32 $0xC, s20;
	s23 =	sand.u32 $0x70, s20;
	[sflag:s15] =	ssyncadd.s32 $0xFFFFC000  }
0x118: {  	v5 =	vmov s21;
	v4 =	vor.u32 s23, v2;
	s23 =	sor.u32 $0x1, s22;
	_ =	swait.ge [sflag:s18], $0x800  }
0x119: {  	v6 =	vadd.s32 s22, v0;
	s26 =	sor.u32 $0x3, s22;
	v5 =	vshll.u32 v5, $0x6;
	v9 =	vadd.s32 s23, v0;
	[sflag:s18] =	ssyncset.done $0x0  }
0x11a: {  	s22 =	sor.u32 $0x2, s22;
	v7 =	vshll.u32 v6, $0x7;
	v8 =	vadd.s32 s26, v0;
	v12 =	vshrl.u32 v6, $0x2;
	[sflag:s18] =	ssyncadd.s32 $0xFFFFF800  }
0x11b: {  	v14 =	vand.u32 $0xF, v6;
	v30 =	vadd.s32 s22, v0;
	v10 =	vor.u32 v1, v5;
	_ =	swait.ge [sflag:s18], $0x800  }
0x11c: {  	v5 =	vand.u32 $0xF, v9;
	v13 =	vand.u32 $0xF, v8;
	v16 =	vshll.u32 v8, $0x7;
	[sflag:s18] =	ssyncset.done $0x0  }
0x11d: {  	v17 =	vshrl.u32 v9, $0x2;
	v20 =	vshll.u32 v9, $0x7;
	v22 =	vshrl.u32 v8, $0x2;
	[sflag:s18] =	ssyncadd.s32 $0xFFFFF800  }
0x11e: {  	v28 =	vand.u32 $0x380, v7;
	v12 =	vand.u32 $0x2, v12;
	v52 =	vshrl.u32 v30, $0x2;
	_ =	swait.ge [sflag:s18], $0x800  }
0x11f: {  	v53 =	vshll.u32 v30, $0x7;
	v35 =	vand.u32 $0xF, v30;
	v15 =	vor.u32 $0x20, v10;
	[sflag:s18] =	ssyncset.done $0x0  }
0x120: {  	s28 =	simm.s32 $0x0;
	v18 =	vor.u32 v10, v5;
	v19 =	vor.u32 v14, v10;
	v20 =	vand.u32 $0x380, v20;
	[sflag:s18] =	ssyncadd.s32 $0xFFFFF800  }
0x121: {  	s29 =	sor.u32 $0x4, s28;
	v24 =	vand.u32 $0x2, v22;
	v29 =	vand.u32 $0x380, v16;
	v31 =	vadd.s32 s28, v12;
	_ =	swait.ge [sflag:s18], $0x800  }
0x122: {  	v34 =	vadd.s32 s29, v12;
	v55 =	vor.u32 v10, v35;
	v11 =	vor.u32 v5, v15;
	[sflag:s18] =	ssyncset.done $0x0  }
0x123: {  	v5 =	vor.u32 v14, v15;
	v14 =	vand.u32 $0x2, v17;
	v21 =	vor.u32 v13, v15;
	[sflag:s18] =	ssyncadd.s32 $0xFFFFF800  }
0x124: {  	s30 =	sor.u32 $0x8, s28;
	v17 =	vor.u32 $0x10, v10;
	v13 =	vor.u32 v10, v13;
	v31 =	vshll.u32 v31, $0xA;
	_ =	swait.ge [sflag:s18], $0x800  }
0x125: {  	v34 =	vshll.u32 v34, $0xA;
	v56 =	vadd.s32 s30, v24;
	v23 =	vadd.s32 s28, v14;
	[sflag:s18] =	ssyncset.done $0x0  }
0x126: {  	v25 =	vor.u32 v6, v17;
	v26 =	vor.u32 v8, v17;
	v27 =	vor.u32 v9, v17;
	[sflag:s18] =	ssyncadd.s32 $0xFFFFF800  }
0x127: {  	v33 =	vor.u32 v30, v17;
	v17 =	vand.u32 $0x2, v52;
	v54 =	vor.u32 v28, v34;
	_ =	swait.ge [sflag:s18], $0x800  }
0x128: {  	v58 =	vadd.s32 s29, v14;
	v39 =	vadd.s32 s30, v14;
	v22 =	vshll.u32 v23, $0xA;
	[sflag:s18] =	ssyncset.done $0x0  }
0x129: {  	v23 =	vadd.s32 s28, v24;
	v37 =	vadd.s32 s28, v17;
	v38 =	vadd.s32 s29, v17;
	[sflag:s18] =	ssyncadd.s32 $0xFFFFF800  }
0x12a: {  	v22 =	vor.u32 v20, v22;
	v23 =	vshll.u32 v23, $0xA;
	v57 =	vshll.u32 v37, $0xA;
	_ =	swait.ge [sflag:s18], $0x800  }
0x12b: {  	v37 =	vshll.u32 v58, $0xA;
	v38 =	vshll.u32 v38, $0xA;
	v7 =	vor.u32 v4, v22;
	[sflag:s18] =	ssyncset.done $0x0  }
0x12c: {  	v22 =	vor.u32 $0x30, v10;
	v23 =	vor.u32 v29, v23;
	v10 =	vor.u32 v4, v54;
	[sflag:s18] =	ssyncadd.s32 $0xFFFFF800  }
0x12d: {  	v37 =	vor.u32 v20, v37;
	v16 =	vor.u32 v3, v7;
	v7 =	vadd.s32 s29, v24;
	_ =	swait.ge [sflag:s18], $0x800  }
0x12e: {  	v6 =	vor.u32 v6, v22;
	v23 =	vor.u32 v4, v23;
	v10 =	vor.u32 v3, v10;
	[sflag:s18] =	ssyncset.done $0x0  }
0x12f: {  	v9 =	vor.u32 v9, v22;
	v7 =	vshll.u32 v7, $0xA;
	v23 =	vor.u32 v3, v23;
	[sflag:s18] =	ssyncadd.s32 $0xFFFFF800  }
0x130: {  	v32 =	vor.u32 v29, v7;
	v7 =	vor.u32 v8, v22;
	v8 =	vor.u32 v28, v31;
	v13 =	vld.idx.msk [tilespmem:v13+s6+$0x0], $0xffff  }
0x131: {  	v59 =	vor.u32 v4, v37;
	v31 =	vand.u32 $0x380, v53;
	v36 =	vor.u32 v4, v8;
	v18 =	vld.idx.msk [tilespmem:v18+s6+$0x0], $0xffff  }
0x132: {  	v8 =	vor.u32 v35, v15;
	v15 =	vor.u32 v4, v32;
	v32 =	vshll.u32 v56, $0xA  }
0x133: {  	v35 =	vor.u32 v3, v59;
	v15 =	vor.u32 v3, v15;
	v32 =	vor.u32 v29, v32  }
0x134: {  	v60 =	vor.u32 v3, v36;
	v32 =	vor.u32 v4, v32;
	v61 =	vld.idx.msk [tilespmem:v19+s6+$0x0], $0xffff;
	v19 =	vadd.s32 s30, v17  }
0x135: {  	s21 =	sor.u32 $0xC, s28;
	v63 =	vshll.u32 v19, $0xA;
	[tilespmem:v23+s16+$0x0] =	vst.idx.msk $0xffff, v13;
	v13 =	vor.u32 v31, v57;
	v23 =	vadd.s32 s30, v12  }
0x136: {  	v12 =	vadd.s32 s21, v12;
	[tilespmem:v16+s16+$0x0] =	vst.idx.msk $0xffff, v18;
	v26 =	vld.idx.msk [tilespmem:v26+s6+$0x0], $0xffff;
	v13 =	vor.u32 v4, v13;
	v18 =	vshll.u32 v23, $0xA  }
0x137: {  	v16 =	vld.idx.msk [tilespmem:v55+s6+$0x0], $0xffff;
	v23 =	vshll.u32 v39, $0xA;
	v12 =	vshll.u32 v12, $0xA;
	v13 =	vor.u32 v3, v13  }
0x138: {  	v27 =	vld.idx.msk [tilespmem:v27+s6+$0x0], $0xffff;
	v18 =	vor.u32 v28, v18;
	v23 =	vor.u32 v20, v23;
	v12 =	vor.u32 v28, v12  }
0x139: {  	v62 =	vor.u32 v4, v18;
	v18 =	vor.u32 v31, v38;
	v23 =	vor.u32 v4, v23  }
0x13a: {  	[tilespmem:v60+s16+$0x0] =	vst.idx.msk $0xffff, v61;
	v38 =	vor.u32 v4, v18;
	v18 =	vor.u32 v3, v23;
	v23 =	vadd.s32 s21, v24  }
0x13b: {  	v19 =	vor.u32 v4, v12;
	v23 =	vshll.u32 v23, $0xA;
	[tilespmem:v15+s16+$0x0] =	vst.idx.msk $0xffff, v26;
	v26 =	vadd.s32 s21, v14  }
0x13c: {  	v14 =	vor.u32 v30, v22;
	v22 =	vor.u32 v3, v38;
	[tilespmem:v13+s16+$0x0] =	vst.idx.msk $0xffff, v16;
	v15 =	vld.idx.msk [tilespmem:v21+s6+$0x0], $0xffff  }
0x13d: {  	[tilespmem:v35+s16+$0x0] =	vst.idx.msk $0xffff, v27;
	v23 =	vor.u32 v29, v23;
	v13 =	vadd.s32 s21, v17;
	v12 =	vshll.u32 v26, $0xA;
	v21 =	vld.idx.msk [tilespmem:v33+s6+$0x0], $0xffff  }
0x13e: {  	v17 =	vor.u32 v3, v32;
	v16 =	vor.u32 v3, v62;
	v12 =	vor.u32 v20, v12  }
0x13f: {  	v26 =	vshll.u32 v13, $0xA;
	v20 =	vld.idx.msk [tilespmem:v25+s6+$0x0], $0xffff;
	v13 =	vor.u32 v4, v12;
	v12 =	vor.u32 v31, v63  }
0x140: {  	v11 =	vld.idx.msk [tilespmem:v11+s6+$0x0], $0xffff;
	v23 =	vor.u32 v4, v23;
	v24 =	vor.u32 v4, v12;
	v12 =	vor.u32 v31, v26  }
.LBB2_8:
0x141: {  	s20 =	sadd.s32 $0x4, s20;
	v25 =	vor.u32 v3, v13;
	v13 =	vor.u32 v3, v24;
	v23 =	vor.u32 v3, v23  }
0x142: {  	v19 =	vor.u32 v3, v19;
	v12 =	vor.u32 v4, v12;
	s21 =	sand.u32 $0xC, s20;
	s22 =	sand.u32 $0x70, s20;
	s23 =	sand.u32 $0xF0, s20;
	[tilespmem:v22+s16+$0x0] =	vst.idx.msk $0xffff, v21  }
0x143: {  	p0 =	slt.u32 s20, $0xFC;
	v21 =	vmov s23;
	v22 =	vadd.s32 s21, v0;
	v4 =	vor.u32 s22, v2;
	s23 =	sor.u32 $0x1, s21;
	s22 =	sor.u32 $0x2, s21;
	v8 =	vld.idx.msk [tilespmem:v8+s6+$0x0], $0xffff  }
0x144: {  	s21 =	sor.u32 $0x3, s21;
	v21 =	vshll.u32 v21, $0x6;
	v24 =	vadd.s32 s23, v0;
	[tilespmem:v10+s16+$0x0] =	vst.idx.msk $0xffff, v20;
	v10 =	vor.u32 v3, v12  }
0x145: {  	v26 =	vadd.s32 s21, v0;
	v20 =	vor.u32 v1, v21;
	v21 =	vshll.u32 v22, $0x7;
	v27 =	vld.idx.msk [tilespmem:v5+s6+$0x0], $0xffff;
	[tilespmem:v18+s16+$0x0] =	vst.idx.msk $0xffff, v11  }
0x146: {  	v18 =	vshrl.u32 v22, $0x2;
	v5 =	vand.u32 $0xF, v24;
	v28 =	vand.u32 $0xF, v26;
	v9 =	vld.idx.msk [tilespmem:v9+s6+$0x0], $0xffff  }
0x147: {  	v12 =	vand.u32 $0xF, v22;
	v30 =	vshll.u32 v26, $0x7;
	v29 =	vor.u32 $0x20, v20;
	[tilespmem:v17+s16+$0x0] =	vst.idx.msk $0xffff, v15  }
0x148: {  	v15 =	vshrl.u32 v24, $0x2;
	v17 =	vor.u32 v20, v5;
	v11 =	vor.u32 v5, v29;
	v7 =	vld.idx.msk [tilespmem:v7+s6+$0x0], $0xffff  }
0x149: {  	v31 =	vor.u32 v12, v20;
	v5 =	vor.u32 v12, v29;
	v12 =	vshll.u32 v24, $0x7;
	[tilespmem:v13+s16+$0x0] =	vst.idx.msk $0xffff, v8  }
0x14a: {  	v32 =	vand.u32 $0x2, v15;
	v12 =	vand.u32 $0x380, v12;
	v15 =	vor.u32 v28, v29;
	v8 =	vld.idx.msk [tilespmem:v14+s6+$0x0], $0xffff  }
0x14b: {  	s21 =	sshrl.u32 s20, $0x7;
	v28 =	vor.u32 v20, v28;
	v13 =	vshrl.u32 v26, $0x2;
	v14 =	vor.u32 $0x10, v20;
	[tilespmem:v16+s16+$0x0] =	vst.idx.msk $0xffff, v27  }
0x14c: {  	v13 =	vand.u32 $0x2, v13;
	v16 =	vor.u32 v22, v14;
	v27 =	vadd.s32 s21, v32;
	v33 =	vld.idx.msk [tilespmem:v6+s6+$0x0], $0xffff;
	[tilespmem:v25+s16+$0x0] =	vst.idx.msk $0xffff, v9  }
0x14d: {  	v6 =	vshll.u32 v27, $0xA;
	v9 =	vadd.s32 s21, v13;
	v25 =	vor.u32 v26, v14  }
0x14e: {  	v6 =	vor.u32 v12, v6;
	v9 =	vshll.u32 v9, $0xA;
	v27 =	vld.idx.msk [tilespmem:v31+s6+$0x0], $0xffff;
	v31 =	vor.u32 v24, v14  }
0x14f: {  	s23 =	sor.u32 $0x4, s21;
	v21 =	vand.u32 $0x380, v21;
	v30 =	vand.u32 $0x380, v30;
	v6 =	vor.u32 v4, v6;
	v17 =	vld.idx.msk [tilespmem:v17+s6+$0x0], $0xffff;
	[tilespmem:v23+s16+$0x0] =	vst.idx.msk $0xffff, v7  }
0x150: {  	v18 =	vand.u32 $0x2, v18;
	v23 =	vor.u32 v3, v6;
	v6 =	vadd.s32 s23, v13;
	v28 =	vld.idx.msk [tilespmem:v28+s6+$0x0], $0xffff;
	[tilespmem:v10+s16+$0x0] =	vst.idx.msk $0xffff, v8  }
0x151: {  	v35 =	vadd.s32 s22, v0;
	v34 =	vor.u32 $0x30, v20;
	v7 =	vshll.u32 v6, $0xA  }
0x152: {  	v9 =	vor.u32 v30, v9;
	v8 =	vadd.s32 s21, v18;
	v6 =	vor.u32 v22, v34;
	[tilespmem:v19+s16+$0x0] =	vst.idx.msk $0xffff, v33  }
0x153: {  	v8 =	vshll.u32 v8, $0xA;
	v10 =	vor.u32 v30, v7;
	v7 =	vor.u32 v26, v34  }
0x154: {  	v22 =	vor.u32 v35, v14;
	v8 =	vor.u32 v21, v8;
	v19 =	vshrl.u32 v35, $0x2  }
0x155: {  	v9 =	vor.u32 v4, v9;
	v14 =	vshll.u32 v35, $0x7;
	[tilespmem:v23+s16+$0x0] =	vst.idx.msk $0xffff, v17;
	v17 =	vand.u32 $0x2, v19  }
0x156: {  	v9 =	vor.u32 v3, v9;
	v19 =	vadd.s32 s23, v18;
	v23 =	vand.u32 $0xF, v35  }
0x157: {  	v26 =	vor.u32 v4, v8;
	v19 =	vshll.u32 v19, $0xA;
	v33 =	vadd.s32 s21, v17  }
0x158: {  	v10 =	vor.u32 v4, v10;
	v36 =	vadd.s32 s23, v17;
	v8 =	vor.u32 v23, v29  }
0x159: {  	s22 =	sor.u32 $0x8, s21;
	v20 =	vor.u32 v20, v23;
	v23 =	vor.u32 v3, v10;
	v19 =	vor.u32 v21, v19  }
0x15a: {  	v29 =	vand.u32 $0x380, v14;
	v14 =	vadd.s32 s22, v13;
	v10 =	vor.u32 v4, v19  }
0x15b: {  	v14 =	vshll.u32 v14, $0xA;
	v19 =	vshll.u32 v33, $0xA;
	v10 =	vor.u32 v3, v10;
	[tilespmem:v9+s16+$0x0] =	vst.idx.msk $0xffff, v28  }
0x15c: {  	v14 =	vor.u32 v30, v14;
	v28 =	vadd.s32 s23, v32;
	v9 =	vor.u32 v24, v34  }
0x15d: {  	v33 =	vor.u32 v4, v14;
	v24 =	vshll.u32 v28, $0xA;
	v28 =	vshll.u32 v36, $0xA  }
0x15e: {  	v19 =	vor.u32 v29, v19;
	v14 =	vor.u32 v12, v24;
	v24 =	vadd.s32 s22, v32;
	v25 =	vld.idx.msk [tilespmem:v25+s6+$0x0], $0xffff  }
0x15f: {  	s21 =	sor.u32 $0xC, s21;
	v19 =	vor.u32 v4, v19;
	v36 =	vadd.s32 s22, v18;
	v14 =	vor.u32 v4, v14;
	v20 =	vld.idx.msk [tilespmem:v20+s6+$0x0], $0xffff  }
0x160: {  	v18 =	vadd.s32 s21, v18;
	v37 =	vor.u32 v3, v14;
	v14 =	vor.u32 v3, v19  }
0x161: {  	v24 =	vshll.u32 v24, $0xA;
	v19 =	vor.u32 v3, v26;
	v26 =	vshll.u32 v36, $0xA  }
0x162: {  	v24 =	vor.u32 v12, v24;
	v36 =	vadd.s32 s22, v17;
	v26 =	vor.u32 v21, v26;
	v31 =	vld.idx.msk [tilespmem:v31+s6+$0x0], $0xffff  }
0x163: {  	v28 =	vor.u32 v29, v28;
	v24 =	vor.u32 v4, v24;
	v26 =	vor.u32 v4, v26  }
0x164: {  	v18 =	vshll.u32 v18, $0xA;
	v28 =	vor.u32 v4, v28;
	v36 =	vshll.u32 v36, $0xA;
	[tilespmem:v23+s16+$0x0] =	vst.idx.msk $0xffff, v25  }
0x165: {  	v23 =	vadd.s32 s21, v32;
	v25 =	vadd.s32 s21, v17;
	[tilespmem:v14+s16+$0x0] =	vst.idx.msk $0xffff, v20;
	v14 =	vor.u32 v35, v34;
	v15 =	vld.idx.msk [tilespmem:v15+s6+$0x0], $0xffff  }
0x166: {  	v18 =	vor.u32 v21, v18;
	v17 =	vor.u32 v3, v33;
	[tilespmem:v19+s16+$0x0] =	vst.idx.msk $0xffff, v27;
	v21 =	vld.idx.msk [tilespmem:v22+s6+$0x0], $0xffff  }
.Ltmp3:
0x167: {  	v19 =	vor.u32 v4, v18;
	v18 =	vor.u32 v3, v24;
	v22 =	vor.u32 v3, v28;
	v20 =	vld.idx.msk [tilespmem:v16+s6+$0x0], $0xffff;
	(pc) =	sbr.rel @p0 .LBB2_8-.Ltmp3, $4  }
0x168: {  	v13 =	vadd.s32 s21, v13;
	v23 =	vshll.u32 v23, $0xA;
	v16 =	vor.u32 v3, v26;
	[tilespmem:v37+s16+$0x0] =	vst.idx.msk $0xffff, v31  }
0x169: {  	v12 =	vor.u32 v12, v23;
	v23 =	vshll.u32 v25, $0xA;
	v24 =	vshll.u32 v13, $0xA;
	v11 =	vld.idx.msk [tilespmem:v11+s6+$0x0], $0xffff  }
0x16a: {  	v13 =	vor.u32 v4, v12;
	v12 =	vor.u32 v29, v36;
	v25 =	vor.u32 v30, v24  }
0x16b: {  	v24 =	vor.u32 v4, v12;
	v12 =	vor.u32 v29, v23;
	v23 =	vor.u32 v4, v25  }
0x16c: {  	_ =	sdelay $0x3  }
0x16d: {  	[tilespmem:v22+s16+$0x0] =	vst.idx.msk $0xffff, v21  }
0x16e: {  	v21 =	vor.u32 v3, v24;
	[tilespmem:v10+s16+$0x0] =	vst.idx.msk $0xffff, v20;
	v8 =	vld.idx.msk [tilespmem:v8+s6+$0x0], $0xffff  }
0x16f: {  	v5 =	vld.idx.msk [tilespmem:v5+s6+$0x0], $0xffff;
	_ =	sdelay $0x1  }
0x170: {  	[tilespmem:v17+s16+$0x0] =	vst.idx.msk $0xffff, v15  }
0x171: {  	v7 =	vld.idx.msk [tilespmem:v7+s6+$0x0], $0xffff;
	[tilespmem:v18+s16+$0x0] =	vst.idx.msk $0xffff, v11;
	v11 =	vor.u32 v3, v23  }
0x172: {  	v10 =	vor.u32 v3, v13;
	v4 =	vor.u32 v4, v12;
	v9 =	vld.idx.msk [tilespmem:v9+s6+$0x0], $0xffff;
	[tilespmem:v21+s16+$0x0] =	vst.idx.msk $0xffff, v8  }
0x173: {  	v4 =	vor.u32 v3, v4;
	[tilespmem:v16+s16+$0x0] =	vst.idx.msk $0xffff, v5;
	v8 =	vld.idx.msk [tilespmem:v14+s6+$0x0], $0xffff  }
0x174: {  	v5 =	vor.u32 v3, v19;
	v6 =	vld.idx.msk [tilespmem:v6+s6+$0x0], $0xffff;
	_ =	sdelay $0x1  }
0x175: {  	[tilespmem:v11+s16+$0x0] =	vst.idx.msk $0xffff, v7  }
0x176: {  	[tilespmem:v10+s16+$0x0] =	vst.idx.msk $0xffff, v9  }
0x177: {  	[tilespmem:v4+s16+$0x0] =	vst.idx.msk $0xffff, v8  }
0x178: {  	[tilespmem:v5+s16+$0x0] =	vst.idx.msk $0xffff, v6  }
0x179: {  	s20 =	rddreg [dreg:$0x4]  }
0x17a: {  	[hbm4b:s20+s3] =	stream.linear.scatter [tilespmem:s16], [sflag:$0x3], $0x800, $0x38;
	[tilespmem:$0x16400] =	vst v63  }
0x17b: {  	s21 =	simm.s32 $0xEC00;
	s30 =	rddreg [dreg:$0x5]  }
0x17c: {  	[hbm4b:s30+s3] =	stream.linear.scatter [tilespmem:s21], [sflag:$0x3], $0x800, $0x38;
	[tilespmem:$0x16400] =	vst v63  }
0x17d: {  	s23 =	simm.s32 $0xF400;
	s22 =	rddreg [dreg:$0x6]  }
0x17e: {  	[hbm4b:s22+s3] =	stream.linear.scatter [tilespmem:s23], [sflag:$0x3], $0x800, $0x38;
	[tilespmem:$0x16400] =	vst v63  }
0x17f: {  	s28 =	simm.s32 $0xFC00;
	s26 =	rddreg [dreg:$0x7]  }
0x180: {  	[hbm4b:s26+s3] =	stream.linear.scatter [tilespmem:s28], [sflag:$0x3], $0x800, $0x38;
	[tilespmem:$0x16400] =	vst v63  }
0x181: {  	s29 =	rddreg [dreg:$0x8];
	s30 =	simm.s32 $0x10400  }
0x182: {  	[hbm4b:s29+s3] =	stream.linear.scatter [tilespmem:s30], [sflag:$0x3], $0x800, $0x38;
	[tilespmem:$0x16400] =	vst v63  }
0x183: {  	s21 =	rddreg [dreg:$0x9];
	s22 =	simm.s32 $0x10C00  }
0x184: {  	[hbm4b:s21+s3] =	stream.linear.scatter [tilespmem:s22], [sflag:$0x3], $0x800, $0x38;
	[tilespmem:$0x16400] =	vst v63  }
0x185: {  	s23 =	rddreg [dreg:$0xa];
	s26 =	simm.s32 $0x11400  }
0x186: {  	[hbm4b:s23+s3] =	stream.linear.scatter [tilespmem:s26], [sflag:$0x3], $0x800, $0x38;
	[tilespmem:$0x16400] =	vst v63  }
0x187: {  	s28 =	rddreg [dreg:$0xb];
	s29 =	simm.s32 $0x11C00  }
0x188: {  	[hbm4b:s28+s3] =	stream.linear.scatter [tilespmem:s29], [sflag:$0x3], $0x800, $0x38;
	[tilespmem:$0x16400] =	vst v63  }
0x189: {  	s20 =	simm.s32 $0x0;
	_ =	swait.ge [sflag:s24], $0x4000  }
0x18a: {  	s30 =	sand.u32 $0xF0, s20;
	[sflag:s24] =	ssyncset.done $0x0  }
0x18b: {  	v5 =	vmov s30;
	s22 =	sand.u32 $0xC, s20;
	[sflag:s24] =	ssyncadd.s32 $0xFFFFC000  }
0x18c: {  	v5 =	vshll.u32 v5, $0x6;
	v6 =	vadd.s32 s22, v0;
	_ =	swait.ge [sflag:s19], $0x800  }
0x18d: {  	v10 =	vor.u32 v1, v5;
	v7 =	vshll.u32 v6, $0x7;
	[sflag:s19] =	ssyncset.done $0x0  }
0x18e: {  	s23 =	sand.u32 $0x70, s20;
	s26 =	sor.u32 $0x3, s22;
	v12 =	vshrl.u32 v6, $0x2;
	v14 =	vand.u32 $0xF, v6;
	v15 =	vor.u32 $0x20, v10;
	[sflag:s19] =	ssyncadd.s32 $0xFFFFF800  }
0x18f: {  	v4 =	vor.u32 s23, v2;
	s23 =	sor.u32 $0x1, s22;
	v8 =	vadd.s32 s26, v0;
	v19 =	vor.u32 v14, v10;
	_ =	swait.ge [sflag:s19], $0x800  }
0x190: {  	v28 =	vand.u32 $0x380, v7;
	v12 =	vand.u32 $0x2, v12;
	v9 =	vadd.s32 s23, v0;
	[sflag:s19] =	ssyncset.done $0x0  }
0x191: {  	s22 =	sor.u32 $0x2, s22;
	v13 =	vand.u32 $0xF, v8;
	v16 =	vshll.u32 v8, $0x7;
	v22 =	vshrl.u32 v8, $0x2;
	[sflag:s19] =	ssyncadd.s32 $0xFFFFF800  }
0x192: {  	v30 =	vadd.s32 s22, v0;
	v5 =	vand.u32 $0xF, v9;
	v17 =	vshrl.u32 v9, $0x2;
	_ =	swait.ge [sflag:s19], $0x800  }
0x193: {  	s28 =	simm.s32 $0x0;
	v20 =	vshll.u32 v9, $0x7;
	v21 =	vor.u32 v13, v15;
	v13 =	vor.u32 v10, v13;
	[sflag:s19] =	ssyncset.done $0x0  }
0x194: {  	v24 =	vand.u32 $0x2, v22;
	v29 =	vand.u32 $0x380, v16;
	v31 =	vadd.s32 s28, v12;
	[sflag:s19] =	ssyncadd.s32 $0xFFFFF800  }
0x195: {  	v52 =	vshrl.u32 v30, $0x2;
	v53 =	vshll.u32 v30, $0x7;
	v35 =	vand.u32 $0xF, v30;
	_ =	swait.ge [sflag:s19], $0x800  }
0x196: {  	v18 =	vor.u32 v10, v5;
	v11 =	vor.u32 v5, v15;
	v5 =	vor.u32 v14, v15;
	[sflag:s19] =	ssyncset.done $0x0  }
0x197: {  	s29 =	sor.u32 $0x4, s28;
	v14 =	vand.u32 $0x2, v17;
	v20 =	vand.u32 $0x380, v20;
	v17 =	vor.u32 $0x10, v10;
	[sflag:s19] =	ssyncadd.s32 $0xFFFFF800  }
0x198: {  	s30 =	sor.u32 $0x8, s28;
	v31 =	vshll.u32 v31, $0xA;
	v34 =	vadd.s32 s29, v12;
	v55 =	vor.u32 v10, v35;
	_ =	swait.ge [sflag:s19], $0x800  }
0x199: {  	v56 =	vadd.s32 s30, v24;
	v23 =	vadd.s32 s28, v14;
	v25 =	vor.u32 v6, v17;
	[sflag:s19] =	ssyncset.done $0x0  }
0x19a: {  	v26 =	vor.u32 v8, v17;
	v27 =	vor.u32 v9, v17;
	v33 =	vor.u32 v30, v17;
	[sflag:s19] =	ssyncadd.s32 $0xFFFFF800  }
0x19b: {  	v17 =	vand.u32 $0x2, v52;
	v34 =	vshll.u32 v34, $0xA;
	v58 =	vadd.s32 s29, v14;
	_ =	swait.ge [sflag:s19], $0x800  }
0x19c: {  	v39 =	vadd.s32 s30, v14;
	v22 =	vshll.u32 v23, $0xA;
	v23 =	vadd.s32 s28, v24;
	[sflag:s19] =	ssyncset.done $0x0  }
0x19d: {  	v37 =	vadd.s32 s28, v17;
	v38 =	vadd.s32 s29, v17;
	v54 =	vor.u32 v28, v34;
	[sflag:s19] =	ssyncadd.s32 $0xFFFFF800  }
0x19e: {  	v22 =	vor.u32 v20, v22;
	v23 =	vshll.u32 v23, $0xA;
	v57 =	vshll.u32 v37, $0xA;
	_ =	swait.ge [sflag:s19], $0x800  }
0x19f: {  	v37 =	vshll.u32 v58, $0xA;
	v38 =	vshll.u32 v38, $0xA;
	v7 =	vor.u32 v4, v22;
	[sflag:s19] =	ssyncset.done $0x0  }
0x1a0: {  	v22 =	vor.u32 $0x30, v10;
	v23 =	vor.u32 v29, v23;
	v10 =	vor.u32 v4, v54;
	[sflag:s19] =	ssyncadd.s32 $0xFFFFF800  }
0x1a1: {  	v37 =	vor.u32 v20, v37;
	v16 =	vor.u32 v3, v7;
	v7 =	vadd.s32 s29, v24;
	_ =	swait.ge [sflag:s19], $0x800  }
0x1a2: {  	v6 =	vor.u32 v6, v22;
	v23 =	vor.u32 v4, v23;
	v10 =	vor.u32 v3, v10;
	[sflag:s19] =	ssyncset.done $0x0  }
0x1a3: {  	v9 =	vor.u32 v9, v22;
	v7 =	vshll.u32 v7, $0xA;
	v23 =	vor.u32 v3, v23;
	[sflag:s19] =	ssyncadd.s32 $0xFFFFF800  }
0x1a4: {  	v32 =	vor.u32 v29, v7;
	v7 =	vor.u32 v8, v22;
	v8 =	vor.u32 v28, v31;
	v13 =	vld.idx.msk [tilespmem:v13+s14+$0x0], $0xffff  }
0x1a5: {  	v59 =	vor.u32 v4, v37;
	v31 =	vand.u32 $0x380, v53;
	v36 =	vor.u32 v4, v8;
	v18 =	vld.idx.msk [tilespmem:v18+s14+$0x0], $0xffff  }
0x1a6: {  	v8 =	vor.u32 v35, v15;
	v15 =	vor.u32 v4, v32;
	v32 =	vshll.u32 v56, $0xA  }
0x1a7: {  	v35 =	vor.u32 v3, v59;
	v15 =	vor.u32 v3, v15;
	v32 =	vor.u32 v29, v32  }
0x1a8: {  	v60 =	vor.u32 v3, v36;
	v32 =	vor.u32 v4, v32;
	v61 =	vld.idx.msk [tilespmem:v19+s14+$0x0], $0xffff;
	v19 =	vadd.s32 s30, v17  }
0x1a9: {  	s21 =	sor.u32 $0xC, s28;
	v63 =	vshll.u32 v19, $0xA;
	[tilespmem:v23+s25+$0x0] =	vst.idx.msk $0xffff, v13;
	v13 =	vor.u32 v31, v57;
	v23 =	vadd.s32 s30, v12  }
0x1aa: {  	v12 =	vadd.s32 s21, v12;
	[tilespmem:v16+s25+$0x0] =	vst.idx.msk $0xffff, v18;
	v26 =	vld.idx.msk [tilespmem:v26+s14+$0x0], $0xffff;
	v13 =	vor.u32 v4, v13;
	v18 =	vshll.u32 v23, $0xA  }
0x1ab: {  	v16 =	vld.idx.msk [tilespmem:v55+s14+$0x0], $0xffff;
	v23 =	vshll.u32 v39, $0xA;
	v12 =	vshll.u32 v12, $0xA;
	v13 =	vor.u32 v3, v13  }
0x1ac: {  	v27 =	vld.idx.msk [tilespmem:v27+s14+$0x0], $0xffff;
	v18 =	vor.u32 v28, v18;
	v23 =	vor.u32 v20, v23;
	v12 =	vor.u32 v28, v12  }
0x1ad: {  	v62 =	vor.u32 v4, v18;
	v18 =	vor.u32 v31, v38;
	v23 =	vor.u32 v4, v23  }
0x1ae: {  	[tilespmem:v60+s25+$0x0] =	vst.idx.msk $0xffff, v61;
	v38 =	vor.u32 v4, v18;
	v18 =	vor.u32 v3, v23;
	v23 =	vadd.s32 s21, v24  }
0x1af: {  	v19 =	vor.u32 v4, v12;
	v23 =	vshll.u32 v23, $0xA;
	[tilespmem:v15+s25+$0x0] =	vst.idx.msk $0xffff, v26;
	v26 =	vadd.s32 s21, v14  }
0x1b0: {  	v14 =	vor.u32 v30, v22;
	v22 =	vor.u32 v3, v38;
	[tilespmem:v13+s25+$0x0] =	vst.idx.msk $0xffff, v16;
	v15 =	vld.idx.msk [tilespmem:v21+s14+$0x0], $0xffff  }
0x1b1: {  	[tilespmem:v35+s25+$0x0] =	vst.idx.msk $0xffff, v27;
	v23 =	vor.u32 v29, v23;
	v13 =	vadd.s32 s21, v17;
	v12 =	vshll.u32 v26, $0xA;
	v21 =	vld.idx.msk [tilespmem:v33+s14+$0x0], $0xffff  }
0x1b2: {  	v17 =	vor.u32 v3, v32;
	v16 =	vor.u32 v3, v62;
	v12 =	vor.u32 v20, v12  }
0x1b3: {  	v26 =	vshll.u32 v13, $0xA;
	v20 =	vld.idx.msk [tilespmem:v25+s14+$0x0], $0xffff;
	v13 =	vor.u32 v4, v12;
	v12 =	vor.u32 v31, v63  }
0x1b4: {  	v11 =	vld.idx.msk [tilespmem:v11+s14+$0x0], $0xffff;
	v23 =	vor.u32 v4, v23;
	v24 =	vor.u32 v4, v12;
	v12 =	vor.u32 v31, v26  }
.LBB2_10:
0x1b5: {  	s20 =	sadd.s32 $0x4, s20;
	v25 =	vor.u32 v3, v13;
	v13 =	vor.u32 v3, v24;
	v23 =	vor.u32 v3, v23  }
0x1b6: {  	v19 =	vor.u32 v3, v19;
	v12 =	vor.u32 v4, v12;
	s21 =	sand.u32 $0xC, s20;
	s22 =	sand.u32 $0x70, s20;
	s23 =	sand.u32 $0xF0, s20;
	[tilespmem:v22+s25+$0x0] =	vst.idx.msk $0xffff, v21  }
0x1b7: {  	p0 =	slt.u32 s20, $0xFC;
	v21 =	vmov s23;
	v22 =	vadd.s32 s21, v0;
	v4 =	vor.u32 s22, v2;
	s23 =	sor.u32 $0x1, s21;
	s22 =	sor.u32 $0x2, s21;
	v8 =	vld.idx.msk [tilespmem:v8+s14+$0x0], $0xffff  }
0x1b8: {  	s21 =	sor.u32 $0x3, s21;
	v21 =	vshll.u32 v21, $0x6;
	v24 =	vadd.s32 s23, v0;
	[tilespmem:v10+s25+$0x0] =	vst.idx.msk $0xffff, v20;
	v10 =	vor.u32 v3, v12  }
0x1b9: {  	v26 =	vadd.s32 s21, v0;
	v20 =	vor.u32 v1, v21;
	v21 =	vshll.u32 v22, $0x7;
	v27 =	vld.idx.msk [tilespmem:v5+s14+$0x0], $0xffff;
	[tilespmem:v18+s25+$0x0] =	vst.idx.msk $0xffff, v11  }
0x1ba: {  	v18 =	vshrl.u32 v22, $0x2;
	v5 =	vand.u32 $0xF, v24;
	v28 =	vand.u32 $0xF, v26;
	v9 =	vld.idx.msk [tilespmem:v9+s14+$0x0], $0xffff  }
0x1bb: {  	v12 =	vand.u32 $0xF, v22;
	v30 =	vshll.u32 v26, $0x7;
	v29 =	vor.u32 $0x20, v20;
	[tilespmem:v17+s25+$0x0] =	vst.idx.msk $0xffff, v15  }
0x1bc: {  	v15 =	vshrl.u32 v24, $0x2;
	v17 =	vor.u32 v20, v5;
	v11 =	vor.u32 v5, v29;
	v7 =	vld.idx.msk [tilespmem:v7+s14+$0x0], $0xffff  }
0x1bd: {  	v31 =	vor.u32 v12, v20;
	v5 =	vor.u32 v12, v29;
	v12 =	vshll.u32 v24, $0x7;
	[tilespmem:v13+s25+$0x0] =	vst.idx.msk $0xffff, v8  }
0x1be: {  	v32 =	vand.u32 $0x2, v15;
	v12 =	vand.u32 $0x380, v12;
	v15 =	vor.u32 v28, v29;
	v8 =	vld.idx.msk [tilespmem:v14+s14+$0x0], $0xffff  }
0x1bf: {  	s21 =	sshrl.u32 s20, $0x7;
	v28 =	vor.u32 v20, v28;
	v13 =	vshrl.u32 v26, $0x2;
	v14 =	vor.u32 $0x10, v20;
	[tilespmem:v16+s25+$0x0] =	vst.idx.msk $0xffff, v27  }
0x1c0: {  	v13 =	vand.u32 $0x2, v13;
	v16 =	vor.u32 v22, v14;
	v27 =	vadd.s32 s21, v32;
	v33 =	vld.idx.msk [tilespmem:v6+s14+$0x0], $0xffff;
	[tilespmem:v25+s25+$0x0] =	vst.idx.msk $0xffff, v9  }
0x1c1: {  	v6 =	vshll.u32 v27, $0xA;
	v9 =	vadd.s32 s21, v13;
	v25 =	vor.u32 v26, v14  }
0x1c2: {  	v6 =	vor.u32 v12, v6;
	v9 =	vshll.u32 v9, $0xA;
	v27 =	vld.idx.msk [tilespmem:v31+s14+$0x0], $0xffff;
	v31 =	vor.u32 v24, v14  }
0x1c3: {  	s23 =	sor.u32 $0x4, s21;
	v21 =	vand.u32 $0x380, v21;
	v30 =	vand.u32 $0x380, v30;
	v6 =	vor.u32 v4, v6;
	v17 =	vld.idx.msk [tilespmem:v17+s14+$0x0], $0xffff;
	[tilespmem:v23+s25+$0x0] =	vst.idx.msk $0xffff, v7  }
0x1c4: {  	v18 =	vand.u32 $0x2, v18;
	v23 =	vor.u32 v3, v6;
	v6 =	vadd.s32 s23, v13;
	v28 =	vld.idx.msk [tilespmem:v28+s14+$0x0], $0xffff;
	[tilespmem:v10+s25+$0x0] =	vst.idx.msk $0xffff, v8  }
0x1c5: {  	v35 =	vadd.s32 s22, v0;
	v34 =	vor.u32 $0x30, v20;
	v7 =	vshll.u32 v6, $0xA  }
0x1c6: {  	v9 =	vor.u32 v30, v9;
	v8 =	vadd.s32 s21, v18;
	v6 =	vor.u32 v22, v34;
	[tilespmem:v19+s25+$0x0] =	vst.idx.msk $0xffff, v33  }
0x1c7: {  	v8 =	vshll.u32 v8, $0xA;
	v10 =	vor.u32 v30, v7;
	v7 =	vor.u32 v26, v34  }
0x1c8: {  	v22 =	vor.u32 v35, v14;
	v8 =	vor.u32 v21, v8;
	v19 =	vshrl.u32 v35, $0x2  }
0x1c9: {  	v9 =	vor.u32 v4, v9;
	v14 =	vshll.u32 v35, $0x7;
	[tilespmem:v23+s25+$0x0] =	vst.idx.msk $0xffff, v17;
	v17 =	vand.u32 $0x2, v19  }
0x1ca: {  	v9 =	vor.u32 v3, v9;
	v19 =	vadd.s32 s23, v18;
	v23 =	vand.u32 $0xF, v35  }
0x1cb: {  	v26 =	vor.u32 v4, v8;
	v19 =	vshll.u32 v19, $0xA;
	v33 =	vadd.s32 s21, v17  }
0x1cc: {  	v10 =	vor.u32 v4, v10;
	v36 =	vadd.s32 s23, v17;
	v8 =	vor.u32 v23, v29  }
0x1cd: {  	s22 =	sor.u32 $0x8, s21;
	v20 =	vor.u32 v20, v23;
	v23 =	vor.u32 v3, v10;
	v19 =	vor.u32 v21, v19  }
0x1ce: {  	v29 =	vand.u32 $0x380, v14;
	v14 =	vadd.s32 s22, v13;
	v10 =	vor.u32 v4, v19  }
0x1cf: {  	v14 =	vshll.u32 v14, $0xA;
	v19 =	vshll.u32 v33, $0xA;
	v10 =	vor.u32 v3, v10;
	[tilespmem:v9+s25+$0x0] =	vst.idx.msk $0xffff, v28  }
0x1d0: {  	v14 =	vor.u32 v30, v14;
	v28 =	vadd.s32 s23, v32;
	v9 =	vor.u32 v24, v34  }
0x1d1: {  	v33 =	vor.u32 v4, v14;
	v24 =	vshll.u32 v28, $0xA;
	v28 =	vshll.u32 v36, $0xA  }
0x1d2: {  	v19 =	vor.u32 v29, v19;
	v14 =	vor.u32 v12, v24;
	v24 =	vadd.s32 s22, v32;
	v25 =	vld.idx.msk [tilespmem:v25+s14+$0x0], $0xffff  }
0x1d3: {  	s21 =	sor.u32 $0xC, s21;
	v19 =	vor.u32 v4, v19;
	v36 =	vadd.s32 s22, v18;
	v14 =	vor.u32 v4, v14;
	v20 =	vld.idx.msk [tilespmem:v20+s14+$0x0], $0xffff  }
0x1d4: {  	v18 =	vadd.s32 s21, v18;
	v37 =	vor.u32 v3, v14;
	v14 =	vor.u32 v3, v19  }
0x1d5: {  	v24 =	vshll.u32 v24, $0xA;
	v19 =	vor.u32 v3, v26;
	v26 =	vshll.u32 v36, $0xA  }
0x1d6: {  	v24 =	vor.u32 v12, v24;
	v36 =	vadd.s32 s22, v17;
	v26 =	vor.u32 v21, v26;
	v31 =	vld.idx.msk [tilespmem:v31+s14+$0x0], $0xffff  }
0x1d7: {  	v28 =	vor.u32 v29, v28;
	v24 =	vor.u32 v4, v24;
	v26 =	vor.u32 v4, v26  }
0x1d8: {  	v18 =	vshll.u32 v18, $0xA;
	v28 =	vor.u32 v4, v28;
	v36 =	vshll.u32 v36, $0xA;
	[tilespmem:v23+s25+$0x0] =	vst.idx.msk $0xffff, v25  }
0x1d9: {  	v23 =	vadd.s32 s21, v32;
	v25 =	vadd.s32 s21, v17;
	[tilespmem:v14+s25+$0x0] =	vst.idx.msk $0xffff, v20;
	v14 =	vor.u32 v35, v34;
	v15 =	vld.idx.msk [tilespmem:v15+s14+$0x0], $0xffff  }
0x1da: {  	v18 =	vor.u32 v21, v18;
	v17 =	vor.u32 v3, v33;
	[tilespmem:v19+s25+$0x0] =	vst.idx.msk $0xffff, v27;
	v21 =	vld.idx.msk [tilespmem:v22+s14+$0x0], $0xffff  }
.Ltmp4:
0x1db: {  	v19 =	vor.u32 v4, v18;
	v18 =	vor.u32 v3, v24;
	v22 =	vor.u32 v3, v28;
	v20 =	vld.idx.msk [tilespmem:v16+s14+$0x0], $0xffff;
	(pc) =	sbr.rel @p0 .LBB2_10-.Ltmp4, $4  }
0x1dc: {  	v13 =	vadd.s32 s21, v13;
	v23 =	vshll.u32 v23, $0xA;
	v16 =	vor.u32 v3, v26;
	[tilespmem:v37+s25+$0x0] =	vst.idx.msk $0xffff, v31  }
0x1dd: {  	v12 =	vor.u32 v12, v23;
	v23 =	vshll.u32 v25, $0xA;
	v24 =	vshll.u32 v13, $0xA;
	v11 =	vld.idx.msk [tilespmem:v11+s14+$0x0], $0xffff  }
0x1de: {  	v13 =	vor.u32 v4, v12;
	v12 =	vor.u32 v29, v36;
	v25 =	vor.u32 v30, v24  }
0x1df: {  	v24 =	vor.u32 v4, v12;
	v12 =	vor.u32 v29, v23;
	v23 =	vor.u32 v4, v25  }
0x1e0: {  	_ =	sdelay $0x3  }
0x1e1: {  	[tilespmem:v22+s25+$0x0] =	vst.idx.msk $0xffff, v21  }
0x1e2: {  	v61 =	vor.u32 v3, v24;
	[tilespmem:v10+s25+$0x0] =	vst.idx.msk $0xffff, v20;
	v8 =	vld.idx.msk [tilespmem:v8+s14+$0x0], $0xffff  }
0x1e3: {  	v5 =	vld.idx.msk [tilespmem:v5+s14+$0x0], $0xffff;
	_ =	sdelay $0x1  }
0x1e4: {  	[tilespmem:v17+s25+$0x0] =	vst.idx.msk $0xffff, v15  }
0x1e5: {  	v63 =	vor.u32 v3, v23;
	v7 =	vld.idx.msk [tilespmem:v7+s14+$0x0], $0xffff;
	[tilespmem:v18+s25+$0x0] =	vst.idx.msk $0xffff, v11  }
0x1e6: {  	v62 =	vor.u32 v3, v13;
	v4 =	vor.u32 v4, v12;
	v9 =	vld.idx.msk [tilespmem:v9+s14+$0x0], $0xffff;
	[tilespmem:v61+s25+$0x0] =	vst.idx.msk $0xffff, v8  }
0x1e7: {  	v4 =	vor.u32 v3, v4;
	[tilespmem:v16+s25+$0x0] =	vst.idx.msk $0xffff, v5;
	v8 =	vld.idx.msk [tilespmem:v14+s14+$0x0], $0xffff  }
0x1e8: {  	v5 =	vor.u32 v3, v19;
	v6 =	vld.idx.msk [tilespmem:v6+s14+$0x0], $0xffff;
	_ =	sdelay $0x1  }
0x1e9: {  	[tilespmem:v63+s25+$0x0] =	vst.idx.msk $0xffff, v7  }
0x1ea: {  	[tilespmem:v62+s25+$0x0] =	vst.idx.msk $0xffff, v9  }
0x1eb: {  	[tilespmem:v4+s25+$0x0] =	vst.idx.msk $0xffff, v8  }
0x1ec: {  	[tilespmem:v5+s25+$0x0] =	vst.idx.msk $0xffff, v6  }
0x1ed: {  	s20 =	rddreg [dreg:$0xc]  }
0x1ee: {  	[hbm4b:s20+s3] =	stream.linear.scatter [tilespmem:s25], [sflag:$0x4], $0x800, $0x38;
	[tilespmem:$0x16400] =	vst v63  }
0x1ef: {  	s21 =	simm.s32 $0x12C00;
	s23 =	rddreg [dreg:$0xd]  }
0x1f0: {  	[hbm4b:s23+s3] =	stream.linear.scatter [tilespmem:s21], [sflag:$0x4], $0x800, $0x38;
	[tilespmem:$0x16400] =	vst v63  }
0x1f1: {  	s28 =	simm.s32 $0x13400;
	s26 =	rddreg [dreg:$0xe]  }
0x1f2: {  	[hbm4b:s26+s3] =	stream.linear.scatter [tilespmem:s28], [sflag:$0x4], $0x800, $0x38;
	[tilespmem:$0x16400] =	vst v63  }
0x1f3: {  	s30 =	simm.s32 $0x13C00;
	s29 =	rddreg [dreg:$0xf]  }
0x1f4: {  	[hbm4b:s29+s3] =	stream.linear.scatter [tilespmem:s30], [sflag:$0x4], $0x800, $0x38;
	[tilespmem:$0x16400] =	vst v63  }
0x1f5: {  	s22 =	simm.s32 $0x14400;
	s21 =	rddreg [dreg:$0x10]  }
0x1f6: {  	[hbm4b:s21+s3] =	stream.linear.scatter [tilespmem:s22], [sflag:$0x4], $0x800, $0x38;
	[tilespmem:$0x16400] =	vst v63  }
0x1f7: {  	s23 =	rddreg [dreg:$0x11]  }
0x1f8: {  	[hbm4b:s23+s3] =	stream.linear.scatter [tilespmem:s31], [sflag:$0x4], $0x800, $0x38;
	[tilespmem:$0x16400] =	vst v63  }
0x1f9: {  	s26 =	rddreg [dreg:$0x12]  }
0x1fa: {  	[hbm4b:s26+s3] =	stream.linear.scatter [tilespmem:s1], [sflag:$0x4], $0x800, $0x38;
	[tilespmem:$0x16400] =	vst v63  }
0x1fb: {  	s28 =	rddreg [dreg:$0x13]  }
0x1fc: {  	[hbm4b:s28+s3] =	stream.linear.scatter [tilespmem:s17], [sflag:$0x4], $0x800, $0x38;
	[tilespmem:$0x16400] =	vst v63  }
0x1fd: {  	_ =	swait.ge [sflag:s18], $0x800  }
0x1fe: {  	[sflag:s18] =	ssyncset.done $0x0  }
0x1ff: {  	[sflag:s18] =	ssyncadd.s32 $0xFFFFF800  }
0x200: {  	_ =	swait.ge [sflag:s18], $0x800  }
0x201: {  	[sflag:s18] =	ssyncset.done $0x0  }
0x202: {  	[sflag:s18] =	ssyncadd.s32 $0xFFFFF800  }
0x203: {  	_ =	swait.ge [sflag:s18], $0x800  }
0x204: {  	[sflag:s18] =	ssyncset.done $0x0  }
0x205: {  	[sflag:s18] =	ssyncadd.s32 $0xFFFFF800  }
0x206: {  	_ =	swait.ge [sflag:s18], $0x800  }
0x207: {  	[sflag:s18] =	ssyncset.done $0x0  }
0x208: {  	[sflag:s18] =	ssyncadd.s32 $0xFFFFF800  }
0x209: {  	_ =	swait.ge [sflag:s18], $0x800  }
0x20a: {  	[sflag:s18] =	ssyncset.done $0x0  }
0x20b: {  	[sflag:s18] =	ssyncadd.s32 $0xFFFFF800  }
0x20c: {  	_ =	swait.ge [sflag:s18], $0x800  }
0x20d: {  	[sflag:s18] =	ssyncset.done $0x0  }
0x20e: {  	[sflag:s18] =	ssyncadd.s32 $0xFFFFF800  }
0x20f: {  	_ =	swait.ge [sflag:s18], $0x800  }
0x210: {  	[sflag:s18] =	ssyncset.done $0x0  }
0x211: {  	[sflag:s18] =	ssyncadd.s32 $0xFFFFF800  }
0x212: {  	_ =	swait.ge [sflag:s18], $0x800  }
0x213: {  	[sflag:s18] =	ssyncset.done $0x0  }
0x214: {  	[sflag:s18] =	ssyncadd.s32 $0xFFFFF800  }
0x215: {  	_ =	swait.ge [sflag:s19], $0x800  }
0x216: {  	[sflag:s19] =	ssyncset.done $0x0  }
0x217: {  	[sflag:s19] =	ssyncadd.s32 $0xFFFFF800  }
0x218: {  	_ =	swait.ge [sflag:s19], $0x800  }
0x219: {  	[sflag:s19] =	ssyncset.done $0x0  }
0x21a: {  	[sflag:s19] =	ssyncadd.s32 $0xFFFFF800  }
0x21b: {  	_ =	swait.ge [sflag:s19], $0x800  }
0x21c: {  	[sflag:s19] =	ssyncset.done $0x0  }
0x21d: {  	[sflag:s19] =	ssyncadd.s32 $0xFFFFF800  }
0x21e: {  	_ =	swait.ge [sflag:s19], $0x800  }
0x21f: {  	[sflag:s19] =	ssyncset.done $0x0  }
0x220: {  	[sflag:s19] =	ssyncadd.s32 $0xFFFFF800  }
0x221: {  	_ =	swait.ge [sflag:s19], $0x800  }
0x222: {  	[sflag:s19] =	ssyncset.done $0x0  }
0x223: {  	[sflag:s19] =	ssyncadd.s32 $0xFFFFF800  }
0x224: {  	_ =	swait.ge [sflag:s19], $0x800  }
0x225: {  	[sflag:s19] =	ssyncset.done $0x0  }
0x226: {  	[sflag:s19] =	ssyncadd.s32 $0xFFFFF800  }
0x227: {  	_ =	swait.ge [sflag:s19], $0x800  }
0x228: {  	[sflag:s19] =	ssyncset.done $0x0  }
0x229: {  	[sflag:s19] =	ssyncadd.s32 $0xFFFFF800  }
0x22a: {  	_ =	swait.ge [sflag:s19], $0x800  }
0x22b: {  	s29 =	rddreg [dreg:$0x15]  }
0x22c: {  	s30 =	rddreg [dreg:$0x14];
	s21 =	sadd.s32 $0x1, s29  }
0x22d: {  	p0 =	sne.s32 s21, s30  }
.Ltmp5:
0x22e: {  	_ = 	snop;
	(pc) =	sbr.rel @p0 .LBB2_1-.Ltmp5, $3  }
0x22f: {  	_ =	sdelay $0x1  }
0x230: {  	[sflag:s19] =	ssyncset.done $0x0  }
0x231: {  	[sflag:s19] =	ssyncadd.s32 $0xFFFFF800  }
0x232: {  	_ =	sfence.sel $0x180000  }
0x233: {  	[bflag:$0x0] =	sbarrier.arrive $0xFFFF  }
0x234: {  	_ =	strace $0x9000004A  }
0x235: {  	s0 =	stileid.u32;
	[bflag:$0x2] =	sbarrier.arrive $0xFFFF  }
0x236: {  	p0 =	sne.s32 s0, $0x0;
	s0 =	rddreg [dreg:$0x2]  }
0x237: {  	s0 =	sadd.s32 @!p0 $0x100000, s0  }
0x238: {  	[sflag:s0] =	ssyncadd.tile.s32 @!p0 $0x1;
	_ =	shalt  }
.Lfunc_end2:
_tile_overlayer_lowered:
.L_overlay_start_2:
0x239: {  	(tag) =	ssettag $0x2  }
0x23a: {  	s0 =	rddreg [dreg:$0x0];
	s2 =	stileid.u32  }
0x23b: {  	s1 =	rddreg [dreg:$0x1];
	p0 =	sne.s32 s2, $0x0  }
0x23c: {  	s3 =	rddreg [dreg:$0x2];
	[bflag:$0x3] =	sbarrier.arrive $0xFFFF;
	s2 =	simm.s32 @!p0 $0x1C05  }
0x23d: {  	[timem:s3], [sflag:s2] =	dma.local @!p0 [hbm:s0], s1  }
0x23e: {  	s0 =	simm.s32 @!p0 $0x5  }
0x23f: {  	_ =	swait.ge @!p0 [sflag:s0], s1  }
0x240: {  	s1 =	ssub.s32 @!p0 $0x0, s1;
	[sflag:s0] =	ssyncset.done @!p0 $0x0  }
0x241: {  	[sflag:s0] =	ssyncadd.s32 @!p0 s1  }
0x242: {  	[bflag:$0x3] =	sbarrier.arrive $0xFFFF  }
0x243: {  	_ =	shalt  }

</sc_bundles>
